<compile_context>
chip_gen: v7x
topology: tpu7x:2x2x1
jax: 0.10.2.dev20260603
libtpu: 0.0.44.dev20260713+nightly
codegen_flags: <defaults>
</compile_context>

<pallas_src>
import functools

import jax
import jax.numpy as jnp
from jax import lax
from jax.experimental import pallas as pl
from jax.experimental.pallas import tpu as pltpu
from jax.experimental.pallas import tpu_sc as plsc

_NC = 2
_NS = 16


@functools.lru_cache(maxsize=None)
def _make_segsum(n, d, e):
    ec = e // _NC
    es = ec // _NS
    chunk = 32
    ring = 6
    nch = es // chunk
    nch -= nch % ring
    tail = es - nch * chunk
    assert tail % 16 == 0 and tail <= chunk and tail <= 16
    rp = (n // _NS) // 8 * 8
    rem = n - rp * _NS
    assert rem % 8 == 0

    mesh = plsc.VectorSubcoreMesh(core_axis_name="c", subcore_axis_name="s",
                                  num_cores=_NC, num_subcores=_NS)

    @functools.partial(
        pl.kernel,
        out_type=jax.ShapeDtypeStruct((_NC, n, d), jnp.float32),
        mesh=mesh,
        scratch_types=[
            pltpu.VMEM((es,), jnp.int32),
            pltpu.VMEM((es,), jnp.int32),
            [pltpu.VMEM((chunk,), jnp.int32)] * ring,
            [pltpu.VMEM((chunk,), jnp.int32)] * ring,
            [pltpu.VMEM((chunk, d), jnp.float32)] * ring,
            pltpu.VMEM((16,), jnp.int32),
            pltpu.VMEM((16,), jnp.int32),
            pltpu.VMEM_SHARED((n, d), jnp.float32),
            [pltpu.SemaphoreType.DMA] * ring,
            pltpu.SemaphoreType.DMA,
        ],
    )
    def segsum(x_hbm, src_hbm, dst_hbm, zero_hbm, out_hbm,
               sall, dall, sidx, didx, rows, tsidx, tdidx, acc, gsem, isem):
        c = lax.axis_index("c")
        s = lax.axis_index("s")
        r0 = s * rp
        ebase = c * ec + s * es
        d_src = pltpu.async_copy(src_hbm.at[pl.ds(ebase, es)], sall, isem)
        d_dst = pltpu.async_copy(dst_hbm.at[pl.ds(ebase, es)], dall, isem)
        pltpu.sync_copy(zero_hbm.at[pl.ds(r0, rp)], acc.at[pl.ds(r0, rp)])
        if rem:
            @pl.when(s == _NS - 1)
            def _():
                pltpu.sync_copy(zero_hbm.at[pl.ds(rp * _NS, rem)],
                                acc.at[pl.ds(rp * _NS, rem)])
        d_src.wait()
        d_dst.wait()
        plsc.subcore_barrier()

        def stage_idx(b, cid):
            def cp(i, _):
                o = i * 16
                sidx[b][pl.ds(o, 16)] = sall[pl.ds(cid * chunk + o, 16)]
                didx[b][pl.ds(o, 16)] = dall[pl.ds(cid * chunk + o, 16)]
                return 0
            lax.fori_loop(0, chunk // 16, cp, 0, unroll=True)

        def issue(b, cid):
            stage_idx(b, cid)
            pltpu.async_copy(x_hbm.at[sidx[b]], rows[b], gsem[b])

        for b in range(ring):
            issue(b, b)

        def group(j, carry):
            for b in range(ring):
                cid = j * ring + b
                pltpu.make_async_copy(x_hbm.at[sidx[b]], rows[b],
                                      gsem[b]).wait()
                pltpu.sync_copy(rows[b], acc.at[didx[b]], add=True)

                @pl.when(cid + ring < nch)
                def _():
                    issue(b, cid + ring)
            return carry

        lax.fori_loop(0, nch // ring, group, 0, unroll=False)
        if tail:
            assert tail == 16
            trows = rows[0].at[pl.ds(0, tail)]

            def cpt(i, _):
                o = i * 16
                tsidx[pl.ds(o, 16)] = sall[pl.ds(nch * chunk + o, 16)]
                tdidx[pl.ds(o, 16)] = dall[pl.ds(nch * chunk + o, 16)]
                return 0
            lax.fori_loop(0, tail // 16, cpt, 0, unroll=True)
            pltpu.async_copy(x_hbm.at[tsidx], trows, gsem[0]).wait()
            pltpu.sync_copy(trows, acc.at[tdidx], add=True)
        plsc.subcore_barrier()
        pltpu.sync_copy(acc.at[pl.ds(r0, rp)], out_hbm.at[c, pl.ds(r0, rp)])
        if rem:
            @pl.when(s == _NS - 1)
            def _():
                pltpu.sync_copy(acc.at[pl.ds(rp * _NS, rem)],
                                out_hbm.at[c, pl.ds(rp * _NS, rem)])

    return segsum


@functools.lru_cache(maxsize=None)
def _make_mlp(n, din, mh, dout):

    def body(x_ref, p0_ref, p1_ref, scale_ref, w1_ref, b1_ref, g1_ref, t1_ref,
             w2_ref, b2_ref, g2_ref, t2_ref, gn_ref, gb_ref, out_ref):
        h0 = scale_ref[...] * x_ref[...] + p0_ref[...] + p1_ref[...]
        y = jnp.dot(h0, w1_ref[...], preferred_element_type=jnp.float32,
                    precision=lax.Precision.DEFAULT) + b1_ref[...]
        mu = jnp.mean(y, axis=0, keepdims=True)
        yc = y - mu
        var = jnp.mean(yc * yc, axis=0, keepdims=True)
        h1 = jnp.maximum(
            g1_ref[...] * yc * lax.rsqrt(var + 1e-5) + t1_ref[...], 0.0)
        y2 = jnp.dot(h1, w2_ref[...], preferred_element_type=jnp.float32,
                     precision=lax.Precision.DEFAULT) + b2_ref[...]
        mu2 = jnp.mean(y2, axis=0, keepdims=True)
        yc2 = y2 - mu2
        var2 = jnp.mean(yc2 * yc2, axis=0, keepdims=True)
        h2 = jnp.maximum(
            g2_ref[...] * yc2 * lax.rsqrt(var2 + 1e-5) + t2_ref[...], 0.0)
        mu3 = jnp.mean(h2, axis=0, keepdims=True)
        c3 = h2 - mu3
        var3 = jnp.mean(c3 * c3, axis=0, keepdims=True)
        out_ref[...] = gn_ref[...] * c3 * lax.rsqrt(var3 + 1e-5) + gb_ref[...]

    return pl.pallas_call(
        body,
        out_shape=jax.ShapeDtypeStruct((n, dout), jnp.float32),
    )


def kernel(x, edge_index, params):
    n, d = x.shape
    e = edge_index.shape[1]
    src = edge_index[0]
    dst = edge_index[1]
    zeros = jnp.zeros((n, d), jnp.float32)
    segsum = _make_segsum(n, d, e)

    h = x
    for p in params:
        parts = segsum(h, src, dst, zeros)
        mh = p["W1"].shape[1]
        dout = p["W2"].shape[1]
        mlp = _make_mlp(n, d, mh, dout)
        scale = jnp.broadcast_to(1.0 + p["eps"], (1, d))
        h = mlp(
            h, parts[0], parts[1], scale,
            p["W1"], p["b1"].reshape(1, mh), p["g1"].reshape(1, mh),
            p["bt1"].reshape(1, mh),
            p["W2"], p["b2"].reshape(1, dout), p["g2"].reshape(1, dout),
            p["bt2"].reshape(1, dout),
            p["gn"].reshape(1, dout), p["gb"].reshape(1, dout),
        )
    return h

# --- scband reference (transcript-rebuilt; emitter-appended) ---
"""Pipeline reference for scband-ginencoder-5677946765458 (READ-ONLY COPY).

The authoritative reference and input builder live on the scoring server;
editing this copy changes nothing except your own understanding.
"""

import jax, jax.numpy as jnp
import numpy as np

N = 10000
E = 320000
DIN = 128
DH = 128
DOUT = 128
MH = 256  # hidden_channels * mlp_hidden_ratio


def _mlp_params(key, din, dh, dout):
    k1, k2 = jax.random.split(key, 2)
    return {
        'W1': (jax.random.normal(k1, (din, dh), jnp.float32) / np.sqrt(din)).astype(jnp.float32),
        'b1': jnp.zeros((dh,), jnp.float32),
        'g1': jnp.ones((dh,), jnp.float32),
        'bt1': jnp.zeros((dh,), jnp.float32),
        'W2': (jax.random.normal(k2, (dh, dout), jnp.float32) / np.sqrt(dh)).astype(jnp.float32),
        'b2': jnp.zeros((dout,), jnp.float32),
        'g2': jnp.ones((dout,), jnp.float32),
        'bt2': jnp.zeros((dout,), jnp.float32),
        'eps': jnp.zeros((), jnp.float32),  # GINConv train_eps, init 0
        'gn': jnp.ones((dout,), jnp.float32),   # outer BatchNorm gamma
        'gb': jnp.zeros((dout,), jnp.float32),  # outer BatchNorm beta
    }


def setup_inputs(seed: int = 0) -> dict:
    key = jax.random.key(seed)
    kx, ke, k0, k1, k2 = jax.random.split(key, 5)
    x = jax.random.normal(kx, (N, DIN), jnp.float32)
    edge_index = jax.random.randint(ke, (2, E), 0, N, dtype=jnp.int32)
    params = [
        _mlp_params(k0, DIN, MH, DH),
        _mlp_params(k1, DH, MH, DH),
        _mlp_params(k2, DH, MH, DOUT),
    ]
    return {'x': x, 'edge_index': edge_index, 'params': params}


def _bn(h, g, b):
    # BatchNorm1d, training-mode normalization (batch statistics, biased var)
    mu = h.mean(axis=0)
    var = h.var(axis=0)
    return g * (h - mu) * jax.lax.rsqrt(var + 1e-5) + b


def _gin_layer(x, src, dst, p):
    # GINConv: mlp((1 + eps) * x + sum_{j in N(i)} x_j)
    msgs = x[src]                                   # gather
    agg = jax.ops.segment_sum(msgs, dst, num_segments=x.shape[0])  # scatter-add
    h = (1.0 + p['eps']) * x + agg
    # MLP: Linear -> BN -> ReLU -> Dropout(eval: identity) -> Linear -> BN -> ReLU
    h = jax.nn.relu(_bn(h @ p['W1'] + p['b1'], p['g1'], p['bt1']))
    h = jax.nn.relu(_bn(h @ p['W2'] + p['b2'], p['g2'], p['bt2']))
    # outer BatchNorm (dropout in eval mode: identity)
    h = _bn(h, p['gn'], p['gb'])
    return h


def reference(x, edge_index, params):
    src = edge_index[0]
    dst = edge_index[1]
    h = x
    for p in params:
        h = _gin_layer(h, src, dst, p)
    return h

if __name__ == "__main__":
    import jax
    _d = setup_inputs()
    print(jax.jit(kernel)(*tuple(_d.values())))

</pallas_src>

<mosaic_0001>
#map = affine_map<(d0, d1) -> (0, 0)>
#map1 = affine_map<(d0, d1) -> (0)>
#map2 = affine_map<(d0, d1) -> (0, 0, 0)>
module attributes {stable_mosaic.version = 14 : i64} {
  func.func @segsum(%arg0: i32, %arg1: i32, %arg2: memref<10000x128xf32, #tpu.memory_space<hbm>>, %arg3: memref<320000xi32, #tpu.memory_space<hbm>>, %arg4: memref<320000xi32, #tpu.memory_space<hbm>>, %arg5: memref<10000x128xf32, #tpu.memory_space<hbm>>, %arg6: memref<2x10000x128xf32, #tpu.memory_space<hbm>>, %arg7: memref<10000xi32, #tpu.memory_space<vmem>>, %arg8: memref<10000xi32, #tpu.memory_space<vmem>>, %arg9: memref<32xi32, #tpu.memory_space<vmem>>, %arg10: memref<32xi32, #tpu.memory_space<vmem>>, %arg11: memref<32xi32, #tpu.memory_space<vmem>>, %arg12: memref<32xi32, #tpu.memory_space<vmem>>, %arg13: memref<32xi32, #tpu.memory_space<vmem>>, %arg14: memref<32xi32, #tpu.memory_space<vmem>>, %arg15: memref<32xi32, #tpu.memory_space<vmem>>, %arg16: memref<32xi32, #tpu.memory_space<vmem>>, %arg17: memref<32xi32, #tpu.memory_space<vmem>>, %arg18: memref<32xi32, #tpu.memory_space<vmem>>, %arg19: memref<32xi32, #tpu.memory_space<vmem>>, %arg20: memref<32xi32, #tpu.memory_space<vmem>>, %arg21: memref<32x128xf32, #tpu.memory_space<vmem>>, %arg22: memref<32x128xf32, #tpu.memory_space<vmem>>, %arg23: memref<32x128xf32, #tpu.memory_space<vmem>>, %arg24: memref<32x128xf32, #tpu.memory_space<vmem>>, %arg25: memref<32x128xf32, #tpu.memory_space<vmem>>, %arg26: memref<32x128xf32, #tpu.memory_space<vmem>>, %arg27: memref<16xi32, #tpu.memory_space<vmem>>, %arg28: memref<16xi32, #tpu.memory_space<vmem>>, %arg29: memref<10000x128xf32, #tpu.memory_space<vmem_shared>>, %arg30: memref<!tpu.dma_semaphore, #tpu.memory_space<semaphore_mem>>, %arg31: memref<!tpu.dma_semaphore, #tpu.memory_space<semaphore_mem>>, %arg32: memref<!tpu.dma_semaphore, #tpu.memory_space<semaphore_mem>>, %arg33: memref<!tpu.dma_semaphore, #tpu.memory_space<semaphore_mem>>, %arg34: memref<!tpu.dma_semaphore, #tpu.memory_space<semaphore_mem>>, %arg35: memref<!tpu.dma_semaphore, #tpu.memory_space<semaphore_mem>>, %arg36: memref<!tpu.dma_semaphore, #tpu.memory_space<semaphore_mem>>) attributes {dimension_semantics = [#tpu.dimension_semantics<core_parallel>, #tpu.dimension_semantics<subcore_parallel>], iteration_bounds = array<i64: 2, 16>, scalar_prefetch = 0 : i64, scratch_operands = 30 : i64, tpu.core_type = #tpu.core_type<sc_vector_subcore>, window_params = [{transform_indices = #map}, {transform_indices = #map1}, {transform_indices = #map1}, {transform_indices = #map}, {transform_indices = #map2}]} {
    %mul3A = arith.constant 624 : i32
    %mul3A_0 = arith.muli %arg1, %mul3A : i32
    %mul3A_1 = arith.constant 160000 : i32
    %mul3A_2 = arith.muli %arg0, %mul3A_1 : i32
    %mul3A_3 = arith.constant 10000 : i32
    %mul3A_4 = arith.muli %arg1, %mul3A_3 : i32
    %add3A = arith.addi %mul3A_2, %mul3A_4 : i32
    %dma_start3A = tpu.memref_slice %arg3[%add3A] : memref<320000xi32, #tpu.memory_space<hbm>> -> memref<10000xi32, #tpu.memory_space<hbm>>
    %dma_start3A_5 = tpu.memref_slice %arg3[%add3A] : memref<320000xi32, #tpu.memory_space<hbm>> -> memref<10000xi32, #tpu.memory_space<hbm>>
    tpu.enqueue_dma source(%dma_start3A_5 : memref<10000xi32, #tpu.memory_space<hbm>>) target(%arg7 : memref<10000xi32, #tpu.memory_space<vmem>>) target_semaphore(%arg36 : memref<!tpu.dma_semaphore, #tpu.memory_space<semaphore_mem>>)
    %dma_start3A_6 = tpu.memref_slice %arg4[%add3A] : memref<320000xi32, #tpu.memory_space<hbm>> -> memref<10000xi32, #tpu.memory_space<hbm>>
    %dma_start3A_7 = tpu.memref_slice %arg4[%add3A] : memref<320000xi32, #tpu.memory_space<hbm>> -> memref<10000xi32, #tpu.memory_space<hbm>>
    tpu.enqueue_dma source(%dma_start3A_7 : memref<10000xi32, #tpu.memory_space<hbm>>) target(%arg8 : memref<10000xi32, #tpu.memory_space<vmem>>) target_semaphore(%arg36 : memref<!tpu.dma_semaphore, #tpu.memory_space<semaphore_mem>>)
    "tpu.region"() ({
      %run_scoped3A = tpu.sem_alloc : memref<!tpu.dma_semaphore, #tpu.memory_space<semaphore_mem>>
      %dma_start3A_352 = arith.constant 0 : i32
      %dma_start3A_353 = tpu.memref_slice %arg29[%mul3A_0, %dma_start3A_352] : memref<10000x128xf32, #tpu.memory_space<vmem_shared>> -> memref<624x128xf32, #tpu.memory_space<vmem_shared>>
      %dma_start3A_354 = arith.constant 0 : i32
      %dma_start3A_355 = tpu.memref_slice %arg5[%mul3A_0, %dma_start3A_354] : memref<10000x128xf32, #tpu.memory_space<hbm>> -> memref<624x128xf32, #tpu.memory_space<hbm>>
      tpu.enqueue_dma source(%dma_start3A_355 : memref<624x128xf32, #tpu.memory_space<hbm>>) target(%dma_start3A_353 : memref<624x128xf32, #tpu.memory_space<vmem_shared>>) target_semaphore(%run_scoped3A : memref<!tpu.dma_semaphore, #tpu.memory_space<semaphore_mem>>)
      %dma_wait3A_356 = arith.constant 0 : i32
      %dma_wait3A_357 = tpu.memref_slice %arg29[%mul3A_0, %dma_wait3A_356] : memref<10000x128xf32, #tpu.memory_space<vmem_shared>> -> memref<624x128xf32, #tpu.memory_space<vmem_shared>>
      %dma_wait3A_358 = arith.constant 0 : i32
      %dma_wait3A_359 = tpu.memref_slice %arg5[%mul3A_0, %dma_wait3A_358] : memref<10000x128xf32, #tpu.memory_space<hbm>> -> memref<624x128xf32, #tpu.memory_space<hbm>>
      tpu.wait_dma2 semaphore(%run_scoped3A : memref<!tpu.dma_semaphore, #tpu.memory_space<semaphore_mem>>) src(%dma_wait3A_359 : memref<624x128xf32, #tpu.memory_space<hbm>>) dst(%dma_wait3A_357 : memref<624x128xf32, #tpu.memory_space<vmem_shared>>)
      tpu.yield
    }) : () -> ()
    %eq3A = arith.constant 15 : i32
    %eq3A_8 = arith.cmpi eq, %arg1, %eq3A : i32
    %convert_element_type3A = arith.extui %eq3A_8 : i1 to i32
    %cond3A = arith.constant 0 : i32
    %cond3A_9 = arith.cmpi ne, %convert_element_type3A, %cond3A : i32
    scf.if %cond3A_9 {
      "tpu.region"() ({
        %run_scoped3A = tpu.sem_alloc : memref<!tpu.dma_semaphore, #tpu.memory_space<semaphore_mem>>
        %dma_start3A_352 = arith.constant 9984 : i32
        %dma_start3A_353 = arith.constant 0 : i32
        %dma_start3A_354 = tpu.memref_slice %arg29[%dma_start3A_352, %dma_start3A_353] : memref<10000x128xf32, #tpu.memory_space<vmem_shared>> -> memref<16x128xf32, #tpu.memory_space<vmem_shared>>
        %dma_start3A_355 = arith.constant 9984 : i32
        %dma_start3A_356 = arith.constant 0 : i32
        %dma_start3A_357 = tpu.memref_slice %arg5[%dma_start3A_355, %dma_start3A_356] : memref<10000x128xf32, #tpu.memory_space<hbm>> -> memref<16x128xf32, #tpu.memory_space<hbm>>
        tpu.enqueue_dma source(%dma_start3A_357 : memref<16x128xf32, #tpu.memory_space<hbm>>) target(%dma_start3A_354 : memref<16x128xf32, #tpu.memory_space<vmem_shared>>) target_semaphore(%run_scoped3A : memref<!tpu.dma_semaphore, #tpu.memory_space<semaphore_mem>>)
        %dma_wait3A_358 = arith.constant 9984 : i32
        %dma_wait3A_359 = arith.constant 0 : i32
        %dma_wait3A_360 = tpu.memref_slice %arg29[%dma_wait3A_358, %dma_wait3A_359] : memref<10000x128xf32, #tpu.memory_space<vmem_shared>> -> memref<16x128xf32, #tpu.memory_space<vmem_shared>>
        %dma_wait3A_361 = arith.constant 9984 : i32
        %dma_wait3A_362 = arith.constant 0 : i32
        %dma_wait3A_363 = tpu.memref_slice %arg5[%dma_wait3A_361, %dma_wait3A_362] : memref<10000x128xf32, #tpu.memory_space<hbm>> -> memref<16x128xf32, #tpu.memory_space<hbm>>
        tpu.wait_dma2 semaphore(%run_scoped3A : memref<!tpu.dma_semaphore, #tpu.memory_space<semaphore_mem>>) src(%dma_wait3A_363 : memref<16x128xf32, #tpu.memory_space<hbm>>) dst(%dma_wait3A_360 : memref<16x128xf32, #tpu.memory_space<vmem_shared>>)
        tpu.yield
      }) : () -> ()
    } else {
    }
    %dma_wait3A = tpu.memref_slice %arg3[%add3A] : memref<320000xi32, #tpu.memory_space<hbm>> -> memref<10000xi32, #tpu.memory_space<hbm>>
    %dma_wait3A_10 = tpu.memref_slice %arg3[%add3A] : memref<320000xi32, #tpu.memory_space<hbm>> -> memref<10000xi32, #tpu.memory_space<hbm>>
    tpu.wait_dma2 semaphore(%arg36 : memref<!tpu.dma_semaphore, #tpu.memory_space<semaphore_mem>>) src(%dma_wait3A_10 : memref<10000xi32, #tpu.memory_space<hbm>>) dst(%arg7 : memref<10000xi32, #tpu.memory_space<vmem>>)
    %dma_wait3A_11 = tpu.memref_slice %arg4[%add3A] : memref<320000xi32, #tpu.memory_space<hbm>> -> memref<10000xi32, #tpu.memory_space<hbm>>
    %dma_wait3A_12 = tpu.memref_slice %arg4[%add3A] : memref<320000xi32, #tpu.memory_space<hbm>> -> memref<10000xi32, #tpu.memory_space<hbm>>
    tpu.wait_dma2 semaphore(%arg36 : memref<!tpu.dma_semaphore, #tpu.memory_space<semaphore_mem>>) src(%dma_wait3A_12 : memref<10000xi32, #tpu.memory_space<hbm>>) dst(%arg8 : memref<10000xi32, #tpu.memory_space<vmem>>)
    %barrier3A = arith.constant 0 : index
    tpu.barrier barrier_id(%barrier3A)
    %scan3A = arith.constant 0 : i32
    %scan3A_13 = arith.constant 0 : i32
    %mul3A_14 = arith.constant 16 : i32
    %mul3A_15 = arith.muli %scan3A_13, %mul3A_14 : i32
    %add3A_16 = arith.constant 0 : i32
    %add3A_17 = arith.addi %add3A_16, %mul3A_15 : i32
    %get3A = arith.index_cast %add3A_17 : i32 to index
    %get3A_18 = tpu.vector_load %arg7[%get3A] {strides = array<i32>} : memref<10000xi32, #tpu.memory_space<vmem>>, vector<16xi32>,
    %get3A_19 = vector.shape_cast %get3A_18 : vector<16xi32> to vector<16xi32>
    %swap3A = arith.index_cast %mul3A_15 : i32 to index
    %swap3A_20 = tpu.vector_load %arg9[%swap3A] {strides = array<i32>} : memref<32xi32, #tpu.memory_space<vmem>>, vector<16xi32>,
    %swap3A_21 = vector.shape_cast %swap3A_20 : vector<16xi32> to vector<16xi32>
    %swap3A_22 = vector.shape_cast %get3A_19 : vector<16xi32> to vector<16xi32>
    tpu.vector_store %arg9[%swap3A], %swap3A_22 {strides = array<i32>} : memref<32xi32, #tpu.memory_space<vmem>>, vector<16xi32>,
    %add3A_23 = arith.constant 0 : i32
    %add3A_24 = arith.addi %add3A_23, %mul3A_15 : i32
    %get3A_25 = arith.index_cast %add3A_24 : i32 to index
    %get3A_26 = tpu.vector_load %arg8[%get3A_25] {strides = array<i32>} : memref<10000xi32, #tpu.memory_space<vmem>>, vector<16xi32>,
    %get3A_27 = vector.shape_cast %get3A_26 : vector<16xi32> to vector<16xi32>
    %swap3A_28 = arith.index_cast %mul3A_15 : i32 to index
    %swap3A_29 = tpu.vector_load %arg15[%swap3A_28] {strides = array<i32>} : memref<32xi32, #tpu.memory_space<vmem>>, vector<16xi32>,
    %swap3A_30 = vector.shape_cast %swap3A_29 : vector<16xi32> to vector<16xi32>
    %swap3A_31 = vector.shape_cast %get3A_27 : vector<16xi32> to vector<16xi32>
    tpu.vector_store %arg15[%swap3A_28], %swap3A_31 {strides = array<i32>} : memref<32xi32, #tpu.memory_space<vmem>>, vector<16xi32>,
    %scan3A_32 = arith.constant 0 : i32
    %scan3A_33 = arith.constant 1 : i32
    %mul3A_34 = arith.constant 16 : i32
    %mul3A_35 = arith.muli %scan3A_33, %mul3A_34 : i32
    %add3A_36 = arith.constant 0 : i32
    %add3A_37 = arith.addi %add3A_36, %mul3A_35 : i32
    %get3A_38 = arith.index_cast %add3A_37 : i32 to index
    %get3A_39 = tpu.vector_load %arg7[%get3A_38] {strides = array<i32>} : memref<10000xi32, #tpu.memory_space<vmem>>, vector<16xi32>,
    %get3A_40 = vector.shape_cast %get3A_39 : vector<16xi32> to vector<16xi32>
    %swap3A_41 = arith.index_cast %mul3A_35 : i32 to index
    %swap3A_42 = tpu.vector_load %arg9[%swap3A_41] {strides = array<i32>} : memref<32xi32, #tpu.memory_space<vmem>>, vector<16xi32>,
    %swap3A_43 = vector.shape_cast %swap3A_42 : vector<16xi32> to vector<16xi32>
    %swap3A_44 = vector.shape_cast %get3A_40 : vector<16xi32> to vector<16xi32>
    tpu.vector_store %arg9[%swap3A_41], %swap3A_44 {strides = array<i32>} : memref<32xi32, #tpu.memory_space<vmem>>, vector<16xi32>,
    %add3A_45 = arith.constant 0 : i32
    %add3A_46 = arith.addi %add3A_45, %mul3A_35 : i32
    %get3A_47 = arith.index_cast %add3A_46 : i32 to index
    %get3A_48 = tpu.vector_load %arg8[%get3A_47] {strides = array<i32>} : memref<10000xi32, #tpu.memory_space<vmem>>, vector<16xi32>,
    %get3A_49 = vector.shape_cast %get3A_48 : vector<16xi32> to vector<16xi32>
    %swap3A_50 = arith.index_cast %mul3A_35 : i32 to index
    %swap3A_51 = tpu.vector_load %arg15[%swap3A_50] {strides = array<i32>} : memref<32xi32, #tpu.memory_space<vmem>>, vector<16xi32>,
    %swap3A_52 = vector.shape_cast %swap3A_51 : vector<16xi32> to vector<16xi32>
    %swap3A_53 = vector.shape_cast %get3A_49 : vector<16xi32> to vector<16xi32>
    tpu.vector_store %arg15[%swap3A_50], %swap3A_53 {strides = array<i32>} : memref<32xi32, #tpu.memory_space<vmem>>, vector<16xi32>,
    %scan3A_54 = arith.constant 0 : i32
    %scan3A_55 = arith.constant 2 : i32
    %dma_start3A_56 = arith.constant 0 : i32
    %dma_start3A_57 = arith.constant 0 : i32
    %dma_start3A_58 = tpu.memref_slice %arg2[%dma_start3A_56, %dma_start3A_57] : memref<10000x128xf32, #tpu.memory_space<hbm>> -> memref<10000x128xf32, #tpu.memory_space<hbm>>
    tpu.enqueue_indirect_dma source(%dma_start3A_58 : memref<10000x128xf32, #tpu.memory_space<hbm>>) target(%arg21 : memref<32x128xf32, #tpu.memory_space<vmem>>) offsets(%arg9 : memref<32xi32, #tpu.memory_space<vmem>>) semaphore(%arg30 : memref<!tpu.dma_semaphore, #tpu.memory_space<semaphore_mem>>)
    %scan3A_59 = arith.constant 0 : i32
    %scan3A_60 = arith.constant 0 : i32
    %mul3A_61 = arith.constant 16 : i32
    %mul3A_62 = arith.muli %scan3A_60, %mul3A_61 : i32
    %add3A_63 = arith.constant 32 : i32
    %add3A_64 = arith.addi %add3A_63, %mul3A_62 : i32
    %get3A_65 = arith.index_cast %add3A_64 : i32 to index
    %get3A_66 = tpu.vector_load %arg7[%get3A_65] {strides = array<i32>} : memref<10000xi32, #tpu.memory_space<vmem>>, vector<16xi32>,
    %get3A_67 = vector.shape_cast %get3A_66 : vector<16xi32> to vector<16xi32>
    %swap3A_68 = arith.index_cast %mul3A_62 : i32 to index
    %swap3A_69 = tpu.vector_load %arg10[%swap3A_68] {strides = array<i32>} : memref<32xi32, #tpu.memory_space<vmem>>, vector<16xi32>,
    %swap3A_70 = vector.shape_cast %swap3A_69 : vector<16xi32> to vector<16xi32>
    %swap3A_71 = vector.shape_cast %get3A_67 : vector<16xi32> to vector<16xi32>
    tpu.vector_store %arg10[%swap3A_68], %swap3A_71 {strides = array<i32>} : memref<32xi32, #tpu.memory_space<vmem>>, vector<16xi32>,
    %add3A_72 = arith.constant 32 : i32
    %add3A_73 = arith.addi %add3A_72, %mul3A_62 : i32
    %get3A_74 = arith.index_cast %add3A_73 : i32 to index
    %get3A_75 = tpu.vector_load %arg8[%get3A_74] {strides = array<i32>} : memref<10000xi32, #tpu.memory_space<vmem>>, vector<16xi32>,
    %get3A_76 = vector.shape_cast %get3A_75 : vector<16xi32> to vector<16xi32>
    %swap3A_77 = arith.index_cast %mul3A_62 : i32 to index
    %swap3A_78 = tpu.vector_load %arg16[%swap3A_77] {strides = array<i32>} : memref<32xi32, #tpu.memory_space<vmem>>, vector<16xi32>,
    %swap3A_79 = vector.shape_cast %swap3A_78 : vector<16xi32> to vector<16xi32>
    %swap3A_80 = vector.shape_cast %get3A_76 : vector<16xi32> to vector<16xi32>
    tpu.vector_store %arg16[%swap3A_77], %swap3A_80 {strides = array<i32>} : memref<32xi32, #tpu.memory_space<vmem>>, vector<16xi32>,
    %scan3A_81 = arith.constant 0 : i32
    %scan3A_82 = arith.constant 1 : i32
    %mul3A_83 = arith.constant 16 : i32
    %mul3A_84 = arith.muli %scan3A_82, %mul3A_83 : i32
    %add3A_85 = arith.constant 32 : i32
    %add3A_86 = arith.addi %add3A_85, %mul3A_84 : i32
    %get3A_87 = arith.index_cast %add3A_86 : i32 to index
    %get3A_88 = tpu.vector_load %arg7[%get3A_87] {strides = array<i32>} : memref<10000xi32, #tpu.memory_space<vmem>>, vector<16xi32>,
    %get3A_89 = vector.shape_cast %get3A_88 : vector<16xi32> to vector<16xi32>
    %swap3A_90 = arith.index_cast %mul3A_84 : i32 to index
    %swap3A_91 = tpu.vector_load %arg10[%swap3A_90] {strides = array<i32>} : memref<32xi32, #tpu.memory_space<vmem>>, vector<16xi32>,
    %swap3A_92 = vector.shape_cast %swap3A_91 : vector<16xi32> to vector<16xi32>
    %swap3A_93 = vector.shape_cast %get3A_89 : vector<16xi32> to vector<16xi32>
    tpu.vector_store %arg10[%swap3A_90], %swap3A_93 {strides = array<i32>} : memref<32xi32, #tpu.memory_space<vmem>>, vector<16xi32>,
    %add3A_94 = arith.constant 32 : i32
    %add3A_95 = arith.addi %add3A_94, %mul3A_84 : i32
    %get3A_96 = arith.index_cast %add3A_95 : i32 to index
    %get3A_97 = tpu.vector_load %arg8[%get3A_96] {strides = array<i32>} : memref<10000xi32, #tpu.memory_space<vmem>>, vector<16xi32>,
    %get3A_98 = vector.shape_cast %get3A_97 : vector<16xi32> to vector<16xi32>
    %swap3A_99 = arith.index_cast %mul3A_84 : i32 to index
    %swap3A_100 = tpu.vector_load %arg16[%swap3A_99] {strides = array<i32>} : memref<32xi32, #tpu.memory_space<vmem>>, vector<16xi32>,
    %swap3A_101 = vector.shape_cast %swap3A_100 : vector<16xi32> to vector<16xi32>
    %swap3A_102 = vector.shape_cast %get3A_98 : vector<16xi32> to vector<16xi32>
    tpu.vector_store %arg16[%swap3A_99], %swap3A_102 {strides = array<i32>} : memref<32xi32, #tpu.memory_space<vmem>>, vector<16xi32>,
    %scan3A_103 = arith.constant 0 : i32
    %scan3A_104 = arith.constant 2 : i32
    %dma_start3A_105 = arith.constant 0 : i32
    %dma_start3A_106 = arith.constant 0 : i32
    %dma_start3A_107 = tpu.memref_slice %arg2[%dma_start3A_105, %dma_start3A_106] : memref<10000x128xf32, #tpu.memory_space<hbm>> -> memref<10000x128xf32, #tpu.memory_space<hbm>>
    tpu.enqueue_indirect_dma source(%dma_start3A_107 : memref<10000x128xf32, #tpu.memory_space<hbm>>) target(%arg22 : memref<32x128xf32, #tpu.memory_space<vmem>>) offsets(%arg10 : memref<32xi32, #tpu.memory_space<vmem>>) semaphore(%arg31 : memref<!tpu.dma_semaphore, #tpu.memory_space<semaphore_mem>>)
    %scan3A_108 = arith.constant 0 : i32
    %scan3A_109 = arith.constant 0 : i32
    %mul3A_110 = arith.constant 16 : i32
    %mul3A_111 = arith.muli %scan3A_109, %mul3A_110 : i32
    %add3A_112 = arith.constant 64 : i32
    %add3A_113 = arith.addi %add3A_112, %mul3A_111 : i32
    %get3A_114 = arith.index_cast %add3A_113 : i32 to index
    %get3A_115 = tpu.vector_load %arg7[%get3A_114] {strides = array<i32>} : memref<10000xi32, #tpu.memory_space<vmem>>, vector<16xi32>,
    %get3A_116 = vector.shape_cast %get3A_115 : vector<16xi32> to vector<16xi32>
    %swap3A_117 = arith.index_cast %mul3A_111 : i32 to index
    %swap3A_118 = tpu.vector_load %arg11[%swap3A_117] {strides = array<i32>} : memref<32xi32, #tpu.memory_space<vmem>>, vector<16xi32>,
    %swap3A_119 = vector.shape_cast %swap3A_118 : vector<16xi32> to vector<16xi32>
    %swap3A_120 = vector.shape_cast %get3A_116 : vector<16xi32> to vector<16xi32>
    tpu.vector_store %arg11[%swap3A_117], %swap3A_120 {strides = array<i32>} : memref<32xi32, #tpu.memory_space<vmem>>, vector<16xi32>,
    %add3A_121 = arith.constant 64 : i32
    %add3A_122 = arith.addi %add3A_121, %mul3A_111 : i32
    %get3A_123 = arith.index_cast %add3A_122 : i32 to index
    %get3A_124 = tpu.vector_load %arg8[%get3A_123] {strides = array<i32>} : memref<10000xi32, #tpu.memory_space<vmem>>, vector<16xi32>,
    %get3A_125 = vector.shape_cast %get3A_124 : vector<16xi32> to vector<16xi32>
    %swap3A_126 = arith.index_cast %mul3A_111 : i32 to index
    %swap3A_127 = tpu.vector_load %arg17[%swap3A_126] {strides = array<i32>} : memref<32xi32, #tpu.memory_space<vmem>>, vector<16xi32>,
    %swap3A_128 = vector.shape_cast %swap3A_127 : vector<16xi32> to vector<16xi32>
    %swap3A_129 = vector.shape_cast %get3A_125 : vector<16xi32> to vector<16xi32>
    tpu.vector_store %arg17[%swap3A_126], %swap3A_129 {strides = array<i32>} : memref<32xi32, #tpu.memory_space<vmem>>, vector<16xi32>,
    %scan3A_130 = arith.constant 0 : i32
    %scan3A_131 = arith.constant 1 : i32
    %mul3A_132 = arith.constant 16 : i32
    %mul3A_133 = arith.muli %scan3A_131, %mul3A_132 : i32
    %add3A_134 = arith.constant 64 : i32
    %add3A_135 = arith.addi %add3A_134, %mul3A_133 : i32
    %get3A_136 = arith.index_cast %add3A_135 : i32 to index
    %get3A_137 = tpu.vector_load %arg7[%get3A_136] {strides = array<i32>} : memref<10000xi32, #tpu.memory_space<vmem>>, vector<16xi32>,
    %get3A_138 = vector.shape_cast %get3A_137 : vector<16xi32> to vector<16xi32>
    %swap3A_139 = arith.index_cast %mul3A_133 : i32 to index
    %swap3A_140 = tpu.vector_load %arg11[%swap3A_139] {strides = array<i32>} : memref<32xi32, #tpu.memory_space<vmem>>, vector<16xi32>,
    %swap3A_141 = vector.shape_cast %swap3A_140 : vector<16xi32> to vector<16xi32>
    %swap3A_142 = vector.shape_cast %get3A_138 : vector<16xi32> to vector<16xi32>
    tpu.vector_store %arg11[%swap3A_139], %swap3A_142 {strides = array<i32>} : memref<32xi32, #tpu.memory_space<vmem>>, vector<16xi32>,
    %add3A_143 = arith.constant 64 : i32
    %add3A_144 = arith.addi %add3A_143, %mul3A_133 : i32
    %get3A_145 = arith.index_cast %add3A_144 : i32 to index
    %get3A_146 = tpu.vector_load %arg8[%get3A_145] {strides = array<i32>} : memref<10000xi32, #tpu.memory_space<vmem>>, vector<16xi32>,
    %get3A_147 = vector.shape_cast %get3A_146 : vector<16xi32> to vector<16xi32>
    %swap3A_148 = arith.index_cast %mul3A_133 : i32 to index
    %swap3A_149 = tpu.vector_load %arg17[%swap3A_148] {strides = array<i32>} : memref<32xi32, #tpu.memory_space<vmem>>, vector<16xi32>,
    %swap3A_150 = vector.shape_cast %swap3A_149 : vector<16xi32> to vector<16xi32>
    %swap3A_151 = vector.shape_cast %get3A_147 : vector<16xi32> to vector<16xi32>
    tpu.vector_store %arg17[%swap3A_148], %swap3A_151 {strides = array<i32>} : memref<32xi32, #tpu.memory_space<vmem>>, vector<16xi32>,
    %scan3A_152 = arith.constant 0 : i32
    %scan3A_153 = arith.constant 2 : i32
    %dma_start3A_154 = arith.constant 0 : i32
    %dma_start3A_155 = arith.constant 0 : i32
    %dma_start3A_156 = tpu.memref_slice %arg2[%dma_start3A_154, %dma_start3A_155] : memref<10000x128xf32, #tpu.memory_space<hbm>> -> memref<10000x128xf32, #tpu.memory_space<hbm>>
    tpu.enqueue_indirect_dma source(%dma_start3A_156 : memref<10000x128xf32, #tpu.memory_space<hbm>>) target(%arg23 : memref<32x128xf32, #tpu.memory_space<vmem>>) offsets(%arg11 : memref<32xi32, #tpu.memory_space<vmem>>) semaphore(%arg32 : memref<!tpu.dma_semaphore, #tpu.memory_space<semaphore_mem>>)
    %scan3A_157 = arith.constant 0 : i32
    %scan3A_158 = arith.constant 0 : i32
    %mul3A_159 = arith.constant 16 : i32
    %mul3A_160 = arith.muli %scan3A_158, %mul3A_159 : i32
    %add3A_161 = arith.constant 96 : i32
    %add3A_162 = arith.addi %add3A_161, %mul3A_160 : i32
    %get3A_163 = arith.index_cast %add3A_162 : i32 to index
    %get3A_164 = tpu.vector_load %arg7[%get3A_163] {strides = array<i32>} : memref<10000xi32, #tpu.memory_space<vmem>>, vector<16xi32>,
    %get3A_165 = vector.shape_cast %get3A_164 : vector<16xi32> to vector<16xi32>
    %swap3A_166 = arith.index_cast %mul3A_160 : i32 to index
    %swap3A_167 = tpu.vector_load %arg12[%swap3A_166] {strides = array<i32>} : memref<32xi32, #tpu.memory_space<vmem>>, vector<16xi32>,
    %swap3A_168 = vector.shape_cast %swap3A_167 : vector<16xi32> to vector<16xi32>
    %swap3A_169 = vector.shape_cast %get3A_165 : vector<16xi32> to vector<16xi32>
    tpu.vector_store %arg12[%swap3A_166], %swap3A_169 {strides = array<i32>} : memref<32xi32, #tpu.memory_space<vmem>>, vector<16xi32>,
    %add3A_170 = arith.constant 96 : i32
    %add3A_171 = arith.addi %add3A_170, %mul3A_160 : i32
    %get3A_172 = arith.index_cast %add3A_171 : i32 to index
    %get3A_173 = tpu.vector_load %arg8[%get3A_172] {strides = array<i32>} : memref<10000xi32, #tpu.memory_space<vmem>>, vector<16xi32>,
    %get3A_174 = vector.shape_cast %get3A_173 : vector<16xi32> to vector<16xi32>
    %swap3A_175 = arith.index_cast %mul3A_160 : i32 to index
    %swap3A_176 = tpu.vector_load %arg18[%swap3A_175] {strides = array<i32>} : memref<32xi32, #tpu.memory_space<vmem>>, vector<16xi32>,
    %swap3A_177 = vector.shape_cast %swap3A_176 : vector<16xi32> to vector<16xi32>
    %swap3A_178 = vector.shape_cast %get3A_174 : vector<16xi32> to vector<16xi32>
    tpu.vector_store %arg18[%swap3A_175], %swap3A_178 {strides = array<i32>} : memref<32xi32, #tpu.memory_space<vmem>>, vector<16xi32>,
    %scan3A_179 = arith.constant 0 : i32
    %scan3A_180 = arith.constant 1 : i32
    %mul3A_181 = arith.constant 16 : i32
    %mul3A_182 = arith.muli %scan3A_180, %mul3A_181 : i32
    %add3A_183 = arith.constant 96 : i32
    %add3A_184 = arith.addi %add3A_183, %mul3A_182 : i32
    %get3A_185 = arith.index_cast %add3A_184 : i32 to index
    %get3A_186 = tpu.vector_load %arg7[%get3A_185] {strides = array<i32>} : memref<10000xi32, #tpu.memory_space<vmem>>, vector<16xi32>,
    %get3A_187 = vector.shape_cast %get3A_186 : vector<16xi32> to vector<16xi32>
    %swap3A_188 = arith.index_cast %mul3A_182 : i32 to index
    %swap3A_189 = tpu.vector_load %arg12[%swap3A_188] {strides = array<i32>} : memref<32xi32, #tpu.memory_space<vmem>>, vector<16xi32>,
    %swap3A_190 = vector.shape_cast %swap3A_189 : vector<16xi32> to vector<16xi32>
    %swap3A_191 = vector.shape_cast %get3A_187 : vector<16xi32> to vector<16xi32>
    tpu.vector_store %arg12[%swap3A_188], %swap3A_191 {strides = array<i32>} : memref<32xi32, #tpu.memory_space<vmem>>, vector<16xi32>,
    %add3A_192 = arith.constant 96 : i32
    %add3A_193 = arith.addi %add3A_192, %mul3A_182 : i32
    %get3A_194 = arith.index_cast %add3A_193 : i32 to index
    %get3A_195 = tpu.vector_load %arg8[%get3A_194] {strides = array<i32>} : memref<10000xi32, #tpu.memory_space<vmem>>, vector<16xi32>,
    %get3A_196 = vector.shape_cast %get3A_195 : vector<16xi32> to vector<16xi32>
    %swap3A_197 = arith.index_cast %mul3A_182 : i32 to index
    %swap3A_198 = tpu.vector_load %arg18[%swap3A_197] {strides = array<i32>} : memref<32xi32, #tpu.memory_space<vmem>>, vector<16xi32>,
    %swap3A_199 = vector.shape_cast %swap3A_198 : vector<16xi32> to vector<16xi32>
    %swap3A_200 = vector.shape_cast %get3A_196 : vector<16xi32> to vector<16xi32>
    tpu.vector_store %arg18[%swap3A_197], %swap3A_200 {strides = array<i32>} : memref<32xi32, #tpu.memory_space<vmem>>, vector<16xi32>,
    %scan3A_201 = arith.constant 0 : i32
    %scan3A_202 = arith.constant 2 : i32
    %dma_start3A_203 = arith.constant 0 : i32
    %dma_start3A_204 = arith.constant 0 : i32
    %dma_start3A_205 = tpu.memref_slice %arg2[%dma_start3A_203, %dma_start3A_204] : memref<10000x128xf32, #tpu.memory_space<hbm>> -> memref<10000x128xf32, #tpu.memory_space<hbm>>
    tpu.enqueue_indirect_dma source(%dma_start3A_205 : memref<10000x128xf32, #tpu.memory_space<hbm>>) target(%arg24 : memref<32x128xf32, #tpu.memory_space<vmem>>) offsets(%arg12 : memref<32xi32, #tpu.memory_space<vmem>>) semaphore(%arg33 : memref<!tpu.dma_semaphore, #tpu.memory_space<semaphore_mem>>)
    %scan3A_206 = arith.constant 0 : i32
    %scan3A_207 = arith.constant 0 : i32
    %mul3A_208 = arith.constant 16 : i32
    %mul3A_209 = arith.muli %scan3A_207, %mul3A_208 : i32
    %add3A_210 = arith.constant 128 : i32
    %add3A_211 = arith.addi %add3A_210, %mul3A_209 : i32
    %get3A_212 = arith.index_cast %add3A_211 : i32 to index
    %get3A_213 = tpu.vector_load %arg7[%get3A_212] {strides = array<i32>} : memref<10000xi32, #tpu.memory_space<vmem>>, vector<16xi32>,
    %get3A_214 = vector.shape_cast %get3A_213 : vector<16xi32> to vector<16xi32>
    %swap3A_215 = arith.index_cast %mul3A_209 : i32 to index
    %swap3A_216 = tpu.vector_load %arg13[%swap3A_215] {strides = array<i32>} : memref<32xi32, #tpu.memory_space<vmem>>, vector<16xi32>,
    %swap3A_217 = vector.shape_cast %swap3A_216 : vector<16xi32> to vector<16xi32>
    %swap3A_218 = vector.shape_cast %get3A_214 : vector<16xi32> to vector<16xi32>
    tpu.vector_store %arg13[%swap3A_215], %swap3A_218 {strides = array<i32>} : memref<32xi32, #tpu.memory_space<vmem>>, vector<16xi32>,
    %add3A_219 = arith.constant 128 : i32
    %add3A_220 = arith.addi %add3A_219, %mul3A_209 : i32
    %get3A_221 = arith.index_cast %add3A_220 : i32 to index
    %get3A_222 = tpu.vector_load %arg8[%get3A_221] {strides = array<i32>} : memref<10000xi32, #tpu.memory_space<vmem>>, vector<16xi32>,
    %get3A_223 = vector.shape_cast %get3A_222 : vector<16xi32> to vector<16xi32>
    %swap3A_224 = arith.index_cast %mul3A_209 : i32 to index
    %swap3A_225 = tpu.vector_load %arg19[%swap3A_224] {strides = array<i32>} : memref<32xi32, #tpu.memory_space<vmem>>, vector<16xi32>,
    %swap3A_226 = vector.shape_cast %swap3A_225 : vector<16xi32> to vector<16xi32>
    %swap3A_227 = vector.shape_cast %get3A_223 : vector<16xi32> to vector<16xi32>
    tpu.vector_store %arg19[%swap3A_224], %swap3A_227 {strides = array<i32>} : memref<32xi32, #tpu.memory_space<vmem>>, vector<16xi32>,
    %scan3A_228 = arith.constant 0 : i32
    %scan3A_229 = arith.constant 1 : i32
    %mul3A_230 = arith.constant 16 : i32
    %mul3A_231 = arith.muli %scan3A_229, %mul3A_230 : i32
    %add3A_232 = arith.constant 128 : i32
    %add3A_233 = arith.addi %add3A_232, %mul3A_231 : i32
    %get3A_234 = arith.index_cast %add3A_233 : i32 to index
    %get3A_235 = tpu.vector_load %arg7[%get3A_234] {strides = array<i32>} : memref<10000xi32, #tpu.memory_space<vmem>>, vector<16xi32>,
    %get3A_236 = vector.shape_cast %get3A_235 : vector<16xi32> to vector<16xi32>
    %swap3A_237 = arith.index_cast %mul3A_231 : i32 to index
    %swap3A_238 = tpu.vector_load %arg13[%swap3A_237] {strides = array<i32>} : memref<32xi32, #tpu.memory_space<vmem>>, vector<16xi32>,
    %swap3A_239 = vector.shape_cast %swap3A_238 : vector<16xi32> to vector<16xi32>
    %swap3A_240 = vector.shape_cast %get3A_236 : vector<16xi32> to vector<16xi32>
    tpu.vector_store %arg13[%swap3A_237], %swap3A_240 {strides = array<i32>} : memref<32xi32, #tpu.memory_space<vmem>>, vector<16xi32>,
    %add3A_241 = arith.constant 128 : i32
    %add3A_242 = arith.addi %add3A_241, %mul3A_231 : i32
    %get3A_243 = arith.index_cast %add3A_242 : i32 to index
    %get3A_244 = tpu.vector_load %arg8[%get3A_243] {strides = array<i32>} : memref<10000xi32, #tpu.memory_space<vmem>>, vector<16xi32>,
    %get3A_245 = vector.shape_cast %get3A_244 : vector<16xi32> to vector<16xi32>
    %swap3A_246 = arith.index_cast %mul3A_231 : i32 to index
    %swap3A_247 = tpu.vector_load %arg19[%swap3A_246] {strides = array<i32>} : memref<32xi32, #tpu.memory_space<vmem>>, vector<16xi32>,
    %swap3A_248 = vector.shape_cast %swap3A_247 : vector<16xi32> to vector<16xi32>
    %swap3A_249 = vector.shape_cast %get3A_245 : vector<16xi32> to vector<16xi32>
    tpu.vector_store %arg19[%swap3A_246], %swap3A_249 {strides = array<i32>} : memref<32xi32, #tpu.memory_space<vmem>>, vector<16xi32>,
    %scan3A_250 = arith.constant 0 : i32
    %scan3A_251 = arith.constant 2 : i32
    %dma_start3A_252 = arith.constant 0 : i32
    %dma_start3A_253 = arith.constant 0 : i32
    %dma_start3A_254 = tpu.memref_slice %arg2[%dma_start3A_252, %dma_start3A_253] : memref<10000x128xf32, #tpu.memory_space<hbm>> -> memref<10000x128xf32, #tpu.memory_space<hbm>>
    tpu.enqueue_indirect_dma source(%dma_start3A_254 : memref<10000x128xf32, #tpu.memory_space<hbm>>) target(%arg25 : memref<32x128xf32, #tpu.memory_space<vmem>>) offsets(%arg13 : memref<32xi32, #tpu.memory_space<vmem>>) semaphore(%arg34 : memref<!tpu.dma_semaphore, #tpu.memory_space<semaphore_mem>>)
    %scan3A_255 = arith.constant 0 : i32
    %scan3A_256 = arith.constant 0 : i32
    %mul3A_257 = arith.constant 16 : i32
    %mul3A_258 = arith.muli %scan3A_256, %mul3A_257 : i32
    %add3A_259 = arith.constant 160 : i32
    %add3A_260 = arith.addi %add3A_259, %mul3A_258 : i32
    %get3A_261 = arith.index_cast %add3A_260 : i32 to index
    %get3A_262 = tpu.vector_load %arg7[%get3A_261] {strides = array<i32>} : memref<10000xi32, #tpu.memory_space<vmem>>, vector<16xi32>,
    %get3A_263 = vector.shape_cast %get3A_262 : vector<16xi32> to vector<16xi32>
    %swap3A_264 = arith.index_cast %mul3A_258 : i32 to index
    %swap3A_265 = tpu.vector_load %arg14[%swap3A_264] {strides = array<i32>} : memref<32xi32, #tpu.memory_space<vmem>>, vector<16xi32>,
    %swap3A_266 = vector.shape_cast %swap3A_265 : vector<16xi32> to vector<16xi32>
    %swap3A_267 = vector.shape_cast %get3A_263 : vector<16xi32> to vector<16xi32>
    tpu.vector_store %arg14[%swap3A_264], %swap3A_267 {strides = array<i32>} : memref<32xi32, #tpu.memory_space<vmem>>, vector<16xi32>,
    %add3A_268 = arith.constant 160 : i32
    %add3A_269 = arith.addi %add3A_268, %mul3A_258 : i32
    %get3A_270 = arith.index_cast %add3A_269 : i32 to index
    %get3A_271 = tpu.vector_load %arg8[%get3A_270] {strides = array<i32>} : memref<10000xi32, #tpu.memory_space<vmem>>, vector<16xi32>,
    %get3A_272 = vector.shape_cast %get3A_271 : vector<16xi32> to vector<16xi32>
    %swap3A_273 = arith.index_cast %mul3A_258 : i32 to index
    %swap3A_274 = tpu.vector_load %arg20[%swap3A_273] {strides = array<i32>} : memref<32xi32, #tpu.memory_space<vmem>>, vector<16xi32>,
    %swap3A_275 = vector.shape_cast %swap3A_274 : vector<16xi32> to vector<16xi32>
    %swap3A_276 = vector.shape_cast %get3A_272 : vector<16xi32> to vector<16xi32>
    tpu.vector_store %arg20[%swap3A_273], %swap3A_276 {strides = array<i32>} : memref<32xi32, #tpu.memory_space<vmem>>, vector<16xi32>,
    %scan3A_277 = arith.constant 0 : i32
    %scan3A_278 = arith.constant 1 : i32
    %mul3A_279 = arith.constant 16 : i32
    %mul3A_280 = arith.muli %scan3A_278, %mul3A_279 : i32
    %add3A_281 = arith.constant 160 : i32
    %add3A_282 = arith.addi %add3A_281, %mul3A_280 : i32
    %get3A_283 = arith.index_cast %add3A_282 : i32 to index
    %get3A_284 = tpu.vector_load %arg7[%get3A_283] {strides = array<i32>} : memref<10000xi32, #tpu.memory_space<vmem>>, vector<16xi32>,
    %get3A_285 = vector.shape_cast %get3A_284 : vector<16xi32> to vector<16xi32>
    %swap3A_286 = arith.index_cast %mul3A_280 : i32 to index
    %swap3A_287 = tpu.vector_load %arg14[%swap3A_286] {strides = array<i32>} : memref<32xi32, #tpu.memory_space<vmem>>, vector<16xi32>,
    %swap3A_288 = vector.shape_cast %swap3A_287 : vector<16xi32> to vector<16xi32>
    %swap3A_289 = vector.shape_cast %get3A_285 : vector<16xi32> to vector<16xi32>
    tpu.vector_store %arg14[%swap3A_286], %swap3A_289 {strides = array<i32>} : memref<32xi32, #tpu.memory_space<vmem>>, vector<16xi32>,
    %add3A_290 = arith.constant 160 : i32
    %add3A_291 = arith.addi %add3A_290, %mul3A_280 : i32
    %get3A_292 = arith.index_cast %add3A_291 : i32 to index
    %get3A_293 = tpu.vector_load %arg8[%get3A_292] {strides = array<i32>} : memref<10000xi32, #tpu.memory_space<vmem>>, vector<16xi32>,
    %get3A_294 = vector.shape_cast %get3A_293 : vector<16xi32> to vector<16xi32>
    %swap3A_295 = arith.index_cast %mul3A_280 : i32 to index
    %swap3A_296 = tpu.vector_load %arg20[%swap3A_295] {strides = array<i32>} : memref<32xi32, #tpu.memory_space<vmem>>, vector<16xi32>,
    %swap3A_297 = vector.shape_cast %swap3A_296 : vector<16xi32> to vector<16xi32>
    %swap3A_298 = vector.shape_cast %get3A_294 : vector<16xi32> to vector<16xi32>
    tpu.vector_store %arg20[%swap3A_295], %swap3A_298 {strides = array<i32>} : memref<32xi32, #tpu.memory_space<vmem>>, vector<16xi32>,
    %scan3A_299 = arith.constant 0 : i32
    %scan3A_300 = arith.constant 2 : i32
    %dma_start3A_301 = arith.constant 0 : i32
    %dma_start3A_302 = arith.constant 0 : i32
    %dma_start3A_303 = tpu.memref_slice %arg2[%dma_start3A_301, %dma_start3A_302] : memref<10000x128xf32, #tpu.memory_space<hbm>> -> memref<10000x128xf32, #tpu.memory_space<hbm>>
    tpu.enqueue_indirect_dma source(%dma_start3A_303 : memref<10000x128xf32, #tpu.memory_space<hbm>>) target(%arg26 : memref<32x128xf32, #tpu.memory_space<vmem>>) offsets(%arg14 : memref<32xi32, #tpu.memory_space<vmem>>) semaphore(%arg35 : memref<!tpu.dma_semaphore, #tpu.memory_space<semaphore_mem>>)
    %scan3A_304 = arith.constant 0 : i32
    %scan3A_305 = arith.constant 0 : i32
    %scan3A_306 = arith.constant 52 : i32
    %scan3A_307 = arith.addi %scan3A_305, %scan3A_306 : i32
    %scan3A_308 = arith.constant 1 : i32
    scf.for %scan3A_352 = %scan3A_305 to %scan3A_307 step %scan3A_308  : i32 {
      %mul3A_353 = arith.constant 6 : i32
      %mul3A_354 = arith.muli %scan3A_352, %mul3A_353 : i32
      %add3A_355 = arith.constant 0 : i32
      %add3A_356 = arith.addi %mul3A_354, %add3A_355 : i32
      %dma_wait3A_357 = arith.constant 0 : i32
      %dma_wait3A_358 = arith.constant 0 : i32
      %dma_wait3A_359 = tpu.memref_slice %arg2[%dma_wait3A_357, %dma_wait3A_358] : memref<10000x128xf32, #tpu.memory_space<hbm>> -> memref<10000x128xf32, #tpu.memory_space<hbm>>
      tpu.wait_indirect_dma semaphore(%arg30 : memref<!tpu.dma_semaphore, #tpu.memory_space<semaphore_mem>>) src(%dma_wait3A_359 : memref<10000x128xf32, #tpu.memory_space<hbm>>) dst(%arg21 : memref<32x128xf32, #tpu.memory_space<vmem>>)
      "tpu.region"() ({
        %run_scoped3A = tpu.sem_alloc : memref<!tpu.dma_semaphore, #tpu.memory_space<semaphore_mem>>
        %dma_start3A_436 = arith.constant 0 : i32
        %dma_start3A_437 = arith.constant 0 : i32
        %dma_start3A_438 = tpu.memref_slice %arg29[%dma_start3A_436, %dma_start3A_437] : memref<10000x128xf32, #tpu.memory_space<vmem_shared>> -> memref<10000x128xf32, #tpu.memory_space<vmem_shared>>
        tpu.enqueue_indirect_dma source(%arg21 : memref<32x128xf32, #tpu.memory_space<vmem>>) target(%dma_start3A_438 : memref<10000x128xf32, #tpu.memory_space<vmem_shared>>) offsets(%arg15 : memref<32xi32, #tpu.memory_space<vmem>>) semaphore(%run_scoped3A : memref<!tpu.dma_semaphore, #tpu.memory_space<semaphore_mem>>) {add = true}
        %dma_wait3A_439 = arith.constant 0 : i32
        %dma_wait3A_440 = arith.constant 0 : i32
        %dma_wait3A_441 = tpu.memref_slice %arg29[%dma_wait3A_439, %dma_wait3A_440] : memref<10000x128xf32, #tpu.memory_space<vmem_shared>> -> memref<10000x128xf32, #tpu.memory_space<vmem_shared>>
        tpu.wait_indirect_dma semaphore(%run_scoped3A : memref<!tpu.dma_semaphore, #tpu.memory_space<semaphore_mem>>) src(%arg21 : memref<32x128xf32, #tpu.memory_space<vmem>>) dst(%dma_wait3A_441 : memref<10000x128xf32, #tpu.memory_space<vmem_shared>>)
        tpu.yield
      }) : () -> ()
      %add3A_360 = arith.constant 6 : i32
      %add3A_361 = arith.addi %add3A_356, %add3A_360 : i32
      %lt3A = arith.constant 312 : i32
      %lt3A_362 = arith.cmpi slt, %add3A_361, %lt3A : i32
      %convert_element_type3A_363 = arith.extui %lt3A_362 : i1 to i32
      %cond3A_364 = arith.constant 0 : i32
      %cond3A_365 = arith.cmpi ne, %convert_element_type3A_363, %cond3A_364 : i32
      scf.if %cond3A_365 {
        %add3A_436 = arith.constant 6 : i32
        %add3A_437 = arith.addi %add3A_356, %add3A_436 : i32
        %scan3A_438 = arith.constant 0 : i32
        %scan3A_439 = arith.constant 0 : i32
        %mul3A_440 = arith.constant 16 : i32
        %mul3A_441 = arith.muli %scan3A_439, %mul3A_440 : i32
        %mul3A_442 = arith.constant 32 : i32
        %mul3A_443 = arith.muli %add3A_437, %mul3A_442 : i32
        %add3A_444 = arith.addi %mul3A_443, %mul3A_441 : i32
        %get3A_445 = arith.index_cast %add3A_444 : i32 to index
        %get3A_446 = tpu.vector_load %arg7[%get3A_445] {strides = array<i32>} : memref<10000xi32, #tpu.memory_space<vmem>>, vector<16xi32>,
        %get3A_447 = vector.shape_cast %get3A_446 : vector<16xi32> to vector<16xi32>
        %swap3A_448 = arith.index_cast %mul3A_441 : i32 to index
        %swap3A_449 = tpu.vector_load %arg9[%swap3A_448] {strides = array<i32>} : memref<32xi32, #tpu.memory_space<vmem>>, vector<16xi32>,
        %swap3A_450 = vector.shape_cast %swap3A_449 : vector<16xi32> to vector<16xi32>
        %swap3A_451 = vector.shape_cast %get3A_447 : vector<16xi32> to vector<16xi32>
        tpu.vector_store %arg9[%swap3A_448], %swap3A_451 {strides = array<i32>} : memref<32xi32, #tpu.memory_space<vmem>>, vector<16xi32>,
        %mul3A_452 = arith.constant 32 : i32
        %mul3A_453 = arith.muli %add3A_437, %mul3A_452 : i32
        %add3A_454 = arith.addi %mul3A_453, %mul3A_441 : i32
        %get3A_455 = arith.index_cast %add3A_454 : i32 to index
        %get3A_456 = tpu.vector_load %arg8[%get3A_455] {strides = array<i32>} : memref<10000xi32, #tpu.memory_space<vmem>>, vector<16xi32>,
        %get3A_457 = vector.shape_cast %get3A_456 : vector<16xi32> to vector<16xi32>
        %swap3A_458 = arith.index_cast %mul3A_441 : i32 to index
        %swap3A_459 = tpu.vector_load %arg15[%swap3A_458] {strides = array<i32>} : memref<32xi32, #tpu.memory_space<vmem>>, vector<16xi32>,
        %swap3A_460 = vector.shape_cast %swap3A_459 : vector<16xi32> to vector<16xi32>
        %swap3A_461 = vector.shape_cast %get3A_457 : vector<16xi32> to vector<16xi32>
        tpu.vector_store %arg15[%swap3A_458], %swap3A_461 {strides = array<i32>} : memref<32xi32, #tpu.memory_space<vmem>>, vector<16xi32>,
        %scan3A_462 = arith.constant 0 : i32
        %scan3A_463 = arith.constant 1 : i32
        %mul3A_464 = arith.constant 16 : i32
        %mul3A_465 = arith.muli %scan3A_463, %mul3A_464 : i32
        %mul3A_466 = arith.constant 32 : i32
        %mul3A_467 = arith.muli %add3A_437, %mul3A_466 : i32
        %add3A_468 = arith.addi %mul3A_467, %mul3A_465 : i32
        %get3A_469 = arith.index_cast %add3A_468 : i32 to index
        %get3A_470 = tpu.vector_load %arg7[%get3A_469] {strides = array<i32>} : memref<10000xi32, #tpu.memory_space<vmem>>, vector<16xi32>,
        %get3A_471 = vector.shape_cast %get3A_470 : vector<16xi32> to vector<16xi32>
        %swap3A_472 = arith.index_cast %mul3A_465 : i32 to index
        %swap3A_473 = tpu.vector_load %arg9[%swap3A_472] {strides = array<i32>} : memref<32xi32, #tpu.memory_space<vmem>>, vector<16xi32>,
        %swap3A_474 = vector.shape_cast %swap3A_473 : vector<16xi32> to vector<16xi32>
        %swap3A_475 = vector.shape_cast %get3A_471 : vector<16xi32> to vector<16xi32>
        tpu.vector_store %arg9[%swap3A_472], %swap3A_475 {strides = array<i32>} : memref<32xi32, #tpu.memory_space<vmem>>, vector<16xi32>,
        %mul3A_476 = arith.constant 32 : i32
        %mul3A_477 = arith.muli %add3A_437, %mul3A_476 : i32
        %add3A_478 = arith.addi %mul3A_477, %mul3A_465 : i32
        %get3A_479 = arith.index_cast %add3A_478 : i32 to index
        %get3A_480 = tpu.vector_load %arg8[%get3A_479] {strides = array<i32>} : memref<10000xi32, #tpu.memory_space<vmem>>, vector<16xi32>,
        %get3A_481 = vector.shape_cast %get3A_480 : vector<16xi32> to vector<16xi32>
        %swap3A_482 = arith.index_cast %mul3A_465 : i32 to index
        %swap3A_483 = tpu.vector_load %arg15[%swap3A_482] {strides = array<i32>} : memref<32xi32, #tpu.memory_space<vmem>>, vector<16xi32>,
        %swap3A_484 = vector.shape_cast %swap3A_483 : vector<16xi32> to vector<16xi32>
        %swap3A_485 = vector.shape_cast %get3A_481 : vector<16xi32> to vector<16xi32>
        tpu.vector_store %arg15[%swap3A_482], %swap3A_485 {strides = array<i32>} : memref<32xi32, #tpu.memory_space<vmem>>, vector<16xi32>,
        %scan3A_486 = arith.constant 0 : i32
        %scan3A_487 = arith.constant 2 : i32
        %dma_start3A_488 = arith.constant 0 : i32
        %dma_start3A_489 = arith.constant 0 : i32
        %dma_start3A_490 = tpu.memref_slice %arg2[%dma_start3A_488, %dma_start3A_489] : memref<10000x128xf32, #tpu.memory_space<hbm>> -> memref<10000x128xf32, #tpu.memory_space<hbm>>
        tpu.enqueue_indirect_dma source(%dma_start3A_490 : memref<10000x128xf32, #tpu.memory_space<hbm>>) target(%arg21 : memref<32x128xf32, #tpu.memory_space<vmem>>) offsets(%arg9 : memref<32xi32, #tpu.memory_space<vmem>>) semaphore(%arg30 : memref<!tpu.dma_semaphore, #tpu.memory_space<semaphore_mem>>)
      } else {
      }
      %mul3A_366 = arith.constant 6 : i32
      %mul3A_367 = arith.muli %scan3A_352, %mul3A_366 : i32
      %add3A_368 = arith.constant 1 : i32
      %add3A_369 = arith.addi %mul3A_367, %add3A_368 : i32
      %dma_wait3A_370 = arith.constant 0 : i32
      %dma_wait3A_371 = arith.constant 0 : i32
      %dma_wait3A_372 = tpu.memref_slice %arg2[%dma_wait3A_370, %dma_wait3A_371] : memref<10000x128xf32, #tpu.memory_space<hbm>> -> memref<10000x128xf32, #tpu.memory_space<hbm>>
      tpu.wait_indirect_dma semaphore(%arg31 : memref<!tpu.dma_semaphore, #tpu.memory_space<semaphore_mem>>) src(%dma_wait3A_372 : memref<10000x128xf32, #tpu.memory_space<hbm>>) dst(%arg22 : memref<32x128xf32, #tpu.memory_space<vmem>>)
      "tpu.region"() ({
        %run_scoped3A = tpu.sem_alloc : memref<!tpu.dma_semaphore, #tpu.memory_space<semaphore_mem>>
        %dma_start3A_436 = arith.constant 0 : i32
        %dma_start3A_437 = arith.constant 0 : i32
        %dma_start3A_438 = tpu.memref_slice %arg29[%dma_start3A_436, %dma_start3A_437] : memref<10000x128xf32, #tpu.memory_space<vmem_shared>> -> memref<10000x128xf32, #tpu.memory_space<vmem_shared>>
        tpu.enqueue_indirect_dma source(%arg22 : memref<32x128xf32, #tpu.memory_space<vmem>>) target(%dma_start3A_438 : memref<10000x128xf32, #tpu.memory_space<vmem_shared>>) offsets(%arg16 : memref<32xi32, #tpu.memory_space<vmem>>) semaphore(%run_scoped3A : memref<!tpu.dma_semaphore, #tpu.memory_space<semaphore_mem>>) {add = true}
        %dma_wait3A_439 = arith.constant 0 : i32
        %dma_wait3A_440 = arith.constant 0 : i32
        %dma_wait3A_441 = tpu.memref_slice %arg29[%dma_wait3A_439, %dma_wait3A_440] : memref<10000x128xf32, #tpu.memory_space<vmem_shared>> -> memref<10000x128xf32, #tpu.memory_space<vmem_shared>>
        tpu.wait_indirect_dma semaphore(%run_scoped3A : memref<!tpu.dma_semaphore, #tpu.memory_space<semaphore_mem>>) src(%arg22 : memref<32x128xf32, #tpu.memory_space<vmem>>) dst(%dma_wait3A_441 : memref<10000x128xf32, #tpu.memory_space<vmem_shared>>)
        tpu.yield
      }) : () -> ()
      %add3A_373 = arith.constant 6 : i32
      %add3A_374 = arith.addi %add3A_369, %add3A_373 : i32
      %lt3A_375 = arith.constant 312 : i32
      %lt3A_376 = arith.cmpi slt, %add3A_374, %lt3A_375 : i32
      %convert_element_type3A_377 = arith.extui %lt3A_376 : i1 to i32
      %cond3A_378 = arith.constant 0 : i32
      %cond3A_379 = arith.cmpi ne, %convert_element_type3A_377, %cond3A_378 : i32
      scf.if %cond3A_379 {
        %add3A_436 = arith.constant 6 : i32
        %add3A_437 = arith.addi %add3A_369, %add3A_436 : i32
        %scan3A_438 = arith.constant 0 : i32
        %scan3A_439 = arith.constant 0 : i32
        %mul3A_440 = arith.constant 16 : i32
        %mul3A_441 = arith.muli %scan3A_439, %mul3A_440 : i32
        %mul3A_442 = arith.constant 32 : i32
        %mul3A_443 = arith.muli %add3A_437, %mul3A_442 : i32
        %add3A_444 = arith.addi %mul3A_443, %mul3A_441 : i32
        %get3A_445 = arith.index_cast %add3A_444 : i32 to index
        %get3A_446 = tpu.vector_load %arg7[%get3A_445] {strides = array<i32>} : memref<10000xi32, #tpu.memory_space<vmem>>, vector<16xi32>,
        %get3A_447 = vector.shape_cast %get3A_446 : vector<16xi32> to vector<16xi32>
        %swap3A_448 = arith.index_cast %mul3A_441 : i32 to index
        %swap3A_449 = tpu.vector_load %arg10[%swap3A_448] {strides = array<i32>} : memref<32xi32, #tpu.memory_space<vmem>>, vector<16xi32>,
        %swap3A_450 = vector.shape_cast %swap3A_449 : vector<16xi32> to vector<16xi32>
        %swap3A_451 = vector.shape_cast %get3A_447 : vector<16xi32> to vector<16xi32>
        tpu.vector_store %arg10[%swap3A_448], %swap3A_451 {strides = array<i32>} : memref<32xi32, #tpu.memory_space<vmem>>, vector<16xi32>,
        %mul3A_452 = arith.constant 32 : i32
        %mul3A_453 = arith.muli %add3A_437, %mul3A_452 : i32
        %add3A_454 = arith.addi %mul3A_453, %mul3A_441 : i32
        %get3A_455 = arith.index_cast %add3A_454 : i32 to index
        %get3A_456 = tpu.vector_load %arg8[%get3A_455] {strides = array<i32>} : memref<10000xi32, #tpu.memory_space<vmem>>, vector<16xi32>,
        %get3A_457 = vector.shape_cast %get3A_456 : vector<16xi32> to vector<16xi32>
        %swap3A_458 = arith.index_cast %mul3A_441 : i32 to index
        %swap3A_459 = tpu.vector_load %arg16[%swap3A_458] {strides = array<i32>} : memref<32xi32, #tpu.memory_space<vmem>>, vector<16xi32>,
        %swap3A_460 = vector.shape_cast %swap3A_459 : vector<16xi32> to vector<16xi32>
        %swap3A_461 = vector.shape_cast %get3A_457 : vector<16xi32> to vector<16xi32>
        tpu.vector_store %arg16[%swap3A_458], %swap3A_461 {strides = array<i32>} : memref<32xi32, #tpu.memory_space<vmem>>, vector<16xi32>,
        %scan3A_462 = arith.constant 0 : i32
        %scan3A_463 = arith.constant 1 : i32
        %mul3A_464 = arith.constant 16 : i32
        %mul3A_465 = arith.muli %scan3A_463, %mul3A_464 : i32
        %mul3A_466 = arith.constant 32 : i32
        %mul3A_467 = arith.muli %add3A_437, %mul3A_466 : i32
        %add3A_468 = arith.addi %mul3A_467, %mul3A_465 : i32
        %get3A_469 = arith.index_cast %add3A_468 : i32 to index
        %get3A_470 = tpu.vector_load %arg7[%get3A_469] {strides = array<i32>} : memref<10000xi32, #tpu.memory_space<vmem>>, vector<16xi32>,
        %get3A_471 = vector.shape_cast %get3A_470 : vector<16xi32> to vector<16xi32>
        %swap3A_472 = arith.index_cast %mul3A_465 : i32 to index
        %swap3A_473 = tpu.vector_load %arg10[%swap3A_472] {strides = array<i32>} : memref<32xi32, #tpu.memory_space<vmem>>, vector<16xi32>,
        %swap3A_474 = vector.shape_cast %swap3A_473 : vector<16xi32> to vector<16xi32>
        %swap3A_475 = vector.shape_cast %get3A_471 : vector<16xi32> to vector<16xi32>
        tpu.vector_store %arg10[%swap3A_472], %swap3A_475 {strides = array<i32>} : memref<32xi32, #tpu.memory_space<vmem>>, vector<16xi32>,
        %mul3A_476 = arith.constant 32 : i32
        %mul3A_477 = arith.muli %add3A_437, %mul3A_476 : i32
        %add3A_478 = arith.addi %mul3A_477, %mul3A_465 : i32
        %get3A_479 = arith.index_cast %add3A_478 : i32 to index
        %get3A_480 = tpu.vector_load %arg8[%get3A_479] {strides = array<i32>} : memref<10000xi32, #tpu.memory_space<vmem>>, vector<16xi32>,
        %get3A_481 = vector.shape_cast %get3A_480 : vector<16xi32> to vector<16xi32>
        %swap3A_482 = arith.index_cast %mul3A_465 : i32 to index
        %swap3A_483 = tpu.vector_load %arg16[%swap3A_482] {strides = array<i32>} : memref<32xi32, #tpu.memory_space<vmem>>, vector<16xi32>,
        %swap3A_484 = vector.shape_cast %swap3A_483 : vector<16xi32> to vector<16xi32>
        %swap3A_485 = vector.shape_cast %get3A_481 : vector<16xi32> to vector<16xi32>
        tpu.vector_store %arg16[%swap3A_482], %swap3A_485 {strides = array<i32>} : memref<32xi32, #tpu.memory_space<vmem>>, vector<16xi32>,
        %scan3A_486 = arith.constant 0 : i32
        %scan3A_487 = arith.constant 2 : i32
        %dma_start3A_488 = arith.constant 0 : i32
        %dma_start3A_489 = arith.constant 0 : i32
        %dma_start3A_490 = tpu.memref_slice %arg2[%dma_start3A_488, %dma_start3A_489] : memref<10000x128xf32, #tpu.memory_space<hbm>> -> memref<10000x128xf32, #tpu.memory_space<hbm>>
        tpu.enqueue_indirect_dma source(%dma_start3A_490 : memref<10000x128xf32, #tpu.memory_space<hbm>>) target(%arg22 : memref<32x128xf32, #tpu.memory_space<vmem>>) offsets(%arg10 : memref<32xi32, #tpu.memory_space<vmem>>) semaphore(%arg31 : memref<!tpu.dma_semaphore, #tpu.memory_space<semaphore_mem>>)
      } else {
      }
      %mul3A_380 = arith.constant 6 : i32
      %mul3A_381 = arith.muli %scan3A_352, %mul3A_380 : i32
      %add3A_382 = arith.constant 2 : i32
      %add3A_383 = arith.addi %mul3A_381, %add3A_382 : i32
      %dma_wait3A_384 = arith.constant 0 : i32
      %dma_wait3A_385 = arith.constant 0 : i32
      %dma_wait3A_386 = tpu.memref_slice %arg2[%dma_wait3A_384, %dma_wait3A_385] : memref<10000x128xf32, #tpu.memory_space<hbm>> -> memref<10000x128xf32, #tpu.memory_space<hbm>>
      tpu.wait_indirect_dma semaphore(%arg32 : memref<!tpu.dma_semaphore, #tpu.memory_space<semaphore_mem>>) src(%dma_wait3A_386 : memref<10000x128xf32, #tpu.memory_space<hbm>>) dst(%arg23 : memref<32x128xf32, #tpu.memory_space<vmem>>)
      "tpu.region"() ({
        %run_scoped3A = tpu.sem_alloc : memref<!tpu.dma_semaphore, #tpu.memory_space<semaphore_mem>>
        %dma_start3A_436 = arith.constant 0 : i32
        %dma_start3A_437 = arith.constant 0 : i32
        %dma_start3A_438 = tpu.memref_slice %arg29[%dma_start3A_436, %dma_start3A_437] : memref<10000x128xf32, #tpu.memory_space<vmem_shared>> -> memref<10000x128xf32, #tpu.memory_space<vmem_shared>>
        tpu.enqueue_indirect_dma source(%arg23 : memref<32x128xf32, #tpu.memory_space<vmem>>) target(%dma_start3A_438 : memref<10000x128xf32, #tpu.memory_space<vmem_shared>>) offsets(%arg17 : memref<32xi32, #tpu.memory_space<vmem>>) semaphore(%run_scoped3A : memref<!tpu.dma_semaphore, #tpu.memory_space<semaphore_mem>>) {add = true}
        %dma_wait3A_439 = arith.constant 0 : i32
        %dma_wait3A_440 = arith.constant 0 : i32
        %dma_wait3A_441 = tpu.memref_slice %arg29[%dma_wait3A_439, %dma_wait3A_440] : memref<10000x128xf32, #tpu.memory_space<vmem_shared>> -> memref<10000x128xf32, #tpu.memory_space<vmem_shared>>
        tpu.wait_indirect_dma semaphore(%run_scoped3A : memref<!tpu.dma_semaphore, #tpu.memory_space<semaphore_mem>>) src(%arg23 : memref<32x128xf32, #tpu.memory_space<vmem>>) dst(%dma_wait3A_441 : memref<10000x128xf32, #tpu.memory_space<vmem_shared>>)
        tpu.yield
      }) : () -> ()
      %add3A_387 = arith.constant 6 : i32
      %add3A_388 = arith.addi %add3A_383, %add3A_387 : i32
      %lt3A_389 = arith.constant 312 : i32
      %lt3A_390 = arith.cmpi slt, %add3A_388, %lt3A_389 : i32
      %convert_element_type3A_391 = arith.extui %lt3A_390 : i1 to i32
      %cond3A_392 = arith.constant 0 : i32
      %cond3A_393 = arith.cmpi ne, %convert_element_type3A_391, %cond3A_392 : i32
      scf.if %cond3A_393 {
        %add3A_436 = arith.constant 6 : i32
        %add3A_437 = arith.addi %add3A_383, %add3A_436 : i32
        %scan3A_438 = arith.constant 0 : i32
        %scan3A_439 = arith.constant 0 : i32
        %mul3A_440 = arith.constant 16 : i32
        %mul3A_441 = arith.muli %scan3A_439, %mul3A_440 : i32
        %mul3A_442 = arith.constant 32 : i32
        %mul3A_443 = arith.muli %add3A_437, %mul3A_442 : i32
        %add3A_444 = arith.addi %mul3A_443, %mul3A_441 : i32
        %get3A_445 = arith.index_cast %add3A_444 : i32 to index
        %get3A_446 = tpu.vector_load %arg7[%get3A_445] {strides = array<i32>} : memref<10000xi32, #tpu.memory_space<vmem>>, vector<16xi32>,
        %get3A_447 = vector.shape_cast %get3A_446 : vector<16xi32> to vector<16xi32>
        %swap3A_448 = arith.index_cast %mul3A_441 : i32 to index
        %swap3A_449 = tpu.vector_load %arg11[%swap3A_448] {strides = array<i32>} : memref<32xi32, #tpu.memory_space<vmem>>, vector<16xi32>,
        %swap3A_450 = vector.shape_cast %swap3A_449 : vector<16xi32> to vector<16xi32>
        %swap3A_451 = vector.shape_cast %get3A_447 : vector<16xi32> to vector<16xi32>
        tpu.vector_store %arg11[%swap3A_448], %swap3A_451 {strides = array<i32>} : memref<32xi32, #tpu.memory_space<vmem>>, vector<16xi32>,
        %mul3A_452 = arith.constant 32 : i32
        %mul3A_453 = arith.muli %add3A_437, %mul3A_452 : i32
        %add3A_454 = arith.addi %mul3A_453, %mul3A_441 : i32
        %get3A_455 = arith.index_cast %add3A_454 : i32 to index
        %get3A_456 = tpu.vector_load %arg8[%get3A_455] {strides = array<i32>} : memref<10000xi32, #tpu.memory_space<vmem>>, vector<16xi32>,
        %get3A_457 = vector.shape_cast %get3A_456 : vector<16xi32> to vector<16xi32>
        %swap3A_458 = arith.index_cast %mul3A_441 : i32 to index
        %swap3A_459 = tpu.vector_load %arg17[%swap3A_458] {strides = array<i32>} : memref<32xi32, #tpu.memory_space<vmem>>, vector<16xi32>,
        %swap3A_460 = vector.shape_cast %swap3A_459 : vector<16xi32> to vector<16xi32>
        %swap3A_461 = vector.shape_cast %get3A_457 : vector<16xi32> to vector<16xi32>
        tpu.vector_store %arg17[%swap3A_458], %swap3A_461 {strides = array<i32>} : memref<32xi32, #tpu.memory_space<vmem>>, vector<16xi32>,
        %scan3A_462 = arith.constant 0 : i32
        %scan3A_463 = arith.constant 1 : i32
        %mul3A_464 = arith.constant 16 : i32
        %mul3A_465 = arith.muli %scan3A_463, %mul3A_464 : i32
        %mul3A_466 = arith.constant 32 : i32
        %mul3A_467 = arith.muli %add3A_437, %mul3A_466 : i32
        %add3A_468 = arith.addi %mul3A_467, %mul3A_465 : i32
        %get3A_469 = arith.index_cast %add3A_468 : i32 to index
        %get3A_470 = tpu.vector_load %arg7[%get3A_469] {strides = array<i32>} : memref<10000xi32, #tpu.memory_space<vmem>>, vector<16xi32>,
        %get3A_471 = vector.shape_cast %get3A_470 : vector<16xi32> to vector<16xi32>
        %swap3A_472 = arith.index_cast %mul3A_465 : i32 to index
        %swap3A_473 = tpu.vector_load %arg11[%swap3A_472] {strides = array<i32>} : memref<32xi32, #tpu.memory_space<vmem>>, vector<16xi32>,
        %swap3A_474 = vector.shape_cast %swap3A_473 : vector<16xi32> to vector<16xi32>
        %swap3A_475 = vector.shape_cast %get3A_471 : vector<16xi32> to vector<16xi32>
        tpu.vector_store %arg11[%swap3A_472], %swap3A_475 {strides = array<i32>} : memref<32xi32, #tpu.memory_space<vmem>>, vector<16xi32>,
        %mul3A_476 = arith.constant 32 : i32
        %mul3A_477 = arith.muli %add3A_437, %mul3A_476 : i32
        %add3A_478 = arith.addi %mul3A_477, %mul3A_465 : i32
        %get3A_479 = arith.index_cast %add3A_478 : i32 to index
        %get3A_480 = tpu.vector_load %arg8[%get3A_479] {strides = array<i32>} : memref<10000xi32, #tpu.memory_space<vmem>>, vector<16xi32>,
        %get3A_481 = vector.shape_cast %get3A_480 : vector<16xi32> to vector<16xi32>
        %swap3A_482 = arith.index_cast %mul3A_465 : i32 to index
        %swap3A_483 = tpu.vector_load %arg17[%swap3A_482] {strides = array<i32>} : memref<32xi32, #tpu.memory_space<vmem>>, vector<16xi32>,
        %swap3A_484 = vector.shape_cast %swap3A_483 : vector<16xi32> to vector<16xi32>
        %swap3A_485 = vector.shape_cast %get3A_481 : vector<16xi32> to vector<16xi32>
        tpu.vector_store %arg17[%swap3A_482], %swap3A_485 {strides = array<i32>} : memref<32xi32, #tpu.memory_space<vmem>>, vector<16xi32>,
        %scan3A_486 = arith.constant 0 : i32
        %scan3A_487 = arith.constant 2 : i32
        %dma_start3A_488 = arith.constant 0 : i32
        %dma_start3A_489 = arith.constant 0 : i32
        %dma_start3A_490 = tpu.memref_slice %arg2[%dma_start3A_488, %dma_start3A_489] : memref<10000x128xf32, #tpu.memory_space<hbm>> -> memref<10000x128xf32, #tpu.memory_space<hbm>>
        tpu.enqueue_indirect_dma source(%dma_start3A_490 : memref<10000x128xf32, #tpu.memory_space<hbm>>) target(%arg23 : memref<32x128xf32, #tpu.memory_space<vmem>>) offsets(%arg11 : memref<32xi32, #tpu.memory_space<vmem>>) semaphore(%arg32 : memref<!tpu.dma_semaphore, #tpu.memory_space<semaphore_mem>>)
      } else {
      }
      %mul3A_394 = arith.constant 6 : i32
      %mul3A_395 = arith.muli %scan3A_352, %mul3A_394 : i32
      %add3A_396 = arith.constant 3 : i32
      %add3A_397 = arith.addi %mul3A_395, %add3A_396 : i32
      %dma_wait3A_398 = arith.constant 0 : i32
      %dma_wait3A_399 = arith.constant 0 : i32
      %dma_wait3A_400 = tpu.memref_slice %arg2[%dma_wait3A_398, %dma_wait3A_399] : memref<10000x128xf32, #tpu.memory_space<hbm>> -> memref<10000x128xf32, #tpu.memory_space<hbm>>
      tpu.wait_indirect_dma semaphore(%arg33 : memref<!tpu.dma_semaphore, #tpu.memory_space<semaphore_mem>>) src(%dma_wait3A_400 : memref<10000x128xf32, #tpu.memory_space<hbm>>) dst(%arg24 : memref<32x128xf32, #tpu.memory_space<vmem>>)
      "tpu.region"() ({
        %run_scoped3A = tpu.sem_alloc : memref<!tpu.dma_semaphore, #tpu.memory_space<semaphore_mem>>
        %dma_start3A_436 = arith.constant 0 : i32
        %dma_start3A_437 = arith.constant 0 : i32
        %dma_start3A_438 = tpu.memref_slice %arg29[%dma_start3A_436, %dma_start3A_437] : memref<10000x128xf32, #tpu.memory_space<vmem_shared>> -> memref<10000x128xf32, #tpu.memory_space<vmem_shared>>
        tpu.enqueue_indirect_dma source(%arg24 : memref<32x128xf32, #tpu.memory_space<vmem>>) target(%dma_start3A_438 : memref<10000x128xf32, #tpu.memory_space<vmem_shared>>) offsets(%arg18 : memref<32xi32, #tpu.memory_space<vmem>>) semaphore(%run_scoped3A : memref<!tpu.dma_semaphore, #tpu.memory_space<semaphore_mem>>) {add = true}
        %dma_wait3A_439 = arith.constant 0 : i32
        %dma_wait3A_440 = arith.constant 0 : i32
        %dma_wait3A_441 = tpu.memref_slice %arg29[%dma_wait3A_439, %dma_wait3A_440] : memref<10000x128xf32, #tpu.memory_space<vmem_shared>> -> memref<10000x128xf32, #tpu.memory_space<vmem_shared>>
        tpu.wait_indirect_dma semaphore(%run_scoped3A : memref<!tpu.dma_semaphore, #tpu.memory_space<semaphore_mem>>) src(%arg24 : memref<32x128xf32, #tpu.memory_space<vmem>>) dst(%dma_wait3A_441 : memref<10000x128xf32, #tpu.memory_space<vmem_shared>>)
        tpu.yield
      }) : () -> ()
      %add3A_401 = arith.constant 6 : i32
      %add3A_402 = arith.addi %add3A_397, %add3A_401 : i32
      %lt3A_403 = arith.constant 312 : i32
      %lt3A_404 = arith.cmpi slt, %add3A_402, %lt3A_403 : i32
      %convert_element_type3A_405 = arith.extui %lt3A_404 : i1 to i32
      %cond3A_406 = arith.constant 0 : i32
      %cond3A_407 = arith.cmpi ne, %convert_element_type3A_405, %cond3A_406 : i32
      scf.if %cond3A_407 {
        %add3A_436 = arith.constant 6 : i32
        %add3A_437 = arith.addi %add3A_397, %add3A_436 : i32
        %scan3A_438 = arith.constant 0 : i32
        %scan3A_439 = arith.constant 0 : i32
        %mul3A_440 = arith.constant 16 : i32
        %mul3A_441 = arith.muli %scan3A_439, %mul3A_440 : i32
        %mul3A_442 = arith.constant 32 : i32
        %mul3A_443 = arith.muli %add3A_437, %mul3A_442 : i32
        %add3A_444 = arith.addi %mul3A_443, %mul3A_441 : i32
        %get3A_445 = arith.index_cast %add3A_444 : i32 to index
        %get3A_446 = tpu.vector_load %arg7[%get3A_445] {strides = array<i32>} : memref<10000xi32, #tpu.memory_space<vmem>>, vector<16xi32>,
        %get3A_447 = vector.shape_cast %get3A_446 : vector<16xi32> to vector<16xi32>
        %swap3A_448 = arith.index_cast %mul3A_441 : i32 to index
        %swap3A_449 = tpu.vector_load %arg12[%swap3A_448] {strides = array<i32>} : memref<32xi32, #tpu.memory_space<vmem>>, vector<16xi32>,
        %swap3A_450 = vector.shape_cast %swap3A_449 : vector<16xi32> to vector<16xi32>
        %swap3A_451 = vector.shape_cast %get3A_447 : vector<16xi32> to vector<16xi32>
        tpu.vector_store %arg12[%swap3A_448], %swap3A_451 {strides = array<i32>} : memref<32xi32, #tpu.memory_space<vmem>>, vector<16xi32>,
        %mul3A_452 = arith.constant 32 : i32
        %mul3A_453 = arith.muli %add3A_437, %mul3A_452 : i32
        %add3A_454 = arith.addi %mul3A_453, %mul3A_441 : i32
        %get3A_455 = arith.index_cast %add3A_454 : i32 to index
        %get3A_456 = tpu.vector_load %arg8[%get3A_455] {strides = array<i32>} : memref<10000xi32, #tpu.memory_space<vmem>>, vector<16xi32>,
        %get3A_457 = vector.shape_cast %get3A_456 : vector<16xi32> to vector<16xi32>
        %swap3A_458 = arith.index_cast %mul3A_441 : i32 to index
        %swap3A_459 = tpu.vector_load %arg18[%swap3A_458] {strides = array<i32>} : memref<32xi32, #tpu.memory_space<vmem>>, vector<16xi32>,
        %swap3A_460 = vector.shape_cast %swap3A_459 : vector<16xi32> to vector<16xi32>
        %swap3A_461 = vector.shape_cast %get3A_457 : vector<16xi32> to vector<16xi32>
        tpu.vector_store %arg18[%swap3A_458], %swap3A_461 {strides = array<i32>} : memref<32xi32, #tpu.memory_space<vmem>>, vector<16xi32>,
        %scan3A_462 = arith.constant 0 : i32
        %scan3A_463 = arith.constant 1 : i32
        %mul3A_464 = arith.constant 16 : i32
        %mul3A_465 = arith.muli %scan3A_463, %mul3A_464 : i32
        %mul3A_466 = arith.constant 32 : i32
        %mul3A_467 = arith.muli %add3A_437, %mul3A_466 : i32
        %add3A_468 = arith.addi %mul3A_467, %mul3A_465 : i32
        %get3A_469 = arith.index_cast %add3A_468 : i32 to index
        %get3A_470 = tpu.vector_load %arg7[%get3A_469] {strides = array<i32>} : memref<10000xi32, #tpu.memory_space<vmem>>, vector<16xi32>,
        %get3A_471 = vector.shape_cast %get3A_470 : vector<16xi32> to vector<16xi32>
        %swap3A_472 = arith.index_cast %mul3A_465 : i32 to index
        %swap3A_473 = tpu.vector_load %arg12[%swap3A_472] {strides = array<i32>} : memref<32xi32, #tpu.memory_space<vmem>>, vector<16xi32>,
        %swap3A_474 = vector.shape_cast %swap3A_473 : vector<16xi32> to vector<16xi32>
        %swap3A_475 = vector.shape_cast %get3A_471 : vector<16xi32> to vector<16xi32>
        tpu.vector_store %arg12[%swap3A_472], %swap3A_475 {strides = array<i32>} : memref<32xi32, #tpu.memory_space<vmem>>, vector<16xi32>,
        %mul3A_476 = arith.constant 32 : i32
        %mul3A_477 = arith.muli %add3A_437, %mul3A_476 : i32
        %add3A_478 = arith.addi %mul3A_477, %mul3A_465 : i32
        %get3A_479 = arith.index_cast %add3A_478 : i32 to index
        %get3A_480 = tpu.vector_load %arg8[%get3A_479] {strides = array<i32>} : memref<10000xi32, #tpu.memory_space<vmem>>, vector<16xi32>,
        %get3A_481 = vector.shape_cast %get3A_480 : vector<16xi32> to vector<16xi32>
        %swap3A_482 = arith.index_cast %mul3A_465 : i32 to index
        %swap3A_483 = tpu.vector_load %arg18[%swap3A_482] {strides = array<i32>} : memref<32xi32, #tpu.memory_space<vmem>>, vector<16xi32>,
        %swap3A_484 = vector.shape_cast %swap3A_483 : vector<16xi32> to vector<16xi32>
        %swap3A_485 = vector.shape_cast %get3A_481 : vector<16xi32> to vector<16xi32>
        tpu.vector_store %arg18[%swap3A_482], %swap3A_485 {strides = array<i32>} : memref<32xi32, #tpu.memory_space<vmem>>, vector<16xi32>,
        %scan3A_486 = arith.constant 0 : i32
        %scan3A_487 = arith.constant 2 : i32
        %dma_start3A_488 = arith.constant 0 : i32
        %dma_start3A_489 = arith.constant 0 : i32
        %dma_start3A_490 = tpu.memref_slice %arg2[%dma_start3A_488, %dma_start3A_489] : memref<10000x128xf32, #tpu.memory_space<hbm>> -> memref<10000x128xf32, #tpu.memory_space<hbm>>
        tpu.enqueue_indirect_dma source(%dma_start3A_490 : memref<10000x128xf32, #tpu.memory_space<hbm>>) target(%arg24 : memref<32x128xf32, #tpu.memory_space<vmem>>) offsets(%arg12 : memref<32xi32, #tpu.memory_space<vmem>>) semaphore(%arg33 : memref<!tpu.dma_semaphore, #tpu.memory_space<semaphore_mem>>)
      } else {
      }
      %mul3A_408 = arith.constant 6 : i32
      %mul3A_409 = arith.muli %scan3A_352, %mul3A_408 : i32
      %add3A_410 = arith.constant 4 : i32
      %add3A_411 = arith.addi %mul3A_409, %add3A_410 : i32
      %dma_wait3A_412 = arith.constant 0 : i32
      %dma_wait3A_413 = arith.constant 0 : i32
      %dma_wait3A_414 = tpu.memref_slice %arg2[%dma_wait3A_412, %dma_wait3A_413] : memref<10000x128xf32, #tpu.memory_space<hbm>> -> memref<10000x128xf32, #tpu.memory_space<hbm>>
      tpu.wait_indirect_dma semaphore(%arg34 : memref<!tpu.dma_semaphore, #tpu.memory_space<semaphore_mem>>) src(%dma_wait3A_414 : memref<10000x128xf32, #tpu.memory_space<hbm>>) dst(%arg25 : memref<32x128xf32, #tpu.memory_space<vmem>>)
      "tpu.region"() ({
        %run_scoped3A = tpu.sem_alloc : memref<!tpu.dma_semaphore, #tpu.memory_space<semaphore_mem>>
        %dma_start3A_436 = arith.constant 0 : i32
        %dma_start3A_437 = arith.constant 0 : i32
        %dma_start3A_438 = tpu.memref_slice %arg29[%dma_start3A_436, %dma_start3A_437] : memref<10000x128xf32, #tpu.memory_space<vmem_shared>> -> memref<10000x128xf32, #tpu.memory_space<vmem_shared>>
        tpu.enqueue_indirect_dma source(%arg25 : memref<32x128xf32, #tpu.memory_space<vmem>>) target(%dma_start3A_438 : memref<10000x128xf32, #tpu.memory_space<vmem_shared>>) offsets(%arg19 : memref<32xi32, #tpu.memory_space<vmem>>) semaphore(%run_scoped3A : memref<!tpu.dma_semaphore, #tpu.memory_space<semaphore_mem>>) {add = true}
        %dma_wait3A_439 = arith.constant 0 : i32
        %dma_wait3A_440 = arith.constant 0 : i32
        %dma_wait3A_441 = tpu.memref_slice %arg29[%dma_wait3A_439, %dma_wait3A_440] : memref<10000x128xf32, #tpu.memory_space<vmem_shared>> -> memref<10000x128xf32, #tpu.memory_space<vmem_shared>>
        tpu.wait_indirect_dma semaphore(%run_scoped3A : memref<!tpu.dma_semaphore, #tpu.memory_space<semaphore_mem>>) src(%arg25 : memref<32x128xf32, #tpu.memory_space<vmem>>) dst(%dma_wait3A_441 : memref<10000x128xf32, #tpu.memory_space<vmem_shared>>)
        tpu.yield
      }) : () -> ()
      %add3A_415 = arith.constant 6 : i32
      %add3A_416 = arith.addi %add3A_411, %add3A_415 : i32
      %lt3A_417 = arith.constant 312 : i32
      %lt3A_418 = arith.cmpi slt, %add3A_416, %lt3A_417 : i32
      %convert_element_type3A_419 = arith.extui %lt3A_418 : i1 to i32
      %cond3A_420 = arith.constant 0 : i32
      %cond3A_421 = arith.cmpi ne, %convert_element_type3A_419, %cond3A_420 : i32
      scf.if %cond3A_421 {
        %add3A_436 = arith.constant 6 : i32
        %add3A_437 = arith.addi %add3A_411, %add3A_436 : i32
        %scan3A_438 = arith.constant 0 : i32
        %scan3A_439 = arith.constant 0 : i32
        %mul3A_440 = arith.constant 16 : i32
        %mul3A_441 = arith.muli %scan3A_439, %mul3A_440 : i32
        %mul3A_442 = arith.constant 32 : i32
        %mul3A_443 = arith.muli %add3A_437, %mul3A_442 : i32
        %add3A_444 = arith.addi %mul3A_443, %mul3A_441 : i32
        %get3A_445 = arith.index_cast %add3A_444 : i32 to index
        %get3A_446 = tpu.vector_load %arg7[%get3A_445] {strides = array<i32>} : memref<10000xi32, #tpu.memory_space<vmem>>, vector<16xi32>,
        %get3A_447 = vector.shape_cast %get3A_446 : vector<16xi32> to vector<16xi32>
        %swap3A_448 = arith.index_cast %mul3A_441 : i32 to index
        %swap3A_449 = tpu.vector_load %arg13[%swap3A_448] {strides = array<i32>} : memref<32xi32, #tpu.memory_space<vmem>>, vector<16xi32>,
        %swap3A_450 = vector.shape_cast %swap3A_449 : vector<16xi32> to vector<16xi32>
        %swap3A_451 = vector.shape_cast %get3A_447 : vector<16xi32> to vector<16xi32>
        tpu.vector_store %arg13[%swap3A_448], %swap3A_451 {strides = array<i32>} : memref<32xi32, #tpu.memory_space<vmem>>, vector<16xi32>,
        %mul3A_452 = arith.constant 32 : i32
        %mul3A_453 = arith.muli %add3A_437, %mul3A_452 : i32
        %add3A_454 = arith.addi %mul3A_453, %mul3A_441 : i32
        %get3A_455 = arith.index_cast %add3A_454 : i32 to index
        %get3A_456 = tpu.vector_load %arg8[%get3A_455] {strides = array<i32>} : memref<10000xi32, #tpu.memory_space<vmem>>, vector<16xi32>,
        %get3A_457 = vector.shape_cast %get3A_456 : vector<16xi32> to vector<16xi32>
        %swap3A_458 = arith.index_cast %mul3A_441 : i32 to index
        %swap3A_459 = tpu.vector_load %arg19[%swap3A_458] {strides = array<i32>} : memref<32xi32, #tpu.memory_space<vmem>>, vector<16xi32>,
        %swap3A_460 = vector.shape_cast %swap3A_459 : vector<16xi32> to vector<16xi32>
        %swap3A_461 = vector.shape_cast %get3A_457 : vector<16xi32> to vector<16xi32>
        tpu.vector_store %arg19[%swap3A_458], %swap3A_461 {strides = array<i32>} : memref<32xi32, #tpu.memory_space<vmem>>, vector<16xi32>,
        %scan3A_462 = arith.constant 0 : i32
        %scan3A_463 = arith.constant 1 : i32
        %mul3A_464 = arith.constant 16 : i32
        %mul3A_465 = arith.muli %scan3A_463, %mul3A_464 : i32
        %mul3A_466 = arith.constant 32 : i32
        %mul3A_467 = arith.muli %add3A_437, %mul3A_466 : i32
        %add3A_468 = arith.addi %mul3A_467, %mul3A_465 : i32
        %get3A_469 = arith.index_cast %add3A_468 : i32 to index
        %get3A_470 = tpu.vector_load %arg7[%get3A_469] {strides = array<i32>} : memref<10000xi32, #tpu.memory_space<vmem>>, vector<16xi32>,
        %get3A_471 = vector.shape_cast %get3A_470 : vector<16xi32> to vector<16xi32>
        %swap3A_472 = arith.index_cast %mul3A_465 : i32 to index
        %swap3A_473 = tpu.vector_load %arg13[%swap3A_472] {strides = array<i32>} : memref<32xi32, #tpu.memory_space<vmem>>, vector<16xi32>,
        %swap3A_474 = vector.shape_cast %swap3A_473 : vector<16xi32> to vector<16xi32>
        %swap3A_475 = vector.shape_cast %get3A_471 : vector<16xi32> to vector<16xi32>
        tpu.vector_store %arg13[%swap3A_472], %swap3A_475 {strides = array<i32>} : memref<32xi32, #tpu.memory_space<vmem>>, vector<16xi32>,
        %mul3A_476 = arith.constant 32 : i32
        %mul3A_477 = arith.muli %add3A_437, %mul3A_476 : i32
        %add3A_478 = arith.addi %mul3A_477, %mul3A_465 : i32
        %get3A_479 = arith.index_cast %add3A_478 : i32 to index
        %get3A_480 = tpu.vector_load %arg8[%get3A_479] {strides = array<i32>} : memref<10000xi32, #tpu.memory_space<vmem>>, vector<16xi32>,
        %get3A_481 = vector.shape_cast %get3A_480 : vector<16xi32> to vector<16xi32>
        %swap3A_482 = arith.index_cast %mul3A_465 : i32 to index
        %swap3A_483 = tpu.vector_load %arg19[%swap3A_482] {strides = array<i32>} : memref<32xi32, #tpu.memory_space<vmem>>, vector<16xi32>,
        %swap3A_484 = vector.shape_cast %swap3A_483 : vector<16xi32> to vector<16xi32>
        %swap3A_485 = vector.shape_cast %get3A_481 : vector<16xi32> to vector<16xi32>
        tpu.vector_store %arg19[%swap3A_482], %swap3A_485 {strides = array<i32>} : memref<32xi32, #tpu.memory_space<vmem>>, vector<16xi32>,
        %scan3A_486 = arith.constant 0 : i32
        %scan3A_487 = arith.constant 2 : i32
        %dma_start3A_488 = arith.constant 0 : i32
        %dma_start3A_489 = arith.constant 0 : i32
        %dma_start3A_490 = tpu.memref_slice %arg2[%dma_start3A_488, %dma_start3A_489] : memref<10000x128xf32, #tpu.memory_space<hbm>> -> memref<10000x128xf32, #tpu.memory_space<hbm>>
        tpu.enqueue_indirect_dma source(%dma_start3A_490 : memref<10000x128xf32, #tpu.memory_space<hbm>>) target(%arg25 : memref<32x128xf32, #tpu.memory_space<vmem>>) offsets(%arg13 : memref<32xi32, #tpu.memory_space<vmem>>) semaphore(%arg34 : memref<!tpu.dma_semaphore, #tpu.memory_space<semaphore_mem>>)
      } else {
      }
      %mul3A_422 = arith.constant 6 : i32
      %mul3A_423 = arith.muli %scan3A_352, %mul3A_422 : i32
      %add3A_424 = arith.constant 5 : i32
      %add3A_425 = arith.addi %mul3A_423, %add3A_424 : i32
      %dma_wait3A_426 = arith.constant 0 : i32
      %dma_wait3A_427 = arith.constant 0 : i32
      %dma_wait3A_428 = tpu.memref_slice %arg2[%dma_wait3A_426, %dma_wait3A_427] : memref<10000x128xf32, #tpu.memory_space<hbm>> -> memref<10000x128xf32, #tpu.memory_space<hbm>>
      tpu.wait_indirect_dma semaphore(%arg35 : memref<!tpu.dma_semaphore, #tpu.memory_space<semaphore_mem>>) src(%dma_wait3A_428 : memref<10000x128xf32, #tpu.memory_space<hbm>>) dst(%arg26 : memref<32x128xf32, #tpu.memory_space<vmem>>)
      "tpu.region"() ({
        %run_scoped3A = tpu.sem_alloc : memref<!tpu.dma_semaphore, #tpu.memory_space<semaphore_mem>>
        %dma_start3A_436 = arith.constant 0 : i32
        %dma_start3A_437 = arith.constant 0 : i32
        %dma_start3A_438 = tpu.memref_slice %arg29[%dma_start3A_436, %dma_start3A_437] : memref<10000x128xf32, #tpu.memory_space<vmem_shared>> -> memref<10000x128xf32, #tpu.memory_space<vmem_shared>>
        tpu.enqueue_indirect_dma source(%arg26 : memref<32x128xf32, #tpu.memory_space<vmem>>) target(%dma_start3A_438 : memref<10000x128xf32, #tpu.memory_space<vmem_shared>>) offsets(%arg20 : memref<32xi32, #tpu.memory_space<vmem>>) semaphore(%run_scoped3A : memref<!tpu.dma_semaphore, #tpu.memory_space<semaphore_mem>>) {add = true}
        %dma_wait3A_439 = arith.constant 0 : i32
        %dma_wait3A_440 = arith.constant 0 : i32
        %dma_wait3A_441 = tpu.memref_slice %arg29[%dma_wait3A_439, %dma_wait3A_440] : memref<10000x128xf32, #tpu.memory_space<vmem_shared>> -> memref<10000x128xf32, #tpu.memory_space<vmem_shared>>
        tpu.wait_indirect_dma semaphore(%run_scoped3A : memref<!tpu.dma_semaphore, #tpu.memory_space<semaphore_mem>>) src(%arg26 : memref<32x128xf32, #tpu.memory_space<vmem>>) dst(%dma_wait3A_441 : memref<10000x128xf32, #tpu.memory_space<vmem_shared>>)
        tpu.yield
      }) : () -> ()
      %add3A_429 = arith.constant 6 : i32
      %add3A_430 = arith.addi %add3A_425, %add3A_429 : i32
      %lt3A_431 = arith.constant 312 : i32
      %lt3A_432 = arith.cmpi slt, %add3A_430, %lt3A_431 : i32
      %convert_element_type3A_433 = arith.extui %lt3A_432 : i1 to i32
      %cond3A_434 = arith.constant 0 : i32
      %cond3A_435 = arith.cmpi ne, %convert_element_type3A_433, %cond3A_434 : i32
      scf.if %cond3A_435 {
        %add3A_436 = arith.constant 6 : i32
        %add3A_437 = arith.addi %add3A_425, %add3A_436 : i32
        %scan3A_438 = arith.constant 0 : i32
        %scan3A_439 = arith.constant 0 : i32
        %mul3A_440 = arith.constant 16 : i32
        %mul3A_441 = arith.muli %scan3A_439, %mul3A_440 : i32
        %mul3A_442 = arith.constant 32 : i32
        %mul3A_443 = arith.muli %add3A_437, %mul3A_442 : i32
        %add3A_444 = arith.addi %mul3A_443, %mul3A_441 : i32
        %get3A_445 = arith.index_cast %add3A_444 : i32 to index
        %get3A_446 = tpu.vector_load %arg7[%get3A_445] {strides = array<i32>} : memref<10000xi32, #tpu.memory_space<vmem>>, vector<16xi32>,
        %get3A_447 = vector.shape_cast %get3A_446 : vector<16xi32> to vector<16xi32>
        %swap3A_448 = arith.index_cast %mul3A_441 : i32 to index
        %swap3A_449 = tpu.vector_load %arg14[%swap3A_448] {strides = array<i32>} : memref<32xi32, #tpu.memory_space<vmem>>, vector<16xi32>,
        %swap3A_450 = vector.shape_cast %swap3A_449 : vector<16xi32> to vector<16xi32>
        %swap3A_451 = vector.shape_cast %get3A_447 : vector<16xi32> to vector<16xi32>
        tpu.vector_store %arg14[%swap3A_448], %swap3A_451 {strides = array<i32>} : memref<32xi32, #tpu.memory_space<vmem>>, vector<16xi32>,
        %mul3A_452 = arith.constant 32 : i32
        %mul3A_453 = arith.muli %add3A_437, %mul3A_452 : i32
        %add3A_454 = arith.addi %mul3A_453, %mul3A_441 : i32
        %get3A_455 = arith.index_cast %add3A_454 : i32 to index
        %get3A_456 = tpu.vector_load %arg8[%get3A_455] {strides = array<i32>} : memref<10000xi32, #tpu.memory_space<vmem>>, vector<16xi32>,
        %get3A_457 = vector.shape_cast %get3A_456 : vector<16xi32> to vector<16xi32>
        %swap3A_458 = arith.index_cast %mul3A_441 : i32 to index
        %swap3A_459 = tpu.vector_load %arg20[%swap3A_458] {strides = array<i32>} : memref<32xi32, #tpu.memory_space<vmem>>, vector<16xi32>,
        %swap3A_460 = vector.shape_cast %swap3A_459 : vector<16xi32> to vector<16xi32>
        %swap3A_461 = vector.shape_cast %get3A_457 : vector<16xi32> to vector<16xi32>
        tpu.vector_store %arg20[%swap3A_458], %swap3A_461 {strides = array<i32>} : memref<32xi32, #tpu.memory_space<vmem>>, vector<16xi32>,
        %scan3A_462 = arith.constant 0 : i32
        %scan3A_463 = arith.constant 1 : i32
        %mul3A_464 = arith.constant 16 : i32
        %mul3A_465 = arith.muli %scan3A_463, %mul3A_464 : i32
        %mul3A_466 = arith.constant 32 : i32
        %mul3A_467 = arith.muli %add3A_437, %mul3A_466 : i32
        %add3A_468 = arith.addi %mul3A_467, %mul3A_465 : i32
        %get3A_469 = arith.index_cast %add3A_468 : i32 to index
        %get3A_470 = tpu.vector_load %arg7[%get3A_469] {strides = array<i32>} : memref<10000xi32, #tpu.memory_space<vmem>>, vector<16xi32>,
        %get3A_471 = vector.shape_cast %get3A_470 : vector<16xi32> to vector<16xi32>
        %swap3A_472 = arith.index_cast %mul3A_465 : i32 to index
        %swap3A_473 = tpu.vector_load %arg14[%swap3A_472] {strides = array<i32>} : memref<32xi32, #tpu.memory_space<vmem>>, vector<16xi32>,
        %swap3A_474 = vector.shape_cast %swap3A_473 : vector<16xi32> to vector<16xi32>
        %swap3A_475 = vector.shape_cast %get3A_471 : vector<16xi32> to vector<16xi32>
        tpu.vector_store %arg14[%swap3A_472], %swap3A_475 {strides = array<i32>} : memref<32xi32, #tpu.memory_space<vmem>>, vector<16xi32>,
        %mul3A_476 = arith.constant 32 : i32
        %mul3A_477 = arith.muli %add3A_437, %mul3A_476 : i32
        %add3A_478 = arith.addi %mul3A_477, %mul3A_465 : i32
        %get3A_479 = arith.index_cast %add3A_478 : i32 to index
        %get3A_480 = tpu.vector_load %arg8[%get3A_479] {strides = array<i32>} : memref<10000xi32, #tpu.memory_space<vmem>>, vector<16xi32>,
        %get3A_481 = vector.shape_cast %get3A_480 : vector<16xi32> to vector<16xi32>
        %swap3A_482 = arith.index_cast %mul3A_465 : i32 to index
        %swap3A_483 = tpu.vector_load %arg20[%swap3A_482] {strides = array<i32>} : memref<32xi32, #tpu.memory_space<vmem>>, vector<16xi32>,
        %swap3A_484 = vector.shape_cast %swap3A_483 : vector<16xi32> to vector<16xi32>
        %swap3A_485 = vector.shape_cast %get3A_481 : vector<16xi32> to vector<16xi32>
        tpu.vector_store %arg20[%swap3A_482], %swap3A_485 {strides = array<i32>} : memref<32xi32, #tpu.memory_space<vmem>>, vector<16xi32>,
        %scan3A_486 = arith.constant 0 : i32
        %scan3A_487 = arith.constant 2 : i32
        %dma_start3A_488 = arith.constant 0 : i32
        %dma_start3A_489 = arith.constant 0 : i32
        %dma_start3A_490 = tpu.memref_slice %arg2[%dma_start3A_488, %dma_start3A_489] : memref<10000x128xf32, #tpu.memory_space<hbm>> -> memref<10000x128xf32, #tpu.memory_space<hbm>>
        tpu.enqueue_indirect_dma source(%dma_start3A_490 : memref<10000x128xf32, #tpu.memory_space<hbm>>) target(%arg26 : memref<32x128xf32, #tpu.memory_space<vmem>>) offsets(%arg14 : memref<32xi32, #tpu.memory_space<vmem>>) semaphore(%arg35 : memref<!tpu.dma_semaphore, #tpu.memory_space<semaphore_mem>>)
      } else {
      }
    }
    %scan3A_309 = arith.constant 52 : i32
    %scan3A_310 = arith.constant 0 : i32
    %scan3A_311 = arith.constant 0 : i32
    %mul3A_312 = arith.constant 16 : i32
    %mul3A_313 = arith.muli %scan3A_311, %mul3A_312 : i32
    %add3A_314 = arith.constant 9984 : i32
    %add3A_315 = arith.addi %add3A_314, %mul3A_313 : i32
    %get3A_316 = arith.index_cast %add3A_315 : i32 to index
    %get3A_317 = tpu.vector_load %arg7[%get3A_316] {strides = array<i32>} : memref<10000xi32, #tpu.memory_space<vmem>>, vector<16xi32>,
    %get3A_318 = vector.shape_cast %get3A_317 : vector<16xi32> to vector<16xi32>
    %swap3A_319 = arith.index_cast %mul3A_313 : i32 to index
    %swap3A_320 = tpu.vector_load %arg27[%swap3A_319] {strides = array<i32>} : memref<16xi32, #tpu.memory_space<vmem>>, vector<16xi32>,
    %swap3A_321 = vector.shape_cast %swap3A_320 : vector<16xi32> to vector<16xi32>
    %swap3A_322 = vector.shape_cast %get3A_318 : vector<16xi32> to vector<16xi32>
    tpu.vector_store %arg27[%swap3A_319], %swap3A_322 {strides = array<i32>} : memref<16xi32, #tpu.memory_space<vmem>>, vector<16xi32>,
    %add3A_323 = arith.constant 9984 : i32
    %add3A_324 = arith.addi %add3A_323, %mul3A_313 : i32
    %get3A_325 = arith.index_cast %add3A_324 : i32 to index
    %get3A_326 = tpu.vector_load %arg8[%get3A_325] {strides = array<i32>} : memref<10000xi32, #tpu.memory_space<vmem>>, vector<16xi32>,
    %get3A_327 = vector.shape_cast %get3A_326 : vector<16xi32> to vector<16xi32>
    %swap3A_328 = arith.index_cast %mul3A_313 : i32 to index
    %swap3A_329 = tpu.vector_load %arg28[%swap3A_328] {strides = array<i32>} : memref<16xi32, #tpu.memory_space<vmem>>, vector<16xi32>,
    %swap3A_330 = vector.shape_cast %swap3A_329 : vector<16xi32> to vector<16xi32>
    %swap3A_331 = vector.shape_cast %get3A_327 : vector<16xi32> to vector<16xi32>
    tpu.vector_store %arg28[%swap3A_328], %swap3A_331 {strides = array<i32>} : memref<16xi32, #tpu.memory_space<vmem>>, vector<16xi32>,
    %scan3A_332 = arith.constant 0 : i32
    %scan3A_333 = arith.constant 1 : i32
    %dma_start3A_334 = arith.constant 0 : i32
    %dma_start3A_335 = arith.constant 0 : i32
    %dma_start3A_336 = tpu.memref_slice %arg21[%dma_start3A_334, %dma_start3A_335] : memref<32x128xf32, #tpu.memory_space<vmem>> -> memref<16x128xf32, #tpu.memory_space<vmem>>
    %dma_start3A_337 = arith.constant 0 : i32
    %dma_start3A_338 = arith.constant 0 : i32
    %dma_start3A_339 = tpu.memref_slice %arg2[%dma_start3A_337, %dma_start3A_338] : memref<10000x128xf32, #tpu.memory_space<hbm>> -> memref<10000x128xf32, #tpu.memory_space<hbm>>
    tpu.enqueue_indirect_dma source(%dma_start3A_339 : memref<10000x128xf32, #tpu.memory_space<hbm>>) target(%dma_start3A_336 : memref<16x128xf32, #tpu.memory_space<vmem>>) offsets(%arg27 : memref<16xi32, #tpu.memory_space<vmem>>) semaphore(%arg30 : memref<!tpu.dma_semaphore, #tpu.memory_space<semaphore_mem>>)
    %dma_wait3A_340 = arith.constant 0 : i32
    %dma_wait3A_341 = arith.constant 0 : i32
    %dma_wait3A_342 = tpu.memref_slice %arg21[%dma_wait3A_340, %dma_wait3A_341] : memref<32x128xf32, #tpu.memory_space<vmem>> -> memref<16x128xf32, #tpu.memory_space<vmem>>
    %dma_wait3A_343 = arith.constant 0 : i32
    %dma_wait3A_344 = arith.constant 0 : i32
    %dma_wait3A_345 = tpu.memref_slice %arg2[%dma_wait3A_343, %dma_wait3A_344] : memref<10000x128xf32, #tpu.memory_space<hbm>> -> memref<10000x128xf32, #tpu.memory_space<hbm>>
    tpu.wait_indirect_dma semaphore(%arg30 : memref<!tpu.dma_semaphore, #tpu.memory_space<semaphore_mem>>) src(%dma_wait3A_345 : memref<10000x128xf32, #tpu.memory_space<hbm>>) dst(%dma_wait3A_342 : memref<16x128xf32, #tpu.memory_space<vmem>>)
    "tpu.region"() ({
      %run_scoped3A = tpu.sem_alloc : memref<!tpu.dma_semaphore, #tpu.memory_space<semaphore_mem>>
      %dma_start3A_352 = arith.constant 0 : i32
      %dma_start3A_353 = arith.constant 0 : i32
      %dma_start3A_354 = tpu.memref_slice %arg21[%dma_start3A_352, %dma_start3A_353] : memref<32x128xf32, #tpu.memory_space<vmem>> -> memref<16x128xf32, #tpu.memory_space<vmem>>
      %dma_start3A_355 = arith.constant 0 : i32
      %dma_start3A_356 = arith.constant 0 : i32
      %dma_start3A_357 = tpu.memref_slice %arg29[%dma_start3A_355, %dma_start3A_356] : memref<10000x128xf32, #tpu.memory_space<vmem_shared>> -> memref<10000x128xf32, #tpu.memory_space<vmem_shared>>
      tpu.enqueue_indirect_dma source(%dma_start3A_354 : memref<16x128xf32, #tpu.memory_space<vmem>>) target(%dma_start3A_357 : memref<10000x128xf32, #tpu.memory_space<vmem_shared>>) offsets(%arg28 : memref<16xi32, #tpu.memory_space<vmem>>) semaphore(%run_scoped3A : memref<!tpu.dma_semaphore, #tpu.memory_space<semaphore_mem>>) {add = true}
      %dma_wait3A_358 = arith.constant 0 : i32
      %dma_wait3A_359 = arith.constant 0 : i32
      %dma_wait3A_360 = tpu.memref_slice %arg21[%dma_wait3A_358, %dma_wait3A_359] : memref<32x128xf32, #tpu.memory_space<vmem>> -> memref<16x128xf32, #tpu.memory_space<vmem>>
      %dma_wait3A_361 = arith.constant 0 : i32
      %dma_wait3A_362 = arith.constant 0 : i32
      %dma_wait3A_363 = tpu.memref_slice %arg29[%dma_wait3A_361, %dma_wait3A_362] : memref<10000x128xf32, #tpu.memory_space<vmem_shared>> -> memref<10000x128xf32, #tpu.memory_space<vmem_shared>>
      tpu.wait_indirect_dma semaphore(%run_scoped3A : memref<!tpu.dma_semaphore, #tpu.memory_space<semaphore_mem>>) src(%dma_wait3A_360 : memref<16x128xf32, #tpu.memory_space<vmem>>) dst(%dma_wait3A_363 : memref<10000x128xf32, #tpu.memory_space<vmem_shared>>)
      tpu.yield
    }) : () -> ()
    %barrier3A_346 = arith.constant 0 : index
    tpu.barrier barrier_id(%barrier3A_346)
    "tpu.region"() ({
      %run_scoped3A = tpu.sem_alloc : memref<!tpu.dma_semaphore, #tpu.memory_space<semaphore_mem>>
      %dma_start3A_352 = arith.constant 0 : i32
      %dma_start3A_353 = tpu.memref_slice %arg6[%arg0, %mul3A_0, %dma_start3A_352] : memref<2x10000x128xf32, #tpu.memory_space<hbm>> -> memref<1x624x128xf32, #tpu.memory_space<hbm>>
      %dma_start3A_354 = tpu.memref_squeeze %dma_start3A_353 : memref<1x624x128xf32, #tpu.memory_space<hbm>> -> memref<624x128xf32, #tpu.memory_space<hbm>>
      %dma_start3A_355 = arith.constant 0 : i32
      %dma_start3A_356 = tpu.memref_slice %arg29[%mul3A_0, %dma_start3A_355] : memref<10000x128xf32, #tpu.memory_space<vmem_shared>> -> memref<624x128xf32, #tpu.memory_space<vmem_shared>>
      tpu.enqueue_dma source(%dma_start3A_356 : memref<624x128xf32, #tpu.memory_space<vmem_shared>>) target(%dma_start3A_354 : memref<624x128xf32, #tpu.memory_space<hbm>>) target_semaphore(%run_scoped3A : memref<!tpu.dma_semaphore, #tpu.memory_space<semaphore_mem>>)
      %dma_wait3A_357 = arith.constant 0 : i32
      %dma_wait3A_358 = tpu.memref_slice %arg6[%arg0, %mul3A_0, %dma_wait3A_357] : memref<2x10000x128xf32, #tpu.memory_space<hbm>> -> memref<1x624x128xf32, #tpu.memory_space<hbm>>
      %dma_wait3A_359 = tpu.memref_squeeze %dma_wait3A_358 : memref<1x624x128xf32, #tpu.memory_space<hbm>> -> memref<624x128xf32, #tpu.memory_space<hbm>>
      %dma_wait3A_360 = arith.constant 0 : i32
      %dma_wait3A_361 = tpu.memref_slice %arg29[%mul3A_0, %dma_wait3A_360] : memref<10000x128xf32, #tpu.memory_space<vmem_shared>> -> memref<624x128xf32, #tpu.memory_space<vmem_shared>>
      tpu.wait_dma2 semaphore(%run_scoped3A : memref<!tpu.dma_semaphore, #tpu.memory_space<semaphore_mem>>) src(%dma_wait3A_361 : memref<624x128xf32, #tpu.memory_space<vmem_shared>>) dst(%dma_wait3A_359 : memref<624x128xf32, #tpu.memory_space<hbm>>)
      tpu.yield
    }) : () -> ()
    %eq3A_347 = arith.constant 15 : i32
    %eq3A_348 = arith.cmpi eq, %arg1, %eq3A_347 : i32
    %convert_element_type3A_349 = arith.extui %eq3A_348 : i1 to i32
    %cond3A_350 = arith.constant 0 : i32
    %cond3A_351 = arith.cmpi ne, %convert_element_type3A_349, %cond3A_350 : i32
    scf.if %cond3A_351 {
      "tpu.region"() ({
        %run_scoped3A = tpu.sem_alloc : memref<!tpu.dma_semaphore, #tpu.memory_space<semaphore_mem>>
        %dma_start3A_352 = arith.constant 9984 : i32
        %dma_start3A_353 = arith.constant 0 : i32
        %dma_start3A_354 = tpu.memref_slice %arg6[%arg0, %dma_start3A_352, %dma_start3A_353] : memref<2x10000x128xf32, #tpu.memory_space<hbm>> -> memref<1x16x128xf32, #tpu.memory_space<hbm>>
        %dma_start3A_355 = tpu.memref_squeeze %dma_start3A_354 : memref<1x16x128xf32, #tpu.memory_space<hbm>> -> memref<16x128xf32, #tpu.memory_space<hbm>>
        %dma_start3A_356 = arith.constant 9984 : i32
        %dma_start3A_357 = arith.constant 0 : i32
        %dma_start3A_358 = tpu.memref_slice %arg29[%dma_start3A_356, %dma_start3A_357] : memref<10000x128xf32, #tpu.memory_space<vmem_shared>> -> memref<16x128xf32, #tpu.memory_space<vmem_shared>>
        tpu.enqueue_dma source(%dma_start3A_358 : memref<16x128xf32, #tpu.memory_space<vmem_shared>>) target(%dma_start3A_355 : memref<16x128xf32, #tpu.memory_space<hbm>>) target_semaphore(%run_scoped3A : memref<!tpu.dma_semaphore, #tpu.memory_space<semaphore_mem>>)
        %dma_wait3A_359 = arith.constant 9984 : i32
        %dma_wait3A_360 = arith.constant 0 : i32
        %dma_wait3A_361 = tpu.memref_slice %arg6[%arg0, %dma_wait3A_359, %dma_wait3A_360] : memref<2x10000x128xf32, #tpu.memory_space<hbm>> -> memref<1x16x128xf32, #tpu.memory_space<hbm>>
        %dma_wait3A_362 = tpu.memref_squeeze %dma_wait3A_361 : memref<1x16x128xf32, #tpu.memory_space<hbm>> -> memref<16x128xf32, #tpu.memory_space<hbm>>
        %dma_wait3A_363 = arith.constant 9984 : i32
        %dma_wait3A_364 = arith.constant 0 : i32
        %dma_wait3A_365 = tpu.memref_slice %arg29[%dma_wait3A_363, %dma_wait3A_364] : memref<10000x128xf32, #tpu.memory_space<vmem_shared>> -> memref<16x128xf32, #tpu.memory_space<vmem_shared>>
        tpu.wait_dma2 semaphore(%run_scoped3A : memref<!tpu.dma_semaphore, #tpu.memory_space<semaphore_mem>>) src(%dma_wait3A_365 : memref<16x128xf32, #tpu.memory_space<vmem_shared>>) dst(%dma_wait3A_362 : memref<16x128xf32, #tpu.memory_space<hbm>>)
        tpu.yield
      }) : () -> ()
    } else {
    }
    return
  }
}

#map = affine_map<(d0, d1) -> (0, 0)>
#map1 = affine_map<(d0, d1) -> (0)>
#map2 = affine_map<(d0, d1) -> (0, 0, 0)>
module attributes {stable_mosaic.version = 14 : i64} {
  func.func @segsum(%arg0: i32, %arg1: i32, %arg2: memref<10000x128xf32, #tpu.memory_space<hbm>>, %arg3: memref<320000xi32, #tpu.memory_space<hbm>>, %arg4: memref<320000xi32, #tpu.memory_space<hbm>>, %arg5: memref<10000x128xf32, #tpu.memory_space<hbm>>, %arg6: memref<2x10000x128xf32, #tpu.memory_space<hbm>>, %arg7: memref<10000xi32, #tpu.memory_space<vmem>>, %arg8: memref<10000xi32, #tpu.memory_space<vmem>>, %arg9: memref<32xi32, #tpu.memory_space<vmem>>, %arg10: memref<32xi32, #tpu.memory_space<vmem>>, %arg11: memref<32xi32, #tpu.memory_space<vmem>>, %arg12: memref<32xi32, #tpu.memory_space<vmem>>, %arg13: memref<32xi32, #tpu.memory_space<vmem>>, %arg14: memref<32xi32, #tpu.memory_space<vmem>>, %arg15: memref<32xi32, #tpu.memory_space<vmem>>, %arg16: memref<32xi32, #tpu.memory_space<vmem>>, %arg17: memref<32xi32, #tpu.memory_space<vmem>>, %arg18: memref<32xi32, #tpu.memory_space<vmem>>, %arg19: memref<32xi32, #tpu.memory_space<vmem>>, %arg20: memref<32xi32, #tpu.memory_space<vmem>>, %arg21: memref<32x128xf32, #tpu.memory_space<vmem>>, %arg22: memref<32x128xf32, #tpu.memory_space<vmem>>, %arg23: memref<32x128xf32, #tpu.memory_space<vmem>>, %arg24: memref<32x128xf32, #tpu.memory_space<vmem>>, %arg25: memref<32x128xf32, #tpu.memory_space<vmem>>, %arg26: memref<32x128xf32, #tpu.memory_space<vmem>>, %arg27: memref<16xi32, #tpu.memory_space<vmem>>, %arg28: memref<16xi32, #tpu.memory_space<vmem>>, %arg29: memref<10000x128xf32, #tpu.memory_space<vmem_shared>>, %arg30: memref<!tpu.dma_semaphore, #tpu.memory_space<semaphore_mem>>, %arg31: memref<!tpu.dma_semaphore, #tpu.memory_space<semaphore_mem>>, %arg32: memref<!tpu.dma_semaphore, #tpu.memory_space<semaphore_mem>>, %arg33: memref<!tpu.dma_semaphore, #tpu.memory_space<semaphore_mem>>, %arg34: memref<!tpu.dma_semaphore, #tpu.memory_space<semaphore_mem>>, %arg35: memref<!tpu.dma_semaphore, #tpu.memory_space<semaphore_mem>>, %arg36: memref<!tpu.dma_semaphore, #tpu.memory_space<semaphore_mem>>) attributes {dimension_semantics = [#tpu.dimension_semantics<core_parallel>, #tpu.dimension_semantics<subcore_parallel>], iteration_bounds = array<i64: 2, 16>, scalar_prefetch = 0 : i64, scratch_operands = 30 : i64, tpu.core_type = #tpu.core_type<sc_vector_subcore>, window_params = [{transform_indices = #map}, {transform_indices = #map1}, {transform_indices = #map1}, {transform_indices = #map}, {transform_indices = #map2}]} {
    %mul3A = arith.constant 624 : i32
    %mul3A_0 = arith.muli %arg1, %mul3A : i32
    %mul3A_1 = arith.constant 160000 : i32
    %mul3A_2 = arith.muli %arg0, %mul3A_1 : i32
    %mul3A_3 = arith.constant 10000 : i32
    %mul3A_4 = arith.muli %arg1, %mul3A_3 : i32
    %add3A = arith.addi %mul3A_2, %mul3A_4 : i32
    %dma_start3A = tpu.memref_slice %arg3[%add3A] : memref<320000xi32, #tpu.memory_space<hbm>> -> memref<10000xi32, #tpu.memory_space<hbm>>
    %dma_start3A_5 = tpu.memref_slice %arg3[%add3A] : memref<320000xi32, #tpu.memory_space<hbm>> -> memref<10000xi32, #tpu.memory_space<hbm>>
    tpu.enqueue_dma source(%dma_start3A_5 : memref<10000xi32, #tpu.memory_space<hbm>>) target(%arg7 : memref<10000xi32, #tpu.memory_space<vmem>>) target_semaphore(%arg36 : memref<!tpu.dma_semaphore, #tpu.memory_space<semaphore_mem>>)
    %dma_start3A_6 = tpu.memref_slice %arg4[%add3A] : memref<320000xi32, #tpu.memory_space<hbm>> -> memref<10000xi32, #tpu.memory_space<hbm>>
    %dma_start3A_7 = tpu.memref_slice %arg4[%add3A] : memref<320000xi32, #tpu.memory_space<hbm>> -> memref<10000xi32, #tpu.memory_space<hbm>>
    tpu.enqueue_dma source(%dma_start3A_7 : memref<10000xi32, #tpu.memory_space<hbm>>) target(%arg8 : memref<10000xi32, #tpu.memory_space<vmem>>) target_semaphore(%arg36 : memref<!tpu.dma_semaphore, #tpu.memory_space<semaphore_mem>>)
    "tpu.region"() ({
      %run_scoped3A = tpu.sem_alloc : memref<!tpu.dma_semaphore, #tpu.memory_space<semaphore_mem>>
      %dma_start3A_352 = arith.constant 0 : i32
      %dma_start3A_353 = tpu.memref_slice %arg29[%mul3A_0, %dma_start3A_352] : memref<10000x128xf32, #tpu.memory_space<vmem_shared>> -> memref<624x128xf32, #tpu.memory_space<vmem_shared>>
      %dma_start3A_354 = arith.constant 0 : i32
      %dma_start3A_355 = tpu.memref_slice %arg5[%mul3A_0, %dma_start3A_354] : memref<10000x128xf32, #tpu.memory_space<hbm>> -> memref<624x128xf32, #tpu.memory_space<hbm>>
      tpu.enqueue_dma source(%dma_start3A_355 : memref<624x128xf32, #tpu.memory_space<hbm>>) target(%dma_start3A_353 : memref<624x128xf32, #tpu.memory_space<vmem_shared>>) target_semaphore(%run_scoped3A : memref<!tpu.dma_semaphore, #tpu.memory_space<semaphore_mem>>)
      %dma_wait3A_356 = arith.constant 0 : i32
      %dma_wait3A_357 = tpu.memref_slice %arg29[%mul3A_0, %dma_wait3A_356] : memref<10000x128xf32, #tpu.memory_space<vmem_shared>> -> memref<624x128xf32, #tpu.memory_space<vmem_shared>>
      %dma_wait3A_358 = arith.constant 0 : i32
      %dma_wait3A_359 = tpu.memref_slice %arg5[%mul3A_0, %dma_wait3A_358] : memref<10000x128xf32, #tpu.memory_space<hbm>> -> memref<624x128xf32, #tpu.memory_space<hbm>>
      tpu.wait_dma2 semaphore(%run_scoped3A : memref<!tpu.dma_semaphore, #tpu.memory_space<semaphore_mem>>) src(%dma_wait3A_359 : memref<624x128xf32, #tpu.memory_space<hbm>>) dst(%dma_wait3A_357 : memref<624x128xf32, #tpu.memory_space<vmem_shared>>)
      tpu.yield
    }) : () -> ()
    %eq3A = arith.constant 15 : i32
    %eq3A_8 = arith.cmpi eq, %arg1, %eq3A : i32
    %convert_element_type3A = arith.extui %eq3A_8 : i1 to i32
    %cond3A = arith.constant 0 : i32
    %cond3A_9 = arith.cmpi ne, %convert_element_type3A, %cond3A : i32
    scf.if %cond3A_9 {
      "tpu.region"() ({
        %run_scoped3A = tpu.sem_alloc : memref<!tpu.dma_semaphore, #tpu.memory_space<semaphore_mem>>
        %dma_start3A_352 = arith.constant 9984 : i32
        %dma_start3A_353 = arith.constant 0 : i32
        %dma_start3A_354 = tpu.memref_slice %arg29[%dma_start3A_352, %dma_start3A_353] : memref<10000x128xf32, #tpu.memory_space<vmem_shared>> -> memref<16x128xf32, #tpu.memory_space<vmem_shared>>
        %dma_start3A_355 = arith.constant 9984 : i32
        %dma_start3A_356 = arith.constant 0 : i32
        %dma_start3A_357 = tpu.memref_slice %arg5[%dma_start3A_355, %dma_start3A_356] : memref<10000x128xf32, #tpu.memory_space<hbm>> -> memref<16x128xf32, #tpu.memory_space<hbm>>
        tpu.enqueue_dma source(%dma_start3A_357 : memref<16x128xf32, #tpu.memory_space<hbm>>) target(%dma_start3A_354 : memref<16x128xf32, #tpu.memory_space<vmem_shared>>) target_semaphore(%run_scoped3A : memref<!tpu.dma_semaphore, #tpu.memory_space<semaphore_mem>>)
        %dma_wait3A_358 = arith.constant 9984 : i32
        %dma_wait3A_359 = arith.constant 0 : i32
        %dma_wait3A_360 = tpu.memref_slice %arg29[%dma_wait3A_358, %dma_wait3A_359] : memref<10000x128xf32, #tpu.memory_space<vmem_shared>> -> memref<16x128xf32, #tpu.memory_space<vmem_shared>>
        %dma_wait3A_361 = arith.constant 9984 : i32
        %dma_wait3A_362 = arith.constant 0 : i32
        %dma_wait3A_363 = tpu.memref_slice %arg5[%dma_wait3A_361, %dma_wait3A_362] : memref<10000x128xf32, #tpu.memory_space<hbm>> -> memref<16x128xf32, #tpu.memory_space<hbm>>
        tpu.wait_dma2 semaphore(%run_scoped3A : memref<!tpu.dma_semaphore, #tpu.memory_space<semaphore_mem>>) src(%dma_wait3A_363 : memref<16x128xf32, #tpu.memory_space<hbm>>) dst(%dma_wait3A_360 : memref<16x128xf32, #tpu.memory_space<vmem_shared>>)
        tpu.yield
      }) : () -> ()
    } else {
    }
    %dma_wait3A = tpu.memref_slice %arg3[%add3A] : memref<320000xi32, #tpu.memory_space<hbm>> -> memref<10000xi32, #tpu.memory_space<hbm>>
    %dma_wait3A_10 = tpu.memref_slice %arg3[%add3A] : memref<320000xi32, #tpu.memory_space<hbm>> -> memref<10000xi32, #tpu.memory_space<hbm>>
    tpu.wait_dma2 semaphore(%arg36 : memref<!tpu.dma_semaphore, #tpu.memory_space<semaphore_mem>>) src(%dma_wait3A_10 : memref<10000xi32, #tpu.memory_space<hbm>>) dst(%arg7 : memref<10000xi32, #tpu.memory_space<vmem>>)
    %dma_wait3A_11 = tpu.memref_slice %arg4[%add3A] : memref<320000xi32, #tpu.memory_space<hbm>> -> memref<10000xi32, #tpu.memory_space<hbm>>
    %dma_wait3A_12 = tpu.memref_slice %arg4[%add3A] : memref<320000xi32, #tpu.memory_space<hbm>> -> memref<10000xi32, #tpu.memory_space<hbm>>
    tpu.wait_dma2 semaphore(%arg36 : memref<!tpu.dma_semaphore, #tpu.memory_space<semaphore_mem>>) src(%dma_wait3A_12 : memref<10000xi32, #tpu.memory_space<hbm>>) dst(%arg8 : memref<10000xi32, #tpu.memory_space<vmem>>)
    %barrier3A = arith.constant 0 : index
    tpu.barrier barrier_id(%barrier3A)
    %scan3A = arith.constant 0 : i32
    %scan3A_13 = arith.constant 0 : i32
    %mul3A_14 = arith.constant 16 : i32
    %mul3A_15 = arith.muli %scan3A_13, %mul3A_14 : i32
    %add3A_16 = arith.constant 0 : i32
    %add3A_17 = arith.addi %add3A_16, %mul3A_15 : i32
    %get3A = arith.index_cast %add3A_17 : i32 to index
    %get3A_18 = tpu.vector_load %arg7[%get3A] {strides = array<i32>} : memref<10000xi32, #tpu.memory_space<vmem>>, vector<16xi32>,
    %get3A_19 = vector.shape_cast %get3A_18 : vector<16xi32> to vector<16xi32>
    %swap3A = arith.index_cast %mul3A_15 : i32 to index
    %swap3A_20 = tpu.vector_load %arg9[%swap3A] {strides = array<i32>} : memref<32xi32, #tpu.memory_space<vmem>>, vector<16xi32>,
    %swap3A_21 = vector.shape_cast %swap3A_20 : vector<16xi32> to vector<16xi32>
    %swap3A_22 = vector.shape_cast %get3A_19 : vector<16xi32> to vector<16xi32>
    tpu.vector_store %arg9[%swap3A], %swap3A_22 {strides = array<i32>} : memref<32xi32, #tpu.memory_space<vmem>>, vector<16xi32>,
    %add3A_23 = arith.constant 0 : i32
    %add3A_24 = arith.addi %add3A_23, %mul3A_15 : i32
    %get3A_25 = arith.index_cast %add3A_24 : i32 to index
    %get3A_26 = tpu.vector_load %arg8[%get3A_25] {strides = array<i32>} : memref<10000xi32, #tpu.memory_space<vmem>>, vector<16xi32>,
    %get3A_27 = vector.shape_cast %get3A_26 : vector<16xi32> to vector<16xi32>
    %swap3A_28 = arith.index_cast %mul3A_15 : i32 to index
    %swap3A_29 = tpu.vector_load %arg15[%swap3A_28] {strides = array<i32>} : memref<32xi32, #tpu.memory_space<vmem>>, vector<16xi32>,
    %swap3A_30 = vector.shape_cast %swap3A_29 : vector<16xi32> to vector<16xi32>
    %swap3A_31 = vector.shape_cast %get3A_27 : vector<16xi32> to vector<16xi32>
    tpu.vector_store %arg15[%swap3A_28], %swap3A_31 {strides = array<i32>} : memref<32xi32, #tpu.memory_space<vmem>>, vector<16xi32>,
    %scan3A_32 = arith.constant 0 : i32
    %scan3A_33 = arith.constant 1 : i32
    %mul3A_34 = arith.constant 16 : i32
    %mul3A_35 = arith.muli %scan3A_33, %mul3A_34 : i32
    %add3A_36 = arith.constant 0 : i32
    %add3A_37 = arith.addi %add3A_36, %mul3A_35 : i32
    %get3A_38 = arith.index_cast %add3A_37 : i32 to index
    %get3A_39 = tpu.vector_load %arg7[%get3A_38] {strides = array<i32>} : memref<10000xi32, #tpu.memory_space<vmem>>, vector<16xi32>,
    %get3A_40 = vector.shape_cast %get3A_39 : vector<16xi32> to vector<16xi32>
    %swap3A_41 = arith.index_cast %mul3A_35 : i32 to index
    %swap3A_42 = tpu.vector_load %arg9[%swap3A_41] {strides = array<i32>} : memref<32xi32, #tpu.memory_space<vmem>>, vector<16xi32>,
    %swap3A_43 = vector.shape_cast %swap3A_42 : vector<16xi32> to vector<16xi32>
    %swap3A_44 = vector.shape_cast %get3A_40 : vector<16xi32> to vector<16xi32>
    tpu.vector_store %arg9[%swap3A_41], %swap3A_44 {strides = array<i32>} : memref<32xi32, #tpu.memory_space<vmem>>, vector<16xi32>,
    %add3A_45 = arith.constant 0 : i32
    %add3A_46 = arith.addi %add3A_45, %mul3A_35 : i32
    %get3A_47 = arith.index_cast %add3A_46 : i32 to index
    %get3A_48 = tpu.vector_load %arg8[%get3A_47] {strides = array<i32>} : memref<10000xi32, #tpu.memory_space<vmem>>, vector<16xi32>,
    %get3A_49 = vector.shape_cast %get3A_48 : vector<16xi32> to vector<16xi32>
    %swap3A_50 = arith.index_cast %mul3A_35 : i32 to index
    %swap3A_51 = tpu.vector_load %arg15[%swap3A_50] {strides = array<i32>} : memref<32xi32, #tpu.memory_space<vmem>>, vector<16xi32>,
    %swap3A_52 = vector.shape_cast %swap3A_51 : vector<16xi32> to vector<16xi32>
    %swap3A_53 = vector.shape_cast %get3A_49 : vector<16xi32> to vector<16xi32>
    tpu.vector_store %arg15[%swap3A_50], %swap3A_53 {strides = array<i32>} : memref<32xi32, #tpu.memory_space<vmem>>, vector<16xi32>,
    %scan3A_54 = arith.constant 0 : i32
    %scan3A_55 = arith.constant 2 : i32
    %dma_start3A_56 = arith.constant 0 : i32
    %dma_start3A_57 = arith.constant 0 : i32
    %dma_start3A_58 = tpu.memref_slice %arg2[%dma_start3A_56, %dma_start3A_57] : memref<10000x128xf32, #tpu.memory_space<hbm>> -> memref<10000x128xf32, #tpu.memory_space<hbm>>
    tpu.enqueue_indirect_dma source(%dma_start3A_58 : memref<10000x128xf32, #tpu.memory_space<hbm>>) target(%arg21 : memref<32x128xf32, #tpu.memory_space<vmem>>) offsets(%arg9 : memref<32xi32, #tpu.memory_space<vmem>>) semaphore(%arg30 : memref<!tpu.dma_semaphore, #tpu.memory_space<semaphore_mem>>)
    %scan3A_59 = arith.constant 0 : i32
    %scan3A_60 = arith.constant 0 : i32
    %mul3A_61 = arith.constant 16 : i32
    %mul3A_62 = arith.muli %scan3A_60, %mul3A_61 : i32
    %add3A_63 = arith.constant 32 : i32
    %add3A_64 = arith.addi %add3A_63, %mul3A_62 : i32
    %get3A_65 = arith.index_cast %add3A_64 : i32 to index
    %get3A_66 = tpu.vector_load %arg7[%get3A_65] {strides = array<i32>} : memref<10000xi32, #tpu.memory_space<vmem>>, vector<16xi32>,
    %get3A_67 = vector.shape_cast %get3A_66 : vector<16xi32> to vector<16xi32>
    %swap3A_68 = arith.index_cast %mul3A_62 : i32 to index
    %swap3A_69 = tpu.vector_load %arg10[%swap3A_68] {strides = array<i32>} : memref<32xi32, #tpu.memory_space<vmem>>, vector<16xi32>,
    %swap3A_70 = vector.shape_cast %swap3A_69 : vector<16xi32> to vector<16xi32>
    %swap3A_71 = vector.shape_cast %get3A_67 : vector<16xi32> to vector<16xi32>
    tpu.vector_store %arg10[%swap3A_68], %swap3A_71 {strides = array<i32>} : memref<32xi32, #tpu.memory_space<vmem>>, vector<16xi32>,
    %add3A_72 = arith.constant 32 : i32
    %add3A_73 = arith.addi %add3A_72, %mul3A_62 : i32
    %get3A_74 = arith.index_cast %add3A_73 : i32 to index
    %get3A_75 = tpu.vector_load %arg8[%get3A_74] {strides = array<i32>} : memref<10000xi32, #tpu.memory_space<vmem>>, vector<16xi32>,
    %get3A_76 = vector.shape_cast %get3A_75 : vector<16xi32> to vector<16xi32>
    %swap3A_77 = arith.index_cast %mul3A_62 : i32 to index
    %swap3A_78 = tpu.vector_load %arg16[%swap3A_77] {strides = array<i32>} : memref<32xi32, #tpu.memory_space<vmem>>, vector<16xi32>,
    %swap3A_79 = vector.shape_cast %swap3A_78 : vector<16xi32> to vector<16xi32>
    %swap3A_80 = vector.shape_cast %get3A_76 : vector<16xi32> to vector<16xi32>
    tpu.vector_store %arg16[%swap3A_77], %swap3A_80 {strides = array<i32>} : memref<32xi32, #tpu.memory_space<vmem>>, vector<16xi32>,
    %scan3A_81 = arith.constant 0 : i32
    %scan3A_82 = arith.constant 1 : i32
    %mul3A_83 = arith.constant 16 : i32
    %mul3A_84 = arith.muli %scan3A_82, %mul3A_83 : i32
    %add3A_85 = arith.constant 32 : i32
    %add3A_86 = arith.addi %add3A_85, %mul3A_84 : i32
    %get3A_87 = arith.index_cast %add3A_86 : i32 to index
    %get3A_88 = tpu.vector_load %arg7[%get3A_87] {strides = array<i32>} : memref<10000xi32, #tpu.memory_space<vmem>>, vector<16xi32>,
    %get3A_89 = vector.shape_cast %get3A_88 : vector<16xi32> to vector<16xi32>
    %swap3A_90 = arith.index_cast %mul3A_84 : i32 to index
    %swap3A_91 = tpu.vector_load %arg10[%swap3A_90] {strides = array<i32>} : memref<32xi32, #tpu.memory_space<vmem>>, vector<16xi32>,
    %swap3A_92 = vector.shape_cast %swap3A_91 : vector<16xi32> to vector<16xi32>
    %swap3A_93 = vector.shape_cast %get3A_89 : vector<16xi32> to vector<16xi32>
    tpu.vector_store %arg10[%swap3A_90], %swap3A_93 {strides = array<i32>} : memref<32xi32, #tpu.memory_space<vmem>>, vector<16xi32>,
    %add3A_94 = arith.constant 32 : i32
    %add3A_95 = arith.addi %add3A_94, %mul3A_84 : i32
    %get3A_96 = arith.index_cast %add3A_95 : i32 to index
    %get3A_97 = tpu.vector_load %arg8[%get3A_96] {strides = array<i32>} : memref<10000xi32, #tpu.memory_space<vmem>>, vector<16xi32>,
    %get3A_98 = vector.shape_cast %get3A_97 : vector<16xi32> to vector<16xi32>
    %swap3A_99 = arith.index_cast %mul3A_84 : i32 to index
    %swap3A_100 = tpu.vector_load %arg16[%swap3A_99] {strides = array<i32>} : memref<32xi32, #tpu.memory_space<vmem>>, vector<16xi32>,
    %swap3A_101 = vector.shape_cast %swap3A_100 : vector<16xi32> to vector<16xi32>
    %swap3A_102 = vector.shape_cast %get3A_98 : vector<16xi32> to vector<16xi32>
    tpu.vector_store %arg16[%swap3A_99], %swap3A_102 {strides = array<i32>} : memref<32xi32, #tpu.memory_space<vmem>>, vector<16xi32>,
    %scan3A_103 = arith.constant 0 : i32
    %scan3A_104 = arith.constant 2 : i32
    %dma_start3A_105 = arith.constant 0 : i32
    %dma_start3A_106 = arith.constant 0 : i32
    %dma_start3A_107 = tpu.memref_slice %arg2[%dma_start3A_105, %dma_start3A_106] : memref<10000x128xf32, #tpu.memory_space<hbm>> -> memref<10000x128xf32, #tpu.memory_space<hbm>>
    tpu.enqueue_indirect_dma source(%dma_start3A_107 : memref<10000x128xf32, #tpu.memory_space<hbm>>) target(%arg22 : memref<32x128xf32, #tpu.memory_space<vmem>>) offsets(%arg10 : memref<32xi32, #tpu.memory_space<vmem>>) semaphore(%arg31 : memref<!tpu.dma_semaphore, #tpu.memory_space<semaphore_mem>>)
    %scan3A_108 = arith.constant 0 : i32
    %scan3A_109 = arith.constant 0 : i32
    %mul3A_110 = arith.constant 16 : i32
    %mul3A_111 = arith.muli %scan3A_109, %mul3A_110 : i32
    %add3A_112 = arith.constant 64 : i32
    %add3A_113 = arith.addi %add3A_112, %mul3A_111 : i32
    %get3A_114 = arith.index_cast %add3A_113 : i32 to index
    %get3A_115 = tpu.vector_load %arg7[%get3A_114] {strides = array<i32>} : memref<10000xi32, #tpu.memory_space<vmem>>, vector<16xi32>,
    %get3A_116 = vector.shape_cast %get3A_115 : vector<16xi32> to vector<16xi32>
    %swap3A_117 = arith.index_cast %mul3A_111 : i32 to index
    %swap3A_118 = tpu.vector_load %arg11[%swap3A_117] {strides = array<i32>} : memref<32xi32, #tpu.memory_space<vmem>>, vector<16xi32>,
    %swap3A_119 = vector.shape_cast %swap3A_118 : vector<16xi32> to vector<16xi32>
    %swap3A_120 = vector.shape_cast %get3A_116 : vector<16xi32> to vector<16xi32>
    tpu.vector_store %arg11[%swap3A_117], %swap3A_120 {strides = array<i32>} : memref<32xi32, #tpu.memory_space<vmem>>, vector<16xi32>,
    %add3A_121 = arith.constant 64 : i32
    %add3A_122 = arith.addi %add3A_121, %mul3A_111 : i32
    %get3A_123 = arith.index_cast %add3A_122 : i32 to index
    %get3A_124 = tpu.vector_load %arg8[%get3A_123] {strides = array<i32>} : memref<10000xi32, #tpu.memory_space<vmem>>, vector<16xi32>,
    %get3A_125 = vector.shape_cast %get3A_124 : vector<16xi32> to vector<16xi32>
    %swap3A_126 = arith.index_cast %mul3A_111 : i32 to index
    %swap3A_127 = tpu.vector_load %arg17[%swap3A_126] {strides = array<i32>} : memref<32xi32, #tpu.memory_space<vmem>>, vector<16xi32>,
    %swap3A_128 = vector.shape_cast %swap3A_127 : vector<16xi32> to vector<16xi32>
    %swap3A_129 = vector.shape_cast %get3A_125 : vector<16xi32> to vector<16xi32>
    tpu.vector_store %arg17[%swap3A_126], %swap3A_129 {strides = array<i32>} : memref<32xi32, #tpu.memory_space<vmem>>, vector<16xi32>,
    %scan3A_130 = arith.constant 0 : i32
    %scan3A_131 = arith.constant 1 : i32
    %mul3A_132 = arith.constant 16 : i32
    %mul3A_133 = arith.muli %scan3A_131, %mul3A_132 : i32
    %add3A_134 = arith.constant 64 : i32
    %add3A_135 = arith.addi %add3A_134, %mul3A_133 : i32
    %get3A_136 = arith.index_cast %add3A_135 : i32 to index
    %get3A_137 = tpu.vector_load %arg7[%get3A_136] {strides = array<i32>} : memref<10000xi32, #tpu.memory_space<vmem>>, vector<16xi32>,
    %get3A_138 = vector.shape_cast %get3A_137 : vector<16xi32> to vector<16xi32>
    %swap3A_139 = arith.index_cast %mul3A_133 : i32 to index
    %swap3A_140 = tpu.vector_load %arg11[%swap3A_139] {strides = array<i32>} : memref<32xi32, #tpu.memory_space<vmem>>, vector<16xi32>,
    %swap3A_141 = vector.shape_cast %swap3A_140 : vector<16xi32> to vector<16xi32>
    %swap3A_142 = vector.shape_cast %get3A_138 : vector<16xi32> to vector<16xi32>
    tpu.vector_store %arg11[%swap3A_139], %swap3A_142 {strides = array<i32>} : memref<32xi32, #tpu.memory_space<vmem>>, vector<16xi32>,
    %add3A_143 = arith.constant 64 : i32
    %add3A_144 = arith.addi %add3A_143, %mul3A_133 : i32
    %get3A_145 = arith.index_cast %add3A_144 : i32 to index
    %get3A_146 = tpu.vector_load %arg8[%get3A_145] {strides = array<i32>} : memref<10000xi32, #tpu.memory_space<vmem>>, vector<16xi32>,
    %get3A_147 = vector.shape_cast %get3A_146 : vector<16xi32> to vector<16xi32>
    %swap3A_148 = arith.index_cast %mul3A_133 : i32 to index
    %swap3A_149 = tpu.vector_load %arg17[%swap3A_148] {strides = array<i32>} : memref<32xi32, #tpu.memory_space<vmem>>, vector<16xi32>,
    %swap3A_150 = vector.shape_cast %swap3A_149 : vector<16xi32> to vector<16xi32>
    %swap3A_151 = vector.shape_cast %get3A_147 : vector<16xi32> to vector<16xi32>
    tpu.vector_store %arg17[%swap3A_148], %swap3A_151 {strides = array<i32>} : memref<32xi32, #tpu.memory_space<vmem>>, vector<16xi32>,
    %scan3A_152 = arith.constant 0 : i32
    %scan3A_153 = arith.constant 2 : i32
    %dma_start3A_154 = arith.constant 0 : i32
    %dma_start3A_155 = arith.constant 0 : i32
    %dma_start3A_156 = tpu.memref_slice %arg2[%dma_start3A_154, %dma_start3A_155] : memref<10000x128xf32, #tpu.memory_space<hbm>> -> memref<10000x128xf32, #tpu.memory_space<hbm>>
    tpu.enqueue_indirect_dma source(%dma_start3A_156 : memref<10000x128xf32, #tpu.memory_space<hbm>>) target(%arg23 : memref<32x128xf32, #tpu.memory_space<vmem>>) offsets(%arg11 : memref<32xi32, #tpu.memory_space<vmem>>) semaphore(%arg32 : memref<!tpu.dma_semaphore, #tpu.memory_space<semaphore_mem>>)
    %scan3A_157 = arith.constant 0 : i32
    %scan3A_158 = arith.constant 0 : i32
    %mul3A_159 = arith.constant 16 : i32
    %mul3A_160 = arith.muli %scan3A_158, %mul3A_159 : i32
    %add3A_161 = arith.constant 96 : i32
    %add3A_162 = arith.addi %add3A_161, %mul3A_160 : i32
    %get3A_163 = arith.index_cast %add3A_162 : i32 to index
    %get3A_164 = tpu.vector_load %arg7[%get3A_163] {strides = array<i32>} : memref<10000xi32, #tpu.memory_space<vmem>>, vector<16xi32>,
    %get3A_165 = vector.shape_cast %get3A_164 : vector<16xi32> to vector<16xi32>
    %swap3A_166 = arith.index_cast %mul3A_160 : i32 to index
    %swap3A_167 = tpu.vector_load %arg12[%swap3A_166] {strides = array<i32>} : memref<32xi32, #tpu.memory_space<vmem>>, vector<16xi32>,
    %swap3A_168 = vector.shape_cast %swap3A_167 : vector<16xi32> to vector<16xi32>
    %swap3A_169 = vector.shape_cast %get3A_165 : vector<16xi32> to vector<16xi32>
    tpu.vector_store %arg12[%swap3A_166], %swap3A_169 {strides = array<i32>} : memref<32xi32, #tpu.memory_space<vmem>>, vector<16xi32>,
    %add3A_170 = arith.constant 96 : i32
    %add3A_171 = arith.addi %add3A_170, %mul3A_160 : i32
    %get3A_172 = arith.index_cast %add3A_171 : i32 to index
    %get3A_173 = tpu.vector_load %arg8[%get3A_172] {strides = array<i32>} : memref<10000xi32, #tpu.memory_space<vmem>>, vector<16xi32>,
    %get3A_174 = vector.shape_cast %get3A_173 : vector<16xi32> to vector<16xi32>
    %swap3A_175 = arith.index_cast %mul3A_160 : i32 to index
    %swap3A_176 = tpu.vector_load %arg18[%swap3A_175] {strides = array<i32>} : memref<32xi32, #tpu.memory_space<vmem>>, vector<16xi32>,
    %swap3A_177 = vector.shape_cast %swap3A_176 : vector<16xi32> to vector<16xi32>
    %swap3A_178 = vector.shape_cast %get3A_174 : vector<16xi32> to vector<16xi32>
    tpu.vector_store %arg18[%swap3A_175], %swap3A_178 {strides = array<i32>} : memref<32xi32, #tpu.memory_space<vmem>>, vector<16xi32>,
    %scan3A_179 = arith.constant 0 : i32
    %scan3A_180 = arith.constant 1 : i32
    %mul3A_181 = arith.constant 16 : i32
    %mul3A_182 = arith.muli %scan3A_180, %mul3A_181 : i32
    %add3A_183 = arith.constant 96 : i32
    %add3A_184 = arith.addi %add3A_183, %mul3A_182 : i32
    %get3A_185 = arith.index_cast %add3A_184 : i32 to index
    %get3A_186 = tpu.vector_load %arg7[%get3A_185] {strides = array<i32>} : memref<10000xi32, #tpu.memory_space<vmem>>, vector<16xi32>,
    %get3A_187 = vector.shape_cast %get3A_186 : vector<16xi32> to vector<16xi32>
    %swap3A_188 = arith.index_cast %mul3A_182 : i32 to index
    %swap3A_189 = tpu.vector_load %arg12[%swap3A_188] {strides = array<i32>} : memref<32xi32, #tpu.memory_space<vmem>>, vector<16xi32>,
    %swap3A_190 = vector.shape_cast %swap3A_189 : vector<16xi32> to vector<16xi32>
    %swap3A_191 = vector.shape_cast %get3A_187 : vector<16xi32> to vector<16xi32>
    tpu.vector_store %arg12[%swap3A_188], %swap3A_191 {strides = array<i32>} : memref<32xi32, #tpu.memory_space<vmem>>, vector<16xi32>,
    %add3A_192 = arith.constant 96 : i32
    %add3A_193 = arith.addi %add3A_192, %mul3A_182 : i32
    %get3A_194 = arith.index_cast %add3A_193 : i32 to index
    %get3A_195 = tpu.vector_load %arg8[%get3A_194] {strides = array<i32>} : memref<10000xi32, #tpu.memory_space<vmem>>, vector<16xi32>,
    %get3A_196 = vector.shape_cast %get3A_195 : vector<16xi32> to vector<16xi32>
    %swap3A_197 = arith.index_cast %mul3A_182 : i32 to index
    %swap3A_198 = tpu.vector_load %arg18[%swap3A_197] {strides = array<i32>} : memref<32xi32, #tpu.memory_space<vmem>>, vector<16xi32>,
    %swap3A_199 = vector.shape_cast %swap3A_198 : vector<16xi32> to vector<16xi32>
    %swap3A_200 = vector.shape_cast %get3A_196 : vector<16xi32> to vector<16xi32>
    tpu.vector_store %arg18[%swap3A_197], %swap3A_200 {strides = array<i32>} : memref<32xi32, #tpu.memory_space<vmem>>, vector<16xi32>,
    %scan3A_201 = arith.constant 0 : i32
    %scan3A_202 = arith.constant 2 : i32
    %dma_start3A_203 = arith.constant 0 : i32
    %dma_start3A_204 = arith.constant 0 : i32
    %dma_start3A_205 = tpu.memref_slice %arg2[%dma_start3A_203, %dma_start3A_204] : memref<10000x128xf32, #tpu.memory_space<hbm>> -> memref<10000x128xf32, #tpu.memory_space<hbm>>
    tpu.enqueue_indirect_dma source(%dma_start3A_205 : memref<10000x128xf32, #tpu.memory_space<hbm>>) target(%arg24 : memref<32x128xf32, #tpu.memory_space<vmem>>) offsets(%arg12 : memref<32xi32, #tpu.memory_space<vmem>>) semaphore(%arg33 : memref<!tpu.dma_semaphore, #tpu.memory_space<semaphore_mem>>)
    %scan3A_206 = arith.constant 0 : i32
    %scan3A_207 = arith.constant 0 : i32
    %mul3A_208 = arith.constant 16 : i32
    %mul3A_209 = arith.muli %scan3A_207, %mul3A_208 : i32
    %add3A_210 = arith.constant 128 : i32
    %add3A_211 = arith.addi %add3A_210, %mul3A_209 : i32
    %get3A_212 = arith.index_cast %add3A_211 : i32 to index
    %get3A_213 = tpu.vector_load %arg7[%get3A_212] {strides = array<i32>} : memref<10000xi32, #tpu.memory_space<vmem>>, vector<16xi32>,
    %get3A_214 = vector.shape_cast %get3A_213 : vector<16xi32> to vector<16xi32>
    %swap3A_215 = arith.index_cast %mul3A_209 : i32 to index
    %swap3A_216 = tpu.vector_load %arg13[%swap3A_215] {strides = array<i32>} : memref<32xi32, #tpu.memory_space<vmem>>, vector<16xi32>,
    %swap3A_217 = vector.shape_cast %swap3A_216 : vector<16xi32> to vector<16xi32>
    %swap3A_218 = vector.shape_cast %get3A_214 : vector<16xi32> to vector<16xi32>
    tpu.vector_store %arg13[%swap3A_215], %swap3A_218 {strides = array<i32>} : memref<32xi32, #tpu.memory_space<vmem>>, vector<16xi32>,
    %add3A_219 = arith.constant 128 : i32
    %add3A_220 = arith.addi %add3A_219, %mul3A_209 : i32
    %get3A_221 = arith.index_cast %add3A_220 : i32 to index
    %get3A_222 = tpu.vector_load %arg8[%get3A_221] {strides = array<i32>} : memref<10000xi32, #tpu.memory_space<vmem>>, vector<16xi32>,
    %get3A_223 = vector.shape_cast %get3A_222 : vector<16xi32> to vector<16xi32>
    %swap3A_224 = arith.index_cast %mul3A_209 : i32 to index
    %swap3A_225 = tpu.vector_load %arg19[%swap3A_224] {strides = array<i32>} : memref<32xi32, #tpu.memory_space<vmem>>, vector<16xi32>,
    %swap3A_226 = vector.shape_cast %swap3A_225 : vector<16xi32> to vector<16xi32>
    %swap3A_227 = vector.shape_cast %get3A_223 : vector<16xi32> to vector<16xi32>
    tpu.vector_store %arg19[%swap3A_224], %swap3A_227 {strides = array<i32>} : memref<32xi32, #tpu.memory_space<vmem>>, vector<16xi32>,
    %scan3A_228 = arith.constant 0 : i32
    %scan3A_229 = arith.constant 1 : i32
    %mul3A_230 = arith.constant 16 : i32
    %mul3A_231 = arith.muli %scan3A_229, %mul3A_230 : i32
    %add3A_232 = arith.constant 128 : i32
    %add3A_233 = arith.addi %add3A_232, %mul3A_231 : i32
    %get3A_234 = arith.index_cast %add3A_233 : i32 to index
    %get3A_235 = tpu.vector_load %arg7[%get3A_234] {strides = array<i32>} : memref<10000xi32, #tpu.memory_space<vmem>>, vector<16xi32>,
    %get3A_236 = vector.shape_cast %get3A_235 : vector<16xi32> to vector<16xi32>
    %swap3A_237 = arith.index_cast %mul3A_231 : i32 to index
    %swap3A_238 = tpu.vector_load %arg13[%swap3A_237] {strides = array<i32>} : memref<32xi32, #tpu.memory_space<vmem>>, vector<16xi32>,
    %swap3A_239 = vector.shape_cast %swap3A_238 : vector<16xi32> to vector<16xi32>
    %swap3A_240 = vector.shape_cast %get3A_236 : vector<16xi32> to vector<16xi32>
    tpu.vector_store %arg13[%swap3A_237], %swap3A_240 {strides = array<i32>} : memref<32xi32, #tpu.memory_space<vmem>>, vector<16xi32>,
    %add3A_241 = arith.constant 128 : i32
    %add3A_242 = arith.addi %add3A_241, %mul3A_231 : i32
    %get3A_243 = arith.index_cast %add3A_242 : i32 to index
    %get3A_244 = tpu.vector_load %arg8[%get3A_243] {strides = array<i32>} : memref<10000xi32, #tpu.memory_space<vmem>>, vector<16xi32>,
    %get3A_245 = vector.shape_cast %get3A_244 : vector<16xi32> to vector<16xi32>
    %swap3A_246 = arith.index_cast %mul3A_231 : i32 to index
    %swap3A_247 = tpu.vector_load %arg19[%swap3A_246] {strides = array<i32>} : memref<32xi32, #tpu.memory_space<vmem>>, vector<16xi32>,
    %swap3A_248 = vector.shape_cast %swap3A_247 : vector<16xi32> to vector<16xi32>
    %swap3A_249 = vector.shape_cast %get3A_245 : vector<16xi32> to vector<16xi32>
    tpu.vector_store %arg19[%swap3A_246], %swap3A_249 {strides = array<i32>} : memref<32xi32, #tpu.memory_space<vmem>>, vector<16xi32>,
    %scan3A_250 = arith.constant 0 : i32
    %scan3A_251 = arith.constant 2 : i32
    %dma_start3A_252 = arith.constant 0 : i32
    %dma_start3A_253 = arith.constant 0 : i32
    %dma_start3A_254 = tpu.memref_slice %arg2[%dma_start3A_252, %dma_start3A_253] : memref<10000x128xf32, #tpu.memory_space<hbm>> -> memref<10000x128xf32, #tpu.memory_space<hbm>>
    tpu.enqueue_indirect_dma source(%dma_start3A_254 : memref<10000x128xf32, #tpu.memory_space<hbm>>) target(%arg25 : memref<32x128xf32, #tpu.memory_space<vmem>>) offsets(%arg13 : memref<32xi32, #tpu.memory_space<vmem>>) semaphore(%arg34 : memref<!tpu.dma_semaphore, #tpu.memory_space<semaphore_mem>>)
    %scan3A_255 = arith.constant 0 : i32
    %scan3A_256 = arith.constant 0 : i32
    %mul3A_257 = arith.constant 16 : i32
    %mul3A_258 = arith.muli %scan3A_256, %mul3A_257 : i32
    %add3A_259 = arith.constant 160 : i32
    %add3A_260 = arith.addi %add3A_259, %mul3A_258 : i32
    %get3A_261 = arith.index_cast %add3A_260 : i32 to index
    %get3A_262 = tpu.vector_load %arg7[%get3A_261] {strides = array<i32>} : memref<10000xi32, #tpu.memory_space<vmem>>, vector<16xi32>,
    %get3A_263 = vector.shape_cast %get3A_262 : vector<16xi32> to vector<16xi32>
    %swap3A_264 = arith.index_cast %mul3A_258 : i32 to index
    %swap3A_265 = tpu.vector_load %arg14[%swap3A_264] {strides = array<i32>} : memref<32xi32, #tpu.memory_space<vmem>>, vector<16xi32>,
    %swap3A_266 = vector.shape_cast %swap3A_265 : vector<16xi32> to vector<16xi32>
    %swap3A_267 = vector.shape_cast %get3A_263 : vector<16xi32> to vector<16xi32>
    tpu.vector_store %arg14[%swap3A_264], %swap3A_267 {strides = array<i32>} : memref<32xi32, #tpu.memory_space<vmem>>, vector<16xi32>,
    %add3A_268 = arith.constant 160 : i32
    %add3A_269 = arith.addi %add3A_268, %mul3A_258 : i32
    %get3A_270 = arith.index_cast %add3A_269 : i32 to index
    %get3A_271 = tpu.vector_load %arg8[%get3A_270] {strides = array<i32>} : memref<10000xi32, #tpu.memory_space<vmem>>, vector<16xi32>,
    %get3A_272 = vector.shape_cast %get3A_271 : vector<16xi32> to vector<16xi32>
    %swap3A_273 = arith.index_cast %mul3A_258 : i32 to index
    %swap3A_274 = tpu.vector_load %arg20[%swap3A_273] {strides = array<i32>} : memref<32xi32, #tpu.memory_space<vmem>>, vector<16xi32>,
    %swap3A_275 = vector.shape_cast %swap3A_274 : vector<16xi32> to vector<16xi32>
    %swap3A_276 = vector.shape_cast %get3A_272 : vector<16xi32> to vector<16xi32>
    tpu.vector_store %arg20[%swap3A_273], %swap3A_276 {strides = array<i32>} : memref<32xi32, #tpu.memory_space<vmem>>, vector<16xi32>,
    %scan3A_277 = arith.constant 0 : i32
    %scan3A_278 = arith.constant 1 : i32
    %mul3A_279 = arith.constant 16 : i32
    %mul3A_280 = arith.muli %scan3A_278, %mul3A_279 : i32
    %add3A_281 = arith.constant 160 : i32
    %add3A_282 = arith.addi %add3A_281, %mul3A_280 : i32
    %get3A_283 = arith.index_cast %add3A_282 : i32 to index
    %get3A_284 = tpu.vector_load %arg7[%get3A_283] {strides = array<i32>} : memref<10000xi32, #tpu.memory_space<vmem>>, vector<16xi32>,
    %get3A_285 = vector.shape_cast %get3A_284 : vector<16xi32> to vector<16xi32>
    %swap3A_286 = arith.index_cast %mul3A_280 : i32 to index
    %swap3A_287 = tpu.vector_load %arg14[%swap3A_286] {strides = array<i32>} : memref<32xi32, #tpu.memory_space<vmem>>, vector<16xi32>,
    %swap3A_288 = vector.shape_cast %swap3A_287 : vector<16xi32> to vector<16xi32>
    %swap3A_289 = vector.shape_cast %get3A_285 : vector<16xi32> to vector<16xi32>
    tpu.vector_store %arg14[%swap3A_286], %swap3A_289 {strides = array<i32>} : memref<32xi32, #tpu.memory_space<vmem>>, vector<16xi32>,
    %add3A_290 = arith.constant 160 : i32
    %add3A_291 = arith.addi %add3A_290, %mul3A_280 : i32
    %get3A_292 = arith.index_cast %add3A_291 : i32 to index
    %get3A_293 = tpu.vector_load %arg8[%get3A_292] {strides = array<i32>} : memref<10000xi32, #tpu.memory_space<vmem>>, vector<16xi32>,
    %get3A_294 = vector.shape_cast %get3A_293 : vector<16xi32> to vector<16xi32>
    %swap3A_295 = arith.index_cast %mul3A_280 : i32 to index
    %swap3A_296 = tpu.vector_load %arg20[%swap3A_295] {strides = array<i32>} : memref<32xi32, #tpu.memory_space<vmem>>, vector<16xi32>,
    %swap3A_297 = vector.shape_cast %swap3A_296 : vector<16xi32> to vector<16xi32>
    %swap3A_298 = vector.shape_cast %get3A_294 : vector<16xi32> to vector<16xi32>
    tpu.vector_store %arg20[%swap3A_295], %swap3A_298 {strides = array<i32>} : memref<32xi32, #tpu.memory_space<vmem>>, vector<16xi32>,
    %scan3A_299 = arith.constant 0 : i32
    %scan3A_300 = arith.constant 2 : i32
    %dma_start3A_301 = arith.constant 0 : i32
    %dma_start3A_302 = arith.constant 0 : i32
    %dma_start3A_303 = tpu.memref_slice %arg2[%dma_start3A_301, %dma_start3A_302] : memref<10000x128xf32, #tpu.memory_space<hbm>> -> memref<10000x128xf32, #tpu.memory_space<hbm>>
    tpu.enqueue_indirect_dma source(%dma_start3A_303 : memref<10000x128xf32, #tpu.memory_space<hbm>>) target(%arg26 : memref<32x128xf32, #tpu.memory_space<vmem>>) offsets(%arg14 : memref<32xi32, #tpu.memory_space<vmem>>) semaphore(%arg35 : memref<!tpu.dma_semaphore, #tpu.memory_space<semaphore_mem>>)
    %scan3A_304 = arith.constant 0 : i32
    %scan3A_305 = arith.constant 0 : i32
    %scan3A_306 = arith.constant 52 : i32
    %scan3A_307 = arith.addi %scan3A_305, %scan3A_306 : i32
    %scan3A_308 = arith.constant 1 : i32
    scf.for %scan3A_352 = %scan3A_305 to %scan3A_307 step %scan3A_308  : i32 {
      %mul3A_353 = arith.constant 6 : i32
      %mul3A_354 = arith.muli %scan3A_352, %mul3A_353 : i32
      %add3A_355 = arith.constant 0 : i32
      %add3A_356 = arith.addi %mul3A_354, %add3A_355 : i32
      %dma_wait3A_357 = arith.constant 0 : i32
      %dma_wait3A_358 = arith.constant 0 : i32
      %dma_wait3A_359 = tpu.memref_slice %arg2[%dma_wait3A_357, %dma_wait3A_358] : memref<10000x128xf32, #tpu.memory_space<hbm>> -> memref<10000x128xf32, #tpu.memory_space<hbm>>
      tpu.wait_indirect_dma semaphore(%arg30 : memref<!tpu.dma_semaphore, #tpu.memory_space<semaphore_mem>>) src(%dma_wait3A_359 : memref<10000x128xf32, #tpu.memory_space<hbm>>) dst(%arg21 : memref<32x128xf32, #tpu.memory_space<vmem>>)
      "tpu.region"() ({
        %run_scoped3A = tpu.sem_alloc : memref<!tpu.dma_semaphore, #tpu.memory_space<semaphore_mem>>
        %dma_start3A_436 = arith.constant 0 : i32
        %dma_start3A_437 = arith.constant 0 : i32
        %dma_start3A_438 = tpu.memref_slice %arg29[%dma_start3A_436, %dma_start3A_437] : memref<10000x128xf32, #tpu.memory_space<vmem_shared>> -> memref<10000x128xf32, #tpu.memory_space<vmem_shared>>
        tpu.enqueue_indirect_dma source(%arg21 : memref<32x128xf32, #tpu.memory_space<vmem>>) target(%dma_start3A_438 : memref<10000x128xf32, #tpu.memory_space<vmem_shared>>) offsets(%arg15 : memref<32xi32, #tpu.memory_space<vmem>>) semaphore(%run_scoped3A : memref<!tpu.dma_semaphore, #tpu.memory_space<semaphore_mem>>) {add = true}
        %dma_wait3A_439 = arith.constant 0 : i32
        %dma_wait3A_440 = arith.constant 0 : i32
        %dma_wait3A_441 = tpu.memref_slice %arg29[%dma_wait3A_439, %dma_wait3A_440] : memref<10000x128xf32, #tpu.memory_space<vmem_shared>> -> memref<10000x128xf32, #tpu.memory_space<vmem_shared>>
        tpu.wait_indirect_dma semaphore(%run_scoped3A : memref<!tpu.dma_semaphore, #tpu.memory_space<semaphore_mem>>) src(%arg21 : memref<32x128xf32, #tpu.memory_space<vmem>>) dst(%dma_wait3A_441 : memref<10000x128xf32, #tpu.memory_space<vmem_shared>>)
        tpu.yield
      }) : () -> ()
      %add3A_360 = arith.constant 6 : i32
      %add3A_361 = arith.addi %add3A_356, %add3A_360 : i32
      %lt3A = arith.constant 312 : i32
      %lt3A_362 = arith.cmpi slt, %add3A_361, %lt3A : i32
      %convert_element_type3A_363 = arith.extui %lt3A_362 : i1 to i32
      %cond3A_364 = arith.constant 0 : i32
      %cond3A_365 = arith.cmpi ne, %convert_element_type3A_363, %cond3A_364 : i32
      scf.if %cond3A_365 {
        %add3A_436 = arith.constant 6 : i32
        %add3A_437 = arith.addi %add3A_356, %add3A_436 : i32
        %scan3A_438 = arith.constant 0 : i32
        %scan3A_439 = arith.constant 0 : i32
        %mul3A_440 = arith.constant 16 : i32
        %mul3A_441 = arith.muli %scan3A_439, %mul3A_440 : i32
        %mul3A_442 = arith.constant 32 : i32
        %mul3A_443 = arith.muli %add3A_437, %mul3A_442 : i32
        %add3A_444 = arith.addi %mul3A_443, %mul3A_441 : i32
        %get3A_445 = arith.index_cast %add3A_444 : i32 to index
        %get3A_446 = tpu.vector_load %arg7[%get3A_445] {strides = array<i32>} : memref<10000xi32, #tpu.memory_space<vmem>>, vector<16xi32>,
        %get3A_447 = vector.shape_cast %get3A_446 : vector<16xi32> to vector<16xi32>
        %swap3A_448 = arith.index_cast %mul3A_441 : i32 to index
        %swap3A_449 = tpu.vector_load %arg9[%swap3A_448] {strides = array<i32>} : memref<32xi32, #tpu.memory_space<vmem>>, vector<16xi32>,
        %swap3A_450 = vector.shape_cast %swap3A_449 : vector<16xi32> to vector<16xi32>
        %swap3A_451 = vector.shape_cast %get3A_447 : vector<16xi32> to vector<16xi32>
        tpu.vector_store %arg9[%swap3A_448], %swap3A_451 {strides = array<i32>} : memref<32xi32, #tpu.memory_space<vmem>>, vector<16xi32>,
        %mul3A_452 = arith.constant 32 : i32
        %mul3A_453 = arith.muli %add3A_437, %mul3A_452 : i32
        %add3A_454 = arith.addi %mul3A_453, %mul3A_441 : i32
        %get3A_455 = arith.index_cast %add3A_454 : i32 to index
        %get3A_456 = tpu.vector_load %arg8[%get3A_455] {strides = array<i32>} : memref<10000xi32, #tpu.memory_space<vmem>>, vector<16xi32>,
        %get3A_457 = vector.shape_cast %get3A_456 : vector<16xi32> to vector<16xi32>
        %swap3A_458 = arith.index_cast %mul3A_441 : i32 to index
        %swap3A_459 = tpu.vector_load %arg15[%swap3A_458] {strides = array<i32>} : memref<32xi32, #tpu.memory_space<vmem>>, vector<16xi32>,
        %swap3A_460 = vector.shape_cast %swap3A_459 : vector<16xi32> to vector<16xi32>
        %swap3A_461 = vector.shape_cast %get3A_457 : vector<16xi32> to vector<16xi32>
        tpu.vector_store %arg15[%swap3A_458], %swap3A_461 {strides = array<i32>} : memref<32xi32, #tpu.memory_space<vmem>>, vector<16xi32>,
        %scan3A_462 = arith.constant 0 : i32
        %scan3A_463 = arith.constant 1 : i32
        %mul3A_464 = arith.constant 16 : i32
        %mul3A_465 = arith.muli %scan3A_463, %mul3A_464 : i32
        %mul3A_466 = arith.constant 32 : i32
        %mul3A_467 = arith.muli %add3A_437, %mul3A_466 : i32
        %add3A_468 = arith.addi %mul3A_467, %mul3A_465 : i32
        %get3A_469 = arith.index_cast %add3A_468 : i32 to index
        %get3A_470 = tpu.vector_load %arg7[%get3A_469] {strides = array<i32>} : memref<10000xi32, #tpu.memory_space<vmem>>, vector<16xi32>,
        %get3A_471 = vector.shape_cast %get3A_470 : vector<16xi32> to vector<16xi32>
        %swap3A_472 = arith.index_cast %mul3A_465 : i32 to index
        %swap3A_473 = tpu.vector_load %arg9[%swap3A_472] {strides = array<i32>} : memref<32xi32, #tpu.memory_space<vmem>>, vector<16xi32>,
        %swap3A_474 = vector.shape_cast %swap3A_473 : vector<16xi32> to vector<16xi32>
        %swap3A_475 = vector.shape_cast %get3A_471 : vector<16xi32> to vector<16xi32>
        tpu.vector_store %arg9[%swap3A_472], %swap3A_475 {strides = array<i32>} : memref<32xi32, #tpu.memory_space<vmem>>, vector<16xi32>,
        %mul3A_476 = arith.constant 32 : i32
        %mul3A_477 = arith.muli %add3A_437, %mul3A_476 : i32
        %add3A_478 = arith.addi %mul3A_477, %mul3A_465 : i32
        %get3A_479 = arith.index_cast %add3A_478 : i32 to index
        %get3A_480 = tpu.vector_load %arg8[%get3A_479] {strides = array<i32>} : memref<10000xi32, #tpu.memory_space<vmem>>, vector<16xi32>,
        %get3A_481 = vector.shape_cast %get3A_480 : vector<16xi32> to vector<16xi32>
        %swap3A_482 = arith.index_cast %mul3A_465 : i32 to index
        %swap3A_483 = tpu.vector_load %arg15[%swap3A_482] {strides = array<i32>} : memref<32xi32, #tpu.memory_space<vmem>>, vector<16xi32>,
        %swap3A_484 = vector.shape_cast %swap3A_483 : vector<16xi32> to vector<16xi32>
        %swap3A_485 = vector.shape_cast %get3A_481 : vector<16xi32> to vector<16xi32>
        tpu.vector_store %arg15[%swap3A_482], %swap3A_485 {strides = array<i32>} : memref<32xi32, #tpu.memory_space<vmem>>, vector<16xi32>,
        %scan3A_486 = arith.constant 0 : i32
        %scan3A_487 = arith.constant 2 : i32
        %dma_start3A_488 = arith.constant 0 : i32
        %dma_start3A_489 = arith.constant 0 : i32
        %dma_start3A_490 = tpu.memref_slice %arg2[%dma_start3A_488, %dma_start3A_489] : memref<10000x128xf32, #tpu.memory_space<hbm>> -> memref<10000x128xf32, #tpu.memory_space<hbm>>
        tpu.enqueue_indirect_dma source(%dma_start3A_490 : memref<10000x128xf32, #tpu.memory_space<hbm>>) target(%arg21 : memref<32x128xf32, #tpu.memory_space<vmem>>) offsets(%arg9 : memref<32xi32, #tpu.memory_space<vmem>>) semaphore(%arg30 : memref<!tpu.dma_semaphore, #tpu.memory_space<semaphore_mem>>)
      } else {
      }
      %mul3A_366 = arith.constant 6 : i32
      %mul3A_367 = arith.muli %scan3A_352, %mul3A_366 : i32
      %add3A_368 = arith.constant 1 : i32
      %add3A_369 = arith.addi %mul3A_367, %add3A_368 : i32
      %dma_wait3A_370 = arith.constant 0 : i32
      %dma_wait3A_371 = arith.constant 0 : i32
      %dma_wait3A_372 = tpu.memref_slice %arg2[%dma_wait3A_370, %dma_wait3A_371] : memref<10000x128xf32, #tpu.memory_space<hbm>> -> memref<10000x128xf32, #tpu.memory_space<hbm>>
      tpu.wait_indirect_dma semaphore(%arg31 : memref<!tpu.dma_semaphore, #tpu.memory_space<semaphore_mem>>) src(%dma_wait3A_372 : memref<10000x128xf32, #tpu.memory_space<hbm>>) dst(%arg22 : memref<32x128xf32, #tpu.memory_space<vmem>>)
      "tpu.region"() ({
        %run_scoped3A = tpu.sem_alloc : memref<!tpu.dma_semaphore, #tpu.memory_space<semaphore_mem>>
        %dma_start3A_436 = arith.constant 0 : i32
        %dma_start3A_437 = arith.constant 0 : i32
        %dma_start3A_438 = tpu.memref_slice %arg29[%dma_start3A_436, %dma_start3A_437] : memref<10000x128xf32, #tpu.memory_space<vmem_shared>> -> memref<10000x128xf32, #tpu.memory_space<vmem_shared>>
        tpu.enqueue_indirect_dma source(%arg22 : memref<32x128xf32, #tpu.memory_space<vmem>>) target(%dma_start3A_438 : memref<10000x128xf32, #tpu.memory_space<vmem_shared>>) offsets(%arg16 : memref<32xi32, #tpu.memory_space<vmem>>) semaphore(%run_scoped3A : memref<!tpu.dma_semaphore, #tpu.memory_space<semaphore_mem>>) {add = true}
        %dma_wait3A_439 = arith.constant 0 : i32
        %dma_wait3A_440 = arith.constant 0 : i32
        %dma_wait3A_441 = tpu.memref_slice %arg29[%dma_wait3A_439, %dma_wait3A_440] : memref<10000x128xf32, #tpu.memory_space<vmem_shared>> -> memref<10000x128xf32, #tpu.memory_space<vmem_shared>>
        tpu.wait_indirect_dma semaphore(%run_scoped3A : memref<!tpu.dma_semaphore, #tpu.memory_space<semaphore_mem>>) src(%arg22 : memref<32x128xf32, #tpu.memory_space<vmem>>) dst(%dma_wait3A_441 : memref<10000x128xf32, #tpu.memory_space<vmem_shared>>)
        tpu.yield
      }) : () -> ()
      %add3A_373 = arith.constant 6 : i32
      %add3A_374 = arith.addi %add3A_369, %add3A_373 : i32
      %lt3A_375 = arith.constant 312 : i32
      %lt3A_376 = arith.cmpi slt, %add3A_374, %lt3A_375 : i32
      %convert_element_type3A_377 = arith.extui %lt3A_376 : i1 to i32
      %cond3A_378 = arith.constant 0 : i32
      %cond3A_379 = arith.cmpi ne, %convert_element_type3A_377, %cond3A_378 : i32
      scf.if %cond3A_379 {
        %add3A_436 = arith.constant 6 : i32
        %add3A_437 = arith.addi %add3A_369, %add3A_436 : i32
        %scan3A_438 = arith.constant 0 : i32
        %scan3A_439 = arith.constant 0 : i32
        %mul3A_440 = arith.constant 16 : i32
        %mul3A_441 = arith.muli %scan3A_439, %mul3A_440 : i32
        %mul3A_442 = arith.constant 32 : i32
        %mul3A_443 = arith.muli %add3A_437, %mul3A_442 : i32
        %add3A_444 = arith.addi %mul3A_443, %mul3A_441 : i32
        %get3A_445 = arith.index_cast %add3A_444 : i32 to index
        %get3A_446 = tpu.vector_load %arg7[%get3A_445] {strides = array<i32>} : memref<10000xi32, #tpu.memory_space<vmem>>, vector<16xi32>,
        %get3A_447 = vector.shape_cast %get3A_446 : vector<16xi32> to vector<16xi32>
        %swap3A_448 = arith.index_cast %mul3A_441 : i32 to index
        %swap3A_449 = tpu.vector_load %arg10[%swap3A_448] {strides = array<i32>} : memref<32xi32, #tpu.memory_space<vmem>>, vector<16xi32>,
        %swap3A_450 = vector.shape_cast %swap3A_449 : vector<16xi32> to vector<16xi32>
        %swap3A_451 = vector.shape_cast %get3A_447 : vector<16xi32> to vector<16xi32>
        tpu.vector_store %arg10[%swap3A_448], %swap3A_451 {strides = array<i32>} : memref<32xi32, #tpu.memory_space<vmem>>, vector<16xi32>,
        %mul3A_452 = arith.constant 32 : i32
        %mul3A_453 = arith.muli %add3A_437, %mul3A_452 : i32
        %add3A_454 = arith.addi %mul3A_453, %mul3A_441 : i32
        %get3A_455 = arith.index_cast %add3A_454 : i32 to index
        %get3A_456 = tpu.vector_load %arg8[%get3A_455] {strides = array<i32>} : memref<10000xi32, #tpu.memory_space<vmem>>, vector<16xi32>,
        %get3A_457 = vector.shape_cast %get3A_456 : vector<16xi32> to vector<16xi32>
        %swap3A_458 = arith.index_cast %mul3A_441 : i32 to index
        %swap3A_459 = tpu.vector_load %arg16[%swap3A_458] {strides = array<i32>} : memref<32xi32, #tpu.memory_space<vmem>>, vector<16xi32>,
        %swap3A_460 = vector.shape_cast %swap3A_459 : vector<16xi32> to vector<16xi32>
        %swap3A_461 = vector.shape_cast %get3A_457 : vector<16xi32> to vector<16xi32>
        tpu.vector_store %arg16[%swap3A_458], %swap3A_461 {strides = array<i32>} : memref<32xi32, #tpu.memory_space<vmem>>, vector<16xi32>,
        %scan3A_462 = arith.constant 0 : i32
        %scan3A_463 = arith.constant 1 : i32
        %mul3A_464 = arith.constant 16 : i32
        %mul3A_465 = arith.muli %scan3A_463, %mul3A_464 : i32
        %mul3A_466 = arith.constant 32 : i32
        %mul3A_467 = arith.muli %add3A_437, %mul3A_466 : i32
        %add3A_468 = arith.addi %mul3A_467, %mul3A_465 : i32
        %get3A_469 = arith.index_cast %add3A_468 : i32 to index
        %get3A_470 = tpu.vector_load %arg7[%get3A_469] {strides = array<i32>} : memref<10000xi32, #tpu.memory_space<vmem>>, vector<16xi32>,
        %get3A_471 = vector.shape_cast %get3A_470 : vector<16xi32> to vector<16xi32>
        %swap3A_472 = arith.index_cast %mul3A_465 : i32 to index
        %swap3A_473 = tpu.vector_load %arg10[%swap3A_472] {strides = array<i32>} : memref<32xi32, #tpu.memory_space<vmem>>, vector<16xi32>,
        %swap3A_474 = vector.shape_cast %swap3A_473 : vector<16xi32> to vector<16xi32>
        %swap3A_475 = vector.shape_cast %get3A_471 : vector<16xi32> to vector<16xi32>
        tpu.vector_store %arg10[%swap3A_472], %swap3A_475 {strides = array<i32>} : memref<32xi32, #tpu.memory_space<vmem>>, vector<16xi32>,
        %mul3A_476 = arith.constant 32 : i32
        %mul3A_477 = arith.muli %add3A_437, %mul3A_476 : i32
        %add3A_478 = arith.addi %mul3A_477, %mul3A_465 : i32
        %get3A_479 = arith.index_cast %add3A_478 : i32 to index
        %get3A_480 = tpu.vector_load %arg8[%get3A_479] {strides = array<i32>} : memref<10000xi32, #tpu.memory_space<vmem>>, vector<16xi32>,
        %get3A_481 = vector.shape_cast %get3A_480 : vector<16xi32> to vector<16xi32>
        %swap3A_482 = arith.index_cast %mul3A_465 : i32 to index
        %swap3A_483 = tpu.vector_load %arg16[%swap3A_482] {strides = array<i32>} : memref<32xi32, #tpu.memory_space<vmem>>, vector<16xi32>,
        %swap3A_484 = vector.shape_cast %swap3A_483 : vector<16xi32> to vector<16xi32>
        %swap3A_485 = vector.shape_cast %get3A_481 : vector<16xi32> to vector<16xi32>
        tpu.vector_store %arg16[%swap3A_482], %swap3A_485 {strides = array<i32>} : memref<32xi32, #tpu.memory_space<vmem>>, vector<16xi32>,
        %scan3A_486 = arith.constant 0 : i32
        %scan3A_487 = arith.constant 2 : i32
        %dma_start3A_488 = arith.constant 0 : i32
        %dma_start3A_489 = arith.constant 0 : i32
        %dma_start3A_490 = tpu.memref_slice %arg2[%dma_start3A_488, %dma_start3A_489] : memref<10000x128xf32, #tpu.memory_space<hbm>> -> memref<10000x128xf32, #tpu.memory_space<hbm>>
        tpu.enqueue_indirect_dma source(%dma_start3A_490 : memref<10000x128xf32, #tpu.memory_space<hbm>>) target(%arg22 : memref<32x128xf32, #tpu.memory_space<vmem>>) offsets(%arg10 : memref<32xi32, #tpu.memory_space<vmem>>) semaphore(%arg31 : memref<!tpu.dma_semaphore, #tpu.memory_space<semaphore_mem>>)
      } else {
      }
      %mul3A_380 = arith.constant 6 : i32
      %mul3A_381 = arith.muli %scan3A_352, %mul3A_380 : i32
      %add3A_382 = arith.constant 2 : i32
      %add3A_383 = arith.addi %mul3A_381, %add3A_382 : i32
      %dma_wait3A_384 = arith.constant 0 : i32
      %dma_wait3A_385 = arith.constant 0 : i32
      %dma_wait3A_386 = tpu.memref_slice %arg2[%dma_wait3A_384, %dma_wait3A_385] : memref<10000x128xf32, #tpu.memory_space<hbm>> -> memref<10000x128xf32, #tpu.memory_space<hbm>>
      tpu.wait_indirect_dma semaphore(%arg32 : memref<!tpu.dma_semaphore, #tpu.memory_space<semaphore_mem>>) src(%dma_wait3A_386 : memref<10000x128xf32, #tpu.memory_space<hbm>>) dst(%arg23 : memref<32x128xf32, #tpu.memory_space<vmem>>)
      "tpu.region"() ({
        %run_scoped3A = tpu.sem_alloc : memref<!tpu.dma_semaphore, #tpu.memory_space<semaphore_mem>>
        %dma_start3A_436 = arith.constant 0 : i32
        %dma_start3A_437 = arith.constant 0 : i32
        %dma_start3A_438 = tpu.memref_slice %arg29[%dma_start3A_436, %dma_start3A_437] : memref<10000x128xf32, #tpu.memory_space<vmem_shared>> -> memref<10000x128xf32, #tpu.memory_space<vmem_shared>>
        tpu.enqueue_indirect_dma source(%arg23 : memref<32x128xf32, #tpu.memory_space<vmem>>) target(%dma_start3A_438 : memref<10000x128xf32, #tpu.memory_space<vmem_shared>>) offsets(%arg17 : memref<32xi32, #tpu.memory_space<vmem>>) semaphore(%run_scoped3A : memref<!tpu.dma_semaphore, #tpu.memory_space<semaphore_mem>>) {add = true}
        %dma_wait3A_439 = arith.constant 0 : i32
        %dma_wait3A_440 = arith.constant 0 : i32
        %dma_wait3A_441 = tpu.memref_slice %arg29[%dma_wait3A_439, %dma_wait3A_440] : memref<10000x128xf32, #tpu.memory_space<vmem_shared>> -> memref<10000x128xf32, #tpu.memory_space<vmem_shared>>
        tpu.wait_indirect_dma semaphore(%run_scoped3A : memref<!tpu.dma_semaphore, #tpu.memory_space<semaphore_mem>>) src(%arg23 : memref<32x128xf32, #tpu.memory_space<vmem>>) dst(%dma_wait3A_441 : memref<10000x128xf32, #tpu.memory_space<vmem_shared>>)
        tpu.yield
      }) : () -> ()
      %add3A_387 = arith.constant 6 : i32
      %add3A_388 = arith.addi %add3A_383, %add3A_387 : i32
      %lt3A_389 = arith.constant 312 : i32
      %lt3A_390 = arith.cmpi slt, %add3A_388, %lt3A_389 : i32
      %convert_element_type3A_391 = arith.extui %lt3A_390 : i1 to i32
      %cond3A_392 = arith.constant 0 : i32
      %cond3A_393 = arith.cmpi ne, %convert_element_type3A_391, %cond3A_392 : i32
      scf.if %cond3A_393 {
        %add3A_436 = arith.constant 6 : i32
        %add3A_437 = arith.addi %add3A_383, %add3A_436 : i32
        %scan3A_438 = arith.constant 0 : i32
        %scan3A_439 = arith.constant 0 : i32
        %mul3A_440 = arith.constant 16 : i32
        %mul3A_441 = arith.muli %scan3A_439, %mul3A_440 : i32
        %mul3A_442 = arith.constant 32 : i32
        %mul3A_443 = arith.muli %add3A_437, %mul3A_442 : i32
        %add3A_444 = arith.addi %mul3A_443, %mul3A_441 : i32
        %get3A_445 = arith.index_cast %add3A_444 : i32 to index
        %get3A_446 = tpu.vector_load %arg7[%get3A_445] {strides = array<i32>} : memref<10000xi32, #tpu.memory_space<vmem>>, vector<16xi32>,
        %get3A_447 = vector.shape_cast %get3A_446 : vector<16xi32> to vector<16xi32>
        %swap3A_448 = arith.index_cast %mul3A_441 : i32 to index
        %swap3A_449 = tpu.vector_load %arg11[%swap3A_448] {strides = array<i32>} : memref<32xi32, #tpu.memory_space<vmem>>, vector<16xi32>,
        %swap3A_450 = vector.shape_cast %swap3A_449 : vector<16xi32> to vector<16xi32>
        %swap3A_451 = vector.shape_cast %get3A_447 : vector<16xi32> to vector<16xi32>
        tpu.vector_store %arg11[%swap3A_448], %swap3A_451 {strides = array<i32>} : memref<32xi32, #tpu.memory_space<vmem>>, vector<16xi32>,
        %mul3A_452 = arith.constant 32 : i32
        %mul3A_453 = arith.muli %add3A_437, %mul3A_452 : i32
        %add3A_454 = arith.addi %mul3A_453, %mul3A_441 : i32
        %get3A_455 = arith.index_cast %add3A_454 : i32 to index
        %get3A_456 = tpu.vector_load %arg8[%get3A_455] {strides = array<i32>} : memref<10000xi32, #tpu.memory_space<vmem>>, vector<16xi32>,
        %get3A_457 = vector.shape_cast %get3A_456 : vector<16xi32> to vector<16xi32>
        %swap3A_458 = arith.index_cast %mul3A_441 : i32 to index
        %swap3A_459 = tpu.vector_load %arg17[%swap3A_458] {strides = array<i32>} : memref<32xi32, #tpu.memory_space<vmem>>, vector<16xi32>,
        %swap3A_460 = vector.shape_cast %swap3A_459 : vector<16xi32> to vector<16xi32>
        %swap3A_461 = vector.shape_cast %get3A_457 : vector<16xi32> to vector<16xi32>
        tpu.vector_store %arg17[%swap3A_458], %swap3A_461 {strides = array<i32>} : memref<32xi32, #tpu.memory_space<vmem>>, vector<16xi32>,
        %scan3A_462 = arith.constant 0 : i32
        %scan3A_463 = arith.constant 1 : i32
        %mul3A_464 = arith.constant 16 : i32
        %mul3A_465 = arith.muli %scan3A_463, %mul3A_464 : i32
        %mul3A_466 = arith.constant 32 : i32
        %mul3A_467 = arith.muli %add3A_437, %mul3A_466 : i32
        %add3A_468 = arith.addi %mul3A_467, %mul3A_465 : i32
        %get3A_469 = arith.index_cast %add3A_468 : i32 to index
        %get3A_470 = tpu.vector_load %arg7[%get3A_469] {strides = array<i32>} : memref<10000xi32, #tpu.memory_space<vmem>>, vector<16xi32>,
        %get3A_471 = vector.shape_cast %get3A_470 : vector<16xi32> to vector<16xi32>
        %swap3A_472 = arith.index_cast %mul3A_465 : i32 to index
        %swap3A_473 = tpu.vector_load %arg11[%swap3A_472] {strides = array<i32>} : memref<32xi32, #tpu.memory_space<vmem>>, vector<16xi32>,
        %swap3A_474 = vector.shape_cast %swap3A_473 : vector<16xi32> to vector<16xi32>
        %swap3A_475 = vector.shape_cast %get3A_471 : vector<16xi32> to vector<16xi32>
        tpu.vector_store %arg11[%swap3A_472], %swap3A_475 {strides = array<i32>} : memref<32xi32, #tpu.memory_space<vmem>>, vector<16xi32>,
        %mul3A_476 = arith.constant 32 : i32
        %mul3A_477 = arith.muli %add3A_437, %mul3A_476 : i32
        %add3A_478 = arith.addi %mul3A_477, %mul3A_465 : i32
        %get3A_479 = arith.index_cast %add3A_478 : i32 to index
        %get3A_480 = tpu.vector_load %arg8[%get3A_479] {strides = array<i32>} : memref<10000xi32, #tpu.memory_space<vmem>>, vector<16xi32>,
        %get3A_481 = vector.shape_cast %get3A_480 : vector<16xi32> to vector<16xi32>
        %swap3A_482 = arith.index_cast %mul3A_465 : i32 to index
        %swap3A_483 = tpu.vector_load %arg17[%swap3A_482] {strides = array<i32>} : memref<32xi32, #tpu.memory_space<vmem>>, vector<16xi32>,
        %swap3A_484 = vector.shape_cast %swap3A_483 : vector<16xi32> to vector<16xi32>
        %swap3A_485 = vector.shape_cast %get3A_481 : vector<16xi32> to vector<16xi32>
        tpu.vector_store %arg17[%swap3A_482], %swap3A_485 {strides = array<i32>} : memref<32xi32, #tpu.memory_space<vmem>>, vector<16xi32>,
        %scan3A_486 = arith.constant 0 : i32
        %scan3A_487 = arith.constant 2 : i32
        %dma_start3A_488 = arith.constant 0 : i32
        %dma_start3A_489 = arith.constant 0 : i32
        %dma_start3A_490 = tpu.memref_slice %arg2[%dma_start3A_488, %dma_start3A_489] : memref<10000x128xf32, #tpu.memory_space<hbm>> -> memref<10000x128xf32, #tpu.memory_space<hbm>>
        tpu.enqueue_indirect_dma source(%dma_start3A_490 : memref<10000x128xf32, #tpu.memory_space<hbm>>) target(%arg23 : memref<32x128xf32, #tpu.memory_space<vmem>>) offsets(%arg11 : memref<32xi32, #tpu.memory_space<vmem>>) semaphore(%arg32 : memref<!tpu.dma_semaphore, #tpu.memory_space<semaphore_mem>>)
      } else {
      }
      %mul3A_394 = arith.constant 6 : i32
      %mul3A_395 = arith.muli %scan3A_352, %mul3A_394 : i32
      %add3A_396 = arith.constant 3 : i32
      %add3A_397 = arith.addi %mul3A_395, %add3A_396 : i32
      %dma_wait3A_398 = arith.constant 0 : i32
      %dma_wait3A_399 = arith.constant 0 : i32
      %dma_wait3A_400 = tpu.memref_slice %arg2[%dma_wait3A_398, %dma_wait3A_399] : memref<10000x128xf32, #tpu.memory_space<hbm>> -> memref<10000x128xf32, #tpu.memory_space<hbm>>
      tpu.wait_indirect_dma semaphore(%arg33 : memref<!tpu.dma_semaphore, #tpu.memory_space<semaphore_mem>>) src(%dma_wait3A_400 : memref<10000x128xf32, #tpu.memory_space<hbm>>) dst(%arg24 : memref<32x128xf32, #tpu.memory_space<vmem>>)
      "tpu.region"() ({
        %run_scoped3A = tpu.sem_alloc : memref<!tpu.dma_semaphore, #tpu.memory_space<semaphore_mem>>
        %dma_start3A_436 = arith.constant 0 : i32
        %dma_start3A_437 = arith.constant 0 : i32
        %dma_start3A_438 = tpu.memref_slice %arg29[%dma_start3A_436, %dma_start3A_437] : memref<10000x128xf32, #tpu.memory_space<vmem_shared>> -> memref<10000x128xf32, #tpu.memory_space<vmem_shared>>
        tpu.enqueue_indirect_dma source(%arg24 : memref<32x128xf32, #tpu.memory_space<vmem>>) target(%dma_start3A_438 : memref<10000x128xf32, #tpu.memory_space<vmem_shared>>) offsets(%arg18 : memref<32xi32, #tpu.memory_space<vmem>>) semaphore(%run_scoped3A : memref<!tpu.dma_semaphore, #tpu.memory_space<semaphore_mem>>) {add = true}
        %dma_wait3A_439 = arith.constant 0 : i32
        %dma_wait3A_440 = arith.constant 0 : i32
        %dma_wait3A_441 = tpu.memref_slice %arg29[%dma_wait3A_439, %dma_wait3A_440] : memref<10000x128xf32, #tpu.memory_space<vmem_shared>> -> memref<10000x128xf32, #tpu.memory_space<vmem_shared>>
        tpu.wait_indirect_dma semaphore(%run_scoped3A : memref<!tpu.dma_semaphore, #tpu.memory_space<semaphore_mem>>) src(%arg24 : memref<32x128xf32, #tpu.memory_space<vmem>>) dst(%dma_wait3A_441 : memref<10000x128xf32, #tpu.memory_space<vmem_shared>>)
        tpu.yield
      }) : () -> ()
      %add3A_401 = arith.constant 6 : i32
      %add3A_402 = arith.addi %add3A_397, %add3A_401 : i32
      %lt3A_403 = arith.constant 312 : i32
      %lt3A_404 = arith.cmpi slt, %add3A_402, %lt3A_403 : i32
      %convert_element_type3A_405 = arith.extui %lt3A_404 : i1 to i32
      %cond3A_406 = arith.constant 0 : i32
      %cond3A_407 = arith.cmpi ne, %convert_element_type3A_405, %cond3A_406 : i32
      scf.if %cond3A_407 {
        %add3A_436 = arith.constant 6 : i32
        %add3A_437 = arith.addi %add3A_397, %add3A_436 : i32
        %scan3A_438 = arith.constant 0 : i32
        %scan3A_439 = arith.constant 0 : i32
        %mul3A_440 = arith.constant 16 : i32
        %mul3A_441 = arith.muli %scan3A_439, %mul3A_440 : i32
        %mul3A_442 = arith.constant 32 : i32
        %mul3A_443 = arith.muli %add3A_437, %mul3A_442 : i32
        %add3A_444 = arith.addi %mul3A_443, %mul3A_441 : i32
        %get3A_445 = arith.index_cast %add3A_444 : i32 to index
        %get3A_446 = tpu.vector_load %arg7[%get3A_445] {strides = array<i32>} : memref<10000xi32, #tpu.memory_space<vmem>>, vector<16xi32>,
        %get3A_447 = vector.shape_cast %get3A_446 : vector<16xi32> to vector<16xi32>
        %swap3A_448 = arith.index_cast %mul3A_441 : i32 to index
        %swap3A_449 = tpu.vector_load %arg12[%swap3A_448] {strides = array<i32>} : memref<32xi32, #tpu.memory_space<vmem>>, vector<16xi32>,
        %swap3A_450 = vector.shape_cast %swap3A_449 : vector<16xi32> to vector<16xi32>
        %swap3A_451 = vector.shape_cast %get3A_447 : vector<16xi32> to vector<16xi32>
        tpu.vector_store %arg12[%swap3A_448], %swap3A_451 {strides = array<i32>} : memref<32xi32, #tpu.memory_space<vmem>>, vector<16xi32>,
        %mul3A_452 = arith.constant 32 : i32
        %mul3A_453 = arith.muli %add3A_437, %mul3A_452 : i32
        %add3A_454 = arith.addi %mul3A_453, %mul3A_441 : i32
        %get3A_455 = arith.index_cast %add3A_454 : i32 to index
        %get3A_456 = tpu.vector_load %arg8[%get3A_455] {strides = array<i32>} : memref<10000xi32, #tpu.memory_space<vmem>>, vector<16xi32>,
        %get3A_457 = vector.shape_cast %get3A_456 : vector<16xi32> to vector<16xi32>
        %swap3A_458 = arith.index_cast %mul3A_441 : i32 to index
        %swap3A_459 = tpu.vector_load %arg18[%swap3A_458] {strides = array<i32>} : memref<32xi32, #tpu.memory_space<vmem>>, vector<16xi32>,
        %swap3A_460 = vector.shape_cast %swap3A_459 : vector<16xi32> to vector<16xi32>
        %swap3A_461 = vector.shape_cast %get3A_457 : vector<16xi32> to vector<16xi32>
        tpu.vector_store %arg18[%swap3A_458], %swap3A_461 {strides = array<i32>} : memref<32xi32, #tpu.memory_space<vmem>>, vector<16xi32>,
        %scan3A_462 = arith.constant 0 : i32
        %scan3A_463 = arith.constant 1 : i32
        %mul3A_464 = arith.constant 16 : i32
        %mul3A_465 = arith.muli %scan3A_463, %mul3A_464 : i32
        %mul3A_466 = arith.constant 32 : i32
        %mul3A_467 = arith.muli %add3A_437, %mul3A_466 : i32
        %add3A_468 = arith.addi %mul3A_467, %mul3A_465 : i32
        %get3A_469 = arith.index_cast %add3A_468 : i32 to index
        %get3A_470 = tpu.vector_load %arg7[%get3A_469] {strides = array<i32>} : memref<10000xi32, #tpu.memory_space<vmem>>, vector<16xi32>,
        %get3A_471 = vector.shape_cast %get3A_470 : vector<16xi32> to vector<16xi32>
        %swap3A_472 = arith.index_cast %mul3A_465 : i32 to index
        %swap3A_473 = tpu.vector_load %arg12[%swap3A_472] {strides = array<i32>} : memref<32xi32, #tpu.memory_space<vmem>>, vector<16xi32>,
        %swap3A_474 = vector.shape_cast %swap3A_473 : vector<16xi32> to vector<16xi32>
        %swap3A_475 = vector.shape_cast %get3A_471 : vector<16xi32> to vector<16xi32>
        tpu.vector_store %arg12[%swap3A_472], %swap3A_475 {strides = array<i32>} : memref<32xi32, #tpu.memory_space<vmem>>, vector<16xi32>,
        %mul3A_476 = arith.constant 32 : i32
        %mul3A_477 = arith.muli %add3A_437, %mul3A_476 : i32
        %add3A_478 = arith.addi %mul3A_477, %mul3A_465 : i32
        %get3A_479 = arith.index_cast %add3A_478 : i32 to index
        %get3A_480 = tpu.vector_load %arg8[%get3A_479] {strides = array<i32>} : memref<10000xi32, #tpu.memory_space<vmem>>, vector<16xi32>,
        %get3A_481 = vector.shape_cast %get3A_480 : vector<16xi32> to vector<16xi32>
        %swap3A_482 = arith.index_cast %mul3A_465 : i32 to index
        %swap3A_483 = tpu.vector_load %arg18[%swap3A_482] {strides = array<i32>} : memref<32xi32, #tpu.memory_space<vmem>>, vector<16xi32>,
        %swap3A_484 = vector.shape_cast %swap3A_483 : vector<16xi32> to vector<16xi32>
        %swap3A_485 = vector.shape_cast %get3A_481 : vector<16xi32> to vector<16xi32>
        tpu.vector_store %arg18[%swap3A_482], %swap3A_485 {strides = array<i32>} : memref<32xi32, #tpu.memory_space<vmem>>, vector<16xi32>,
        %scan3A_486 = arith.constant 0 : i32
        %scan3A_487 = arith.constant 2 : i32
        %dma_start3A_488 = arith.constant 0 : i32
        %dma_start3A_489 = arith.constant 0 : i32
        %dma_start3A_490 = tpu.memref_slice %arg2[%dma_start3A_488, %dma_start3A_489] : memref<10000x128xf32, #tpu.memory_space<hbm>> -> memref<10000x128xf32, #tpu.memory_space<hbm>>
        tpu.enqueue_indirect_dma source(%dma_start3A_490 : memref<10000x128xf32, #tpu.memory_space<hbm>>) target(%arg24 : memref<32x128xf32, #tpu.memory_space<vmem>>) offsets(%arg12 : memref<32xi32, #tpu.memory_space<vmem>>) semaphore(%arg33 : memref<!tpu.dma_semaphore, #tpu.memory_space<semaphore_mem>>)
      } else {
      }
      %mul3A_408 = arith.constant 6 : i32
      %mul3A_409 = arith.muli %scan3A_352, %mul3A_408 : i32
      %add3A_410 = arith.constant 4 : i32
      %add3A_411 = arith.addi %mul3A_409, %add3A_410 : i32
      %dma_wait3A_412 = arith.constant 0 : i32
      %dma_wait3A_413 = arith.constant 0 : i32
      %dma_wait3A_414 = tpu.memref_slice %arg2[%dma_wait3A_412, %dma_wait3A_413] : memref<10000x128xf32, #tpu.memory_space<hbm>> -> memref<10000x128xf32, #tpu.memory_space<hbm>>
      tpu.wait_indirect_dma semaphore(%arg34 : memref<!tpu.dma_semaphore, #tpu.memory_space<semaphore_mem>>) src(%dma_wait3A_414 : memref<10000x128xf32, #tpu.memory_space<hbm>>) dst(%arg25 : memref<32x128xf32, #tpu.memory_space<vmem>>)
      "tpu.region"() ({
        %run_scoped3A = tpu.sem_alloc : memref<!tpu.dma_semaphore, #tpu.memory_space<semaphore_mem>>
        %dma_start3A_436 = arith.constant 0 : i32
        %dma_start3A_437 = arith.constant 0 : i32
        %dma_start3A_438 = tpu.memref_slice %arg29[%dma_start3A_436, %dma_start3A_437] : memref<10000x128xf32, #tpu.memory_space<vmem_shared>> -> memref<10000x128xf32, #tpu.memory_space<vmem_shared>>
        tpu.enqueue_indirect_dma source(%arg25 : memref<32x128xf32, #tpu.memory_space<vmem>>) target(%dma_start3A_438 : memref<10000x128xf32, #tpu.memory_space<vmem_shared>>) offsets(%arg19 : memref<32xi32, #tpu.memory_space<vmem>>) semaphore(%run_scoped3A : memref<!tpu.dma_semaphore, #tpu.memory_space<semaphore_mem>>) {add = true}
        %dma_wait3A_439 = arith.constant 0 : i32
        %dma_wait3A_440 = arith.constant 0 : i32
        %dma_wait3A_441 = tpu.memref_slice %arg29[%dma_wait3A_439, %dma_wait3A_440] : memref<10000x128xf32, #tpu.memory_space<vmem_shared>> -> memref<10000x128xf32, #tpu.memory_space<vmem_shared>>
        tpu.wait_indirect_dma semaphore(%run_scoped3A : memref<!tpu.dma_semaphore, #tpu.memory_space<semaphore_mem>>) src(%arg25 : memref<32x128xf32, #tpu.memory_space<vmem>>) dst(%dma_wait3A_441 : memref<10000x128xf32, #tpu.memory_space<vmem_shared>>)
        tpu.yield
      }) : () -> ()
      %add3A_415 = arith.constant 6 : i32
      %add3A_416 = arith.addi %add3A_411, %add3A_415 : i32
      %lt3A_417 = arith.constant 312 : i32
      %lt3A_418 = arith.cmpi slt, %add3A_416, %lt3A_417 : i32
      %convert_element_type3A_419 = arith.extui %lt3A_418 : i1 to i32
      %cond3A_420 = arith.constant 0 : i32
      %cond3A_421 = arith.cmpi ne, %convert_element_type3A_419, %cond3A_420 : i32
      scf.if %cond3A_421 {
        %add3A_436 = arith.constant 6 : i32
        %add3A_437 = arith.addi %add3A_411, %add3A_436 : i32
        %scan3A_438 = arith.constant 0 : i32
        %scan3A_439 = arith.constant 0 : i32
        %mul3A_440 = arith.constant 16 : i32
        %mul3A_441 = arith.muli %scan3A_439, %mul3A_440 : i32
        %mul3A_442 = arith.constant 32 : i32
        %mul3A_443 = arith.muli %add3A_437, %mul3A_442 : i32
        %add3A_444 = arith.addi %mul3A_443, %mul3A_441 : i32
        %get3A_445 = arith.index_cast %add3A_444 : i32 to index
        %get3A_446 = tpu.vector_load %arg7[%get3A_445] {strides = array<i32>} : memref<10000xi32, #tpu.memory_space<vmem>>, vector<16xi32>,
        %get3A_447 = vector.shape_cast %get3A_446 : vector<16xi32> to vector<16xi32>
        %swap3A_448 = arith.index_cast %mul3A_441 : i32 to index
        %swap3A_449 = tpu.vector_load %arg13[%swap3A_448] {strides = array<i32>} : memref<32xi32, #tpu.memory_space<vmem>>, vector<16xi32>,
        %swap3A_450 = vector.shape_cast %swap3A_449 : vector<16xi32> to vector<16xi32>
        %swap3A_451 = vector.shape_cast %get3A_447 : vector<16xi32> to vector<16xi32>
        tpu.vector_store %arg13[%swap3A_448], %swap3A_451 {strides = array<i32>} : memref<32xi32, #tpu.memory_space<vmem>>, vector<16xi32>,
        %mul3A_452 = arith.constant 32 : i32
        %mul3A_453 = arith.muli %add3A_437, %mul3A_452 : i32
        %add3A_454 = arith.addi %mul3A_453, %mul3A_441 : i32
        %get3A_455 = arith.index_cast %add3A_454 : i32 to index
        %get3A_456 = tpu.vector_load %arg8[%get3A_455] {strides = array<i32>} : memref<10000xi32, #tpu.memory_space<vmem>>, vector<16xi32>,
        %get3A_457 = vector.shape_cast %get3A_456 : vector<16xi32> to vector<16xi32>
        %swap3A_458 = arith.index_cast %mul3A_441 : i32 to index
        %swap3A_459 = tpu.vector_load %arg19[%swap3A_458] {strides = array<i32>} : memref<32xi32, #tpu.memory_space<vmem>>, vector<16xi32>,
        %swap3A_460 = vector.shape_cast %swap3A_459 : vector<16xi32> to vector<16xi32>
        %swap3A_461 = vector.shape_cast %get3A_457 : vector<16xi32> to vector<16xi32>
        tpu.vector_store %arg19[%swap3A_458], %swap3A_461 {strides = array<i32>} : memref<32xi32, #tpu.memory_space<vmem>>, vector<16xi32>,
        %scan3A_462 = arith.constant 0 : i32
        %scan3A_463 = arith.constant 1 : i32
        %mul3A_464 = arith.constant 16 : i32
        %mul3A_465 = arith.muli %scan3A_463, %mul3A_464 : i32
        %mul3A_466 = arith.constant 32 : i32
        %mul3A_467 = arith.muli %add3A_437, %mul3A_466 : i32
        %add3A_468 = arith.addi %mul3A_467, %mul3A_465 : i32
        %get3A_469 = arith.index_cast %add3A_468 : i32 to index
        %get3A_470 = tpu.vector_load %arg7[%get3A_469] {strides = array<i32>} : memref<10000xi32, #tpu.memory_space<vmem>>, vector<16xi32>,
        %get3A_471 = vector.shape_cast %get3A_470 : vector<16xi32> to vector<16xi32>
        %swap3A_472 = arith.index_cast %mul3A_465 : i32 to index
        %swap3A_473 = tpu.vector_load %arg13[%swap3A_472] {strides = array<i32>} : memref<32xi32, #tpu.memory_space<vmem>>, vector<16xi32>,
        %swap3A_474 = vector.shape_cast %swap3A_473 : vector<16xi32> to vector<16xi32>
        %swap3A_475 = vector.shape_cast %get3A_471 : vector<16xi32> to vector<16xi32>
        tpu.vector_store %arg13[%swap3A_472], %swap3A_475 {strides = array<i32>} : memref<32xi32, #tpu.memory_space<vmem>>, vector<16xi32>,
        %mul3A_476 = arith.constant 32 : i32
        %mul3A_477 = arith.muli %add3A_437, %mul3A_476 : i32
        %add3A_478 = arith.addi %mul3A_477, %mul3A_465 : i32
        %get3A_479 = arith.index_cast %add3A_478 : i32 to index
        %get3A_480 = tpu.vector_load %arg8[%get3A_479] {strides = array<i32>} : memref<10000xi32, #tpu.memory_space<vmem>>, vector<16xi32>,
        %get3A_481 = vector.shape_cast %get3A_480 : vector<16xi32> to vector<16xi32>
        %swap3A_482 = arith.index_cast %mul3A_465 : i32 to index
        %swap3A_483 = tpu.vector_load %arg19[%swap3A_482] {strides = array<i32>} : memref<32xi32, #tpu.memory_space<vmem>>, vector<16xi32>,
        %swap3A_484 = vector.shape_cast %swap3A_483 : vector<16xi32> to vector<16xi32>
        %swap3A_485 = vector.shape_cast %get3A_481 : vector<16xi32> to vector<16xi32>
        tpu.vector_store %arg19[%swap3A_482], %swap3A_485 {strides = array<i32>} : memref<32xi32, #tpu.memory_space<vmem>>, vector<16xi32>,
        %scan3A_486 = arith.constant 0 : i32
        %scan3A_487 = arith.constant 2 : i32
        %dma_start3A_488 = arith.constant 0 : i32
        %dma_start3A_489 = arith.constant 0 : i32
        %dma_start3A_490 = tpu.memref_slice %arg2[%dma_start3A_488, %dma_start3A_489] : memref<10000x128xf32, #tpu.memory_space<hbm>> -> memref<10000x128xf32, #tpu.memory_space<hbm>>
        tpu.enqueue_indirect_dma source(%dma_start3A_490 : memref<10000x128xf32, #tpu.memory_space<hbm>>) target(%arg25 : memref<32x128xf32, #tpu.memory_space<vmem>>) offsets(%arg13 : memref<32xi32, #tpu.memory_space<vmem>>) semaphore(%arg34 : memref<!tpu.dma_semaphore, #tpu.memory_space<semaphore_mem>>)
      } else {
      }
      %mul3A_422 = arith.constant 6 : i32
      %mul3A_423 = arith.muli %scan3A_352, %mul3A_422 : i32
      %add3A_424 = arith.constant 5 : i32
      %add3A_425 = arith.addi %mul3A_423, %add3A_424 : i32
      %dma_wait3A_426 = arith.constant 0 : i32
      %dma_wait3A_427 = arith.constant 0 : i32
      %dma_wait3A_428 = tpu.memref_slice %arg2[%dma_wait3A_426, %dma_wait3A_427] : memref<10000x128xf32, #tpu.memory_space<hbm>> -> memref<10000x128xf32, #tpu.memory_space<hbm>>
      tpu.wait_indirect_dma semaphore(%arg35 : memref<!tpu.dma_semaphore, #tpu.memory_space<semaphore_mem>>) src(%dma_wait3A_428 : memref<10000x128xf32, #tpu.memory_space<hbm>>) dst(%arg26 : memref<32x128xf32, #tpu.memory_space<vmem>>)
      "tpu.region"() ({
        %run_scoped3A = tpu.sem_alloc : memref<!tpu.dma_semaphore, #tpu.memory_space<semaphore_mem>>
        %dma_start3A_436 = arith.constant 0 : i32
        %dma_start3A_437 = arith.constant 0 : i32
        %dma_start3A_438 = tpu.memref_slice %arg29[%dma_start3A_436, %dma_start3A_437] : memref<10000x128xf32, #tpu.memory_space<vmem_shared>> -> memref<10000x128xf32, #tpu.memory_space<vmem_shared>>
        tpu.enqueue_indirect_dma source(%arg26 : memref<32x128xf32, #tpu.memory_space<vmem>>) target(%dma_start3A_438 : memref<10000x128xf32, #tpu.memory_space<vmem_shared>>) offsets(%arg20 : memref<32xi32, #tpu.memory_space<vmem>>) semaphore(%run_scoped3A : memref<!tpu.dma_semaphore, #tpu.memory_space<semaphore_mem>>) {add = true}
        %dma_wait3A_439 = arith.constant 0 : i32
        %dma_wait3A_440 = arith.constant 0 : i32
        %dma_wait3A_441 = tpu.memref_slice %arg29[%dma_wait3A_439, %dma_wait3A_440] : memref<10000x128xf32, #tpu.memory_space<vmem_shared>> -> memref<10000x128xf32, #tpu.memory_space<vmem_shared>>
        tpu.wait_indirect_dma semaphore(%run_scoped3A : memref<!tpu.dma_semaphore, #tpu.memory_space<semaphore_mem>>) src(%arg26 : memref<32x128xf32, #tpu.memory_space<vmem>>) dst(%dma_wait3A_441 : memref<10000x128xf32, #tpu.memory_space<vmem_shared>>)
        tpu.yield
      }) : () -> ()
      %add3A_429 = arith.constant 6 : i32
      %add3A_430 = arith.addi %add3A_425, %add3A_429 : i32
      %lt3A_431 = arith.constant 312 : i32
      %lt3A_432 = arith.cmpi slt, %add3A_430, %lt3A_431 : i32
      %convert_element_type3A_433 = arith.extui %lt3A_432 : i1 to i32
      %cond3A_434 = arith.constant 0 : i32
      %cond3A_435 = arith.cmpi ne, %convert_element_type3A_433, %cond3A_434 : i32
      scf.if %cond3A_435 {
        %add3A_436 = arith.constant 6 : i32
        %add3A_437 = arith.addi %add3A_425, %add3A_436 : i32
        %scan3A_438 = arith.constant 0 : i32
        %scan3A_439 = arith.constant 0 : i32
        %mul3A_440 = arith.constant 16 : i32
        %mul3A_441 = arith.muli %scan3A_439, %mul3A_440 : i32
        %mul3A_442 = arith.constant 32 : i32
        %mul3A_443 = arith.muli %add3A_437, %mul3A_442 : i32
        %add3A_444 = arith.addi %mul3A_443, %mul3A_441 : i32
        %get3A_445 = arith.index_cast %add3A_444 : i32 to index
        %get3A_446 = tpu.vector_load %arg7[%get3A_445] {strides = array<i32>} : memref<10000xi32, #tpu.memory_space<vmem>>, vector<16xi32>,
        %get3A_447 = vector.shape_cast %get3A_446 : vector<16xi32> to vector<16xi32>
        %swap3A_448 = arith.index_cast %mul3A_441 : i32 to index
        %swap3A_449 = tpu.vector_load %arg14[%swap3A_448] {strides = array<i32>} : memref<32xi32, #tpu.memory_space<vmem>>, vector<16xi32>,
        %swap3A_450 = vector.shape_cast %swap3A_449 : vector<16xi32> to vector<16xi32>
        %swap3A_451 = vector.shape_cast %get3A_447 : vector<16xi32> to vector<16xi32>
        tpu.vector_store %arg14[%swap3A_448], %swap3A_451 {strides = array<i32>} : memref<32xi32, #tpu.memory_space<vmem>>, vector<16xi32>,
        %mul3A_452 = arith.constant 32 : i32
        %mul3A_453 = arith.muli %add3A_437, %mul3A_452 : i32
        %add3A_454 = arith.addi %mul3A_453, %mul3A_441 : i32
        %get3A_455 = arith.index_cast %add3A_454 : i32 to index
        %get3A_456 = tpu.vector_load %arg8[%get3A_455] {strides = array<i32>} : memref<10000xi32, #tpu.memory_space<vmem>>, vector<16xi32>,
        %get3A_457 = vector.shape_cast %get3A_456 : vector<16xi32> to vector<16xi32>
        %swap3A_458 = arith.index_cast %mul3A_441 : i32 to index
        %swap3A_459 = tpu.vector_load %arg20[%swap3A_458] {strides = array<i32>} : memref<32xi32, #tpu.memory_space<vmem>>, vector<16xi32>,
        %swap3A_460 = vector.shape_cast %swap3A_459 : vector<16xi32> to vector<16xi32>
        %swap3A_461 = vector.shape_cast %get3A_457 : vector<16xi32> to vector<16xi32>
        tpu.vector_store %arg20[%swap3A_458], %swap3A_461 {strides = array<i32>} : memref<32xi32, #tpu.memory_space<vmem>>, vector<16xi32>,
        %scan3A_462 = arith.constant 0 : i32
        %scan3A_463 = arith.constant 1 : i32
        %mul3A_464 = arith.constant 16 : i32
        %mul3A_465 = arith.muli %scan3A_463, %mul3A_464 : i32
        %mul3A_466 = arith.constant 32 : i32
        %mul3A_467 = arith.muli %add3A_437, %mul3A_466 : i32
        %add3A_468 = arith.addi %mul3A_467, %mul3A_465 : i32
        %get3A_469 = arith.index_cast %add3A_468 : i32 to index
        %get3A_470 = tpu.vector_load %arg7[%get3A_469] {strides = array<i32>} : memref<10000xi32, #tpu.memory_space<vmem>>, vector<16xi32>,
        %get3A_471 = vector.shape_cast %get3A_470 : vector<16xi32> to vector<16xi32>
        %swap3A_472 = arith.index_cast %mul3A_465 : i32 to index
        %swap3A_473 = tpu.vector_load %arg14[%swap3A_472] {strides = array<i32>} : memref<32xi32, #tpu.memory_space<vmem>>, vector<16xi32>,
        %swap3A_474 = vector.shape_cast %swap3A_473 : vector<16xi32> to vector<16xi32>
        %swap3A_475 = vector.shape_cast %get3A_471 : vector<16xi32> to vector<16xi32>
        tpu.vector_store %arg14[%swap3A_472], %swap3A_475 {strides = array<i32>} : memref<32xi32, #tpu.memory_space<vmem>>, vector<16xi32>,
        %mul3A_476 = arith.constant 32 : i32
        %mul3A_477 = arith.muli %add3A_437, %mul3A_476 : i32
        %add3A_478 = arith.addi %mul3A_477, %mul3A_465 : i32
        %get3A_479 = arith.index_cast %add3A_478 : i32 to index
        %get3A_480 = tpu.vector_load %arg8[%get3A_479] {strides = array<i32>} : memref<10000xi32, #tpu.memory_space<vmem>>, vector<16xi32>,
        %get3A_481 = vector.shape_cast %get3A_480 : vector<16xi32> to vector<16xi32>
        %swap3A_482 = arith.index_cast %mul3A_465 : i32 to index
        %swap3A_483 = tpu.vector_load %arg20[%swap3A_482] {strides = array<i32>} : memref<32xi32, #tpu.memory_space<vmem>>, vector<16xi32>,
        %swap3A_484 = vector.shape_cast %swap3A_483 : vector<16xi32> to vector<16xi32>
        %swap3A_485 = vector.shape_cast %get3A_481 : vector<16xi32> to vector<16xi32>
        tpu.vector_store %arg20[%swap3A_482], %swap3A_485 {strides = array<i32>} : memref<32xi32, #tpu.memory_space<vmem>>, vector<16xi32>,
        %scan3A_486 = arith.constant 0 : i32
        %scan3A_487 = arith.constant 2 : i32
        %dma_start3A_488 = arith.constant 0 : i32
        %dma_start3A_489 = arith.constant 0 : i32
        %dma_start3A_490 = tpu.memref_slice %arg2[%dma_start3A_488, %dma_start3A_489] : memref<10000x128xf32, #tpu.memory_space<hbm>> -> memref<10000x128xf32, #tpu.memory_space<hbm>>
        tpu.enqueue_indirect_dma source(%dma_start3A_490 : memref<10000x128xf32, #tpu.memory_space<hbm>>) target(%arg26 : memref<32x128xf32, #tpu.memory_space<vmem>>) offsets(%arg14 : memref<32xi32, #tpu.memory_space<vmem>>) semaphore(%arg35 : memref<!tpu.dma_semaphore, #tpu.memory_space<semaphore_mem>>)
      } else {
      }
    }
    %scan3A_309 = arith.constant 52 : i32
    %scan3A_310 = arith.constant 0 : i32
    %scan3A_311 = arith.constant 0 : i32
    %mul3A_312 = arith.constant 16 : i32
    %mul3A_313 = arith.muli %scan3A_311, %mul3A_312 : i32
    %add3A_314 = arith.constant 9984 : i32
    %add3A_315 = arith.addi %add3A_314, %mul3A_313 : i32
    %get3A_316 = arith.index_cast %add3A_315 : i32 to index
    %get3A_317 = tpu.vector_load %arg7[%get3A_316] {strides = array<i32>} : memref<10000xi32, #tpu.memory_space<vmem>>, vector<16xi32>,
    %get3A_318 = vector.shape_cast %get3A_317 : vector<16xi32> to vector<16xi32>
    %swap3A_319 = arith.index_cast %mul3A_313 : i32 to index
    %swap3A_320 = tpu.vector_load %arg27[%swap3A_319] {strides = array<i32>} : memref<16xi32, #tpu.memory_space<vmem>>, vector<16xi32>,
    %swap3A_321 = vector.shape_cast %swap3A_320 : vector<16xi32> to vector<16xi32>
    %swap3A_322 = vector.shape_cast %get3A_318 : vector<16xi32> to vector<16xi32>
    tpu.vector_store %arg27[%swap3A_319], %swap3A_322 {strides = array<i32>} : memref<16xi32, #tpu.memory_space<vmem>>, vector<16xi32>,
    %add3A_323 = arith.constant 9984 : i32
    %add3A_324 = arith.addi %add3A_323, %mul3A_313 : i32
    %get3A_325 = arith.index_cast %add3A_324 : i32 to index
    %get3A_326 = tpu.vector_load %arg8[%get3A_325] {strides = array<i32>} : memref<10000xi32, #tpu.memory_space<vmem>>, vector<16xi32>,
    %get3A_327 = vector.shape_cast %get3A_326 : vector<16xi32> to vector<16xi32>
    %swap3A_328 = arith.index_cast %mul3A_313 : i32 to index
    %swap3A_329 = tpu.vector_load %arg28[%swap3A_328] {strides = array<i32>} : memref<16xi32, #tpu.memory_space<vmem>>, vector<16xi32>,
    %swap3A_330 = vector.shape_cast %swap3A_329 : vector<16xi32> to vector<16xi32>
    %swap3A_331 = vector.shape_cast %get3A_327 : vector<16xi32> to vector<16xi32>
    tpu.vector_store %arg28[%swap3A_328], %swap3A_331 {strides = array<i32>} : memref<16xi32, #tpu.memory_space<vmem>>, vector<16xi32>,
    %scan3A_332 = arith.constant 0 : i32
    %scan3A_333 = arith.constant 1 : i32
    %dma_start3A_334 = arith.constant 0 : i32
    %dma_start3A_335 = arith.constant 0 : i32
    %dma_start3A_336 = tpu.memref_slice %arg21[%dma_start3A_334, %dma_start3A_335] : memref<32x128xf32, #tpu.memory_space<vmem>> -> memref<16x128xf32, #tpu.memory_space<vmem>>
    %dma_start3A_337 = arith.constant 0 : i32
    %dma_start3A_338 = arith.constant 0 : i32
    %dma_start3A_339 = tpu.memref_slice %arg2[%dma_start3A_337, %dma_start3A_338] : memref<10000x128xf32, #tpu.memory_space<hbm>> -> memref<10000x128xf32, #tpu.memory_space<hbm>>
    tpu.enqueue_indirect_dma source(%dma_start3A_339 : memref<10000x128xf32, #tpu.memory_space<hbm>>) target(%dma_start3A_336 : memref<16x128xf32, #tpu.memory_space<vmem>>) offsets(%arg27 : memref<16xi32, #tpu.memory_space<vmem>>) semaphore(%arg30 : memref<!tpu.dma_semaphore, #tpu.memory_space<semaphore_mem>>)
    %dma_wait3A_340 = arith.constant 0 : i32
    %dma_wait3A_341 = arith.constant 0 : i32
    %dma_wait3A_342 = tpu.memref_slice %arg21[%dma_wait3A_340, %dma_wait3A_341] : memref<32x128xf32, #tpu.memory_space<vmem>> -> memref<16x128xf32, #tpu.memory_space<vmem>>
    %dma_wait3A_343 = arith.constant 0 : i32
    %dma_wait3A_344 = arith.constant 0 : i32
    %dma_wait3A_345 = tpu.memref_slice %arg2[%dma_wait3A_343, %dma_wait3A_344] : memref<10000x128xf32, #tpu.memory_space<hbm>> -> memref<10000x128xf32, #tpu.memory_space<hbm>>
    tpu.wait_indirect_dma semaphore(%arg30 : memref<!tpu.dma_semaphore, #tpu.memory_space<semaphore_mem>>) src(%dma_wait3A_345 : memref<10000x128xf32, #tpu.memory_space<hbm>>) dst(%dma_wait3A_342 : memref<16x128xf32, #tpu.memory_space<vmem>>)
    "tpu.region"() ({
      %run_scoped3A = tpu.sem_alloc : memref<!tpu.dma_semaphore, #tpu.memory_space<semaphore_mem>>
      %dma_start3A_352 = arith.constant 0 : i32
      %dma_start3A_353 = arith.constant 0 : i32
      %dma_start3A_354 = tpu.memref_slice %arg21[%dma_start3A_352, %dma_start3A_353] : memref<32x128xf32, #tpu.memory_space<vmem>> -> memref<16x128xf32, #tpu.memory_space<vmem>>
      %dma_start3A_355 = arith.constant 0 : i32
      %dma_start3A_356 = arith.constant 0 : i32
      %dma_start3A_357 = tpu.memref_slice %arg29[%dma_start3A_355, %dma_start3A_356] : memref<10000x128xf32, #tpu.memory_space<vmem_shared>> -> memref<10000x128xf32, #tpu.memory_space<vmem_shared>>
      tpu.enqueue_indirect_dma source(%dma_start3A_354 : memref<16x128xf32, #tpu.memory_space<vmem>>) target(%dma_start3A_357 : memref<10000x128xf32, #tpu.memory_space<vmem_shared>>) offsets(%arg28 : memref<16xi32, #tpu.memory_space<vmem>>) semaphore(%run_scoped3A : memref<!tpu.dma_semaphore, #tpu.memory_space<semaphore_mem>>) {add = true}
      %dma_wait3A_358 = arith.constant 0 : i32
      %dma_wait3A_359 = arith.constant 0 : i32
      %dma_wait3A_360 = tpu.memref_slice %arg21[%dma_wait3A_358, %dma_wait3A_359] : memref<32x128xf32, #tpu.memory_space<vmem>> -> memref<16x128xf32, #tpu.memory_space<vmem>>
      %dma_wait3A_361 = arith.constant 0 : i32
      %dma_wait3A_362 = arith.constant 0 : i32
      %dma_wait3A_363 = tpu.memref_slice %arg29[%dma_wait3A_361, %dma_wait3A_362] : memref<10000x128xf32, #tpu.memory_space<vmem_shared>> -> memref<10000x128xf32, #tpu.memory_space<vmem_shared>>
      tpu.wait_indirect_dma semaphore(%run_scoped3A : memref<!tpu.dma_semaphore, #tpu.memory_space<semaphore_mem>>) src(%dma_wait3A_360 : memref<16x128xf32, #tpu.memory_space<vmem>>) dst(%dma_wait3A_363 : memref<10000x128xf32, #tpu.memory_space<vmem_shared>>)
      tpu.yield
    }) : () -> ()
    %barrier3A_346 = arith.constant 0 : index
    tpu.barrier barrier_id(%barrier3A_346)
    "tpu.region"() ({
      %run_scoped3A = tpu.sem_alloc : memref<!tpu.dma_semaphore, #tpu.memory_space<semaphore_mem>>
      %dma_start3A_352 = arith.constant 0 : i32
      %dma_start3A_353 = tpu.memref_slice %arg6[%arg0, %mul3A_0, %dma_start3A_352] : memref<2x10000x128xf32, #tpu.memory_space<hbm>> -> memref<1x624x128xf32, #tpu.memory_space<hbm>>
      %dma_start3A_354 = tpu.memref_squeeze %dma_start3A_353 : memref<1x624x128xf32, #tpu.memory_space<hbm>> -> memref<624x128xf32, #tpu.memory_space<hbm>>
      %dma_start3A_355 = arith.constant 0 : i32
      %dma_start3A_356 = tpu.memref_slice %arg29[%mul3A_0, %dma_start3A_355] : memref<10000x128xf32, #tpu.memory_space<vmem_shared>> -> memref<624x128xf32, #tpu.memory_space<vmem_shared>>
      tpu.enqueue_dma source(%dma_start3A_356 : memref<624x128xf32, #tpu.memory_space<vmem_shared>>) target(%dma_start3A_354 : memref<624x128xf32, #tpu.memory_space<hbm>>) target_semaphore(%run_scoped3A : memref<!tpu.dma_semaphore, #tpu.memory_space<semaphore_mem>>)
      %dma_wait3A_357 = arith.constant 0 : i32
      %dma_wait3A_358 = tpu.memref_slice %arg6[%arg0, %mul3A_0, %dma_wait3A_357] : memref<2x10000x128xf32, #tpu.memory_space<hbm>> -> memref<1x624x128xf32, #tpu.memory_space<hbm>>
      %dma_wait3A_359 = tpu.memref_squeeze %dma_wait3A_358 : memref<1x624x128xf32, #tpu.memory_space<hbm>> -> memref<624x128xf32, #tpu.memory_space<hbm>>
      %dma_wait3A_360 = arith.constant 0 : i32
      %dma_wait3A_361 = tpu.memref_slice %arg29[%mul3A_0, %dma_wait3A_360] : memref<10000x128xf32, #tpu.memory_space<vmem_shared>> -> memref<624x128xf32, #tpu.memory_space<vmem_shared>>
      tpu.wait_dma2 semaphore(%run_scoped3A : memref<!tpu.dma_semaphore, #tpu.memory_space<semaphore_mem>>) src(%dma_wait3A_361 : memref<624x128xf32, #tpu.memory_space<vmem_shared>>) dst(%dma_wait3A_359 : memref<624x128xf32, #tpu.memory_space<hbm>>)
      tpu.yield
    }) : () -> ()
    %eq3A_347 = arith.constant 15 : i32
    %eq3A_348 = arith.cmpi eq, %arg1, %eq3A_347 : i32
    %convert_element_type3A_349 = arith.extui %eq3A_348 : i1 to i32
    %cond3A_350 = arith.constant 0 : i32
    %cond3A_351 = arith.cmpi ne, %convert_element_type3A_349, %cond3A_350 : i32
    scf.if %cond3A_351 {
      "tpu.region"() ({
        %run_scoped3A = tpu.sem_alloc : memref<!tpu.dma_semaphore, #tpu.memory_space<semaphore_mem>>
        %dma_start3A_352 = arith.constant 9984 : i32
        %dma_start3A_353 = arith.constant 0 : i32
        %dma_start3A_354 = tpu.memref_slice %arg6[%arg0, %dma_start3A_352, %dma_start3A_353] : memref<2x10000x128xf32, #tpu.memory_space<hbm>> -> memref<1x16x128xf32, #tpu.memory_space<hbm>>
        %dma_start3A_355 = tpu.memref_squeeze %dma_start3A_354 : memref<1x16x128xf32, #tpu.memory_space<hbm>> -> memref<16x128xf32, #tpu.memory_space<hbm>>
        %dma_start3A_356 = arith.constant 9984 : i32
        %dma_start3A_357 = arith.constant 0 : i32
        %dma_start3A_358 = tpu.memref_slice %arg29[%dma_start3A_356, %dma_start3A_357] : memref<10000x128xf32, #tpu.memory_space<vmem_shared>> -> memref<16x128xf32, #tpu.memory_space<vmem_shared>>
        tpu.enqueue_dma source(%dma_start3A_358 : memref<16x128xf32, #tpu.memory_space<vmem_shared>>) target(%dma_start3A_355 : memref<16x128xf32, #tpu.memory_space<hbm>>) target_semaphore(%run_scoped3A : memref<!tpu.dma_semaphore, #tpu.memory_space<semaphore_mem>>)
        %dma_wait3A_359 = arith.constant 9984 : i32
        %dma_wait3A_360 = arith.constant 0 : i32
        %dma_wait3A_361 = tpu.memref_slice %arg6[%arg0, %dma_wait3A_359, %dma_wait3A_360] : memref<2x10000x128xf32, #tpu.memory_space<hbm>> -> memref<1x16x128xf32, #tpu.memory_space<hbm>>
        %dma_wait3A_362 = tpu.memref_squeeze %dma_wait3A_361 : memref<1x16x128xf32, #tpu.memory_space<hbm>> -> memref<16x128xf32, #tpu.memory_space<hbm>>
        %dma_wait3A_363 = arith.constant 9984 : i32
        %dma_wait3A_364 = arith.constant 0 : i32
        %dma_wait3A_365 = tpu.memref_slice %arg29[%dma_wait3A_363, %dma_wait3A_364] : memref<10000x128xf32, #tpu.memory_space<vmem_shared>> -> memref<16x128xf32, #tpu.memory_space<vmem_shared>>
        tpu.wait_dma2 semaphore(%run_scoped3A : memref<!tpu.dma_semaphore, #tpu.memory_space<semaphore_mem>>) src(%dma_wait3A_365 : memref<16x128xf32, #tpu.memory_space<vmem_shared>>) dst(%dma_wait3A_362 : memref<16x128xf32, #tpu.memory_space<hbm>>)
        tpu.yield
      }) : () -> ()
    } else {
    }
    return
  }
}

#map = affine_map<(d0, d1) -> (0, 0)>
#map1 = affine_map<(d0, d1) -> (0)>
#map2 = affine_map<(d0, d1) -> (0, 0, 0)>
module attributes {stable_mosaic.version = 14 : i64} {
  func.func @segsum(%arg0: i32, %arg1: i32, %arg2: memref<10000x128xf32, #tpu.memory_space<hbm>>, %arg3: memref<320000xi32, #tpu.memory_space<hbm>>, %arg4: memref<320000xi32, #tpu.memory_space<hbm>>, %arg5: memref<10000x128xf32, #tpu.memory_space<hbm>>, %arg6: memref<2x10000x128xf32, #tpu.memory_space<hbm>>, %arg7: memref<10000xi32, #tpu.memory_space<vmem>>, %arg8: memref<10000xi32, #tpu.memory_space<vmem>>, %arg9: memref<32xi32, #tpu.memory_space<vmem>>, %arg10: memref<32xi32, #tpu.memory_space<vmem>>, %arg11: memref<32xi32, #tpu.memory_space<vmem>>, %arg12: memref<32xi32, #tpu.memory_space<vmem>>, %arg13: memref<32xi32, #tpu.memory_space<vmem>>, %arg14: memref<32xi32, #tpu.memory_space<vmem>>, %arg15: memref<32xi32, #tpu.memory_space<vmem>>, %arg16: memref<32xi32, #tpu.memory_space<vmem>>, %arg17: memref<32xi32, #tpu.memory_space<vmem>>, %arg18: memref<32xi32, #tpu.memory_space<vmem>>, %arg19: memref<32xi32, #tpu.memory_space<vmem>>, %arg20: memref<32xi32, #tpu.memory_space<vmem>>, %arg21: memref<32x128xf32, #tpu.memory_space<vmem>>, %arg22: memref<32x128xf32, #tpu.memory_space<vmem>>, %arg23: memref<32x128xf32, #tpu.memory_space<vmem>>, %arg24: memref<32x128xf32, #tpu.memory_space<vmem>>, %arg25: memref<32x128xf32, #tpu.memory_space<vmem>>, %arg26: memref<32x128xf32, #tpu.memory_space<vmem>>, %arg27: memref<16xi32, #tpu.memory_space<vmem>>, %arg28: memref<16xi32, #tpu.memory_space<vmem>>, %arg29: memref<10000x128xf32, #tpu.memory_space<vmem_shared>>, %arg30: memref<!tpu.dma_semaphore, #tpu.memory_space<semaphore_mem>>, %arg31: memref<!tpu.dma_semaphore, #tpu.memory_space<semaphore_mem>>, %arg32: memref<!tpu.dma_semaphore, #tpu.memory_space<semaphore_mem>>, %arg33: memref<!tpu.dma_semaphore, #tpu.memory_space<semaphore_mem>>, %arg34: memref<!tpu.dma_semaphore, #tpu.memory_space<semaphore_mem>>, %arg35: memref<!tpu.dma_semaphore, #tpu.memory_space<semaphore_mem>>, %arg36: memref<!tpu.dma_semaphore, #tpu.memory_space<semaphore_mem>>) attributes {dimension_semantics = [#tpu.dimension_semantics<core_parallel>, #tpu.dimension_semantics<subcore_parallel>], iteration_bounds = array<i64: 2, 16>, scalar_prefetch = 0 : i64, scratch_operands = 30 : i64, tpu.core_type = #tpu.core_type<sc_vector_subcore>, window_params = [{transform_indices = #map}, {transform_indices = #map1}, {transform_indices = #map1}, {transform_indices = #map}, {transform_indices = #map2}]} {
    %mul3A = arith.constant 624 : i32
    %mul3A_0 = arith.muli %arg1, %mul3A : i32
    %mul3A_1 = arith.constant 160000 : i32
    %mul3A_2 = arith.muli %arg0, %mul3A_1 : i32
    %mul3A_3 = arith.constant 10000 : i32
    %mul3A_4 = arith.muli %arg1, %mul3A_3 : i32
    %add3A = arith.addi %mul3A_2, %mul3A_4 : i32
    %dma_start3A = tpu.memref_slice %arg3[%add3A] : memref<320000xi32, #tpu.memory_space<hbm>> -> memref<10000xi32, #tpu.memory_space<hbm>>
    %dma_start3A_5 = tpu.memref_slice %arg3[%add3A] : memref<320000xi32, #tpu.memory_space<hbm>> -> memref<10000xi32, #tpu.memory_space<hbm>>
    tpu.enqueue_dma source(%dma_start3A_5 : memref<10000xi32, #tpu.memory_space<hbm>>) target(%arg7 : memref<10000xi32, #tpu.memory_space<vmem>>) target_semaphore(%arg36 : memref<!tpu.dma_semaphore, #tpu.memory_space<semaphore_mem>>)
    %dma_start3A_6 = tpu.memref_slice %arg4[%add3A] : memref<320000xi32, #tpu.memory_space<hbm>> -> memref<10000xi32, #tpu.memory_space<hbm>>
    %dma_start3A_7 = tpu.memref_slice %arg4[%add3A] : memref<320000xi32, #tpu.memory_space<hbm>> -> memref<10000xi32, #tpu.memory_space<hbm>>
    tpu.enqueue_dma source(%dma_start3A_7 : memref<10000xi32, #tpu.memory_space<hbm>>) target(%arg8 : memref<10000xi32, #tpu.memory_space<vmem>>) target_semaphore(%arg36 : memref<!tpu.dma_semaphore, #tpu.memory_space<semaphore_mem>>)
    "tpu.region"() ({
      %run_scoped3A = tpu.sem_alloc : memref<!tpu.dma_semaphore, #tpu.memory_space<semaphore_mem>>
      %dma_start3A_352 = arith.constant 0 : i32
      %dma_start3A_353 = tpu.memref_slice %arg29[%mul3A_0, %dma_start3A_352] : memref<10000x128xf32, #tpu.memory_space<vmem_shared>> -> memref<624x128xf32, #tpu.memory_space<vmem_shared>>
      %dma_start3A_354 = arith.constant 0 : i32
      %dma_start3A_355 = tpu.memref_slice %arg5[%mul3A_0, %dma_start3A_354] : memref<10000x128xf32, #tpu.memory_space<hbm>> -> memref<624x128xf32, #tpu.memory_space<hbm>>
      tpu.enqueue_dma source(%dma_start3A_355 : memref<624x128xf32, #tpu.memory_space<hbm>>) target(%dma_start3A_353 : memref<624x128xf32, #tpu.memory_space<vmem_shared>>) target_semaphore(%run_scoped3A : memref<!tpu.dma_semaphore, #tpu.memory_space<semaphore_mem>>)
      %dma_wait3A_356 = arith.constant 0 : i32
      %dma_wait3A_357 = tpu.memref_slice %arg29[%mul3A_0, %dma_wait3A_356] : memref<10000x128xf32, #tpu.memory_space<vmem_shared>> -> memref<624x128xf32, #tpu.memory_space<vmem_shared>>
      %dma_wait3A_358 = arith.constant 0 : i32
      %dma_wait3A_359 = tpu.memref_slice %arg5[%mul3A_0, %dma_wait3A_358] : memref<10000x128xf32, #tpu.memory_space<hbm>> -> memref<624x128xf32, #tpu.memory_space<hbm>>
      tpu.wait_dma2 semaphore(%run_scoped3A : memref<!tpu.dma_semaphore, #tpu.memory_space<semaphore_mem>>) src(%dma_wait3A_359 : memref<624x128xf32, #tpu.memory_space<hbm>>) dst(%dma_wait3A_357 : memref<624x128xf32, #tpu.memory_space<vmem_shared>>)
      tpu.yield
    }) : () -> ()
    %eq3A = arith.constant 15 : i32
    %eq3A_8 = arith.cmpi eq, %arg1, %eq3A : i32
    %convert_element_type3A = arith.extui %eq3A_8 : i1 to i32
    %cond3A = arith.constant 0 : i32
    %cond3A_9 = arith.cmpi ne, %convert_element_type3A, %cond3A : i32
    scf.if %cond3A_9 {
      "tpu.region"() ({
        %run_scoped3A = tpu.sem_alloc : memref<!tpu.dma_semaphore, #tpu.memory_space<semaphore_mem>>
        %dma_start3A_352 = arith.constant 9984 : i32
        %dma_start3A_353 = arith.constant 0 : i32
        %dma_start3A_354 = tpu.memref_slice %arg29[%dma_start3A_352, %dma_start3A_353] : memref<10000x128xf32, #tpu.memory_space<vmem_shared>> -> memref<16x128xf32, #tpu.memory_space<vmem_shared>>
        %dma_start3A_355 = arith.constant 9984 : i32
        %dma_start3A_356 = arith.constant 0 : i32
        %dma_start3A_357 = tpu.memref_slice %arg5[%dma_start3A_355, %dma_start3A_356] : memref<10000x128xf32, #tpu.memory_space<hbm>> -> memref<16x128xf32, #tpu.memory_space<hbm>>
        tpu.enqueue_dma source(%dma_start3A_357 : memref<16x128xf32, #tpu.memory_space<hbm>>) target(%dma_start3A_354 : memref<16x128xf32, #tpu.memory_space<vmem_shared>>) target_semaphore(%run_scoped3A : memref<!tpu.dma_semaphore, #tpu.memory_space<semaphore_mem>>)
        %dma_wait3A_358 = arith.constant 9984 : i32
        %dma_wait3A_359 = arith.constant 0 : i32
        %dma_wait3A_360 = tpu.memref_slice %arg29[%dma_wait3A_358, %dma_wait3A_359] : memref<10000x128xf32, #tpu.memory_space<vmem_shared>> -> memref<16x128xf32, #tpu.memory_space<vmem_shared>>
        %dma_wait3A_361 = arith.constant 9984 : i32
        %dma_wait3A_362 = arith.constant 0 : i32
        %dma_wait3A_363 = tpu.memref_slice %arg5[%dma_wait3A_361, %dma_wait3A_362] : memref<10000x128xf32, #tpu.memory_space<hbm>> -> memref<16x128xf32, #tpu.memory_space<hbm>>
        tpu.wait_dma2 semaphore(%run_scoped3A : memref<!tpu.dma_semaphore, #tpu.memory_space<semaphore_mem>>) src(%dma_wait3A_363 : memref<16x128xf32, #tpu.memory_space<hbm>>) dst(%dma_wait3A_360 : memref<16x128xf32, #tpu.memory_space<vmem_shared>>)
        tpu.yield
      }) : () -> ()
    } else {
    }
    %dma_wait3A = tpu.memref_slice %arg3[%add3A] : memref<320000xi32, #tpu.memory_space<hbm>> -> memref<10000xi32, #tpu.memory_space<hbm>>
    %dma_wait3A_10 = tpu.memref_slice %arg3[%add3A] : memref<320000xi32, #tpu.memory_space<hbm>> -> memref<10000xi32, #tpu.memory_space<hbm>>
    tpu.wait_dma2 semaphore(%arg36 : memref<!tpu.dma_semaphore, #tpu.memory_space<semaphore_mem>>) src(%dma_wait3A_10 : memref<10000xi32, #tpu.memory_space<hbm>>) dst(%arg7 : memref<10000xi32, #tpu.memory_space<vmem>>)
    %dma_wait3A_11 = tpu.memref_slice %arg4[%add3A] : memref<320000xi32, #tpu.memory_space<hbm>> -> memref<10000xi32, #tpu.memory_space<hbm>>
    %dma_wait3A_12 = tpu.memref_slice %arg4[%add3A] : memref<320000xi32, #tpu.memory_space<hbm>> -> memref<10000xi32, #tpu.memory_space<hbm>>
    tpu.wait_dma2 semaphore(%arg36 : memref<!tpu.dma_semaphore, #tpu.memory_space<semaphore_mem>>) src(%dma_wait3A_12 : memref<10000xi32, #tpu.memory_space<hbm>>) dst(%arg8 : memref<10000xi32, #tpu.memory_space<vmem>>)
    %barrier3A = arith.constant 0 : index
    tpu.barrier barrier_id(%barrier3A)
    %scan3A = arith.constant 0 : i32
    %scan3A_13 = arith.constant 0 : i32
    %mul3A_14 = arith.constant 16 : i32
    %mul3A_15 = arith.muli %scan3A_13, %mul3A_14 : i32
    %add3A_16 = arith.constant 0 : i32
    %add3A_17 = arith.addi %add3A_16, %mul3A_15 : i32
    %get3A = arith.index_cast %add3A_17 : i32 to index
    %get3A_18 = tpu.vector_load %arg7[%get3A] {strides = array<i32>} : memref<10000xi32, #tpu.memory_space<vmem>>, vector<16xi32>,
    %get3A_19 = vector.shape_cast %get3A_18 : vector<16xi32> to vector<16xi32>
    %swap3A = arith.index_cast %mul3A_15 : i32 to index
    %swap3A_20 = tpu.vector_load %arg9[%swap3A] {strides = array<i32>} : memref<32xi32, #tpu.memory_space<vmem>>, vector<16xi32>,
    %swap3A_21 = vector.shape_cast %swap3A_20 : vector<16xi32> to vector<16xi32>
    %swap3A_22 = vector.shape_cast %get3A_19 : vector<16xi32> to vector<16xi32>
    tpu.vector_store %arg9[%swap3A], %swap3A_22 {strides = array<i32>} : memref<32xi32, #tpu.memory_space<vmem>>, vector<16xi32>,
    %add3A_23 = arith.constant 0 : i32
    %add3A_24 = arith.addi %add3A_23, %mul3A_15 : i32
    %get3A_25 = arith.index_cast %add3A_24 : i32 to index
    %get3A_26 = tpu.vector_load %arg8[%get3A_25] {strides = array<i32>} : memref<10000xi32, #tpu.memory_space<vmem>>, vector<16xi32>,
    %get3A_27 = vector.shape_cast %get3A_26 : vector<16xi32> to vector<16xi32>
    %swap3A_28 = arith.index_cast %mul3A_15 : i32 to index
    %swap3A_29 = tpu.vector_load %arg15[%swap3A_28] {strides = array<i32>} : memref<32xi32, #tpu.memory_space<vmem>>, vector<16xi32>,
    %swap3A_30 = vector.shape_cast %swap3A_29 : vector<16xi32> to vector<16xi32>
    %swap3A_31 = vector.shape_cast %get3A_27 : vector<16xi32> to vector<16xi32>
    tpu.vector_store %arg15[%swap3A_28], %swap3A_31 {strides = array<i32>} : memref<32xi32, #tpu.memory_space<vmem>>, vector<16xi32>,
    %scan3A_32 = arith.constant 0 : i32
    %scan3A_33 = arith.constant 1 : i32
    %mul3A_34 = arith.constant 16 : i32
    %mul3A_35 = arith.muli %scan3A_33, %mul3A_34 : i32
    %add3A_36 = arith.constant 0 : i32
    %add3A_37 = arith.addi %add3A_36, %mul3A_35 : i32
    %get3A_38 = arith.index_cast %add3A_37 : i32 to index
    %get3A_39 = tpu.vector_load %arg7[%get3A_38] {strides = array<i32>} : memref<10000xi32, #tpu.memory_space<vmem>>, vector<16xi32>,
    %get3A_40 = vector.shape_cast %get3A_39 : vector<16xi32> to vector<16xi32>
    %swap3A_41 = arith.index_cast %mul3A_35 : i32 to index
    %swap3A_42 = tpu.vector_load %arg9[%swap3A_41] {strides = array<i32>} : memref<32xi32, #tpu.memory_space<vmem>>, vector<16xi32>,
    %swap3A_43 = vector.shape_cast %swap3A_42 : vector<16xi32> to vector<16xi32>
    %swap3A_44 = vector.shape_cast %get3A_40 : vector<16xi32> to vector<16xi32>
    tpu.vector_store %arg9[%swap3A_41], %swap3A_44 {strides = array<i32>} : memref<32xi32, #tpu.memory_space<vmem>>, vector<16xi32>,
    %add3A_45 = arith.constant 0 : i32
    %add3A_46 = arith.addi %add3A_45, %mul3A_35 : i32
    %get3A_47 = arith.index_cast %add3A_46 : i32 to index
    %get3A_48 = tpu.vector_load %arg8[%get3A_47] {strides = array<i32>} : memref<10000xi32, #tpu.memory_space<vmem>>, vector<16xi32>,
    %get3A_49 = vector.shape_cast %get3A_48 : vector<16xi32> to vector<16xi32>
    %swap3A_50 = arith.index_cast %mul3A_35 : i32 to index
    %swap3A_51 = tpu.vector_load %arg15[%swap3A_50] {strides = array<i32>} : memref<32xi32, #tpu.memory_space<vmem>>, vector<16xi32>,
    %swap3A_52 = vector.shape_cast %swap3A_51 : vector<16xi32> to vector<16xi32>
    %swap3A_53 = vector.shape_cast %get3A_49 : vector<16xi32> to vector<16xi32>
    tpu.vector_store %arg15[%swap3A_50], %swap3A_53 {strides = array<i32>} : memref<32xi32, #tpu.memory_space<vmem>>, vector<16xi32>,
    %scan3A_54 = arith.constant 0 : i32
    %scan3A_55 = arith.constant 2 : i32
    %dma_start3A_56 = arith.constant 0 : i32
    %dma_start3A_57 = arith.constant 0 : i32
    %dma_start3A_58 = tpu.memref_slice %arg2[%dma_start3A_56, %dma_start3A_57] : memref<10000x128xf32, #tpu.memory_space<hbm>> -> memref<10000x128xf32, #tpu.memory_space<hbm>>
    tpu.enqueue_indirect_dma source(%dma_start3A_58 : memref<10000x128xf32, #tpu.memory_space<hbm>>) target(%arg21 : memref<32x128xf32, #tpu.memory_space<vmem>>) offsets(%arg9 : memref<32xi32, #tpu.memory_space<vmem>>) semaphore(%arg30 : memref<!tpu.dma_semaphore, #tpu.memory_space<semaphore_mem>>)
    %scan3A_59 = arith.constant 0 : i32
    %scan3A_60 = arith.constant 0 : i32
    %mul3A_61 = arith.constant 16 : i32
    %mul3A_62 = arith.muli %scan3A_60, %mul3A_61 : i32
    %add3A_63 = arith.constant 32 : i32
    %add3A_64 = arith.addi %add3A_63, %mul3A_62 : i32
    %get3A_65 = arith.index_cast %add3A_64 : i32 to index
    %get3A_66 = tpu.vector_load %arg7[%get3A_65] {strides = array<i32>} : memref<10000xi32, #tpu.memory_space<vmem>>, vector<16xi32>,
    %get3A_67 = vector.shape_cast %get3A_66 : vector<16xi32> to vector<16xi32>
    %swap3A_68 = arith.index_cast %mul3A_62 : i32 to index
    %swap3A_69 = tpu.vector_load %arg10[%swap3A_68] {strides = array<i32>} : memref<32xi32, #tpu.memory_space<vmem>>, vector<16xi32>,
    %swap3A_70 = vector.shape_cast %swap3A_69 : vector<16xi32> to vector<16xi32>
    %swap3A_71 = vector.shape_cast %get3A_67 : vector<16xi32> to vector<16xi32>
    tpu.vector_store %arg10[%swap3A_68], %swap3A_71 {strides = array<i32>} : memref<32xi32, #tpu.memory_space<vmem>>, vector<16xi32>,
    %add3A_72 = arith.constant 32 : i32
    %add3A_73 = arith.addi %add3A_72, %mul3A_62 : i32
    %get3A_74 = arith.index_cast %add3A_73 : i32 to index
    %get3A_75 = tpu.vector_load %arg8[%get3A_74] {strides = array<i32>} : memref<10000xi32, #tpu.memory_space<vmem>>, vector<16xi32>,
    %get3A_76 = vector.shape_cast %get3A_75 : vector<16xi32> to vector<16xi32>
    %swap3A_77 = arith.index_cast %mul3A_62 : i32 to index
    %swap3A_78 = tpu.vector_load %arg16[%swap3A_77] {strides = array<i32>} : memref<32xi32, #tpu.memory_space<vmem>>, vector<16xi32>,
    %swap3A_79 = vector.shape_cast %swap3A_78 : vector<16xi32> to vector<16xi32>
    %swap3A_80 = vector.shape_cast %get3A_76 : vector<16xi32> to vector<16xi32>
    tpu.vector_store %arg16[%swap3A_77], %swap3A_80 {strides = array<i32>} : memref<32xi32, #tpu.memory_space<vmem>>, vector<16xi32>,
    %scan3A_81 = arith.constant 0 : i32
    %scan3A_82 = arith.constant 1 : i32
    %mul3A_83 = arith.constant 16 : i32
    %mul3A_84 = arith.muli %scan3A_82, %mul3A_83 : i32
    %add3A_85 = arith.constant 32 : i32
    %add3A_86 = arith.addi %add3A_85, %mul3A_84 : i32
    %get3A_87 = arith.index_cast %add3A_86 : i32 to index
    %get3A_88 = tpu.vector_load %arg7[%get3A_87] {strides = array<i32>} : memref<10000xi32, #tpu.memory_space<vmem>>, vector<16xi32>,
    %get3A_89 = vector.shape_cast %get3A_88 : vector<16xi32> to vector<16xi32>
    %swap3A_90 = arith.index_cast %mul3A_84 : i32 to index
    %swap3A_91 = tpu.vector_load %arg10[%swap3A_90] {strides = array<i32>} : memref<32xi32, #tpu.memory_space<vmem>>, vector<16xi32>,
    %swap3A_92 = vector.shape_cast %swap3A_91 : vector<16xi32> to vector<16xi32>
    %swap3A_93 = vector.shape_cast %get3A_89 : vector<16xi32> to vector<16xi32>
    tpu.vector_store %arg10[%swap3A_90], %swap3A_93 {strides = array<i32>} : memref<32xi32, #tpu.memory_space<vmem>>, vector<16xi32>,
    %add3A_94 = arith.constant 32 : i32
    %add3A_95 = arith.addi %add3A_94, %mul3A_84 : i32
    %get3A_96 = arith.index_cast %add3A_95 : i32 to index
    %get3A_97 = tpu.vector_load %arg8[%get3A_96] {strides = array<i32>} : memref<10000xi32, #tpu.memory_space<vmem>>, vector<16xi32>,
    %get3A_98 = vector.shape_cast %get3A_97 : vector<16xi32> to vector<16xi32>
    %swap3A_99 = arith.index_cast %mul3A_84 : i32 to index
    %swap3A_100 = tpu.vector_load %arg16[%swap3A_99] {strides = array<i32>} : memref<32xi32, #tpu.memory_space<vmem>>, vector<16xi32>,
    %swap3A_101 = vector.shape_cast %swap3A_100 : vector<16xi32> to vector<16xi32>
    %swap3A_102 = vector.shape_cast %get3A_98 : vector<16xi32> to vector<16xi32>
    tpu.vector_store %arg16[%swap3A_99], %swap3A_102 {strides = array<i32>} : memref<32xi32, #tpu.memory_space<vmem>>, vector<16xi32>,
    %scan3A_103 = arith.constant 0 : i32
    %scan3A_104 = arith.constant 2 : i32
    %dma_start3A_105 = arith.constant 0 : i32
    %dma_start3A_106 = arith.constant 0 : i32
    %dma_start3A_107 = tpu.memref_slice %arg2[%dma_start3A_105, %dma_start3A_106] : memref<10000x128xf32, #tpu.memory_space<hbm>> -> memref<10000x128xf32, #tpu.memory_space<hbm>>
    tpu.enqueue_indirect_dma source(%dma_start3A_107 : memref<10000x128xf32, #tpu.memory_space<hbm>>) target(%arg22 : memref<32x128xf32, #tpu.memory_space<vmem>>) offsets(%arg10 : memref<32xi32, #tpu.memory_space<vmem>>) semaphore(%arg31 : memref<!tpu.dma_semaphore, #tpu.memory_space<semaphore_mem>>)
    %scan3A_108 = arith.constant 0 : i32
    %scan3A_109 = arith.constant 0 : i32
    %mul3A_110 = arith.constant 16 : i32
    %mul3A_111 = arith.muli %scan3A_109, %mul3A_110 : i32
    %add3A_112 = arith.constant 64 : i32
    %add3A_113 = arith.addi %add3A_112, %mul3A_111 : i32
    %get3A_114 = arith.index_cast %add3A_113 : i32 to index
    %get3A_115 = tpu.vector_load %arg7[%get3A_114] {strides = array<i32>} : memref<10000xi32, #tpu.memory_space<vmem>>, vector<16xi32>,
    %get3A_116 = vector.shape_cast %get3A_115 : vector<16xi32> to vector<16xi32>
    %swap3A_117 = arith.index_cast %mul3A_111 : i32 to index
    %swap3A_118 = tpu.vector_load %arg11[%swap3A_117] {strides = array<i32>} : memref<32xi32, #tpu.memory_space<vmem>>, vector<16xi32>,
    %swap3A_119 = vector.shape_cast %swap3A_118 : vector<16xi32> to vector<16xi32>
    %swap3A_120 = vector.shape_cast %get3A_116 : vector<16xi32> to vector<16xi32>
    tpu.vector_store %arg11[%swap3A_117], %swap3A_120 {strides = array<i32>} : memref<32xi32, #tpu.memory_space<vmem>>, vector<16xi32>,
    %add3A_121 = arith.constant 64 : i32
    %add3A_122 = arith.addi %add3A_121, %mul3A_111 : i32
    %get3A_123 = arith.index_cast %add3A_122 : i32 to index
    %get3A_124 = tpu.vector_load %arg8[%get3A_123] {strides = array<i32>} : memref<10000xi32, #tpu.memory_space<vmem>>, vector<16xi32>,
    %get3A_125 = vector.shape_cast %get3A_124 : vector<16xi32> to vector<16xi32>
    %swap3A_126 = arith.index_cast %mul3A_111 : i32 to index
    %swap3A_127 = tpu.vector_load %arg17[%swap3A_126] {strides = array<i32>} : memref<32xi32, #tpu.memory_space<vmem>>, vector<16xi32>,
    %swap3A_128 = vector.shape_cast %swap3A_127 : vector<16xi32> to vector<16xi32>
    %swap3A_129 = vector.shape_cast %get3A_125 : vector<16xi32> to vector<16xi32>
    tpu.vector_store %arg17[%swap3A_126], %swap3A_129 {strides = array<i32>} : memref<32xi32, #tpu.memory_space<vmem>>, vector<16xi32>,
    %scan3A_130 = arith.constant 0 : i32
    %scan3A_131 = arith.constant 1 : i32
    %mul3A_132 = arith.constant 16 : i32
    %mul3A_133 = arith.muli %scan3A_131, %mul3A_132 : i32
    %add3A_134 = arith.constant 64 : i32
    %add3A_135 = arith.addi %add3A_134, %mul3A_133 : i32
    %get3A_136 = arith.index_cast %add3A_135 : i32 to index
    %get3A_137 = tpu.vector_load %arg7[%get3A_136] {strides = array<i32>} : memref<10000xi32, #tpu.memory_space<vmem>>, vector<16xi32>,
    %get3A_138 = vector.shape_cast %get3A_137 : vector<16xi32> to vector<16xi32>
    %swap3A_139 = arith.index_cast %mul3A_133 : i32 to index
    %swap3A_140 = tpu.vector_load %arg11[%swap3A_139] {strides = array<i32>} : memref<32xi32, #tpu.memory_space<vmem>>, vector<16xi32>,
    %swap3A_141 = vector.shape_cast %swap3A_140 : vector<16xi32> to vector<16xi32>
    %swap3A_142 = vector.shape_cast %get3A_138 : vector<16xi32> to vector<16xi32>
    tpu.vector_store %arg11[%swap3A_139], %swap3A_142 {strides = array<i32>} : memref<32xi32, #tpu.memory_space<vmem>>, vector<16xi32>,
    %add3A_143 = arith.constant 64 : i32
    %add3A_144 = arith.addi %add3A_143, %mul3A_133 : i32
    %get3A_145 = arith.index_cast %add3A_144 : i32 to index
    %get3A_146 = tpu.vector_load %arg8[%get3A_145] {strides = array<i32>} : memref<10000xi32, #tpu.memory_space<vmem>>, vector<16xi32>,
    %get3A_147 = vector.shape_cast %get3A_146 : vector<16xi32> to vector<16xi32>
    %swap3A_148 = arith.index_cast %mul3A_133 : i32 to index
    %swap3A_149 = tpu.vector_load %arg17[%swap3A_148] {strides = array<i32>} : memref<32xi32, #tpu.memory_space<vmem>>, vector<16xi32>,
    %swap3A_150 = vector.shape_cast %swap3A_149 : vector<16xi32> to vector<16xi32>
    %swap3A_151 = vector.shape_cast %get3A_147 : vector<16xi32> to vector<16xi32>
    tpu.vector_store %arg17[%swap3A_148], %swap3A_151 {strides = array<i32>} : memref<32xi32, #tpu.memory_space<vmem>>, vector<16xi32>,
    %scan3A_152 = arith.constant 0 : i32
    %scan3A_153 = arith.constant 2 : i32
    %dma_start3A_154 = arith.constant 0 : i32
    %dma_start3A_155 = arith.constant 0 : i32
    %dma_start3A_156 = tpu.memref_slice %arg2[%dma_start3A_154, %dma_start3A_155] : memref<10000x128xf32, #tpu.memory_space<hbm>> -> memref<10000x128xf32, #tpu.memory_space<hbm>>
    tpu.enqueue_indirect_dma source(%dma_start3A_156 : memref<10000x128xf32, #tpu.memory_space<hbm>>) target(%arg23 : memref<32x128xf32, #tpu.memory_space<vmem>>) offsets(%arg11 : memref<32xi32, #tpu.memory_space<vmem>>) semaphore(%arg32 : memref<!tpu.dma_semaphore, #tpu.memory_space<semaphore_mem>>)
    %scan3A_157 = arith.constant 0 : i32
    %scan3A_158 = arith.constant 0 : i32
    %mul3A_159 = arith.constant 16 : i32
    %mul3A_160 = arith.muli %scan3A_158, %mul3A_159 : i32
    %add3A_161 = arith.constant 96 : i32
    %add3A_162 = arith.addi %add3A_161, %mul3A_160 : i32
    %get3A_163 = arith.index_cast %add3A_162 : i32 to index
    %get3A_164 = tpu.vector_load %arg7[%get3A_163] {strides = array<i32>} : memref<10000xi32, #tpu.memory_space<vmem>>, vector<16xi32>,
    %get3A_165 = vector.shape_cast %get3A_164 : vector<16xi32> to vector<16xi32>
    %swap3A_166 = arith.index_cast %mul3A_160 : i32 to index
    %swap3A_167 = tpu.vector_load %arg12[%swap3A_166] {strides = array<i32>} : memref<32xi32, #tpu.memory_space<vmem>>, vector<16xi32>,
    %swap3A_168 = vector.shape_cast %swap3A_167 : vector<16xi32> to vector<16xi32>
    %swap3A_169 = vector.shape_cast %get3A_165 : vector<16xi32> to vector<16xi32>
    tpu.vector_store %arg12[%swap3A_166], %swap3A_169 {strides = array<i32>} : memref<32xi32, #tpu.memory_space<vmem>>, vector<16xi32>,
    %add3A_170 = arith.constant 96 : i32
    %add3A_171 = arith.addi %add3A_170, %mul3A_160 : i32
    %get3A_172 = arith.index_cast %add3A_171 : i32 to index
    %get3A_173 = tpu.vector_load %arg8[%get3A_172] {strides = array<i32>} : memref<10000xi32, #tpu.memory_space<vmem>>, vector<16xi32>,
    %get3A_174 = vector.shape_cast %get3A_173 : vector<16xi32> to vector<16xi32>
    %swap3A_175 = arith.index_cast %mul3A_160 : i32 to index
    %swap3A_176 = tpu.vector_load %arg18[%swap3A_175] {strides = array<i32>} : memref<32xi32, #tpu.memory_space<vmem>>, vector<16xi32>,
    %swap3A_177 = vector.shape_cast %swap3A_176 : vector<16xi32> to vector<16xi32>
    %swap3A_178 = vector.shape_cast %get3A_174 : vector<16xi32> to vector<16xi32>
    tpu.vector_store %arg18[%swap3A_175], %swap3A_178 {strides = array<i32>} : memref<32xi32, #tpu.memory_space<vmem>>, vector<16xi32>,
    %scan3A_179 = arith.constant 0 : i32
    %scan3A_180 = arith.constant 1 : i32
    %mul3A_181 = arith.constant 16 : i32
    %mul3A_182 = arith.muli %scan3A_180, %mul3A_181 : i32
    %add3A_183 = arith.constant 96 : i32
    %add3A_184 = arith.addi %add3A_183, %mul3A_182 : i32
    %get3A_185 = arith.index_cast %add3A_184 : i32 to index
    %get3A_186 = tpu.vector_load %arg7[%get3A_185] {strides = array<i32>} : memref<10000xi32, #tpu.memory_space<vmem>>, vector<16xi32>,
    %get3A_187 = vector.shape_cast %get3A_186 : vector<16xi32> to vector<16xi32>
    %swap3A_188 = arith.index_cast %mul3A_182 : i32 to index
    %swap3A_189 = tpu.vector_load %arg12[%swap3A_188] {strides = array<i32>} : memref<32xi32, #tpu.memory_space<vmem>>, vector<16xi32>,
    %swap3A_190 = vector.shape_cast %swap3A_189 : vector<16xi32> to vector<16xi32>
    %swap3A_191 = vector.shape_cast %get3A_187 : vector<16xi32> to vector<16xi32>
    tpu.vector_store %arg12[%swap3A_188], %swap3A_191 {strides = array<i32>} : memref<32xi32, #tpu.memory_space<vmem>>, vector<16xi32>,
    %add3A_192 = arith.constant 96 : i32
    %add3A_193 = arith.addi %add3A_192, %mul3A_182 : i32
    %get3A_194 = arith.index_cast %add3A_193 : i32 to index
    %get3A_195 = tpu.vector_load %arg8[%get3A_194] {strides = array<i32>} : memref<10000xi32, #tpu.memory_space<vmem>>, vector<16xi32>,
    %get3A_196 = vector.shape_cast %get3A_195 : vector<16xi32> to vector<16xi32>
    %swap3A_197 = arith.index_cast %mul3A_182 : i32 to index
    %swap3A_198 = tpu.vector_load %arg18[%swap3A_197] {strides = array<i32>} : memref<32xi32, #tpu.memory_space<vmem>>, vector<16xi32>,
    %swap3A_199 = vector.shape_cast %swap3A_198 : vector<16xi32> to vector<16xi32>
    %swap3A_200 = vector.shape_cast %get3A_196 : vector<16xi32> to vector<16xi32>
    tpu.vector_store %arg18[%swap3A_197], %swap3A_200 {strides = array<i32>} : memref<32xi32, #tpu.memory_space<vmem>>, vector<16xi32>,
    %scan3A_201 = arith.constant 0 : i32
    %scan3A_202 = arith.constant 2 : i32
    %dma_start3A_203 = arith.constant 0 : i32
    %dma_start3A_204 = arith.constant 0 : i32
    %dma_start3A_205 = tpu.memref_slice %arg2[%dma_start3A_203, %dma_start3A_204] : memref<10000x128xf32, #tpu.memory_space<hbm>> -> memref<10000x128xf32, #tpu.memory_space<hbm>>
    tpu.enqueue_indirect_dma source(%dma_start3A_205 : memref<10000x128xf32, #tpu.memory_space<hbm>>) target(%arg24 : memref<32x128xf32, #tpu.memory_space<vmem>>) offsets(%arg12 : memref<32xi32, #tpu.memory_space<vmem>>) semaphore(%arg33 : memref<!tpu.dma_semaphore, #tpu.memory_space<semaphore_mem>>)
    %scan3A_206 = arith.constant 0 : i32
    %scan3A_207 = arith.constant 0 : i32
    %mul3A_208 = arith.constant 16 : i32
    %mul3A_209 = arith.muli %scan3A_207, %mul3A_208 : i32
    %add3A_210 = arith.constant 128 : i32
    %add3A_211 = arith.addi %add3A_210, %mul3A_209 : i32
    %get3A_212 = arith.index_cast %add3A_211 : i32 to index
    %get3A_213 = tpu.vector_load %arg7[%get3A_212] {strides = array<i32>} : memref<10000xi32, #tpu.memory_space<vmem>>, vector<16xi32>,
    %get3A_214 = vector.shape_cast %get3A_213 : vector<16xi32> to vector<16xi32>
    %swap3A_215 = arith.index_cast %mul3A_209 : i32 to index
    %swap3A_216 = tpu.vector_load %arg13[%swap3A_215] {strides = array<i32>} : memref<32xi32, #tpu.memory_space<vmem>>, vector<16xi32>,
    %swap3A_217 = vector.shape_cast %swap3A_216 : vector<16xi32> to vector<16xi32>
    %swap3A_218 = vector.shape_cast %get3A_214 : vector<16xi32> to vector<16xi32>
    tpu.vector_store %arg13[%swap3A_215], %swap3A_218 {strides = array<i32>} : memref<32xi32, #tpu.memory_space<vmem>>, vector<16xi32>,
    %add3A_219 = arith.constant 128 : i32
    %add3A_220 = arith.addi %add3A_219, %mul3A_209 : i32
    %get3A_221 = arith.index_cast %add3A_220 : i32 to index
    %get3A_222 = tpu.vector_load %arg8[%get3A_221] {strides = array<i32>} : memref<10000xi32, #tpu.memory_space<vmem>>, vector<16xi32>,
    %get3A_223 = vector.shape_cast %get3A_222 : vector<16xi32> to vector<16xi32>
    %swap3A_224 = arith.index_cast %mul3A_209 : i32 to index
    %swap3A_225 = tpu.vector_load %arg19[%swap3A_224] {strides = array<i32>} : memref<32xi32, #tpu.memory_space<vmem>>, vector<16xi32>,
    %swap3A_226 = vector.shape_cast %swap3A_225 : vector<16xi32> to vector<16xi32>
    %swap3A_227 = vector.shape_cast %get3A_223 : vector<16xi32> to vector<16xi32>
    tpu.vector_store %arg19[%swap3A_224], %swap3A_227 {strides = array<i32>} : memref<32xi32, #tpu.memory_space<vmem>>, vector<16xi32>,
    %scan3A_228 = arith.constant 0 : i32
    %scan3A_229 = arith.constant 1 : i32
    %mul3A_230 = arith.constant 16 : i32
    %mul3A_231 = arith.muli %scan3A_229, %mul3A_230 : i32
    %add3A_232 = arith.constant 128 : i32
    %add3A_233 = arith.addi %add3A_232, %mul3A_231 : i32
    %get3A_234 = arith.index_cast %add3A_233 : i32 to index
    %get3A_235 = tpu.vector_load %arg7[%get3A_234] {strides = array<i32>} : memref<10000xi32, #tpu.memory_space<vmem>>, vector<16xi32>,
    %get3A_236 = vector.shape_cast %get3A_235 : vector<16xi32> to vector<16xi32>
    %swap3A_237 = arith.index_cast %mul3A_231 : i32 to index
    %swap3A_238 = tpu.vector_load %arg13[%swap3A_237] {strides = array<i32>} : memref<32xi32, #tpu.memory_space<vmem>>, vector<16xi32>,
    %swap3A_239 = vector.shape_cast %swap3A_238 : vector<16xi32> to vector<16xi32>
    %swap3A_240 = vector.shape_cast %get3A_236 : vector<16xi32> to vector<16xi32>
    tpu.vector_store %arg13[%swap3A_237], %swap3A_240 {strides = array<i32>} : memref<32xi32, #tpu.memory_space<vmem>>, vector<16xi32>,
    %add3A_241 = arith.constant 128 : i32
    %add3A_242 = arith.addi %add3A_241, %mul3A_231 : i32
    %get3A_243 = arith.index_cast %add3A_242 : i32 to index
    %get3A_244 = tpu.vector_load %arg8[%get3A_243] {strides = array<i32>} : memref<10000xi32, #tpu.memory_space<vmem>>, vector<16xi32>,
    %get3A_245 = vector.shape_cast %get3A_244 : vector<16xi32> to vector<16xi32>
    %swap3A_246 = arith.index_cast %mul3A_231 : i32 to index
    %swap3A_247 = tpu.vector_load %arg19[%swap3A_246] {strides = array<i32>} : memref<32xi32, #tpu.memory_space<vmem>>, vector<16xi32>,
    %swap3A_248 = vector.shape_cast %swap3A_247 : vector<16xi32> to vector<16xi32>
    %swap3A_249 = vector.shape_cast %get3A_245 : vector<16xi32> to vector<16xi32>
    tpu.vector_store %arg19[%swap3A_246], %swap3A_249 {strides = array<i32>} : memref<32xi32, #tpu.memory_space<vmem>>, vector<16xi32>,
    %scan3A_250 = arith.constant 0 : i32
    %scan3A_251 = arith.constant 2 : i32
    %dma_start3A_252 = arith.constant 0 : i32
    %dma_start3A_253 = arith.constant 0 : i32
    %dma_start3A_254 = tpu.memref_slice %arg2[%dma_start3A_252, %dma_start3A_253] : memref<10000x128xf32, #tpu.memory_space<hbm>> -> memref<10000x128xf32, #tpu.memory_space<hbm>>
    tpu.enqueue_indirect_dma source(%dma_start3A_254 : memref<10000x128xf32, #tpu.memory_space<hbm>>) target(%arg25 : memref<32x128xf32, #tpu.memory_space<vmem>>) offsets(%arg13 : memref<32xi32, #tpu.memory_space<vmem>>) semaphore(%arg34 : memref<!tpu.dma_semaphore, #tpu.memory_space<semaphore_mem>>)
    %scan3A_255 = arith.constant 0 : i32
    %scan3A_256 = arith.constant 0 : i32
    %mul3A_257 = arith.constant 16 : i32
    %mul3A_258 = arith.muli %scan3A_256, %mul3A_257 : i32
    %add3A_259 = arith.constant 160 : i32
    %add3A_260 = arith.addi %add3A_259, %mul3A_258 : i32
    %get3A_261 = arith.index_cast %add3A_260 : i32 to index
    %get3A_262 = tpu.vector_load %arg7[%get3A_261] {strides = array<i32>} : memref<10000xi32, #tpu.memory_space<vmem>>, vector<16xi32>,
    %get3A_263 = vector.shape_cast %get3A_262 : vector<16xi32> to vector<16xi32>
    %swap3A_264 = arith.index_cast %mul3A_258 : i32 to index
    %swap3A_265 = tpu.vector_load %arg14[%swap3A_264] {strides = array<i32>} : memref<32xi32, #tpu.memory_space<vmem>>, vector<16xi32>,
    %swap3A_266 = vector.shape_cast %swap3A_265 : vector<16xi32> to vector<16xi32>
    %swap3A_267 = vector.shape_cast %get3A_263 : vector<16xi32> to vector<16xi32>
    tpu.vector_store %arg14[%swap3A_264], %swap3A_267 {strides = array<i32>} : memref<32xi32, #tpu.memory_space<vmem>>, vector<16xi32>,
    %add3A_268 = arith.constant 160 : i32
    %add3A_269 = arith.addi %add3A_268, %mul3A_258 : i32
    %get3A_270 = arith.index_cast %add3A_269 : i32 to index
    %get3A_271 = tpu.vector_load %arg8[%get3A_270] {strides = array<i32>} : memref<10000xi32, #tpu.memory_space<vmem>>, vector<16xi32>,
    %get3A_272 = vector.shape_cast %get3A_271 : vector<16xi32> to vector<16xi32>
    %swap3A_273 = arith.index_cast %mul3A_258 : i32 to index
    %swap3A_274 = tpu.vector_load %arg20[%swap3A_273] {strides = array<i32>} : memref<32xi32, #tpu.memory_space<vmem>>, vector<16xi32>,
    %swap3A_275 = vector.shape_cast %swap3A_274 : vector<16xi32> to vector<16xi32>
    %swap3A_276 = vector.shape_cast %get3A_272 : vector<16xi32> to vector<16xi32>
    tpu.vector_store %arg20[%swap3A_273], %swap3A_276 {strides = array<i32>} : memref<32xi32, #tpu.memory_space<vmem>>, vector<16xi32>,
    %scan3A_277 = arith.constant 0 : i32
    %scan3A_278 = arith.constant 1 : i32
    %mul3A_279 = arith.constant 16 : i32
    %mul3A_280 = arith.muli %scan3A_278, %mul3A_279 : i32
    %add3A_281 = arith.constant 160 : i32
    %add3A_282 = arith.addi %add3A_281, %mul3A_280 : i32
    %get3A_283 = arith.index_cast %add3A_282 : i32 to index
    %get3A_284 = tpu.vector_load %arg7[%get3A_283] {strides = array<i32>} : memref<10000xi32, #tpu.memory_space<vmem>>, vector<16xi32>,
    %get3A_285 = vector.shape_cast %get3A_284 : vector<16xi32> to vector<16xi32>
    %swap3A_286 = arith.index_cast %mul3A_280 : i32 to index
    %swap3A_287 = tpu.vector_load %arg14[%swap3A_286] {strides = array<i32>} : memref<32xi32, #tpu.memory_space<vmem>>, vector<16xi32>,
    %swap3A_288 = vector.shape_cast %swap3A_287 : vector<16xi32> to vector<16xi32>
    %swap3A_289 = vector.shape_cast %get3A_285 : vector<16xi32> to vector<16xi32>
    tpu.vector_store %arg14[%swap3A_286], %swap3A_289 {strides = array<i32>} : memref<32xi32, #tpu.memory_space<vmem>>, vector<16xi32>,
    %add3A_290 = arith.constant 160 : i32
    %add3A_291 = arith.addi %add3A_290, %mul3A_280 : i32
    %get3A_292 = arith.index_cast %add3A_291 : i32 to index
    %get3A_293 = tpu.vector_load %arg8[%get3A_292] {strides = array<i32>} : memref<10000xi32, #tpu.memory_space<vmem>>, vector<16xi32>,
    %get3A_294 = vector.shape_cast %get3A_293 : vector<16xi32> to vector<16xi32>
    %swap3A_295 = arith.index_cast %mul3A_280 : i32 to index
    %swap3A_296 = tpu.vector_load %arg20[%swap3A_295] {strides = array<i32>} : memref<32xi32, #tpu.memory_space<vmem>>, vector<16xi32>,
    %swap3A_297 = vector.shape_cast %swap3A_296 : vector<16xi32> to vector<16xi32>
    %swap3A_298 = vector.shape_cast %get3A_294 : vector<16xi32> to vector<16xi32>
    tpu.vector_store %arg20[%swap3A_295], %swap3A_298 {strides = array<i32>} : memref<32xi32, #tpu.memory_space<vmem>>, vector<16xi32>,
    %scan3A_299 = arith.constant 0 : i32
    %scan3A_300 = arith.constant 2 : i32
    %dma_start3A_301 = arith.constant 0 : i32
    %dma_start3A_302 = arith.constant 0 : i32
    %dma_start3A_303 = tpu.memref_slice %arg2[%dma_start3A_301, %dma_start3A_302] : memref<10000x128xf32, #tpu.memory_space<hbm>> -> memref<10000x128xf32, #tpu.memory_space<hbm>>
    tpu.enqueue_indirect_dma source(%dma_start3A_303 : memref<10000x128xf32, #tpu.memory_space<hbm>>) target(%arg26 : memref<32x128xf32, #tpu.memory_space<vmem>>) offsets(%arg14 : memref<32xi32, #tpu.memory_space<vmem>>) semaphore(%arg35 : memref<!tpu.dma_semaphore, #tpu.memory_space<semaphore_mem>>)
    %scan3A_304 = arith.constant 0 : i32
    %scan3A_305 = arith.constant 0 : i32
    %scan3A_306 = arith.constant 52 : i32
    %scan3A_307 = arith.addi %scan3A_305, %scan3A_306 : i32
    %scan3A_308 = arith.constant 1 : i32
    scf.for %scan3A_352 = %scan3A_305 to %scan3A_307 step %scan3A_308  : i32 {
      %mul3A_353 = arith.constant 6 : i32
      %mul3A_354 = arith.muli %scan3A_352, %mul3A_353 : i32
      %add3A_355 = arith.constant 0 : i32
      %add3A_356 = arith.addi %mul3A_354, %add3A_355 : i32
      %dma_wait3A_357 = arith.constant 0 : i32
      %dma_wait3A_358 = arith.constant 0 : i32
      %dma_wait3A_359 = tpu.memref_slice %arg2[%dma_wait3A_357, %dma_wait3A_358] : memref<10000x128xf32, #tpu.memory_space<hbm>> -> memref<10000x128xf32, #tpu.memory_space<hbm>>
      tpu.wait_indirect_dma semaphore(%arg30 : memref<!tpu.dma_semaphore, #tpu.memory_space<semaphore_mem>>) src(%dma_wait3A_359 : memref<10000x128xf32, #tpu.memory_space<hbm>>) dst(%arg21 : memref<32x128xf32, #tpu.memory_space<vmem>>)
      "tpu.region"() ({
        %run_scoped3A = tpu.sem_alloc : memref<!tpu.dma_semaphore, #tpu.memory_space<semaphore_mem>>
        %dma_start3A_436 = arith.constant 0 : i32
        %dma_start3A_437 = arith.constant 0 : i32
        %dma_start3A_438 = tpu.memref_slice %arg29[%dma_start3A_436, %dma_start3A_437] : memref<10000x128xf32, #tpu.memory_space<vmem_shared>> -> memref<10000x128xf32, #tpu.memory_space<vmem_shared>>
        tpu.enqueue_indirect_dma source(%arg21 : memref<32x128xf32, #tpu.memory_space<vmem>>) target(%dma_start3A_438 : memref<10000x128xf32, #tpu.memory_space<vmem_shared>>) offsets(%arg15 : memref<32xi32, #tpu.memory_space<vmem>>) semaphore(%run_scoped3A : memref<!tpu.dma_semaphore, #tpu.memory_space<semaphore_mem>>) {add = true}
        %dma_wait3A_439 = arith.constant 0 : i32
        %dma_wait3A_440 = arith.constant 0 : i32
        %dma_wait3A_441 = tpu.memref_slice %arg29[%dma_wait3A_439, %dma_wait3A_440] : memref<10000x128xf32, #tpu.memory_space<vmem_shared>> -> memref<10000x128xf32, #tpu.memory_space<vmem_shared>>
        tpu.wait_indirect_dma semaphore(%run_scoped3A : memref<!tpu.dma_semaphore, #tpu.memory_space<semaphore_mem>>) src(%arg21 : memref<32x128xf32, #tpu.memory_space<vmem>>) dst(%dma_wait3A_441 : memref<10000x128xf32, #tpu.memory_space<vmem_shared>>)
        tpu.yield
      }) : () -> ()
      %add3A_360 = arith.constant 6 : i32
      %add3A_361 = arith.addi %add3A_356, %add3A_360 : i32
      %lt3A = arith.constant 312 : i32
      %lt3A_362 = arith.cmpi slt, %add3A_361, %lt3A : i32
      %convert_element_type3A_363 = arith.extui %lt3A_362 : i1 to i32
      %cond3A_364 = arith.constant 0 : i32
      %cond3A_365 = arith.cmpi ne, %convert_element_type3A_363, %cond3A_364 : i32
      scf.if %cond3A_365 {
        %add3A_436 = arith.constant 6 : i32
        %add3A_437 = arith.addi %add3A_356, %add3A_436 : i32
        %scan3A_438 = arith.constant 0 : i32
        %scan3A_439 = arith.constant 0 : i32
        %mul3A_440 = arith.constant 16 : i32
        %mul3A_441 = arith.muli %scan3A_439, %mul3A_440 : i32
        %mul3A_442 = arith.constant 32 : i32
        %mul3A_443 = arith.muli %add3A_437, %mul3A_442 : i32
        %add3A_444 = arith.addi %mul3A_443, %mul3A_441 : i32
        %get3A_445 = arith.index_cast %add3A_444 : i32 to index
        %get3A_446 = tpu.vector_load %arg7[%get3A_445] {strides = array<i32>} : memref<10000xi32, #tpu.memory_space<vmem>>, vector<16xi32>,
        %get3A_447 = vector.shape_cast %get3A_446 : vector<16xi32> to vector<16xi32>
        %swap3A_448 = arith.index_cast %mul3A_441 : i32 to index
        %swap3A_449 = tpu.vector_load %arg9[%swap3A_448] {strides = array<i32>} : memref<32xi32, #tpu.memory_space<vmem>>, vector<16xi32>,
        %swap3A_450 = vector.shape_cast %swap3A_449 : vector<16xi32> to vector<16xi32>
        %swap3A_451 = vector.shape_cast %get3A_447 : vector<16xi32> to vector<16xi32>
        tpu.vector_store %arg9[%swap3A_448], %swap3A_451 {strides = array<i32>} : memref<32xi32, #tpu.memory_space<vmem>>, vector<16xi32>,
        %mul3A_452 = arith.constant 32 : i32
        %mul3A_453 = arith.muli %add3A_437, %mul3A_452 : i32
        %add3A_454 = arith.addi %mul3A_453, %mul3A_441 : i32
        %get3A_455 = arith.index_cast %add3A_454 : i32 to index
        %get3A_456 = tpu.vector_load %arg8[%get3A_455] {strides = array<i32>} : memref<10000xi32, #tpu.memory_space<vmem>>, vector<16xi32>,
        %get3A_457 = vector.shape_cast %get3A_456 : vector<16xi32> to vector<16xi32>
        %swap3A_458 = arith.index_cast %mul3A_441 : i32 to index
        %swap3A_459 = tpu.vector_load %arg15[%swap3A_458] {strides = array<i32>} : memref<32xi32, #tpu.memory_space<vmem>>, vector<16xi32>,
        %swap3A_460 = vector.shape_cast %swap3A_459 : vector<16xi32> to vector<16xi32>
        %swap3A_461 = vector.shape_cast %get3A_457 : vector<16xi32> to vector<16xi32>
        tpu.vector_store %arg15[%swap3A_458], %swap3A_461 {strides = array<i32>} : memref<32xi32, #tpu.memory_space<vmem>>, vector<16xi32>,
        %scan3A_462 = arith.constant 0 : i32
        %scan3A_463 = arith.constant 1 : i32
        %mul3A_464 = arith.constant 16 : i32
        %mul3A_465 = arith.muli %scan3A_463, %mul3A_464 : i32
        %mul3A_466 = arith.constant 32 : i32
        %mul3A_467 = arith.muli %add3A_437, %mul3A_466 : i32
        %add3A_468 = arith.addi %mul3A_467, %mul3A_465 : i32
        %get3A_469 = arith.index_cast %add3A_468 : i32 to index
        %get3A_470 = tpu.vector_load %arg7[%get3A_469] {strides = array<i32>} : memref<10000xi32, #tpu.memory_space<vmem>>, vector<16xi32>,
        %get3A_471 = vector.shape_cast %get3A_470 : vector<16xi32> to vector<16xi32>
        %swap3A_472 = arith.index_cast %mul3A_465 : i32 to index
        %swap3A_473 = tpu.vector_load %arg9[%swap3A_472] {strides = array<i32>} : memref<32xi32, #tpu.memory_space<vmem>>, vector<16xi32>,
        %swap3A_474 = vector.shape_cast %swap3A_473 : vector<16xi32> to vector<16xi32>
        %swap3A_475 = vector.shape_cast %get3A_471 : vector<16xi32> to vector<16xi32>
        tpu.vector_store %arg9[%swap3A_472], %swap3A_475 {strides = array<i32>} : memref<32xi32, #tpu.memory_space<vmem>>, vector<16xi32>,
        %mul3A_476 = arith.constant 32 : i32
        %mul3A_477 = arith.muli %add3A_437, %mul3A_476 : i32
        %add3A_478 = arith.addi %mul3A_477, %mul3A_465 : i32
        %get3A_479 = arith.index_cast %add3A_478 : i32 to index
        %get3A_480 = tpu.vector_load %arg8[%get3A_479] {strides = array<i32>} : memref<10000xi32, #tpu.memory_space<vmem>>, vector<16xi32>,
        %get3A_481 = vector.shape_cast %get3A_480 : vector<16xi32> to vector<16xi32>
        %swap3A_482 = arith.index_cast %mul3A_465 : i32 to index
        %swap3A_483 = tpu.vector_load %arg15[%swap3A_482] {strides = array<i32>} : memref<32xi32, #tpu.memory_space<vmem>>, vector<16xi32>,
        %swap3A_484 = vector.shape_cast %swap3A_483 : vector<16xi32> to vector<16xi32>
        %swap3A_485 = vector.shape_cast %get3A_481 : vector<16xi32> to vector<16xi32>
        tpu.vector_store %arg15[%swap3A_482], %swap3A_485 {strides = array<i32>} : memref<32xi32, #tpu.memory_space<vmem>>, vector<16xi32>,
        %scan3A_486 = arith.constant 0 : i32
        %scan3A_487 = arith.constant 2 : i32
        %dma_start3A_488 = arith.constant 0 : i32
        %dma_start3A_489 = arith.constant 0 : i32
        %dma_start3A_490 = tpu.memref_slice %arg2[%dma_start3A_488, %dma_start3A_489] : memref<10000x128xf32, #tpu.memory_space<hbm>> -> memref<10000x128xf32, #tpu.memory_space<hbm>>
        tpu.enqueue_indirect_dma source(%dma_start3A_490 : memref<10000x128xf32, #tpu.memory_space<hbm>>) target(%arg21 : memref<32x128xf32, #tpu.memory_space<vmem>>) offsets(%arg9 : memref<32xi32, #tpu.memory_space<vmem>>) semaphore(%arg30 : memref<!tpu.dma_semaphore, #tpu.memory_space<semaphore_mem>>)
      } else {
      }
      %mul3A_366 = arith.constant 6 : i32
      %mul3A_367 = arith.muli %scan3A_352, %mul3A_366 : i32
      %add3A_368 = arith.constant 1 : i32
      %add3A_369 = arith.addi %mul3A_367, %add3A_368 : i32
      %dma_wait3A_370 = arith.constant 0 : i32
      %dma_wait3A_371 = arith.constant 0 : i32
      %dma_wait3A_372 = tpu.memref_slice %arg2[%dma_wait3A_370, %dma_wait3A_371] : memref<10000x128xf32, #tpu.memory_space<hbm>> -> memref<10000x128xf32, #tpu.memory_space<hbm>>
      tpu.wait_indirect_dma semaphore(%arg31 : memref<!tpu.dma_semaphore, #tpu.memory_space<semaphore_mem>>) src(%dma_wait3A_372 : memref<10000x128xf32, #tpu.memory_space<hbm>>) dst(%arg22 : memref<32x128xf32, #tpu.memory_space<vmem>>)
      "tpu.region"() ({
        %run_scoped3A = tpu.sem_alloc : memref<!tpu.dma_semaphore, #tpu.memory_space<semaphore_mem>>
        %dma_start3A_436 = arith.constant 0 : i32
        %dma_start3A_437 = arith.constant 0 : i32
        %dma_start3A_438 = tpu.memref_slice %arg29[%dma_start3A_436, %dma_start3A_437] : memref<10000x128xf32, #tpu.memory_space<vmem_shared>> -> memref<10000x128xf32, #tpu.memory_space<vmem_shared>>
        tpu.enqueue_indirect_dma source(%arg22 : memref<32x128xf32, #tpu.memory_space<vmem>>) target(%dma_start3A_438 : memref<10000x128xf32, #tpu.memory_space<vmem_shared>>) offsets(%arg16 : memref<32xi32, #tpu.memory_space<vmem>>) semaphore(%run_scoped3A : memref<!tpu.dma_semaphore, #tpu.memory_space<semaphore_mem>>) {add = true}
        %dma_wait3A_439 = arith.constant 0 : i32
        %dma_wait3A_440 = arith.constant 0 : i32
        %dma_wait3A_441 = tpu.memref_slice %arg29[%dma_wait3A_439, %dma_wait3A_440] : memref<10000x128xf32, #tpu.memory_space<vmem_shared>> -> memref<10000x128xf32, #tpu.memory_space<vmem_shared>>
        tpu.wait_indirect_dma semaphore(%run_scoped3A : memref<!tpu.dma_semaphore, #tpu.memory_space<semaphore_mem>>) src(%arg22 : memref<32x128xf32, #tpu.memory_space<vmem>>) dst(%dma_wait3A_441 : memref<10000x128xf32, #tpu.memory_space<vmem_shared>>)
        tpu.yield
      }) : () -> ()
      %add3A_373 = arith.constant 6 : i32
      %add3A_374 = arith.addi %add3A_369, %add3A_373 : i32
      %lt3A_375 = arith.constant 312 : i32
      %lt3A_376 = arith.cmpi slt, %add3A_374, %lt3A_375 : i32
      %convert_element_type3A_377 = arith.extui %lt3A_376 : i1 to i32
      %cond3A_378 = arith.constant 0 : i32
      %cond3A_379 = arith.cmpi ne, %convert_element_type3A_377, %cond3A_378 : i32
      scf.if %cond3A_379 {
        %add3A_436 = arith.constant 6 : i32
        %add3A_437 = arith.addi %add3A_369, %add3A_436 : i32
        %scan3A_438 = arith.constant 0 : i32
        %scan3A_439 = arith.constant 0 : i32
        %mul3A_440 = arith.constant 16 : i32
        %mul3A_441 = arith.muli %scan3A_439, %mul3A_440 : i32
        %mul3A_442 = arith.constant 32 : i32
        %mul3A_443 = arith.muli %add3A_437, %mul3A_442 : i32
        %add3A_444 = arith.addi %mul3A_443, %mul3A_441 : i32
        %get3A_445 = arith.index_cast %add3A_444 : i32 to index
        %get3A_446 = tpu.vector_load %arg7[%get3A_445] {strides = array<i32>} : memref<10000xi32, #tpu.memory_space<vmem>>, vector<16xi32>,
        %get3A_447 = vector.shape_cast %get3A_446 : vector<16xi32> to vector<16xi32>
        %swap3A_448 = arith.index_cast %mul3A_441 : i32 to index
        %swap3A_449 = tpu.vector_load %arg10[%swap3A_448] {strides = array<i32>} : memref<32xi32, #tpu.memory_space<vmem>>, vector<16xi32>,
        %swap3A_450 = vector.shape_cast %swap3A_449 : vector<16xi32> to vector<16xi32>
        %swap3A_451 = vector.shape_cast %get3A_447 : vector<16xi32> to vector<16xi32>
        tpu.vector_store %arg10[%swap3A_448], %swap3A_451 {strides = array<i32>} : memref<32xi32, #tpu.memory_space<vmem>>, vector<16xi32>,
        %mul3A_452 = arith.constant 32 : i32
        %mul3A_453 = arith.muli %add3A_437, %mul3A_452 : i32
        %add3A_454 = arith.addi %mul3A_453, %mul3A_441 : i32
        %get3A_455 = arith.index_cast %add3A_454 : i32 to index
        %get3A_456 = tpu.vector_load %arg8[%get3A_455] {strides = array<i32>} : memref<10000xi32, #tpu.memory_space<vmem>>, vector<16xi32>,
        %get3A_457 = vector.shape_cast %get3A_456 : vector<16xi32> to vector<16xi32>
        %swap3A_458 = arith.index_cast %mul3A_441 : i32 to index
        %swap3A_459 = tpu.vector_load %arg16[%swap3A_458] {strides = array<i32>} : memref<32xi32, #tpu.memory_space<vmem>>, vector<16xi32>,
        %swap3A_460 = vector.shape_cast %swap3A_459 : vector<16xi32> to vector<16xi32>
        %swap3A_461 = vector.shape_cast %get3A_457 : vector<16xi32> to vector<16xi32>
        tpu.vector_store %arg16[%swap3A_458], %swap3A_461 {strides = array<i32>} : memref<32xi32, #tpu.memory_space<vmem>>, vector<16xi32>,
        %scan3A_462 = arith.constant 0 : i32
        %scan3A_463 = arith.constant 1 : i32
        %mul3A_464 = arith.constant 16 : i32
        %mul3A_465 = arith.muli %scan3A_463, %mul3A_464 : i32
        %mul3A_466 = arith.constant 32 : i32
        %mul3A_467 = arith.muli %add3A_437, %mul3A_466 : i32
        %add3A_468 = arith.addi %mul3A_467, %mul3A_465 : i32
        %get3A_469 = arith.index_cast %add3A_468 : i32 to index
        %get3A_470 = tpu.vector_load %arg7[%get3A_469] {strides = array<i32>} : memref<10000xi32, #tpu.memory_space<vmem>>, vector<16xi32>,
        %get3A_471 = vector.shape_cast %get3A_470 : vector<16xi32> to vector<16xi32>
        %swap3A_472 = arith.index_cast %mul3A_465 : i32 to index
        %swap3A_473 = tpu.vector_load %arg10[%swap3A_472] {strides = array<i32>} : memref<32xi32, #tpu.memory_space<vmem>>, vector<16xi32>,
        %swap3A_474 = vector.shape_cast %swap3A_473 : vector<16xi32> to vector<16xi32>
        %swap3A_475 = vector.shape_cast %get3A_471 : vector<16xi32> to vector<16xi32>
        tpu.vector_store %arg10[%swap3A_472], %swap3A_475 {strides = array<i32>} : memref<32xi32, #tpu.memory_space<vmem>>, vector<16xi32>,
        %mul3A_476 = arith.constant 32 : i32
        %mul3A_477 = arith.muli %add3A_437, %mul3A_476 : i32
        %add3A_478 = arith.addi %mul3A_477, %mul3A_465 : i32
        %get3A_479 = arith.index_cast %add3A_478 : i32 to index
        %get3A_480 = tpu.vector_load %arg8[%get3A_479] {strides = array<i32>} : memref<10000xi32, #tpu.memory_space<vmem>>, vector<16xi32>,
        %get3A_481 = vector.shape_cast %get3A_480 : vector<16xi32> to vector<16xi32>
        %swap3A_482 = arith.index_cast %mul3A_465 : i32 to index
        %swap3A_483 = tpu.vector_load %arg16[%swap3A_482] {strides = array<i32>} : memref<32xi32, #tpu.memory_space<vmem>>, vector<16xi32>,
        %swap3A_484 = vector.shape_cast %swap3A_483 : vector<16xi32> to vector<16xi32>
        %swap3A_485 = vector.shape_cast %get3A_481 : vector<16xi32> to vector<16xi32>
        tpu.vector_store %arg16[%swap3A_482], %swap3A_485 {strides = array<i32>} : memref<32xi32, #tpu.memory_space<vmem>>, vector<16xi32>,
        %scan3A_486 = arith.constant 0 : i32
        %scan3A_487 = arith.constant 2 : i32
        %dma_start3A_488 = arith.constant 0 : i32
        %dma_start3A_489 = arith.constant 0 : i32
        %dma_start3A_490 = tpu.memref_slice %arg2[%dma_start3A_488, %dma_start3A_489] : memref<10000x128xf32, #tpu.memory_space<hbm>> -> memref<10000x128xf32, #tpu.memory_space<hbm>>
        tpu.enqueue_indirect_dma source(%dma_start3A_490 : memref<10000x128xf32, #tpu.memory_space<hbm>>) target(%arg22 : memref<32x128xf32, #tpu.memory_space<vmem>>) offsets(%arg10 : memref<32xi32, #tpu.memory_space<vmem>>) semaphore(%arg31 : memref<!tpu.dma_semaphore, #tpu.memory_space<semaphore_mem>>)
      } else {
      }
      %mul3A_380 = arith.constant 6 : i32
      %mul3A_381 = arith.muli %scan3A_352, %mul3A_380 : i32
      %add3A_382 = arith.constant 2 : i32
      %add3A_383 = arith.addi %mul3A_381, %add3A_382 : i32
      %dma_wait3A_384 = arith.constant 0 : i32
      %dma_wait3A_385 = arith.constant 0 : i32
      %dma_wait3A_386 = tpu.memref_slice %arg2[%dma_wait3A_384, %dma_wait3A_385] : memref<10000x128xf32, #tpu.memory_space<hbm>> -> memref<10000x128xf32, #tpu.memory_space<hbm>>
      tpu.wait_indirect_dma semaphore(%arg32 : memref<!tpu.dma_semaphore, #tpu.memory_space<semaphore_mem>>) src(%dma_wait3A_386 : memref<10000x128xf32, #tpu.memory_space<hbm>>) dst(%arg23 : memref<32x128xf32, #tpu.memory_space<vmem>>)
      "tpu.region"() ({
        %run_scoped3A = tpu.sem_alloc : memref<!tpu.dma_semaphore, #tpu.memory_space<semaphore_mem>>
        %dma_start3A_436 = arith.constant 0 : i32
        %dma_start3A_437 = arith.constant 0 : i32
        %dma_start3A_438 = tpu.memref_slice %arg29[%dma_start3A_436, %dma_start3A_437] : memref<10000x128xf32, #tpu.memory_space<vmem_shared>> -> memref<10000x128xf32, #tpu.memory_space<vmem_shared>>
        tpu.enqueue_indirect_dma source(%arg23 : memref<32x128xf32, #tpu.memory_space<vmem>>) target(%dma_start3A_438 : memref<10000x128xf32, #tpu.memory_space<vmem_shared>>) offsets(%arg17 : memref<32xi32, #tpu.memory_space<vmem>>) semaphore(%run_scoped3A : memref<!tpu.dma_semaphore, #tpu.memory_space<semaphore_mem>>) {add = true}
        %dma_wait3A_439 = arith.constant 0 : i32
        %dma_wait3A_440 = arith.constant 0 : i32
        %dma_wait3A_441 = tpu.memref_slice %arg29[%dma_wait3A_439, %dma_wait3A_440] : memref<10000x128xf32, #tpu.memory_space<vmem_shared>> -> memref<10000x128xf32, #tpu.memory_space<vmem_shared>>
        tpu.wait_indirect_dma semaphore(%run_scoped3A : memref<!tpu.dma_semaphore, #tpu.memory_space<semaphore_mem>>) src(%arg23 : memref<32x128xf32, #tpu.memory_space<vmem>>) dst(%dma_wait3A_441 : memref<10000x128xf32, #tpu.memory_space<vmem_shared>>)
        tpu.yield
      }) : () -> ()
      %add3A_387 = arith.constant 6 : i32
      %add3A_388 = arith.addi %add3A_383, %add3A_387 : i32
      %lt3A_389 = arith.constant 312 : i32
      %lt3A_390 = arith.cmpi slt, %add3A_388, %lt3A_389 : i32
      %convert_element_type3A_391 = arith.extui %lt3A_390 : i1 to i32
      %cond3A_392 = arith.constant 0 : i32
      %cond3A_393 = arith.cmpi ne, %convert_element_type3A_391, %cond3A_392 : i32
      scf.if %cond3A_393 {
        %add3A_436 = arith.constant 6 : i32
        %add3A_437 = arith.addi %add3A_383, %add3A_436 : i32
        %scan3A_438 = arith.constant 0 : i32
        %scan3A_439 = arith.constant 0 : i32
        %mul3A_440 = arith.constant 16 : i32
        %mul3A_441 = arith.muli %scan3A_439, %mul3A_440 : i32
        %mul3A_442 = arith.constant 32 : i32
        %mul3A_443 = arith.muli %add3A_437, %mul3A_442 : i32
        %add3A_444 = arith.addi %mul3A_443, %mul3A_441 : i32
        %get3A_445 = arith.index_cast %add3A_444 : i32 to index
        %get3A_446 = tpu.vector_load %arg7[%get3A_445] {strides = array<i32>} : memref<10000xi32, #tpu.memory_space<vmem>>, vector<16xi32>,
        %get3A_447 = vector.shape_cast %get3A_446 : vector<16xi32> to vector<16xi32>
        %swap3A_448 = arith.index_cast %mul3A_441 : i32 to index
        %swap3A_449 = tpu.vector_load %arg11[%swap3A_448] {strides = array<i32>} : memref<32xi32, #tpu.memory_space<vmem>>, vector<16xi32>,
        %swap3A_450 = vector.shape_cast %swap3A_449 : vector<16xi32> to vector<16xi32>
        %swap3A_451 = vector.shape_cast %get3A_447 : vector<16xi32> to vector<16xi32>
        tpu.vector_store %arg11[%swap3A_448], %swap3A_451 {strides = array<i32>} : memref<32xi32, #tpu.memory_space<vmem>>, vector<16xi32>,
        %mul3A_452 = arith.constant 32 : i32
        %mul3A_453 = arith.muli %add3A_437, %mul3A_452 : i32
        %add3A_454 = arith.addi %mul3A_453, %mul3A_441 : i32
        %get3A_455 = arith.index_cast %add3A_454 : i32 to index
        %get3A_456 = tpu.vector_load %arg8[%get3A_455] {strides = array<i32>} : memref<10000xi32, #tpu.memory_space<vmem>>, vector<16xi32>,
        %get3A_457 = vector.shape_cast %get3A_456 : vector<16xi32> to vector<16xi32>
        %swap3A_458 = arith.index_cast %mul3A_441 : i32 to index
        %swap3A_459 = tpu.vector_load %arg17[%swap3A_458] {strides = array<i32>} : memref<32xi32, #tpu.memory_space<vmem>>, vector<16xi32>,
        %swap3A_460 = vector.shape_cast %swap3A_459 : vector<16xi32> to vector<16xi32>
        %swap3A_461 = vector.shape_cast %get3A_457 : vector<16xi32> to vector<16xi32>
        tpu.vector_store %arg17[%swap3A_458], %swap3A_461 {strides = array<i32>} : memref<32xi32, #tpu.memory_space<vmem>>, vector<16xi32>,
        %scan3A_462 = arith.constant 0 : i32
        %scan3A_463 = arith.constant 1 : i32
        %mul3A_464 = arith.constant 16 : i32
        %mul3A_465 = arith.muli %scan3A_463, %mul3A_464 : i32
        %mul3A_466 = arith.constant 32 : i32
        %mul3A_467 = arith.muli %add3A_437, %mul3A_466 : i32
        %add3A_468 = arith.addi %mul3A_467, %mul3A_465 : i32
        %get3A_469 = arith.index_cast %add3A_468 : i32 to index
        %get3A_470 = tpu.vector_load %arg7[%get3A_469] {strides = array<i32>} : memref<10000xi32, #tpu.memory_space<vmem>>, vector<16xi32>,
        %get3A_471 = vector.shape_cast %get3A_470 : vector<16xi32> to vector<16xi32>
        %swap3A_472 = arith.index_cast %mul3A_465 : i32 to index
        %swap3A_473 = tpu.vector_load %arg11[%swap3A_472] {strides = array<i32>} : memref<32xi32, #tpu.memory_space<vmem>>, vector<16xi32>,
        %swap3A_474 = vector.shape_cast %swap3A_473 : vector<16xi32> to vector<16xi32>
        %swap3A_475 = vector.shape_cast %get3A_471 : vector<16xi32> to vector<16xi32>
        tpu.vector_store %arg11[%swap3A_472], %swap3A_475 {strides = array<i32>} : memref<32xi32, #tpu.memory_space<vmem>>, vector<16xi32>,
        %mul3A_476 = arith.constant 32 : i32
        %mul3A_477 = arith.muli %add3A_437, %mul3A_476 : i32
        %add3A_478 = arith.addi %mul3A_477, %mul3A_465 : i32
        %get3A_479 = arith.index_cast %add3A_478 : i32 to index
        %get3A_480 = tpu.vector_load %arg8[%get3A_479] {strides = array<i32>} : memref<10000xi32, #tpu.memory_space<vmem>>, vector<16xi32>,
        %get3A_481 = vector.shape_cast %get3A_480 : vector<16xi32> to vector<16xi32>
        %swap3A_482 = arith.index_cast %mul3A_465 : i32 to index
        %swap3A_483 = tpu.vector_load %arg17[%swap3A_482] {strides = array<i32>} : memref<32xi32, #tpu.memory_space<vmem>>, vector<16xi32>,
        %swap3A_484 = vector.shape_cast %swap3A_483 : vector<16xi32> to vector<16xi32>
        %swap3A_485 = vector.shape_cast %get3A_481 : vector<16xi32> to vector<16xi32>
        tpu.vector_store %arg17[%swap3A_482], %swap3A_485 {strides = array<i32>} : memref<32xi32, #tpu.memory_space<vmem>>, vector<16xi32>,
        %scan3A_486 = arith.constant 0 : i32
        %scan3A_487 = arith.constant 2 : i32
        %dma_start3A_488 = arith.constant 0 : i32
        %dma_start3A_489 = arith.constant 0 : i32
        %dma_start3A_490 = tpu.memref_slice %arg2[%dma_start3A_488, %dma_start3A_489] : memref<10000x128xf32, #tpu.memory_space<hbm>> -> memref<10000x128xf32, #tpu.memory_space<hbm>>
        tpu.enqueue_indirect_dma source(%dma_start3A_490 : memref<10000x128xf32, #tpu.memory_space<hbm>>) target(%arg23 : memref<32x128xf32, #tpu.memory_space<vmem>>) offsets(%arg11 : memref<32xi32, #tpu.memory_space<vmem>>) semaphore(%arg32 : memref<!tpu.dma_semaphore, #tpu.memory_space<semaphore_mem>>)
      } else {
      }
      %mul3A_394 = arith.constant 6 : i32
      %mul3A_395 = arith.muli %scan3A_352, %mul3A_394 : i32
      %add3A_396 = arith.constant 3 : i32
      %add3A_397 = arith.addi %mul3A_395, %add3A_396 : i32
      %dma_wait3A_398 = arith.constant 0 : i32
      %dma_wait3A_399 = arith.constant 0 : i32
      %dma_wait3A_400 = tpu.memref_slice %arg2[%dma_wait3A_398, %dma_wait3A_399] : memref<10000x128xf32, #tpu.memory_space<hbm>> -> memref<10000x128xf32, #tpu.memory_space<hbm>>
      tpu.wait_indirect_dma semaphore(%arg33 : memref<!tpu.dma_semaphore, #tpu.memory_space<semaphore_mem>>) src(%dma_wait3A_400 : memref<10000x128xf32, #tpu.memory_space<hbm>>) dst(%arg24 : memref<32x128xf32, #tpu.memory_space<vmem>>)
      "tpu.region"() ({
        %run_scoped3A = tpu.sem_alloc : memref<!tpu.dma_semaphore, #tpu.memory_space<semaphore_mem>>
        %dma_start3A_436 = arith.constant 0 : i32
        %dma_start3A_437 = arith.constant 0 : i32
        %dma_start3A_438 = tpu.memref_slice %arg29[%dma_start3A_436, %dma_start3A_437] : memref<10000x128xf32, #tpu.memory_space<vmem_shared>> -> memref<10000x128xf32, #tpu.memory_space<vmem_shared>>
        tpu.enqueue_indirect_dma source(%arg24 : memref<32x128xf32, #tpu.memory_space<vmem>>) target(%dma_start3A_438 : memref<10000x128xf32, #tpu.memory_space<vmem_shared>>) offsets(%arg18 : memref<32xi32, #tpu.memory_space<vmem>>) semaphore(%run_scoped3A : memref<!tpu.dma_semaphore, #tpu.memory_space<semaphore_mem>>) {add = true}
        %dma_wait3A_439 = arith.constant 0 : i32
        %dma_wait3A_440 = arith.constant 0 : i32
        %dma_wait3A_441 = tpu.memref_slice %arg29[%dma_wait3A_439, %dma_wait3A_440] : memref<10000x128xf32, #tpu.memory_space<vmem_shared>> -> memref<10000x128xf32, #tpu.memory_space<vmem_shared>>
        tpu.wait_indirect_dma semaphore(%run_scoped3A : memref<!tpu.dma_semaphore, #tpu.memory_space<semaphore_mem>>) src(%arg24 : memref<32x128xf32, #tpu.memory_space<vmem>>) dst(%dma_wait3A_441 : memref<10000x128xf32, #tpu.memory_space<vmem_shared>>)
        tpu.yield
      }) : () -> ()
      %add3A_401 = arith.constant 6 : i32
      %add3A_402 = arith.addi %add3A_397, %add3A_401 : i32
      %lt3A_403 = arith.constant 312 : i32
      %lt3A_404 = arith.cmpi slt, %add3A_402, %lt3A_403 : i32
      %convert_element_type3A_405 = arith.extui %lt3A_404 : i1 to i32
      %cond3A_406 = arith.constant 0 : i32
      %cond3A_407 = arith.cmpi ne, %convert_element_type3A_405, %cond3A_406 : i32
      scf.if %cond3A_407 {
        %add3A_436 = arith.constant 6 : i32
        %add3A_437 = arith.addi %add3A_397, %add3A_436 : i32
        %scan3A_438 = arith.constant 0 : i32
        %scan3A_439 = arith.constant 0 : i32
        %mul3A_440 = arith.constant 16 : i32
        %mul3A_441 = arith.muli %scan3A_439, %mul3A_440 : i32
        %mul3A_442 = arith.constant 32 : i32
        %mul3A_443 = arith.muli %add3A_437, %mul3A_442 : i32
        %add3A_444 = arith.addi %mul3A_443, %mul3A_441 : i32
        %get3A_445 = arith.index_cast %add3A_444 : i32 to index
        %get3A_446 = tpu.vector_load %arg7[%get3A_445] {strides = array<i32>} : memref<10000xi32, #tpu.memory_space<vmem>>, vector<16xi32>,
        %get3A_447 = vector.shape_cast %get3A_446 : vector<16xi32> to vector<16xi32>
        %swap3A_448 = arith.index_cast %mul3A_441 : i32 to index
        %swap3A_449 = tpu.vector_load %arg12[%swap3A_448] {strides = array<i32>} : memref<32xi32, #tpu.memory_space<vmem>>, vector<16xi32>,
        %swap3A_450 = vector.shape_cast %swap3A_449 : vector<16xi32> to vector<16xi32>
        %swap3A_451 = vector.shape_cast %get3A_447 : vector<16xi32> to vector<16xi32>
        tpu.vector_store %arg12[%swap3A_448], %swap3A_451 {strides = array<i32>} : memref<32xi32, #tpu.memory_space<vmem>>, vector<16xi32>,
        %mul3A_452 = arith.constant 32 : i32
        %mul3A_453 = arith.muli %add3A_437, %mul3A_452 : i32
        %add3A_454 = arith.addi %mul3A_453, %mul3A_441 : i32
        %get3A_455 = arith.index_cast %add3A_454 : i32 to index
        %get3A_456 = tpu.vector_load %arg8[%get3A_455] {strides = array<i32>} : memref<10000xi32, #tpu.memory_space<vmem>>, vector<16xi32>,
        %get3A_457 = vector.shape_cast %get3A_456 : vector<16xi32> to vector<16xi32>
        %swap3A_458 = arith.index_cast %mul3A_441 : i32 to index
        %swap3A_459 = tpu.vector_load %arg18[%swap3A_458] {strides = array<i32>} : memref<32xi32, #tpu.memory_space<vmem>>, vector<16xi32>,
        %swap3A_460 = vector.shape_cast %swap3A_459 : vector<16xi32> to vector<16xi32>
        %swap3A_461 = vector.shape_cast %get3A_457 : vector<16xi32> to vector<16xi32>
        tpu.vector_store %arg18[%swap3A_458], %swap3A_461 {strides = array<i32>} : memref<32xi32, #tpu.memory_space<vmem>>, vector<16xi32>,
        %scan3A_462 = arith.constant 0 : i32
        %scan3A_463 = arith.constant 1 : i32
        %mul3A_464 = arith.constant 16 : i32
        %mul3A_465 = arith.muli %scan3A_463, %mul3A_464 : i32
        %mul3A_466 = arith.constant 32 : i32
        %mul3A_467 = arith.muli %add3A_437, %mul3A_466 : i32
        %add3A_468 = arith.addi %mul3A_467, %mul3A_465 : i32
        %get3A_469 = arith.index_cast %add3A_468 : i32 to index
        %get3A_470 = tpu.vector_load %arg7[%get3A_469] {strides = array<i32>} : memref<10000xi32, #tpu.memory_space<vmem>>, vector<16xi32>,
        %get3A_471 = vector.shape_cast %get3A_470 : vector<16xi32> to vector<16xi32>
        %swap3A_472 = arith.index_cast %mul3A_465 : i32 to index
        %swap3A_473 = tpu.vector_load %arg12[%swap3A_472] {strides = array<i32>} : memref<32xi32, #tpu.memory_space<vmem>>, vector<16xi32>,
        %swap3A_474 = vector.shape_cast %swap3A_473 : vector<16xi32> to vector<16xi32>
        %swap3A_475 = vector.shape_cast %get3A_471 : vector<16xi32> to vector<16xi32>
        tpu.vector_store %arg12[%swap3A_472], %swap3A_475 {strides = array<i32>} : memref<32xi32, #tpu.memory_space<vmem>>, vector<16xi32>,
        %mul3A_476 = arith.constant 32 : i32
        %mul3A_477 = arith.muli %add3A_437, %mul3A_476 : i32
        %add3A_478 = arith.addi %mul3A_477, %mul3A_465 : i32
        %get3A_479 = arith.index_cast %add3A_478 : i32 to index
        %get3A_480 = tpu.vector_load %arg8[%get3A_479] {strides = array<i32>} : memref<10000xi32, #tpu.memory_space<vmem>>, vector<16xi32>,
        %get3A_481 = vector.shape_cast %get3A_480 : vector<16xi32> to vector<16xi32>
        %swap3A_482 = arith.index_cast %mul3A_465 : i32 to index
        %swap3A_483 = tpu.vector_load %arg18[%swap3A_482] {strides = array<i32>} : memref<32xi32, #tpu.memory_space<vmem>>, vector<16xi32>,
        %swap3A_484 = vector.shape_cast %swap3A_483 : vector<16xi32> to vector<16xi32>
        %swap3A_485 = vector.shape_cast %get3A_481 : vector<16xi32> to vector<16xi32>
        tpu.vector_store %arg18[%swap3A_482], %swap3A_485 {strides = array<i32>} : memref<32xi32, #tpu.memory_space<vmem>>, vector<16xi32>,
        %scan3A_486 = arith.constant 0 : i32
        %scan3A_487 = arith.constant 2 : i32
        %dma_start3A_488 = arith.constant 0 : i32
        %dma_start3A_489 = arith.constant 0 : i32
        %dma_start3A_490 = tpu.memref_slice %arg2[%dma_start3A_488, %dma_start3A_489] : memref<10000x128xf32, #tpu.memory_space<hbm>> -> memref<10000x128xf32, #tpu.memory_space<hbm>>
        tpu.enqueue_indirect_dma source(%dma_start3A_490 : memref<10000x128xf32, #tpu.memory_space<hbm>>) target(%arg24 : memref<32x128xf32, #tpu.memory_space<vmem>>) offsets(%arg12 : memref<32xi32, #tpu.memory_space<vmem>>) semaphore(%arg33 : memref<!tpu.dma_semaphore, #tpu.memory_space<semaphore_mem>>)
      } else {
      }
      %mul3A_408 = arith.constant 6 : i32
      %mul3A_409 = arith.muli %scan3A_352, %mul3A_408 : i32
      %add3A_410 = arith.constant 4 : i32
      %add3A_411 = arith.addi %mul3A_409, %add3A_410 : i32
      %dma_wait3A_412 = arith.constant 0 : i32
      %dma_wait3A_413 = arith.constant 0 : i32
      %dma_wait3A_414 = tpu.memref_slice %arg2[%dma_wait3A_412, %dma_wait3A_413] : memref<10000x128xf32, #tpu.memory_space<hbm>> -> memref<10000x128xf32, #tpu.memory_space<hbm>>
      tpu.wait_indirect_dma semaphore(%arg34 : memref<!tpu.dma_semaphore, #tpu.memory_space<semaphore_mem>>) src(%dma_wait3A_414 : memref<10000x128xf32, #tpu.memory_space<hbm>>) dst(%arg25 : memref<32x128xf32, #tpu.memory_space<vmem>>)
      "tpu.region"() ({
        %run_scoped3A = tpu.sem_alloc : memref<!tpu.dma_semaphore, #tpu.memory_space<semaphore_mem>>
        %dma_start3A_436 = arith.constant 0 : i32
        %dma_start3A_437 = arith.constant 0 : i32
        %dma_start3A_438 = tpu.memref_slice %arg29[%dma_start3A_436, %dma_start3A_437] : memref<10000x128xf32, #tpu.memory_space<vmem_shared>> -> memref<10000x128xf32, #tpu.memory_space<vmem_shared>>
        tpu.enqueue_indirect_dma source(%arg25 : memref<32x128xf32, #tpu.memory_space<vmem>>) target(%dma_start3A_438 : memref<10000x128xf32, #tpu.memory_space<vmem_shared>>) offsets(%arg19 : memref<32xi32, #tpu.memory_space<vmem>>) semaphore(%run_scoped3A : memref<!tpu.dma_semaphore, #tpu.memory_space<semaphore_mem>>) {add = true}
        %dma_wait3A_439 = arith.constant 0 : i32
        %dma_wait3A_440 = arith.constant 0 : i32
        %dma_wait3A_441 = tpu.memref_slice %arg29[%dma_wait3A_439, %dma_wait3A_440] : memref<10000x128xf32, #tpu.memory_space<vmem_shared>> -> memref<10000x128xf32, #tpu.memory_space<vmem_shared>>
        tpu.wait_indirect_dma semaphore(%run_scoped3A : memref<!tpu.dma_semaphore, #tpu.memory_space<semaphore_mem>>) src(%arg25 : memref<32x128xf32, #tpu.memory_space<vmem>>) dst(%dma_wait3A_441 : memref<10000x128xf32, #tpu.memory_space<vmem_shared>>)
        tpu.yield
      }) : () -> ()
      %add3A_415 = arith.constant 6 : i32
      %add3A_416 = arith.addi %add3A_411, %add3A_415 : i32
      %lt3A_417 = arith.constant 312 : i32
      %lt3A_418 = arith.cmpi slt, %add3A_416, %lt3A_417 : i32
      %convert_element_type3A_419 = arith.extui %lt3A_418 : i1 to i32
      %cond3A_420 = arith.constant 0 : i32
      %cond3A_421 = arith.cmpi ne, %convert_element_type3A_419, %cond3A_420 : i32
      scf.if %cond3A_421 {
        %add3A_436 = arith.constant 6 : i32
        %add3A_437 = arith.addi %add3A_411, %add3A_436 : i32
        %scan3A_438 = arith.constant 0 : i32
        %scan3A_439 = arith.constant 0 : i32
        %mul3A_440 = arith.constant 16 : i32
        %mul3A_441 = arith.muli %scan3A_439, %mul3A_440 : i32
        %mul3A_442 = arith.constant 32 : i32
        %mul3A_443 = arith.muli %add3A_437, %mul3A_442 : i32
        %add3A_444 = arith.addi %mul3A_443, %mul3A_441 : i32
        %get3A_445 = arith.index_cast %add3A_444 : i32 to index
        %get3A_446 = tpu.vector_load %arg7[%get3A_445] {strides = array<i32>} : memref<10000xi32, #tpu.memory_space<vmem>>, vector<16xi32>,
        %get3A_447 = vector.shape_cast %get3A_446 : vector<16xi32> to vector<16xi32>
        %swap3A_448 = arith.index_cast %mul3A_441 : i32 to index
        %swap3A_449 = tpu.vector_load %arg13[%swap3A_448] {strides = array<i32>} : memref<32xi32, #tpu.memory_space<vmem>>, vector<16xi32>,
        %swap3A_450 = vector.shape_cast %swap3A_449 : vector<16xi32> to vector<16xi32>
        %swap3A_451 = vector.shape_cast %get3A_447 : vector<16xi32> to vector<16xi32>
        tpu.vector_store %arg13[%swap3A_448], %swap3A_451 {strides = array<i32>} : memref<32xi32, #tpu.memory_space<vmem>>, vector<16xi32>,
        %mul3A_452 = arith.constant 32 : i32
        %mul3A_453 = arith.muli %add3A_437, %mul3A_452 : i32
        %add3A_454 = arith.addi %mul3A_453, %mul3A_441 : i32
        %get3A_455 = arith.index_cast %add3A_454 : i32 to index
        %get3A_456 = tpu.vector_load %arg8[%get3A_455] {strides = array<i32>} : memref<10000xi32, #tpu.memory_space<vmem>>, vector<16xi32>,
        %get3A_457 = vector.shape_cast %get3A_456 : vector<16xi32> to vector<16xi32>
        %swap3A_458 = arith.index_cast %mul3A_441 : i32 to index
        %swap3A_459 = tpu.vector_load %arg19[%swap3A_458] {strides = array<i32>} : memref<32xi32, #tpu.memory_space<vmem>>, vector<16xi32>,
        %swap3A_460 = vector.shape_cast %swap3A_459 : vector<16xi32> to vector<16xi32>
        %swap3A_461 = vector.shape_cast %get3A_457 : vector<16xi32> to vector<16xi32>
        tpu.vector_store %arg19[%swap3A_458], %swap3A_461 {strides = array<i32>} : memref<32xi32, #tpu.memory_space<vmem>>, vector<16xi32>,
        %scan3A_462 = arith.constant 0 : i32
        %scan3A_463 = arith.constant 1 : i32
        %mul3A_464 = arith.constant 16 : i32
        %mul3A_465 = arith.muli %scan3A_463, %mul3A_464 : i32
        %mul3A_466 = arith.constant 32 : i32
        %mul3A_467 = arith.muli %add3A_437, %mul3A_466 : i32
        %add3A_468 = arith.addi %mul3A_467, %mul3A_465 : i32
        %get3A_469 = arith.index_cast %add3A_468 : i32 to index
        %get3A_470 = tpu.vector_load %arg7[%get3A_469] {strides = array<i32>} : memref<10000xi32, #tpu.memory_space<vmem>>, vector<16xi32>,
        %get3A_471 = vector.shape_cast %get3A_470 : vector<16xi32> to vector<16xi32>
        %swap3A_472 = arith.index_cast %mul3A_465 : i32 to index
        %swap3A_473 = tpu.vector_load %arg13[%swap3A_472] {strides = array<i32>} : memref<32xi32, #tpu.memory_space<vmem>>, vector<16xi32>,
        %swap3A_474 = vector.shape_cast %swap3A_473 : vector<16xi32> to vector<16xi32>
        %swap3A_475 = vector.shape_cast %get3A_471 : vector<16xi32> to vector<16xi32>
        tpu.vector_store %arg13[%swap3A_472], %swap3A_475 {strides = array<i32>} : memref<32xi32, #tpu.memory_space<vmem>>, vector<16xi32>,
        %mul3A_476 = arith.constant 32 : i32
        %mul3A_477 = arith.muli %add3A_437, %mul3A_476 : i32
        %add3A_478 = arith.addi %mul3A_477, %mul3A_465 : i32
        %get3A_479 = arith.index_cast %add3A_478 : i32 to index
        %get3A_480 = tpu.vector_load %arg8[%get3A_479] {strides = array<i32>} : memref<10000xi32, #tpu.memory_space<vmem>>, vector<16xi32>,
        %get3A_481 = vector.shape_cast %get3A_480 : vector<16xi32> to vector<16xi32>
        %swap3A_482 = arith.index_cast %mul3A_465 : i32 to index
        %swap3A_483 = tpu.vector_load %arg19[%swap3A_482] {strides = array<i32>} : memref<32xi32, #tpu.memory_space<vmem>>, vector<16xi32>,
        %swap3A_484 = vector.shape_cast %swap3A_483 : vector<16xi32> to vector<16xi32>
        %swap3A_485 = vector.shape_cast %get3A_481 : vector<16xi32> to vector<16xi32>
        tpu.vector_store %arg19[%swap3A_482], %swap3A_485 {strides = array<i32>} : memref<32xi32, #tpu.memory_space<vmem>>, vector<16xi32>,
        %scan3A_486 = arith.constant 0 : i32
        %scan3A_487 = arith.constant 2 : i32
        %dma_start3A_488 = arith.constant 0 : i32
        %dma_start3A_489 = arith.constant 0 : i32
        %dma_start3A_490 = tpu.memref_slice %arg2[%dma_start3A_488, %dma_start3A_489] : memref<10000x128xf32, #tpu.memory_space<hbm>> -> memref<10000x128xf32, #tpu.memory_space<hbm>>
        tpu.enqueue_indirect_dma source(%dma_start3A_490 : memref<10000x128xf32, #tpu.memory_space<hbm>>) target(%arg25 : memref<32x128xf32, #tpu.memory_space<vmem>>) offsets(%arg13 : memref<32xi32, #tpu.memory_space<vmem>>) semaphore(%arg34 : memref<!tpu.dma_semaphore, #tpu.memory_space<semaphore_mem>>)
      } else {
      }
      %mul3A_422 = arith.constant 6 : i32
      %mul3A_423 = arith.muli %scan3A_352, %mul3A_422 : i32
      %add3A_424 = arith.constant 5 : i32
      %add3A_425 = arith.addi %mul3A_423, %add3A_424 : i32
      %dma_wait3A_426 = arith.constant 0 : i32
      %dma_wait3A_427 = arith.constant 0 : i32
      %dma_wait3A_428 = tpu.memref_slice %arg2[%dma_wait3A_426, %dma_wait3A_427] : memref<10000x128xf32, #tpu.memory_space<hbm>> -> memref<10000x128xf32, #tpu.memory_space<hbm>>
      tpu.wait_indirect_dma semaphore(%arg35 : memref<!tpu.dma_semaphore, #tpu.memory_space<semaphore_mem>>) src(%dma_wait3A_428 : memref<10000x128xf32, #tpu.memory_space<hbm>>) dst(%arg26 : memref<32x128xf32, #tpu.memory_space<vmem>>)
      "tpu.region"() ({
        %run_scoped3A = tpu.sem_alloc : memref<!tpu.dma_semaphore, #tpu.memory_space<semaphore_mem>>
        %dma_start3A_436 = arith.constant 0 : i32
        %dma_start3A_437 = arith.constant 0 : i32
        %dma_start3A_438 = tpu.memref_slice %arg29[%dma_start3A_436, %dma_start3A_437] : memref<10000x128xf32, #tpu.memory_space<vmem_shared>> -> memref<10000x128xf32, #tpu.memory_space<vmem_shared>>
        tpu.enqueue_indirect_dma source(%arg26 : memref<32x128xf32, #tpu.memory_space<vmem>>) target(%dma_start3A_438 : memref<10000x128xf32, #tpu.memory_space<vmem_shared>>) offsets(%arg20 : memref<32xi32, #tpu.memory_space<vmem>>) semaphore(%run_scoped3A : memref<!tpu.dma_semaphore, #tpu.memory_space<semaphore_mem>>) {add = true}
        %dma_wait3A_439 = arith.constant 0 : i32
        %dma_wait3A_440 = arith.constant 0 : i32
        %dma_wait3A_441 = tpu.memref_slice %arg29[%dma_wait3A_439, %dma_wait3A_440] : memref<10000x128xf32, #tpu.memory_space<vmem_shared>> -> memref<10000x128xf32, #tpu.memory_space<vmem_shared>>
        tpu.wait_indirect_dma semaphore(%run_scoped3A : memref<!tpu.dma_semaphore, #tpu.memory_space<semaphore_mem>>) src(%arg26 : memref<32x128xf32, #tpu.memory_space<vmem>>) dst(%dma_wait3A_441 : memref<10000x128xf32, #tpu.memory_space<vmem_shared>>)
        tpu.yield
      }) : () -> ()
      %add3A_429 = arith.constant 6 : i32
      %add3A_430 = arith.addi %add3A_425, %add3A_429 : i32
      %lt3A_431 = arith.constant 312 : i32
      %lt3A_432 = arith.cmpi slt, %add3A_430, %lt3A_431 : i32
      %convert_element_type3A_433 = arith.extui %lt3A_432 : i1 to i32
      %cond3A_434 = arith.constant 0 : i32
      %cond3A_435 = arith.cmpi ne, %convert_element_type3A_433, %cond3A_434 : i32
      scf.if %cond3A_435 {
        %add3A_436 = arith.constant 6 : i32
        %add3A_437 = arith.addi %add3A_425, %add3A_436 : i32
        %scan3A_438 = arith.constant 0 : i32
        %scan3A_439 = arith.constant 0 : i32
        %mul3A_440 = arith.constant 16 : i32
        %mul3A_441 = arith.muli %scan3A_439, %mul3A_440 : i32
        %mul3A_442 = arith.constant 32 : i32
        %mul3A_443 = arith.muli %add3A_437, %mul3A_442 : i32
        %add3A_444 = arith.addi %mul3A_443, %mul3A_441 : i32
        %get3A_445 = arith.index_cast %add3A_444 : i32 to index
        %get3A_446 = tpu.vector_load %arg7[%get3A_445] {strides = array<i32>} : memref<10000xi32, #tpu.memory_space<vmem>>, vector<16xi32>,
        %get3A_447 = vector.shape_cast %get3A_446 : vector<16xi32> to vector<16xi32>
        %swap3A_448 = arith.index_cast %mul3A_441 : i32 to index
        %swap3A_449 = tpu.vector_load %arg14[%swap3A_448] {strides = array<i32>} : memref<32xi32, #tpu.memory_space<vmem>>, vector<16xi32>,
        %swap3A_450 = vector.shape_cast %swap3A_449 : vector<16xi32> to vector<16xi32>
        %swap3A_451 = vector.shape_cast %get3A_447 : vector<16xi32> to vector<16xi32>
        tpu.vector_store %arg14[%swap3A_448], %swap3A_451 {strides = array<i32>} : memref<32xi32, #tpu.memory_space<vmem>>, vector<16xi32>,
        %mul3A_452 = arith.constant 32 : i32
        %mul3A_453 = arith.muli %add3A_437, %mul3A_452 : i32
        %add3A_454 = arith.addi %mul3A_453, %mul3A_441 : i32
        %get3A_455 = arith.index_cast %add3A_454 : i32 to index
        %get3A_456 = tpu.vector_load %arg8[%get3A_455] {strides = array<i32>} : memref<10000xi32, #tpu.memory_space<vmem>>, vector<16xi32>,
        %get3A_457 = vector.shape_cast %get3A_456 : vector<16xi32> to vector<16xi32>
        %swap3A_458 = arith.index_cast %mul3A_441 : i32 to index
        %swap3A_459 = tpu.vector_load %arg20[%swap3A_458] {strides = array<i32>} : memref<32xi32, #tpu.memory_space<vmem>>, vector<16xi32>,
        %swap3A_460 = vector.shape_cast %swap3A_459 : vector<16xi32> to vector<16xi32>
        %swap3A_461 = vector.shape_cast %get3A_457 : vector<16xi32> to vector<16xi32>
        tpu.vector_store %arg20[%swap3A_458], %swap3A_461 {strides = array<i32>} : memref<32xi32, #tpu.memory_space<vmem>>, vector<16xi32>,
        %scan3A_462 = arith.constant 0 : i32
        %scan3A_463 = arith.constant 1 : i32
        %mul3A_464 = arith.constant 16 : i32
        %mul3A_465 = arith.muli %scan3A_463, %mul3A_464 : i32
        %mul3A_466 = arith.constant 32 : i32
        %mul3A_467 = arith.muli %add3A_437, %mul3A_466 : i32
        %add3A_468 = arith.addi %mul3A_467, %mul3A_465 : i32
        %get3A_469 = arith.index_cast %add3A_468 : i32 to index
        %get3A_470 = tpu.vector_load %arg7[%get3A_469] {strides = array<i32>} : memref<10000xi32, #tpu.memory_space<vmem>>, vector<16xi32>,
        %get3A_471 = vector.shape_cast %get3A_470 : vector<16xi32> to vector<16xi32>
        %swap3A_472 = arith.index_cast %mul3A_465 : i32 to index
        %swap3A_473 = tpu.vector_load %arg14[%swap3A_472] {strides = array<i32>} : memref<32xi32, #tpu.memory_space<vmem>>, vector<16xi32>,
        %swap3A_474 = vector.shape_cast %swap3A_473 : vector<16xi32> to vector<16xi32>
        %swap3A_475 = vector.shape_cast %get3A_471 : vector<16xi32> to vector<16xi32>
        tpu.vector_store %arg14[%swap3A_472], %swap3A_475 {strides = array<i32>} : memref<32xi32, #tpu.memory_space<vmem>>, vector<16xi32>,
        %mul3A_476 = arith.constant 32 : i32
        %mul3A_477 = arith.muli %add3A_437, %mul3A_476 : i32
        %add3A_478 = arith.addi %mul3A_477, %mul3A_465 : i32
        %get3A_479 = arith.index_cast %add3A_478 : i32 to index
        %get3A_480 = tpu.vector_load %arg8[%get3A_479] {strides = array<i32>} : memref<10000xi32, #tpu.memory_space<vmem>>, vector<16xi32>,
        %get3A_481 = vector.shape_cast %get3A_480 : vector<16xi32> to vector<16xi32>
        %swap3A_482 = arith.index_cast %mul3A_465 : i32 to index
        %swap3A_483 = tpu.vector_load %arg20[%swap3A_482] {strides = array<i32>} : memref<32xi32, #tpu.memory_space<vmem>>, vector<16xi32>,
        %swap3A_484 = vector.shape_cast %swap3A_483 : vector<16xi32> to vector<16xi32>
        %swap3A_485 = vector.shape_cast %get3A_481 : vector<16xi32> to vector<16xi32>
        tpu.vector_store %arg20[%swap3A_482], %swap3A_485 {strides = array<i32>} : memref<32xi32, #tpu.memory_space<vmem>>, vector<16xi32>,
        %scan3A_486 = arith.constant 0 : i32
        %scan3A_487 = arith.constant 2 : i32
        %dma_start3A_488 = arith.constant 0 : i32
        %dma_start3A_489 = arith.constant 0 : i32
        %dma_start3A_490 = tpu.memref_slice %arg2[%dma_start3A_488, %dma_start3A_489] : memref<10000x128xf32, #tpu.memory_space<hbm>> -> memref<10000x128xf32, #tpu.memory_space<hbm>>
        tpu.enqueue_indirect_dma source(%dma_start3A_490 : memref<10000x128xf32, #tpu.memory_space<hbm>>) target(%arg26 : memref<32x128xf32, #tpu.memory_space<vmem>>) offsets(%arg14 : memref<32xi32, #tpu.memory_space<vmem>>) semaphore(%arg35 : memref<!tpu.dma_semaphore, #tpu.memory_space<semaphore_mem>>)
      } else {
      }
    }
    %scan3A_309 = arith.constant 52 : i32
    %scan3A_310 = arith.constant 0 : i32
    %scan3A_311 = arith.constant 0 : i32
    %mul3A_312 = arith.constant 16 : i32
    %mul3A_313 = arith.muli %scan3A_311, %mul3A_312 : i32
    %add3A_314 = arith.constant 9984 : i32
    %add3A_315 = arith.addi %add3A_314, %mul3A_313 : i32
    %get3A_316 = arith.index_cast %add3A_315 : i32 to index
    %get3A_317 = tpu.vector_load %arg7[%get3A_316] {strides = array<i32>} : memref<10000xi32, #tpu.memory_space<vmem>>, vector<16xi32>,
    %get3A_318 = vector.shape_cast %get3A_317 : vector<16xi32> to vector<16xi32>
    %swap3A_319 = arith.index_cast %mul3A_313 : i32 to index
    %swap3A_320 = tpu.vector_load %arg27[%swap3A_319] {strides = array<i32>} : memref<16xi32, #tpu.memory_space<vmem>>, vector<16xi32>,
    %swap3A_321 = vector.shape_cast %swap3A_320 : vector<16xi32> to vector<16xi32>
    %swap3A_322 = vector.shape_cast %get3A_318 : vector<16xi32> to vector<16xi32>
    tpu.vector_store %arg27[%swap3A_319], %swap3A_322 {strides = array<i32>} : memref<16xi32, #tpu.memory_space<vmem>>, vector<16xi32>,
    %add3A_323 = arith.constant 9984 : i32
    %add3A_324 = arith.addi %add3A_323, %mul3A_313 : i32
    %get3A_325 = arith.index_cast %add3A_324 : i32 to index
    %get3A_326 = tpu.vector_load %arg8[%get3A_325] {strides = array<i32>} : memref<10000xi32, #tpu.memory_space<vmem>>, vector<16xi32>,
    %get3A_327 = vector.shape_cast %get3A_326 : vector<16xi32> to vector<16xi32>
    %swap3A_328 = arith.index_cast %mul3A_313 : i32 to index
    %swap3A_329 = tpu.vector_load %arg28[%swap3A_328] {strides = array<i32>} : memref<16xi32, #tpu.memory_space<vmem>>, vector<16xi32>,
    %swap3A_330 = vector.shape_cast %swap3A_329 : vector<16xi32> to vector<16xi32>
    %swap3A_331 = vector.shape_cast %get3A_327 : vector<16xi32> to vector<16xi32>
    tpu.vector_store %arg28[%swap3A_328], %swap3A_331 {strides = array<i32>} : memref<16xi32, #tpu.memory_space<vmem>>, vector<16xi32>,
    %scan3A_332 = arith.constant 0 : i32
    %scan3A_333 = arith.constant 1 : i32
    %dma_start3A_334 = arith.constant 0 : i32
    %dma_start3A_335 = arith.constant 0 : i32
    %dma_start3A_336 = tpu.memref_slice %arg21[%dma_start3A_334, %dma_start3A_335] : memref<32x128xf32, #tpu.memory_space<vmem>> -> memref<16x128xf32, #tpu.memory_space<vmem>>
    %dma_start3A_337 = arith.constant 0 : i32
    %dma_start3A_338 = arith.constant 0 : i32
    %dma_start3A_339 = tpu.memref_slice %arg2[%dma_start3A_337, %dma_start3A_338] : memref<10000x128xf32, #tpu.memory_space<hbm>> -> memref<10000x128xf32, #tpu.memory_space<hbm>>
    tpu.enqueue_indirect_dma source(%dma_start3A_339 : memref<10000x128xf32, #tpu.memory_space<hbm>>) target(%dma_start3A_336 : memref<16x128xf32, #tpu.memory_space<vmem>>) offsets(%arg27 : memref<16xi32, #tpu.memory_space<vmem>>) semaphore(%arg30 : memref<!tpu.dma_semaphore, #tpu.memory_space<semaphore_mem>>)
    %dma_wait3A_340 = arith.constant 0 : i32
    %dma_wait3A_341 = arith.constant 0 : i32
    %dma_wait3A_342 = tpu.memref_slice %arg21[%dma_wait3A_340, %dma_wait3A_341] : memref<32x128xf32, #tpu.memory_space<vmem>> -> memref<16x128xf32, #tpu.memory_space<vmem>>
    %dma_wait3A_343 = arith.constant 0 : i32
    %dma_wait3A_344 = arith.constant 0 : i32
    %dma_wait3A_345 = tpu.memref_slice %arg2[%dma_wait3A_343, %dma_wait3A_344] : memref<10000x128xf32, #tpu.memory_space<hbm>> -> memref<10000x128xf32, #tpu.memory_space<hbm>>
    tpu.wait_indirect_dma semaphore(%arg30 : memref<!tpu.dma_semaphore, #tpu.memory_space<semaphore_mem>>) src(%dma_wait3A_345 : memref<10000x128xf32, #tpu.memory_space<hbm>>) dst(%dma_wait3A_342 : memref<16x128xf32, #tpu.memory_space<vmem>>)
    "tpu.region"() ({
      %run_scoped3A = tpu.sem_alloc : memref<!tpu.dma_semaphore, #tpu.memory_space<semaphore_mem>>
      %dma_start3A_352 = arith.constant 0 : i32
      %dma_start3A_353 = arith.constant 0 : i32
      %dma_start3A_354 = tpu.memref_slice %arg21[%dma_start3A_352, %dma_start3A_353] : memref<32x128xf32, #tpu.memory_space<vmem>> -> memref<16x128xf32, #tpu.memory_space<vmem>>
      %dma_start3A_355 = arith.constant 0 : i32
      %dma_start3A_356 = arith.constant 0 : i32
      %dma_start3A_357 = tpu.memref_slice %arg29[%dma_start3A_355, %dma_start3A_356] : memref<10000x128xf32, #tpu.memory_space<vmem_shared>> -> memref<10000x128xf32, #tpu.memory_space<vmem_shared>>
      tpu.enqueue_indirect_dma source(%dma_start3A_354 : memref<16x128xf32, #tpu.memory_space<vmem>>) target(%dma_start3A_357 : memref<10000x128xf32, #tpu.memory_space<vmem_shared>>) offsets(%arg28 : memref<16xi32, #tpu.memory_space<vmem>>) semaphore(%run_scoped3A : memref<!tpu.dma_semaphore, #tpu.memory_space<semaphore_mem>>) {add = true}
      %dma_wait3A_358 = arith.constant 0 : i32
      %dma_wait3A_359 = arith.constant 0 : i32
      %dma_wait3A_360 = tpu.memref_slice %arg21[%dma_wait3A_358, %dma_wait3A_359] : memref<32x128xf32, #tpu.memory_space<vmem>> -> memref<16x128xf32, #tpu.memory_space<vmem>>
      %dma_wait3A_361 = arith.constant 0 : i32
      %dma_wait3A_362 = arith.constant 0 : i32
      %dma_wait3A_363 = tpu.memref_slice %arg29[%dma_wait3A_361, %dma_wait3A_362] : memref<10000x128xf32, #tpu.memory_space<vmem_shared>> -> memref<10000x128xf32, #tpu.memory_space<vmem_shared>>
      tpu.wait_indirect_dma semaphore(%run_scoped3A : memref<!tpu.dma_semaphore, #tpu.memory_space<semaphore_mem>>) src(%dma_wait3A_360 : memref<16x128xf32, #tpu.memory_space<vmem>>) dst(%dma_wait3A_363 : memref<10000x128xf32, #tpu.memory_space<vmem_shared>>)
      tpu.yield
    }) : () -> ()
    %barrier3A_346 = arith.constant 0 : index
    tpu.barrier barrier_id(%barrier3A_346)
    "tpu.region"() ({
      %run_scoped3A = tpu.sem_alloc : memref<!tpu.dma_semaphore, #tpu.memory_space<semaphore_mem>>
      %dma_start3A_352 = arith.constant 0 : i32
      %dma_start3A_353 = tpu.memref_slice %arg6[%arg0, %mul3A_0, %dma_start3A_352] : memref<2x10000x128xf32, #tpu.memory_space<hbm>> -> memref<1x624x128xf32, #tpu.memory_space<hbm>>
      %dma_start3A_354 = tpu.memref_squeeze %dma_start3A_353 : memref<1x624x128xf32, #tpu.memory_space<hbm>> -> memref<624x128xf32, #tpu.memory_space<hbm>>
      %dma_start3A_355 = arith.constant 0 : i32
      %dma_start3A_356 = tpu.memref_slice %arg29[%mul3A_0, %dma_start3A_355] : memref<10000x128xf32, #tpu.memory_space<vmem_shared>> -> memref<624x128xf32, #tpu.memory_space<vmem_shared>>
      tpu.enqueue_dma source(%dma_start3A_356 : memref<624x128xf32, #tpu.memory_space<vmem_shared>>) target(%dma_start3A_354 : memref<624x128xf32, #tpu.memory_space<hbm>>) target_semaphore(%run_scoped3A : memref<!tpu.dma_semaphore, #tpu.memory_space<semaphore_mem>>)
      %dma_wait3A_357 = arith.constant 0 : i32
      %dma_wait3A_358 = tpu.memref_slice %arg6[%arg0, %mul3A_0, %dma_wait3A_357] : memref<2x10000x128xf32, #tpu.memory_space<hbm>> -> memref<1x624x128xf32, #tpu.memory_space<hbm>>
      %dma_wait3A_359 = tpu.memref_squeeze %dma_wait3A_358 : memref<1x624x128xf32, #tpu.memory_space<hbm>> -> memref<624x128xf32, #tpu.memory_space<hbm>>
      %dma_wait3A_360 = arith.constant 0 : i32
      %dma_wait3A_361 = tpu.memref_slice %arg29[%mul3A_0, %dma_wait3A_360] : memref<10000x128xf32, #tpu.memory_space<vmem_shared>> -> memref<624x128xf32, #tpu.memory_space<vmem_shared>>
      tpu.wait_dma2 semaphore(%run_scoped3A : memref<!tpu.dma_semaphore, #tpu.memory_space<semaphore_mem>>) src(%dma_wait3A_361 : memref<624x128xf32, #tpu.memory_space<vmem_shared>>) dst(%dma_wait3A_359 : memref<624x128xf32, #tpu.memory_space<hbm>>)
      tpu.yield
    }) : () -> ()
    %eq3A_347 = arith.constant 15 : i32
    %eq3A_348 = arith.cmpi eq, %arg1, %eq3A_347 : i32
    %convert_element_type3A_349 = arith.extui %eq3A_348 : i1 to i32
    %cond3A_350 = arith.constant 0 : i32
    %cond3A_351 = arith.cmpi ne, %convert_element_type3A_349, %cond3A_350 : i32
    scf.if %cond3A_351 {
      "tpu.region"() ({
        %run_scoped3A = tpu.sem_alloc : memref<!tpu.dma_semaphore, #tpu.memory_space<semaphore_mem>>
        %dma_start3A_352 = arith.constant 9984 : i32
        %dma_start3A_353 = arith.constant 0 : i32
        %dma_start3A_354 = tpu.memref_slice %arg6[%arg0, %dma_start3A_352, %dma_start3A_353] : memref<2x10000x128xf32, #tpu.memory_space<hbm>> -> memref<1x16x128xf32, #tpu.memory_space<hbm>>
        %dma_start3A_355 = tpu.memref_squeeze %dma_start3A_354 : memref<1x16x128xf32, #tpu.memory_space<hbm>> -> memref<16x128xf32, #tpu.memory_space<hbm>>
        %dma_start3A_356 = arith.constant 9984 : i32
        %dma_start3A_357 = arith.constant 0 : i32
        %dma_start3A_358 = tpu.memref_slice %arg29[%dma_start3A_356, %dma_start3A_357] : memref<10000x128xf32, #tpu.memory_space<vmem_shared>> -> memref<16x128xf32, #tpu.memory_space<vmem_shared>>
        tpu.enqueue_dma source(%dma_start3A_358 : memref<16x128xf32, #tpu.memory_space<vmem_shared>>) target(%dma_start3A_355 : memref<16x128xf32, #tpu.memory_space<hbm>>) target_semaphore(%run_scoped3A : memref<!tpu.dma_semaphore, #tpu.memory_space<semaphore_mem>>)
        %dma_wait3A_359 = arith.constant 9984 : i32
        %dma_wait3A_360 = arith.constant 0 : i32
        %dma_wait3A_361 = tpu.memref_slice %arg6[%arg0, %dma_wait3A_359, %dma_wait3A_360] : memref<2x10000x128xf32, #tpu.memory_space<hbm>> -> memref<1x16x128xf32, #tpu.memory_space<hbm>>
        %dma_wait3A_362 = tpu.memref_squeeze %dma_wait3A_361 : memref<1x16x128xf32, #tpu.memory_space<hbm>> -> memref<16x128xf32, #tpu.memory_space<hbm>>
        %dma_wait3A_363 = arith.constant 9984 : i32
        %dma_wait3A_364 = arith.constant 0 : i32
        %dma_wait3A_365 = tpu.memref_slice %arg29[%dma_wait3A_363, %dma_wait3A_364] : memref<10000x128xf32, #tpu.memory_space<vmem_shared>> -> memref<16x128xf32, #tpu.memory_space<vmem_shared>>
        tpu.wait_dma2 semaphore(%run_scoped3A : memref<!tpu.dma_semaphore, #tpu.memory_space<semaphore_mem>>) src(%dma_wait3A_365 : memref<16x128xf32, #tpu.memory_space<vmem_shared>>) dst(%dma_wait3A_362 : memref<16x128xf32, #tpu.memory_space<hbm>>)
        tpu.yield
      }) : () -> ()
    } else {
    }
    return
  }
}

module attributes {stable_mosaic.version = 14 : i64} {
  func.func @body(%arg0: memref<10000x128xf32, #tpu.memory_space<vmem>>, %arg1: memref<10000x128xf32, #tpu.memory_space<vmem>>, %arg2: memref<10000x128xf32, #tpu.memory_space<vmem>>, %arg3: memref<1x128xf32, #tpu.memory_space<vmem>>, %arg4: memref<128x256xf32, #tpu.memory_space<vmem>>, %arg5: memref<1x256xf32, #tpu.memory_space<vmem>>, %arg6: memref<1x256xf32, #tpu.memory_space<vmem>>, %arg7: memref<1x256xf32, #tpu.memory_space<vmem>>, %arg8: memref<256x128xf32, #tpu.memory_space<vmem>>, %arg9: memref<1x128xf32, #tpu.memory_space<vmem>>, %arg10: memref<1x128xf32, #tpu.memory_space<vmem>>, %arg11: memref<1x128xf32, #tpu.memory_space<vmem>>, %arg12: memref<1x128xf32, #tpu.memory_space<vmem>>, %arg13: memref<1x128xf32, #tpu.memory_space<vmem>>, %arg14: memref<10000x128xf32, #tpu.memory_space<vmem>>) attributes {dimension_semantics = [], scalar_prefetch = 0 : i64, scratch_operands = 0 : i64, tpu.core_type = #tpu.core_type<tc>} {
    %get3A = arith.constant 0 : index
    %get3A_0 = arith.constant 0 : index
    %get3A_1 = vector.load %arg3[%get3A, %get3A_0] : memref<1x128xf32, #tpu.memory_space<vmem>>, vector<1x128xf32>
    %get3A_2 = arith.constant 0 : index
    %get3A_3 = arith.constant 0 : index
    %get3A_4 = vector.load %arg0[%get3A_2, %get3A_3] : memref<10000x128xf32, #tpu.memory_space<vmem>>, vector<10000x128xf32>
    %mul3A = vector.broadcast %get3A_1 : vector<1x128xf32> to vector<10000x128xf32>
    %mul3A_5 = arith.mulf %mul3A, %get3A_4 : vector<10000x128xf32>
    %get3A_6 = arith.constant 0 : index
    %get3A_7 = arith.constant 0 : index
    %get3A_8 = vector.load %arg1[%get3A_6, %get3A_7] : memref<10000x128xf32, #tpu.memory_space<vmem>>, vector<10000x128xf32>
    %add3A = arith.addf %mul3A_5, %get3A_8 : vector<10000x128xf32>
    %get3A_9 = arith.constant 0 : index
    %get3A_10 = arith.constant 0 : index
    %get3A_11 = vector.load %arg2[%get3A_9, %get3A_10] : memref<10000x128xf32, #tpu.memory_space<vmem>>, vector<10000x128xf32>
    %add3A_12 = arith.addf %add3A, %get3A_11 : vector<10000x128xf32>
    %get3A_13 = arith.constant 0 : index
    %get3A_14 = arith.constant 0 : index
    %get3A_15 = vector.load %arg4[%get3A_13, %get3A_14] : memref<128x256xf32, #tpu.memory_space<vmem>>, vector<128x256xf32>
    %dot_general3A = arith.constant dense<0.000000e+00> : vector<10000x256xf32>
    %dot_general3A_16 = tpu.matmul %add3A_12, %get3A_15, %dot_general3A {dimension_numbers = #tpu.dot_dimension_numbers<[1], [0], [0], [1], [0, 0, 1, 1], [], []>, transpose_lhs_hint = false} : vector<10000x128xf32>, vector<128x256xf32>, vector<10000x256xf32> -> vector<10000x256xf32>
    %get3A_17 = arith.constant 0 : index
    %get3A_18 = arith.constant 0 : index
    %get3A_19 = vector.load %arg5[%get3A_17, %get3A_18] : memref<1x256xf32, #tpu.memory_space<vmem>>, vector<1x256xf32>
    %add3A_20 = vector.broadcast %get3A_19 : vector<1x256xf32> to vector<10000x256xf32>
    %add3A_21 = arith.addf %dot_general3A_16, %add3A_20 : vector<10000x256xf32>
    %reduce_sum3A = arith.constant dense<0.000000e+00> : vector<256xf32>
    %reduce_sum3A_22 = vector.multi_reduction <add>, %add3A_21, %reduce_sum3A [0] : vector<10000x256xf32> to vector<256xf32>
    %broadcast_in_dim3A = vector.shape_cast %reduce_sum3A_22 : vector<256xf32> to vector<1x256xf32>
    %div3A = arith.constant 1.000000e+04 : f32
    %div3A_23 = vector.broadcast %div3A : f32 to vector<1x256xf32>
    %div3A_24 = arith.divf %broadcast_in_dim3A, %div3A_23 : vector<1x256xf32>
    %sub3A = vector.broadcast %div3A_24 : vector<1x256xf32> to vector<10000x256xf32>
    %sub3A_25 = arith.subf %add3A_21, %sub3A : vector<10000x256xf32>
    %mul3A_26 = arith.mulf %sub3A_25, %sub3A_25 : vector<10000x256xf32>
    %reduce_sum3A_27 = arith.constant dense<0.000000e+00> : vector<256xf32>
    %reduce_sum3A_28 = vector.multi_reduction <add>, %mul3A_26, %reduce_sum3A_27 [0] : vector<10000x256xf32> to vector<256xf32>
    %broadcast_in_dim3A_29 = vector.shape_cast %reduce_sum3A_28 : vector<256xf32> to vector<1x256xf32>
    %div3A_30 = arith.constant 1.000000e+04 : f32
    %div3A_31 = vector.broadcast %div3A_30 : f32 to vector<1x256xf32>
    %div3A_32 = arith.divf %broadcast_in_dim3A_29, %div3A_31 : vector<1x256xf32>
    %get3A_33 = arith.constant 0 : index
    %get3A_34 = arith.constant 0 : index
    %get3A_35 = vector.load %arg6[%get3A_33, %get3A_34] : memref<1x256xf32, #tpu.memory_space<vmem>>, vector<1x256xf32>
    %mul3A_36 = vector.broadcast %get3A_35 : vector<1x256xf32> to vector<10000x256xf32>
    %mul3A_37 = arith.mulf %mul3A_36, %sub3A_25 : vector<10000x256xf32>
    %add3A_38 = arith.constant 9.99999974E-6 : f32
    %add3A_39 = vector.broadcast %add3A_38 : f32 to vector<1x256xf32>
    %add3A_40 = arith.addf %div3A_32, %add3A_39 : vector<1x256xf32>
    %rsqrt3A = math.rsqrt %add3A_40 : vector<1x256xf32>
    %mul3A_41 = vector.broadcast %rsqrt3A : vector<1x256xf32> to vector<10000x256xf32>
    %mul3A_42 = arith.mulf %mul3A_37, %mul3A_41 : vector<10000x256xf32>
    %get3A_43 = arith.constant 0 : index
    %get3A_44 = arith.constant 0 : index
    %get3A_45 = vector.load %arg7[%get3A_43, %get3A_44] : memref<1x256xf32, #tpu.memory_space<vmem>>, vector<1x256xf32>
    %add3A_46 = vector.broadcast %get3A_45 : vector<1x256xf32> to vector<10000x256xf32>
    %add3A_47 = arith.addf %mul3A_42, %add3A_46 : vector<10000x256xf32>
    %max3A = arith.constant 0.000000e+00 : f32
    %max3A_48 = vector.broadcast %max3A : f32 to vector<10000x256xf32>
    %max3A_49 = arith.maximumf %add3A_47, %max3A_48 : vector<10000x256xf32>
    %get3A_50 = arith.constant 0 : index
    %get3A_51 = arith.constant 0 : index
    %get3A_52 = vector.load %arg8[%get3A_50, %get3A_51] : memref<256x128xf32, #tpu.memory_space<vmem>>, vector<256x128xf32>
    %dot_general3A_53 = arith.constant dense<0.000000e+00> : vector<10000x128xf32>
    %dot_general3A_54 = tpu.matmul %max3A_49, %get3A_52, %dot_general3A_53 {dimension_numbers = #tpu.dot_dimension_numbers<[1], [0], [0], [1], [0, 0, 1, 1], [], []>, transpose_lhs_hint = false} : vector<10000x256xf32>, vector<256x128xf32>, vector<10000x128xf32> -> vector<10000x128xf32>
    %get3A_55 = arith.constant 0 : index
    %get3A_56 = arith.constant 0 : index
    %get3A_57 = vector.load %arg9[%get3A_55, %get3A_56] : memref<1x128xf32, #tpu.memory_space<vmem>>, vector<1x128xf32>
    %add3A_58 = vector.broadcast %get3A_57 : vector<1x128xf32> to vector<10000x128xf32>
    %add3A_59 = arith.addf %dot_general3A_54, %add3A_58 : vector<10000x128xf32>
    %reduce_sum3A_60 = arith.constant dense<0.000000e+00> : vector<128xf32>
    %reduce_sum3A_61 = vector.multi_reduction <add>, %add3A_59, %reduce_sum3A_60 [0] : vector<10000x128xf32> to vector<128xf32>
    %broadcast_in_dim3A_62 = vector.shape_cast %reduce_sum3A_61 : vector<128xf32> to vector<1x128xf32>
    %div3A_63 = arith.constant 1.000000e+04 : f32
    %div3A_64 = vector.broadcast %div3A_63 : f32 to vector<1x128xf32>
    %div3A_65 = arith.divf %broadcast_in_dim3A_62, %div3A_64 : vector<1x128xf32>
    %sub3A_66 = vector.broadcast %div3A_65 : vector<1x128xf32> to vector<10000x128xf32>
    %sub3A_67 = arith.subf %add3A_59, %sub3A_66 : vector<10000x128xf32>
    %mul3A_68 = arith.mulf %sub3A_67, %sub3A_67 : vector<10000x128xf32>
    %reduce_sum3A_69 = arith.constant dense<0.000000e+00> : vector<128xf32>
    %reduce_sum3A_70 = vector.multi_reduction <add>, %mul3A_68, %reduce_sum3A_69 [0] : vector<10000x128xf32> to vector<128xf32>
    %broadcast_in_dim3A_71 = vector.shape_cast %reduce_sum3A_70 : vector<128xf32> to vector<1x128xf32>
    %div3A_72 = arith.constant 1.000000e+04 : f32
    %div3A_73 = vector.broadcast %div3A_72 : f32 to vector<1x128xf32>
    %div3A_74 = arith.divf %broadcast_in_dim3A_71, %div3A_73 : vector<1x128xf32>
    %get3A_75 = arith.constant 0 : index
    %get3A_76 = arith.constant 0 : index
    %get3A_77 = vector.load %arg10[%get3A_75, %get3A_76] : memref<1x128xf32, #tpu.memory_space<vmem>>, vector<1x128xf32>
    %mul3A_78 = vector.broadcast %get3A_77 : vector<1x128xf32> to vector<10000x128xf32>
    %mul3A_79 = arith.mulf %mul3A_78, %sub3A_67 : vector<10000x128xf32>
    %add3A_80 = arith.constant 9.99999974E-6 : f32
    %add3A_81 = vector.broadcast %add3A_80 : f32 to vector<1x128xf32>
    %add3A_82 = arith.addf %div3A_74, %add3A_81 : vector<1x128xf32>
    %rsqrt3A_83 = math.rsqrt %add3A_82 : vector<1x128xf32>
    %mul3A_84 = vector.broadcast %rsqrt3A_83 : vector<1x128xf32> to vector<10000x128xf32>
    %mul3A_85 = arith.mulf %mul3A_79, %mul3A_84 : vector<10000x128xf32>
    %get3A_86 = arith.constant 0 : index
    %get3A_87 = arith.constant 0 : index
    %get3A_88 = vector.load %arg11[%get3A_86, %get3A_87] : memref<1x128xf32, #tpu.memory_space<vmem>>, vector<1x128xf32>
    %add3A_89 = vector.broadcast %get3A_88 : vector<1x128xf32> to vector<10000x128xf32>
    %add3A_90 = arith.addf %mul3A_85, %add3A_89 : vector<10000x128xf32>
    %max3A_91 = arith.constant 0.000000e+00 : f32
    %max3A_92 = vector.broadcast %max3A_91 : f32 to vector<10000x128xf32>
    %max3A_93 = arith.maximumf %add3A_90, %max3A_92 : vector<10000x128xf32>
    %reduce_sum3A_94 = arith.constant dense<0.000000e+00> : vector<128xf32>
    %reduce_sum3A_95 = vector.multi_reduction <add>, %max3A_93, %reduce_sum3A_94 [0] : vector<10000x128xf32> to vector<128xf32>
    %broadcast_in_dim3A_96 = vector.shape_cast %reduce_sum3A_95 : vector<128xf32> to vector<1x128xf32>
    %div3A_97 = arith.constant 1.000000e+04 : f32
    %div3A_98 = vector.broadcast %div3A_97 : f32 to vector<1x128xf32>
    %div3A_99 = arith.divf %broadcast_in_dim3A_96, %div3A_98 : vector<1x128xf32>
    %sub3A_100 = vector.broadcast %div3A_99 : vector<1x128xf32> to vector<10000x128xf32>
    %sub3A_101 = arith.subf %max3A_93, %sub3A_100 : vector<10000x128xf32>
    %mul3A_102 = arith.mulf %sub3A_101, %sub3A_101 : vector<10000x128xf32>
    %reduce_sum3A_103 = arith.constant dense<0.000000e+00> : vector<128xf32>
    %reduce_sum3A_104 = vector.multi_reduction <add>, %mul3A_102, %reduce_sum3A_103 [0] : vector<10000x128xf32> to vector<128xf32>
    %broadcast_in_dim3A_105 = vector.shape_cast %reduce_sum3A_104 : vector<128xf32> to vector<1x128xf32>
    %div3A_106 = arith.constant 1.000000e+04 : f32
    %div3A_107 = vector.broadcast %div3A_106 : f32 to vector<1x128xf32>
    %div3A_108 = arith.divf %broadcast_in_dim3A_105, %div3A_107 : vector<1x128xf32>
    %get3A_109 = arith.constant 0 : index
    %get3A_110 = arith.constant 0 : index
    %get3A_111 = vector.load %arg12[%get3A_109, %get3A_110] : memref<1x128xf32, #tpu.memory_space<vmem>>, vector<1x128xf32>
    %mul3A_112 = vector.broadcast %get3A_111 : vector<1x128xf32> to vector<10000x128xf32>
    %mul3A_113 = arith.mulf %mul3A_112, %sub3A_101 : vector<10000x128xf32>
    %add3A_114 = arith.constant 9.99999974E-6 : f32
    %add3A_115 = vector.broadcast %add3A_114 : f32 to vector<1x128xf32>
    %add3A_116 = arith.addf %div3A_108, %add3A_115 : vector<1x128xf32>
    %rsqrt3A_117 = math.rsqrt %add3A_116 : vector<1x128xf32>
    %mul3A_118 = vector.broadcast %rsqrt3A_117 : vector<1x128xf32> to vector<10000x128xf32>
    %mul3A_119 = arith.mulf %mul3A_113, %mul3A_118 : vector<10000x128xf32>
    %get3A_120 = arith.constant 0 : index
    %get3A_121 = arith.constant 0 : index
    %get3A_122 = vector.load %arg13[%get3A_120, %get3A_121] : memref<1x128xf32, #tpu.memory_space<vmem>>, vector<1x128xf32>
    %add3A_123 = vector.broadcast %get3A_122 : vector<1x128xf32> to vector<10000x128xf32>
    %add3A_124 = arith.addf %mul3A_119, %add3A_123 : vector<10000x128xf32>
    %swap3A = arith.constant 0 : index
    %swap3A_125 = arith.constant 0 : index
    %swap3A_126 = vector.load %arg14[%swap3A, %swap3A_125] : memref<10000x128xf32, #tpu.memory_space<vmem>>, vector<10000x128xf32>
    tpu.vector_store %arg14[%swap3A, %swap3A_125], %add3A_124 {strides = array<i32>} : memref<10000x128xf32, #tpu.memory_space<vmem>>, vector<10000x128xf32>,
    return
  }
}

module attributes {stable_mosaic.version = 14 : i64} {
  func.func @body(%arg0: memref<10000x128xf32, #tpu.memory_space<vmem>>, %arg1: memref<10000x128xf32, #tpu.memory_space<vmem>>, %arg2: memref<10000x128xf32, #tpu.memory_space<vmem>>, %arg3: memref<1x128xf32, #tpu.memory_space<vmem>>, %arg4: memref<128x256xf32, #tpu.memory_space<vmem>>, %arg5: memref<1x256xf32, #tpu.memory_space<vmem>>, %arg6: memref<1x256xf32, #tpu.memory_space<vmem>>, %arg7: memref<1x256xf32, #tpu.memory_space<vmem>>, %arg8: memref<256x128xf32, #tpu.memory_space<vmem>>, %arg9: memref<1x128xf32, #tpu.memory_space<vmem>>, %arg10: memref<1x128xf32, #tpu.memory_space<vmem>>, %arg11: memref<1x128xf32, #tpu.memory_space<vmem>>, %arg12: memref<1x128xf32, #tpu.memory_space<vmem>>, %arg13: memref<1x128xf32, #tpu.memory_space<vmem>>, %arg14: memref<10000x128xf32, #tpu.memory_space<vmem>>) attributes {dimension_semantics = [], scalar_prefetch = 0 : i64, scratch_operands = 0 : i64, tpu.core_type = #tpu.core_type<tc>} {
    %get3A = arith.constant 0 : index
    %get3A_0 = arith.constant 0 : index
    %get3A_1 = vector.load %arg3[%get3A, %get3A_0] : memref<1x128xf32, #tpu.memory_space<vmem>>, vector<1x128xf32>
    %get3A_2 = arith.constant 0 : index
    %get3A_3 = arith.constant 0 : index
    %get3A_4 = vector.load %arg0[%get3A_2, %get3A_3] : memref<10000x128xf32, #tpu.memory_space<vmem>>, vector<10000x128xf32>
    %mul3A = vector.broadcast %get3A_1 : vector<1x128xf32> to vector<10000x128xf32>
    %mul3A_5 = arith.mulf %mul3A, %get3A_4 : vector<10000x128xf32>
    %get3A_6 = arith.constant 0 : index
    %get3A_7 = arith.constant 0 : index
    %get3A_8 = vector.load %arg1[%get3A_6, %get3A_7] : memref<10000x128xf32, #tpu.memory_space<vmem>>, vector<10000x128xf32>
    %add3A = arith.addf %mul3A_5, %get3A_8 : vector<10000x128xf32>
    %get3A_9 = arith.constant 0 : index
    %get3A_10 = arith.constant 0 : index
    %get3A_11 = vector.load %arg2[%get3A_9, %get3A_10] : memref<10000x128xf32, #tpu.memory_space<vmem>>, vector<10000x128xf32>
    %add3A_12 = arith.addf %add3A, %get3A_11 : vector<10000x128xf32>
    %get3A_13 = arith.constant 0 : index
    %get3A_14 = arith.constant 0 : index
    %get3A_15 = vector.load %arg4[%get3A_13, %get3A_14] : memref<128x256xf32, #tpu.memory_space<vmem>>, vector<128x256xf32>
    %dot_general3A = arith.constant dense<0.000000e+00> : vector<10000x256xf32>
    %dot_general3A_16 = tpu.matmul %add3A_12, %get3A_15, %dot_general3A {dimension_numbers = #tpu.dot_dimension_numbers<[1], [0], [0], [1], [0, 0, 1, 1], [], []>, transpose_lhs_hint = false} : vector<10000x128xf32>, vector<128x256xf32>, vector<10000x256xf32> -> vector<10000x256xf32>
    %get3A_17 = arith.constant 0 : index
    %get3A_18 = arith.constant 0 : index
    %get3A_19 = vector.load %arg5[%get3A_17, %get3A_18] : memref<1x256xf32, #tpu.memory_space<vmem>>, vector<1x256xf32>
    %add3A_20 = vector.broadcast %get3A_19 : vector<1x256xf32> to vector<10000x256xf32>
    %add3A_21 = arith.addf %dot_general3A_16, %add3A_20 : vector<10000x256xf32>
    %reduce_sum3A = arith.constant dense<0.000000e+00> : vector<256xf32>
    %reduce_sum3A_22 = vector.multi_reduction <add>, %add3A_21, %reduce_sum3A [0] : vector<10000x256xf32> to vector<256xf32>
    %broadcast_in_dim3A = vector.shape_cast %reduce_sum3A_22 : vector<256xf32> to vector<1x256xf32>
    %div3A = arith.constant 1.000000e+04 : f32
    %div3A_23 = vector.broadcast %div3A : f32 to vector<1x256xf32>
    %div3A_24 = arith.divf %broadcast_in_dim3A, %div3A_23 : vector<1x256xf32>
    %sub3A = vector.broadcast %div3A_24 : vector<1x256xf32> to vector<10000x256xf32>
    %sub3A_25 = arith.subf %add3A_21, %sub3A : vector<10000x256xf32>
    %mul3A_26 = arith.mulf %sub3A_25, %sub3A_25 : vector<10000x256xf32>
    %reduce_sum3A_27 = arith.constant dense<0.000000e+00> : vector<256xf32>
    %reduce_sum3A_28 = vector.multi_reduction <add>, %mul3A_26, %reduce_sum3A_27 [0] : vector<10000x256xf32> to vector<256xf32>
    %broadcast_in_dim3A_29 = vector.shape_cast %reduce_sum3A_28 : vector<256xf32> to vector<1x256xf32>
    %div3A_30 = arith.constant 1.000000e+04 : f32
    %div3A_31 = vector.broadcast %div3A_30 : f32 to vector<1x256xf32>
    %div3A_32 = arith.divf %broadcast_in_dim3A_29, %div3A_31 : vector<1x256xf32>
    %get3A_33 = arith.constant 0 : index
    %get3A_34 = arith.constant 0 : index
    %get3A_35 = vector.load %arg6[%get3A_33, %get3A_34] : memref<1x256xf32, #tpu.memory_space<vmem>>, vector<1x256xf32>
    %mul3A_36 = vector.broadcast %get3A_35 : vector<1x256xf32> to vector<10000x256xf32>
    %mul3A_37 = arith.mulf %mul3A_36, %sub3A_25 : vector<10000x256xf32>
    %add3A_38 = arith.constant 9.99999974E-6 : f32
    %add3A_39 = vector.broadcast %add3A_38 : f32 to vector<1x256xf32>
    %add3A_40 = arith.addf %div3A_32, %add3A_39 : vector<1x256xf32>
    %rsqrt3A = math.rsqrt %add3A_40 : vector<1x256xf32>
    %mul3A_41 = vector.broadcast %rsqrt3A : vector<1x256xf32> to vector<10000x256xf32>
    %mul3A_42 = arith.mulf %mul3A_37, %mul3A_41 : vector<10000x256xf32>
    %get3A_43 = arith.constant 0 : index
    %get3A_44 = arith.constant 0 : index
    %get3A_45 = vector.load %arg7[%get3A_43, %get3A_44] : memref<1x256xf32, #tpu.memory_space<vmem>>, vector<1x256xf32>
    %add3A_46 = vector.broadcast %get3A_45 : vector<1x256xf32> to vector<10000x256xf32>
    %add3A_47 = arith.addf %mul3A_42, %add3A_46 : vector<10000x256xf32>
    %max3A = arith.constant 0.000000e+00 : f32
    %max3A_48 = vector.broadcast %max3A : f32 to vector<10000x256xf32>
    %max3A_49 = arith.maximumf %add3A_47, %max3A_48 : vector<10000x256xf32>
    %get3A_50 = arith.constant 0 : index
    %get3A_51 = arith.constant 0 : index
    %get3A_52 = vector.load %arg8[%get3A_50, %get3A_51] : memref<256x128xf32, #tpu.memory_space<vmem>>, vector<256x128xf32>
    %dot_general3A_53 = arith.constant dense<0.000000e+00> : vector<10000x128xf32>
    %dot_general3A_54 = tpu.matmul %max3A_49, %get3A_52, %dot_general3A_53 {dimension_numbers = #tpu.dot_dimension_numbers<[1], [0], [0], [1], [0, 0, 1, 1], [], []>, transpose_lhs_hint = false} : vector<10000x256xf32>, vector<256x128xf32>, vector<10000x128xf32> -> vector<10000x128xf32>
    %get3A_55 = arith.constant 0 : index
    %get3A_56 = arith.constant 0 : index
    %get3A_57 = vector.load %arg9[%get3A_55, %get3A_56] : memref<1x128xf32, #tpu.memory_space<vmem>>, vector<1x128xf32>
    %add3A_58 = vector.broadcast %get3A_57 : vector<1x128xf32> to vector<10000x128xf32>
    %add3A_59 = arith.addf %dot_general3A_54, %add3A_58 : vector<10000x128xf32>
    %reduce_sum3A_60 = arith.constant dense<0.000000e+00> : vector<128xf32>
    %reduce_sum3A_61 = vector.multi_reduction <add>, %add3A_59, %reduce_sum3A_60 [0] : vector<10000x128xf32> to vector<128xf32>
    %broadcast_in_dim3A_62 = vector.shape_cast %reduce_sum3A_61 : vector<128xf32> to vector<1x128xf32>
    %div3A_63 = arith.constant 1.000000e+04 : f32
    %div3A_64 = vector.broadcast %div3A_63 : f32 to vector<1x128xf32>
    %div3A_65 = arith.divf %broadcast_in_dim3A_62, %div3A_64 : vector<1x128xf32>
    %sub3A_66 = vector.broadcast %div3A_65 : vector<1x128xf32> to vector<10000x128xf32>
    %sub3A_67 = arith.subf %add3A_59, %sub3A_66 : vector<10000x128xf32>
    %mul3A_68 = arith.mulf %sub3A_67, %sub3A_67 : vector<10000x128xf32>
    %reduce_sum3A_69 = arith.constant dense<0.000000e+00> : vector<128xf32>
    %reduce_sum3A_70 = vector.multi_reduction <add>, %mul3A_68, %reduce_sum3A_69 [0] : vector<10000x128xf32> to vector<128xf32>
    %broadcast_in_dim3A_71 = vector.shape_cast %reduce_sum3A_70 : vector<128xf32> to vector<1x128xf32>
    %div3A_72 = arith.constant 1.000000e+04 : f32
    %div3A_73 = vector.broadcast %div3A_72 : f32 to vector<1x128xf32>
    %div3A_74 = arith.divf %broadcast_in_dim3A_71, %div3A_73 : vector<1x128xf32>
    %get3A_75 = arith.constant 0 : index
    %get3A_76 = arith.constant 0 : index
    %get3A_77 = vector.load %arg10[%get3A_75, %get3A_76] : memref<1x128xf32, #tpu.memory_space<vmem>>, vector<1x128xf32>
    %mul3A_78 = vector.broadcast %get3A_77 : vector<1x128xf32> to vector<10000x128xf32>
    %mul3A_79 = arith.mulf %mul3A_78, %sub3A_67 : vector<10000x128xf32>
    %add3A_80 = arith.constant 9.99999974E-6 : f32
    %add3A_81 = vector.broadcast %add3A_80 : f32 to vector<1x128xf32>
    %add3A_82 = arith.addf %div3A_74, %add3A_81 : vector<1x128xf32>
    %rsqrt3A_83 = math.rsqrt %add3A_82 : vector<1x128xf32>
    %mul3A_84 = vector.broadcast %rsqrt3A_83 : vector<1x128xf32> to vector<10000x128xf32>
    %mul3A_85 = arith.mulf %mul3A_79, %mul3A_84 : vector<10000x128xf32>
    %get3A_86 = arith.constant 0 : index
    %get3A_87 = arith.constant 0 : index
    %get3A_88 = vector.load %arg11[%get3A_86, %get3A_87] : memref<1x128xf32, #tpu.memory_space<vmem>>, vector<1x128xf32>
    %add3A_89 = vector.broadcast %get3A_88 : vector<1x128xf32> to vector<10000x128xf32>
    %add3A_90 = arith.addf %mul3A_85, %add3A_89 : vector<10000x128xf32>
    %max3A_91 = arith.constant 0.000000e+00 : f32
    %max3A_92 = vector.broadcast %max3A_91 : f32 to vector<10000x128xf32>
    %max3A_93 = arith.maximumf %add3A_90, %max3A_92 : vector<10000x128xf32>
    %reduce_sum3A_94 = arith.constant dense<0.000000e+00> : vector<128xf32>
    %reduce_sum3A_95 = vector.multi_reduction <add>, %max3A_93, %reduce_sum3A_94 [0] : vector<10000x128xf32> to vector<128xf32>
    %broadcast_in_dim3A_96 = vector.shape_cast %reduce_sum3A_95 : vector<128xf32> to vector<1x128xf32>
    %div3A_97 = arith.constant 1.000000e+04 : f32
    %div3A_98 = vector.broadcast %div3A_97 : f32 to vector<1x128xf32>
    %div3A_99 = arith.divf %broadcast_in_dim3A_96, %div3A_98 : vector<1x128xf32>
    %sub3A_100 = vector.broadcast %div3A_99 : vector<1x128xf32> to vector<10000x128xf32>
    %sub3A_101 = arith.subf %max3A_93, %sub3A_100 : vector<10000x128xf32>
    %mul3A_102 = arith.mulf %sub3A_101, %sub3A_101 : vector<10000x128xf32>
    %reduce_sum3A_103 = arith.constant dense<0.000000e+00> : vector<128xf32>
    %reduce_sum3A_104 = vector.multi_reduction <add>, %mul3A_102, %reduce_sum3A_103 [0] : vector<10000x128xf32> to vector<128xf32>
    %broadcast_in_dim3A_105 = vector.shape_cast %reduce_sum3A_104 : vector<128xf32> to vector<1x128xf32>
    %div3A_106 = arith.constant 1.000000e+04 : f32
    %div3A_107 = vector.broadcast %div3A_106 : f32 to vector<1x128xf32>
    %div3A_108 = arith.divf %broadcast_in_dim3A_105, %div3A_107 : vector<1x128xf32>
    %get3A_109 = arith.constant 0 : index
    %get3A_110 = arith.constant 0 : index
    %get3A_111 = vector.load %arg12[%get3A_109, %get3A_110] : memref<1x128xf32, #tpu.memory_space<vmem>>, vector<1x128xf32>
    %mul3A_112 = vector.broadcast %get3A_111 : vector<1x128xf32> to vector<10000x128xf32>
    %mul3A_113 = arith.mulf %mul3A_112, %sub3A_101 : vector<10000x128xf32>
    %add3A_114 = arith.constant 9.99999974E-6 : f32
    %add3A_115 = vector.broadcast %add3A_114 : f32 to vector<1x128xf32>
    %add3A_116 = arith.addf %div3A_108, %add3A_115 : vector<1x128xf32>
    %rsqrt3A_117 = math.rsqrt %add3A_116 : vector<1x128xf32>
    %mul3A_118 = vector.broadcast %rsqrt3A_117 : vector<1x128xf32> to vector<10000x128xf32>
    %mul3A_119 = arith.mulf %mul3A_113, %mul3A_118 : vector<10000x128xf32>
    %get3A_120 = arith.constant 0 : index
    %get3A_121 = arith.constant 0 : index
    %get3A_122 = vector.load %arg13[%get3A_120, %get3A_121] : memref<1x128xf32, #tpu.memory_space<vmem>>, vector<1x128xf32>
    %add3A_123 = vector.broadcast %get3A_122 : vector<1x128xf32> to vector<10000x128xf32>
    %add3A_124 = arith.addf %mul3A_119, %add3A_123 : vector<10000x128xf32>
    %swap3A = arith.constant 0 : index
    %swap3A_125 = arith.constant 0 : index
    %swap3A_126 = vector.load %arg14[%swap3A, %swap3A_125] : memref<10000x128xf32, #tpu.memory_space<vmem>>, vector<10000x128xf32>
    tpu.vector_store %arg14[%swap3A, %swap3A_125], %add3A_124 {strides = array<i32>} : memref<10000x128xf32, #tpu.memory_space<vmem>>, vector<10000x128xf32>,
    return
  }
}

</mosaic_0001>

<sc_bundles>
// kernel: kernel.11.cloned.1.call-start
scs
__scs_entry_jumppad:
0x0: {  	(pc) =	sbr.rel $0x88, $3  }
0x1: {  	(tag) =	ssettag $0x0;
	lr =	simm.s32 $0x1  }
0x2: {  	[smem:$0x3F7E] =	sst lr;
	_ =	strace $0xD0000000  }
0x3: {  	_ = 	snop  }
0x4: {  	_ = 	snop  }
0x5: {  	_ = 	snop  }
0x6: {  	_ = 	snop  }
0x7: {  	_ = 	snop  }
__scs_overlays_trampoline_lowered:
0x8: {  	[smem:$0x3F8D] =	sst s0  }
0x9: {  	[smem:$0x3F8E] =	sst s1  }
0xa: {  	[smem:$0x3F8F] =	sst s2  }
0xb: {  	[smem:$0x3F90] =	sst s3  }
0xc: {  	[smem:$0x3F91] =	sst s4  }
0xd: {  	[smem:$0x3F92] =	sst s5  }
0xe: {  	[smem:$0x3F93] =	sst s6  }
0xf: {  	[smem:$0x3F94] =	sst s7  }
0x10: {  	[smem:$0x3F95] =	sst s8  }
0x11: {  	[smem:$0x3F96] =	sst s9;
	s0 =	simm.s32 @!p0 $0x0  }
0x12: {  	s1 =	sld [smem:$0x3F7C];
	s0 =	simm.s32 @p0 $0x1  }
0x13: {  	[smem:$0x3F97] =	sst s0;
	s0 =	simm.s32 @!p1 $0x0  }
0x14: {  	s2 =	sld [smem:$0x3F7B];
	s0 =	simm.s32 @p1 $0x1  }
0x15: {  	[smem:$0x3F98] =	sst s0;
	s0 =	simm.s32 @!p2 $0x0  }
0x16: {  	s3 =	sld [smem:$0x3FDB];
	s0 =	simm.s32 @p2 $0x1  }
0x17: {  	s4 =	simm.s32 $0x1BF5;
	[smem:$0x3F9A] =	sst s0  }
0x18: {  	s0 =	sld [smem:$0x3F7D];
	_ =	swait.ge [sflag:s4], $0x0  }
0x19: {  	s7 =	sld [smem:$0x3F7E]  }
0x1a: {  	s8 =	sadd.s32 $0xFFFFE003, lr  }
0x1b: {  	s9 =	sadd.s32 $0xFFFFFEF7, lr;
	s5 =	simm.s32 $0xFFFFFFFF;
	p2 =	slt.u32 s8, $0xFFFFF086  }
0x1c: {  	p1 =	slt.u32 s9, $0xF7A;
	s5 =	simm.s32 @!p2 $0x0  }
0x1d: {  	s5 =	simm.s32 @p1 $0x1;
	p0 =	seq.s32 s7, s2  }
0x1e: {  	s7 =	smul.u32 @!p0 $0xF7A, s2;
	p2 =	seq.s32 @!p0 s5, $0x0  }
0x1f: {  	s9 =	smul.u32 $0xF7A, s1;
	s8 =	simm.s32 @!p0 $0x1BF5;
	p2 =	por !p2, p0  }
0x20: {  	[sflag:s8] =	ssyncset.s32 @!p0 $0xFFFFF086;
	s6 =	sadd.s32 @!p0 s3, s7;
	s7 =	simm.s32 @!p0 $0x108  }
0x21: {  	s3 =	sadd.s32 s3, s9;
	s6 =	sadd.s32 @!p0 $0x88, s6;
	s7 =	simm.s32 @p2 $0x1082  }
0x22: {  	[simem:s7], [sflag:s8] =	dma.local @!p0 [hbm:s6], $0xF7A  }
0x23: {  	s9 =	sor.u32 $0xD0000000, s2;
	s6 =	simm.s32 $0x108;
	_ =	swait.ge @!p0 [sflag:s8], $0x0  }
0x24: {  	s3 =	sadd.s32 $0x88, s3;
	s6 =	simm.s32 @!p1 $0x1082;
	[sflag:s4] =	ssyncset.s32 $0xFFFFF086  }
0x25: {  	[simem:s6], [sflag:s4] =	dma.local [hbm:s3], $0xF7A  }
0x26: {  	[smem:$0x3F7E] =	sst s1;
	(tag) =	ssettag s2;
	_ =	strace s9  }
0x27: {  	s1 =	sld [smem:$0x3F8E]  }
0x28: {  	s2 =	sld [smem:$0x3F8F]  }
0x29: {  	s4 =	sld [smem:$0x3F91]  }
0x2a: {  	p0 =	seq.s32 s5, $0x0;
	s5 =	sld [smem:$0x3F92]  }
0x2b: {  	s6 =	sld [smem:$0x3F93]  }
0x2c: {  	s7 =	sld [smem:$0x3F94]  }
0x2d: {  	s3 =	simm.s32 $0x108;
	s8 =	sld [smem:$0x3F95]  }
0x2e: {  	s3 =	simm.s32 @!p0 $0x1082;
	s9 =	sld [smem:$0x3F96]  }
0x2f: {  	lr =	sadd.s32 s0, s3;
	s0 =	sld [smem:$0x3F8D]  }
0x30: {  	s3 =	sld [smem:$0x3F90]  }
0x31: {  	[smem:$0x3F99] =	sst s10  }
0x32: {  	s10 =	sld [smem:$0x3F97];
	_ =	sdelay $0x3  }
0x33: {  	p0 =	seq.s32 s10, $0x1;
	s10 =	sld [smem:$0x3F99];
	_ =	sdelay $0x3  }
0x34: {  	[smem:$0x3F99] =	sst s10  }
0x35: {  	s10 =	sld [smem:$0x3F98];
	_ =	sdelay $0x3  }
0x36: {  	p1 =	seq.s32 s10, $0x1;
	s10 =	sld [smem:$0x3F99];
	_ =	sdelay $0x3  }
0x37: {  	[smem:$0x3F99] =	sst s10  }
0x38: {  	s10 =	sld [smem:$0x3F9A]  }
0x39: {  	_ = 	snop;
	(pc) =	sbr.ind lr, $3  }
0x3a: {  	_ = 	snop  }
0x3b: {  	_ = 	snop  }
0x3c: {  	p2 =	seq.s32 s10, $0x1;
	s10 =	sld [smem:$0x3F99]  }
0x3d: {  	_ =	shalt  }
0x3e: {  	_ =	shalt  }
0x3f: {  	_ =	shalt  }
0x40: {  	_ =	shalt  }
0x41: {  	_ =	shalt  }
0x42: {  	_ =	shalt  }
0x43: {  	_ =	shalt  }
0x44: {  	_ =	shalt  }
0x45: {  	_ =	shalt  }
0x46: {  	_ =	shalt  }
0x47: {  	_ =	shalt  }
0x48: {  	_ =	shalt  }
0x49: {  	_ =	shalt  }
0x4a: {  	_ =	shalt  }
0x4b: {  	_ =	shalt  }
0x4c: {  	_ =	shalt  }
0x4d: {  	_ =	shalt  }
0x4e: {  	_ =	shalt  }
0x4f: {  	_ =	shalt  }
0x50: {  	_ =	shalt  }
0x51: {  	_ =	shalt  }
0x52: {  	_ =	shalt  }
0x53: {  	_ =	shalt  }
0x54: {  	_ =	shalt  }
0x55: {  	_ =	shalt  }
0x56: {  	_ =	shalt  }
0x57: {  	_ =	shalt  }
0x58: {  	_ =	shalt  }
0x59: {  	_ =	shalt  }
0x5a: {  	_ =	shalt  }
0x5b: {  	_ =	shalt  }
0x5c: {  	_ =	shalt  }
0x5d: {  	_ =	shalt  }
0x5e: {  	_ =	shalt  }
0x5f: {  	_ =	shalt  }
0x60: {  	_ =	shalt  }
0x61: {  	_ =	shalt  }
0x62: {  	_ =	shalt  }
0x63: {  	_ =	shalt  }
0x64: {  	_ =	shalt  }
0x65: {  	_ =	shalt  }
0x66: {  	_ =	shalt  }
0x67: {  	_ =	shalt  }
0x68: {  	_ =	shalt  }
0x69: {  	_ =	shalt  }
0x6a: {  	_ =	shalt  }
0x6b: {  	_ =	shalt  }
0x6c: {  	_ =	shalt  }
0x6d: {  	_ =	shalt  }
0x6e: {  	_ =	shalt  }
0x6f: {  	_ =	shalt  }
0x70: {  	_ =	shalt  }
0x71: {  	_ =	shalt  }
0x72: {  	_ =	shalt  }
0x73: {  	_ =	shalt  }
0x74: {  	_ =	shalt  }
0x75: {  	_ =	shalt  }
0x76: {  	_ =	shalt  }
0x77: {  	_ =	shalt  }
0x78: {  	_ =	shalt  }
0x79: {  	_ =	shalt  }
0x7a: {  	_ =	shalt  }
0x7b: {  	_ =	shalt  }
0x7c: {  	_ =	shalt  }
0x7d: {  	_ =	shalt  }
0x7e: {  	_ =	shalt  }
0x7f: {  	_ =	shalt  }
0x80: {  	_ =	shalt  }
0x81: {  	_ =	shalt  }
0x82: {  	_ =	shalt  }
0x83: {  	_ =	shalt  }
0x84: {  	_ =	shalt  }
0x85: {  	_ =	shalt  }
0x86: {  	_ =	shalt  }
0x87: {  	_ =	shalt  }
.Lfunc_end0:
.L_simem_size_0:
called_computation.1_lowered:
.L_overlay_start_0:
0x88: {  	s2 =	sld [smem:$0x3FD9]  }
0x89: {  	s3 =	sld [smem:$0x3FFE];
	_ =	sdelay $0x1  }
0x8a: {  	s1 =	srdreg.scid  }
0x8b: {  	s0 =	sand.u32 $0x1, s1  }
0x8c: {  	s17 =	sshll.u32 s0, $0xA;
	s2 =	sadd.s32 s3, s2  }
0x8d: {  	s2 =	sadd.s32 s2, s17  }
0x8e: {  	[smem:$0x3FA5] =	sst s2  }
0x8f: {  	_ = 	snop  }
0x90: {  	s2 =	sld [smem:$0x3FD0];
	(tm) =	ssettm $0x1  }
0x91: {  	s18 =	sld [smem:$0x3FFB];
	_ =	sdelay $0x3  }
0x92: {  	_ =	strace s18  }
0x93: {  	s3 =	sld [smem:$0x3FFC];
	_ =	sdelay $0x3  }
0x94: {  	_ =	strace s3  }
0x95: {  	s3 =	sld [smem:$0x3FFD];
	_ =	sdelay $0x3  }
0x96: {  	_ =	strace s3  }
0x97: {  	_ =	strace $0x8FFFFFFF  }
0x98: {  	s19 =	sld [smem:$0x3FDB];
	_ =	sdelay $0x1  }
0x99: {  	s4 =	simm.s32 $_scs_section_size  }
0x9a: {  	s5 =	simm.s32 $_size__tile_overlayer_lowered;
	s6 =	simm.s32 $_tile_overlayer_lowered  }
0x9b: {  	s22 =	simm.s32 $0x1BFF;
	s21 =	sshll.u32 s6, $0x1;
	s3 =	sadd.s32 s4, s19  }
0x9c: {  	s7 =	simm.s32 $0x0;
	s20 =	sshll.u32 s5, $0x1;
	s5 =	sadd.s32 s21, s3  }
0x9d: {  	[timem:s7], [sflag:s22] =	dma.local [hbm:s5], s20  }
0x9e: {  	_ =	swait.ge [sflag:s22], s20  }
0x9f: {  	s4 =	ssub.s32 $0x0, s20;
	[sflag:s22] =	ssyncset.done $0x0  }
0xa0: {  	[sflag:s22] =	ssyncadd.s32 s4;
	_ =	sdelay $0x1  }
0xa1: {  	s23 =	simm.s32 $0x1B8B  }
0xa2: {  	_ =	swait.ge [sflag:s23], $0x1  }
0xa3: {  	[sflag:s23] =	ssyncset.done $0x0  }
0xa4: {  	s25 =	simm.s32 $0x1B8E;
	s24 =	sld [smem:$0x3FFE];
	[sflag:s23] =	ssyncadd.s32 $0xFFFFFFFF  }
0xa5: {  	s26 =	simm.s32 $execute0_lowered;
	[smem:$0x3FD2] =	sst s25  }
0xa6: {  	s5 =	sshll.u32 s26, $0x1;
	_ =	strace $0x80000049;
	[dreg:$0x1] =	wrdreg $0xFFFFFFFF  }
0xa7: {  	s28 =	simm.s32 $_size_execute0_lowered;
	s3 =	sadd.s32 s3, s5;
	[dreg:$0x0] =	wrdreg $0x0  }
0xa8: {  	s5 =	sshll.u32 s28, $0x1;
	[dreg:$0x2] =	wrdreg s3  }
0xa9: {  	[dreg:$0x3] =	wrdreg s5  }
0xaa: {  	[dreg:$0x4] =	wrdreg $0xC0  }
0xab: {  	_ =	task [dreg:s7], $0x5FFFF  }
0xac: {  	[dreg:$0x1] =	wrdreg $0xFFFFFFFF  }
0xad: {  	[dreg:$0x0] =	wrdreg $0x60  }
0xae: {  	[dreg:$0x2] =	wrdreg s24  }
0xaf: {  	[dreg:$0x3] =	wrdreg s2  }
0xb0: {  	[dreg:$0x4] =	wrdreg $0xB6000  }
0xb1: {  	[dreg:$0x5] =	wrdreg $0x9  }
0xb2: {  	_ =	task.clear_ibuf [dreg:s7], $0x6FFFF;
	_ =	strace $0x90000049  }
0xb3: {  	s29 =	simm.s32 $0x9;
	_ =	strace $0x8000004B  }
0xb4: {  	_ =	swait.ge [sflag:s29], $0x1  }
0xb5: {  	[sflag:s29] =	ssyncadd.s32 $0xFFFFFFFF  }
0xb6: {  	_ =	strace $0x9000004B  }
0xb7: {  	_ =	sfence  }
0xb8: {  	s30 =	sld [smem:$0x0];
	_ =	sdelay $0x2  }
0xb9: {  	s31 =	sshll.u32 s1, $0xD;
	s1 =	sshrl.u32 s1, $0x2  }
0xba: {  	s3 =	sand.u32 $0x4000, s31;
	s1 =	sadd.s32 s1, s30  }
0xbb: {  	s0 =	sor.u32 s3, s0;
	s1 =	sshll.u32 s1, $0x11  }
0xbc: {  	s0 =	sor.u32 s1, s0  }
0xbd: {  	s0 =	sadd.s32 $0x8F2B, s0  }
0xbe: {  	[sflag:s0] =	ssyncadd.remote.s32 $0x1  }
0xbf: {  	_ =	sfence.sel $0xFFFF  }
0xc0: {  	[dreg:$0x0] =	wrdreg $0xFFFFFFFF;
	(pc) =	sbr.abs _section_cstart, $3  }
0xc1: {  	[dreg:$0x1] =	wrdreg $0xFFFFFFFF  }
0xc2: {  	_ =	task.clear_ibuf [dreg:s7], $0x2FFFF;
	_ =	strace $0x9FFFFFFF  }
0xc3: {  	(tm) =	ssettm $0x7FFFFFFF  }
tec
execute0_lowered:
.L_overlay_start_1:
0x0: {  	(tag) =	ssettag $0x1  }
0x1: {  	s0 =	rddreg [dreg:$0x0]  }
0x2: {  	s1 =	srdreg.scid;
	s3 =	rddreg [dreg:$0x1]  }
0x3: {  	s10 =	stileid.u32;
	s2 =	rddreg [dreg:$0x2]  }
0x4: {  	s6 =	simm.s32 $0x0;
	s15 =	simm.s32 $0x8;
	s17 =	simm.s32 $0x7  }
0x5: {  	s18 =	simm.s32 $0x20;
	s28 =	simm.s32 $0x5100;
	s29 =	simm.s32 $0x9500  }
0x6: {  	s30 =	simm.s32 $0x5180;
	s31 =	simm.s32 $0xA500;
	s5 =	smul.u32 $0x2710, s10  }
0x7: {  	s19 =	simm.s32 $0x5300;
	s1 =	sand.u32 $0x1, s1;
	s8 =	smul.u32 $0x4E000, s10  }
0x8: {  	[smem:$0x7FF] =	sst s6;
	s22 =	smul.u32 $0x13800, s10;
	s9 =	sshll.u32 s10, $0x6  }
0x9: {  	s13 =	sadd.s32 $0x138000, s2;
	p0 =	sne.s32 s10, $0xF;
	s4 =	smul.u32 $0x27100, s1  }
0xa: {  	_ =	strace $0x8000004A;
	s20 =	ssub.s32 $0x2, s1;
	s1 =	smul.u32 $0x138800, s1  }
0xb: {  	s16 =	sshrl.u32 @!p0 s13, $0x3;
	s13 =	simm.s32 $0x3;
	s7 =	sshrl.u32 s20, $0x1  }
0xc: {  	s23 =	sshrl.u32 s8, $0x2;
	s24 =	sshrl.u32 s22, $0x3;
	s4 =	sadd.s32 s5, s4  }
0xd: {  	s6 =	ssub.s32 s20, s7;
	s8 =	sadd.s32 s3, s24;
	s7 =	sadd.s32 s22, s1  }
0xe: {  	s1 =	sshrl.u32 s1, $0x3;
	s3 =	sadd.s32 $0x27000, s3;
	s20 =	simm.s32 $0x5500  }
0xf: {  	s24 =	simm.s32 $0x7500;
	s22 =	simm.s32 $0x5400;
	s5 =	sshrl.u32 s4, $0x3  }
0x10: {  	s4 =	sadd.s32 $0x19E00, s0;
	[dreg:$0x6] =	wrdreg s8;
	s8 =	sor.u32 $0x1C08, s9  }
0x11: {  	s7 =	sshrl.u32 s7, $0x3;
	[dreg:$0x7] =	wrdreg s3;
	s26 =	smax.u32 s6, $0x1  }
0x12: {  	s3 =	simm.s32 $0x0;
	s5 =	sadd.s32 s5, s0;
	s0 =	sadd.s32 $0x41000, s0  }
0x13: {  	[dreg:$0xa] =	wrdreg s26;
	s21 =	sadd.s32 $0x10000, s5;
	s5 =	sadd.s32 $0x6200, s5  }
.Ltmp0:
0x14: {  	s25 =	sadd.s32 s0, s7;
	[dreg:$0x4] =	wrdreg s21;
	(pc) =	sbr.rel .LBB2_1-.Ltmp0, $4  }
0x15: {  	s0 =	sadd.s32 s0, s1;
	s1 =	simm.s32 $0x1;
	[dreg:$0x5] =	wrdreg s5  }
0x16: {  	s5 =	sadd.s32 s23, s2;
	[dreg:$0x8] =	wrdreg s25;
	s0 =	sadd.s32 $0x27000, s0  }
0x17: {  	s21 =	simm.s32 $0x5;
	s23 =	simm.s32 $0x6;
	s25 =	simm.s32 $0x5480  }
0x18: {  	[dreg:$0x9] =	wrdreg s0;
	s14 =	sshrl.u32 s5, $0x3;
	s0 =	simm.s32 $0x5200  }
.LBB2_4:
0x19: {  	_ =	swait.ge [sflag:s23], $0x1000  }
0x1a: {  	[sflag:s23] =	ssyncset.done $0x0  }
0x1b: {  	[sflag:s23] =	ssyncadd.s32 $0xFFFFF000  }
0x1c: {  	[spmem:s2] =	stream.indirect.scatter.add.f32 [tilespmem:s31], [sflag:$0x8], $0x80, s25, s18, $0xb8;
	[tilespmem:$0x1EE80] =	vst v63  }
0x1d: {  	_ =	swait.ge [sflag:s15], $0x1000  }
0x1e: {  	[sflag:s15] =	ssyncset.done $0x0  }
0x1f: {  	[sflag:s15] =	ssyncadd.s32 $0xFFFFF000  }
0x20: {  	v0 =	vld [tilespmem:$0x2700]  }
0x21: {  	v1 =	vld [tilespmem:$0x4E80];
	_ =	sdelay $0x3  }
0x22: {  	[tilespmem:$0xB500] =	vst v0  }
0x23: {  	s5 =	simm.s32 $0x10;
	s6 =	simm.s32 $0xB500;
	[tilespmem:$0xB580] =	vst v1  }
0x24: {  	[tilespmem:s20], [sflag:$0x1] =	stream.indirect.gather [hbm4b:s4+s5], $0x80, s6, s5, $0xb8;
	[tilespmem:$0x1EE80] =	vst v63  }
0x25: {  	_ =	swait.ge [sflag:s1], $0x800  }
0x26: {  	[sflag:s1] =	ssyncset.done $0x0  }
0x27: {  	s11 =	simm.s32 $0xB580;
	[sflag:s1] =	ssyncadd.s32 $0xFFFFF800  }
0x28: {  	[spmem:s2] =	stream.indirect.scatter.add.f32 [tilespmem:s20], [sflag:$0x8], $0x80, s11, s5, $0xb8;
	[tilespmem:$0x1EE80] =	vst v63  }
0x29: {  	_ =	swait.ge [sflag:s15], $0x800  }
0x2a: {  	[sflag:s15] =	ssyncset.done $0x0  }
0x2b: {  	[sflag:s15] =	ssyncadd.s32 $0xFFFFF800  }
0x2c: {  	[bflag:$0x0] =	sbarrier.arrive $0xFFFF  }
0x2d: {  	s12 =	rddreg [dreg:$0x8]  }
0x2e: {  	[hbm:s12], [sflag:s8] =	dma.local [spmem:s14], $0x2700  }
0x2f: {  	_ =	swait.ge [sflag:s15], $0x2700  }
0x30: {  	[sflag:s15] =	ssyncset.done $0x0  }
0x31: {  	s5 =	rddreg [dreg:$0x9];
	[sflag:s15] =	ssyncadd.s32 $0xFFFFD900  }
0x32: {  	[hbm:s5], [sflag:s8] =	dma.local @!p0 [spmem:s16], $0x100  }
0x33: {  	s5 =	simm.s32 @!p0 $0x8  }
0x34: {  	_ =	swait.ge @!p0 [sflag:s5], $0x100  }
0x35: {  	s3 =	sadd.s32 $0x1, s3;
	s26 =	rddreg [dreg:$0xa]  }
0x36: {  	p1 =	sne.s32 s3, s26  }
.Ltmp1:
0x37: {  	_ = 	snop;
	(pc) =	sbr.rel @!p1 .LBB2_5-.Ltmp1, $3  }
0x38: {  	_ =	sdelay $0x1  }
0x39: {  	[sflag:s5] =	ssyncset.done @!p0 $0x0  }
0x3a: {  	[sflag:s5] =	ssyncadd.s32 @!p0 $0xFFFFFF00  }
.LBB2_1:
0x3b: {  	s6 =	rddreg [dreg:$0x4]  }
0x3c: {  	s5 =	simm.s32 $0x0;
	s26 =	rddreg [dreg:$0x5]  }
0x3d: {  	[tilespmem:s5], [sflag:$0x7] =	stream.linear.gather [hbm4b:s6+s5], $0x2710, $0x38;
	[tilespmem:$0x1EE80] =	vst v63  }
0x3e: {  	s7 =	simm.s32 $0x2780;
	s6 =	rddreg [dreg:$0x6]  }
0x3f: {  	[tilespmem:s7], [sflag:$0x7] =	stream.linear.gather [hbm4b:s26+s5], $0x2710, $0x38;
	[tilespmem:$0x1EE80] =	vst v63  }
0x40: {  	[spmem:s14], [sflag:s8] =	dma.local [hbm:s6], $0x2700  }
0x41: {  	_ =	swait.ge [sflag:s15], $0x2700  }
0x42: {  	[sflag:s15] =	ssyncset.done $0x0  }
0x43: {  	s5 =	rddreg [dreg:$0x7];
	[sflag:s15] =	ssyncadd.s32 $0xFFFFD900  }
0x44: {  	[spmem:s16], [sflag:s8] =	dma.local @!p0 [hbm:s5], $0x100  }
0x45: {  	s5 =	simm.s32 @!p0 $0x8  }
0x46: {  	_ =	swait.ge @!p0 [sflag:s5], $0x100  }
0x47: {  	[sflag:s5] =	ssyncset.done @!p0 $0x0  }
0x48: {  	[sflag:s5] =	ssyncadd.s32 @!p0 $0xFFFFFF00  }
0x49: {  	_ =	swait.ge [sflag:s17], $0x2710  }
0x4a: {  	[sflag:s17] =	ssyncset.done $0x0  }
0x4b: {  	[sflag:s17] =	ssyncadd.s32 $0xFFFFD8F0  }
0x4c: {  	_ =	swait.ge [sflag:s17], $0x2710  }
0x4d: {  	[sflag:s17] =	ssyncset.done $0x0  }
0x4e: {  	[sflag:s17] =	ssyncadd.s32 $0xFFFFD8F0  }
0x4f: {  	[bflag:$0x0] =	sbarrier.arrive $0xFFFF  }
0x50: {  	v0 =	vld [tilespmem:$0x0]  }
0x51: {  	v1 =	vld [tilespmem:$0x2780]  }
0x52: {  	v2 =	vld [tilespmem:$0x10]  }
0x53: {  	v3 =	vld [tilespmem:$0x2790];
	_ =	sdelay $0x1  }
0x54: {  	[tilespmem:$0x4F00] =	vst v0  }
0x55: {  	[tilespmem:$0x5200] =	vst v1  }
0x56: {  	[tilespmem:$0x4F10] =	vst v2  }
0x57: {  	s7 =	simm.s32 $0x4F00;
	[tilespmem:$0x5210] =	vst v3  }
0x58: {  	[tilespmem:s20], [sflag:$0x1] =	stream.indirect.gather [hbm4b:s4+s18], $0x80, s7, s18, $0xb8;
	[tilespmem:$0x1EE80] =	vst v63  }
0x59: {  	v44 =	vld [tilespmem:$0x20]  }
0x5a: {  	v45 =	vld [tilespmem:$0x27A0]  }
0x5b: {  	v46 =	vld [tilespmem:$0x30]  }
0x5c: {  	v47 =	vld [tilespmem:$0x27B0];
	_ =	sdelay $0x1  }
0x5d: {  	[tilespmem:$0x4F80] =	vst v44  }
0x5e: {  	[tilespmem:$0x5280] =	vst v45  }
0x5f: {  	[tilespmem:$0x4F90] =	vst v46  }
0x60: {  	s9 =	simm.s32 $0x4F80;
	s10 =	simm.s32 $0x6500;
	[tilespmem:$0x5290] =	vst v47  }
0x61: {  	[tilespmem:s10], [sflag:$0x2] =	stream.indirect.gather [hbm4b:s4+s18], $0x80, s9, s18, $0xb8;
	[tilespmem:$0x1EE80] =	vst v63  }
0x62: {  	v48 =	vld [tilespmem:$0x40]  }
0x63: {  	v49 =	vld [tilespmem:$0x27C0]  }
0x64: {  	v50 =	vld [tilespmem:$0x50]  }
0x65: {  	v51 =	vld [tilespmem:$0x27D0];
	_ =	sdelay $0x1  }
0x66: {  	[tilespmem:$0x5000] =	vst v48  }
0x67: {  	[tilespmem:$0x5300] =	vst v49  }
0x68: {  	[tilespmem:$0x5010] =	vst v50  }
0x69: {  	s11 =	simm.s32 $0x5000;
	[tilespmem:$0x5310] =	vst v51  }
0x6a: {  	[tilespmem:s24], [sflag:$0x3] =	stream.indirect.gather [hbm4b:s4+s18], $0x80, s11, s18, $0xb8;
	[tilespmem:$0x1EE80] =	vst v63  }
0x6b: {  	v52 =	vld [tilespmem:$0x60]  }
0x6c: {  	v53 =	vld [tilespmem:$0x27E0]  }
0x6d: {  	v54 =	vld [tilespmem:$0x70]  }
0x6e: {  	v55 =	vld [tilespmem:$0x27F0];
	_ =	sdelay $0x1  }
0x6f: {  	[tilespmem:$0x5080] =	vst v52  }
0x70: {  	[tilespmem:$0x5380] =	vst v53  }
0x71: {  	[tilespmem:$0x5090] =	vst v54  }
0x72: {  	s12 =	simm.s32 $0x5080;
	s26 =	simm.s32 $0x8500;
	[tilespmem:$0x5390] =	vst v55  }
0x73: {  	[tilespmem:s26], [sflag:$0x4] =	stream.indirect.gather [hbm4b:s4+s18], $0x80, s12, s18, $0xb8;
	[tilespmem:$0x1EE80] =	vst v63  }
0x74: {  	v56 =	vld [tilespmem:$0x80]  }
0x75: {  	v57 =	vld [tilespmem:$0x2800]  }
0x76: {  	v58 =	vld [tilespmem:$0x90]  }
0x77: {  	v59 =	vld [tilespmem:$0x2810];
	_ =	sdelay $0x1  }
0x78: {  	[tilespmem:$0x5100] =	vst v56  }
0x79: {  	[tilespmem:$0x5400] =	vst v57  }
0x7a: {  	[tilespmem:$0x5110] =	vst v58  }
0x7b: {  	[tilespmem:$0x5410] =	vst v59  }
0x7c: {  	[tilespmem:s29], [sflag:$0x5] =	stream.indirect.gather [hbm4b:s4+s18], $0x80, s28, s18, $0xb8;
	[tilespmem:$0x1EE80] =	vst v63  }
0x7d: {  	v60 =	vld [tilespmem:$0xA0]  }
0x7e: {  	v61 =	vld [tilespmem:$0x2820]  }
0x7f: {  	v62 =	vld [tilespmem:$0xB0]  }
0x80: {  	v63 =	vld [tilespmem:$0x2830];
	_ =	sdelay $0x1  }
0x81: {  	[tilespmem:$0x5180] =	vst v60  }
0x82: {  	[tilespmem:$0x5480] =	vst v61  }
0x83: {  	[tilespmem:$0x5190] =	vst v62  }
0x84: {  	s5 =	simm.s32 $0x5C0;
	[tilespmem:$0x5490] =	vst v63  }
0x85: {  	[tilespmem:s31], [sflag:$0x6] =	stream.indirect.gather [hbm4b:s4+s18], $0x80, s30, s18, $0xb8;
	[tilespmem:$0x1EE80] =	vst v63  }
.LBB2_2:
0x86: {  	_ =	swait.ge [sflag:s1], $0x1000  }
0x87: {  	[sflag:s1] =	ssyncset.done $0x0  }
0x88: {  	[sflag:s1] =	ssyncadd.s32 $0xFFFFF000  }
0x89: {  	[spmem:s2] =	stream.indirect.scatter.add.f32 [tilespmem:s20], [sflag:$0x8], $0x80, s0, s18, $0xb8;
	[tilespmem:$0x1EE80] =	vst v63  }
0x8a: {  	_ =	swait.ge [sflag:s15], $0x1000  }
0x8b: {  	p1 =	seq.s32 s5, $0x9EC0;
	[sflag:s15] =	ssyncset.done $0x0  }
0x8c: {  	s6 =	simm.s32 @p1 $0x2;
	[sflag:s15] =	ssyncadd.s32 $0xFFFFF000  }
0x8d: {  	_ =	swait.ge @p1 [sflag:s6], $0x1000  }
0x8e: {  	s9 =	simm.s32 @p1 $0x20;
	s7 =	simm.s32 @p1 $0x6500;
	[sflag:s6] =	ssyncset.done @p1 $0x0  }
0x8f: {  	s10 =	simm.s32 @p1 $0x8;
	[sflag:s6] =	ssyncadd.s32 @p1 $0xFFFFF000;
	s6 =	simm.s32 @p1 $0x5280  }
0x90: {  	[spmem:s2] =	stream.indirect.scatter.add.f32 @p1 [tilespmem:s7], [sflag:$0x8], $0x80, s6, s9, $0xb8;
	[tilespmem:$0x1EE80] =	vst v63  }
0x91: {  	_ =	swait.ge @p1 [sflag:s10], $0x1000  }
0x92: {  	[sflag:s10] =	ssyncset.done @p1 $0x0  }
0x93: {  	s6 =	sshra.s32 @!p1 s5, $0x2;
	[sflag:s10] =	ssyncadd.s32 @p1 $0xFFFFF000  }
0x94: {  	v0 =	vld @!p1 [tilespmem:s6+$0xFFFFFF50];
	_ =	sdelay $0x4  }
0x95: {  	[tilespmem:$0x4F00] =	vst @!p1 v0  }
0x96: {  	v0 =	vld @!p1 [tilespmem:s6+$0x26D0];
	_ =	sdelay $0x4  }
0x97: {  	[tilespmem:$0x5200] =	vst @!p1 v0  }
0x98: {  	v0 =	vld @!p1 [tilespmem:s6+$0xFFFFFF60];
	_ =	sdelay $0x4  }
0x99: {  	[tilespmem:$0x4F10] =	vst @!p1 v0  }
0x9a: {  	v0 =	vld @!p1 [tilespmem:s6+$0x26E0];
	_ =	sdelay $0x4  }
0x9b: {  	s11 =	simm.s32 @!p1 $0x4F00;
	s12 =	simm.s32 @!p1 $0x5500;
	s7 =	simm.s32 @!p1 $0x20;
	[tilespmem:$0x5210] =	vst @!p1 v0  }
0x9c: {  	[tilespmem:s12], [sflag:$0x1] =	stream.indirect.gather @!p1 [hbm4b:s4+s7], $0x80, s11, s7, $0xb8;
	[tilespmem:$0x1EE80] =	vst v63  }
0x9d: {  	s11 =	simm.s32 @!p1 $0x2  }
0x9e: {  	_ =	swait.ge @!p1 [sflag:s11], $0x1000  }
0x9f: {  	[sflag:s11] =	ssyncset.done @!p1 $0x0  }
0xa0: {  	s12 =	simm.s32 @!p1 $0x6500;
	[sflag:s11] =	ssyncadd.s32 @!p1 $0xFFFFF000;
	s11 =	simm.s32 @!p1 $0x5280  }
0xa1: {  	[spmem:s2] =	stream.indirect.scatter.add.f32 @!p1 [tilespmem:s12], [sflag:$0x8], $0x80, s11, s7, $0xb8;
	[tilespmem:$0x1EE80] =	vst v63  }
0xa2: {  	s11 =	simm.s32 @!p1 $0x8  }
0xa3: {  	_ =	swait.ge @!p1 [sflag:s11], $0x1000  }
0xa4: {  	[sflag:s11] =	ssyncset.done @!p1 $0x0  }
0xa5: {  	[sflag:s11] =	ssyncadd.s32 @!p1 $0xFFFFF000  }
0xa6: {  	v0 =	vld @!p1 [tilespmem:s6+$0xFFFFFF70];
	_ =	sdelay $0x4  }
0xa7: {  	[tilespmem:$0x4F80] =	vst @!p1 v0  }
0xa8: {  	v0 =	vld @!p1 [tilespmem:s6+$0x26F0];
	_ =	sdelay $0x4  }
0xa9: {  	[tilespmem:$0x5280] =	vst @!p1 v0  }
0xaa: {  	v0 =	vld @!p1 [tilespmem:s6+$0xFFFFFF80];
	_ =	sdelay $0x4  }
0xab: {  	[tilespmem:$0x4F90] =	vst @!p1 v0  }
0xac: {  	v0 =	vld @!p1 [tilespmem:s6+$0x2700];
	_ =	sdelay $0x4  }
0xad: {  	s26 =	simm.s32 @!p1 $0x4F80;
	[tilespmem:$0x5290] =	vst @!p1 v0  }
0xae: {  	[tilespmem:s12], [sflag:$0x2] =	stream.indirect.gather @!p1 [hbm4b:s4+s7], $0x80, s26, s7, $0xb8;
	[tilespmem:$0x1EE80] =	vst v63  }
0xaf: {  	_ =	swait.ge [sflag:s13], $0x1000  }
0xb0: {  	[sflag:s13] =	ssyncset.done $0x0  }
0xb1: {  	[sflag:s13] =	ssyncadd.s32 $0xFFFFF000  }
0xb2: {  	[spmem:s2] =	stream.indirect.scatter.add.f32 [tilespmem:s24], [sflag:$0x8], $0x80, s19, s18, $0xb8;
	[tilespmem:$0x1EE80] =	vst v63  }
0xb3: {  	_ =	swait.ge [sflag:s15], $0x1000  }
0xb4: {  	[sflag:s15] =	ssyncset.done $0x0  }
0xb5: {  	s12 =	simm.s32 @p1 $0x4;
	[sflag:s15] =	ssyncadd.s32 $0xFFFFF000  }
0xb6: {  	_ =	swait.ge @p1 [sflag:s12], $0x1000  }
0xb7: {  	[sflag:s12] =	ssyncset.done @p1 $0x0  }
0xb8: {  	s26 =	simm.s32 @p1 $0x8500;
	[sflag:s12] =	ssyncadd.s32 @p1 $0xFFFFF000;
	s12 =	simm.s32 @p1 $0x5380  }
0xb9: {  	[spmem:s2] =	stream.indirect.scatter.add.f32 @p1 [tilespmem:s26], [sflag:$0x8], $0x80, s12, s9, $0xb8;
	[tilespmem:$0x1EE80] =	vst v63  }
0xba: {  	_ =	swait.ge @p1 [sflag:s10], $0x1000  }
0xbb: {  	[sflag:s10] =	ssyncset.done @p1 $0x0  }
0xbc: {  	[sflag:s10] =	ssyncadd.s32 @p1 $0xFFFFF000  }
0xbd: {  	v0 =	vld @!p1 [tilespmem:s6+$0xFFFFFF90];
	_ =	sdelay $0x4  }
0xbe: {  	[tilespmem:$0x5000] =	vst @!p1 v0  }
0xbf: {  	v0 =	vld @!p1 [tilespmem:s6+$0x2710];
	_ =	sdelay $0x4  }
0xc0: {  	[tilespmem:$0x5300] =	vst @!p1 v0  }
0xc1: {  	v0 =	vld @!p1 [tilespmem:s6+$0xFFFFFFA0];
	_ =	sdelay $0x4  }
0xc2: {  	[tilespmem:$0x5010] =	vst @!p1 v0  }
0xc3: {  	v0 =	vld @!p1 [tilespmem:s6+$0x2720];
	_ =	sdelay $0x4  }
0xc4: {  	s9 =	simm.s32 @!p1 $0x5000;
	s10 =	simm.s32 @!p1 $0x7500;
	[tilespmem:$0x5310] =	vst @!p1 v0  }
0xc5: {  	[tilespmem:s10], [sflag:$0x3] =	stream.indirect.gather @!p1 [hbm4b:s4+s7], $0x80, s9, s7, $0xb8;
	[tilespmem:$0x1EE80] =	vst v63  }
0xc6: {  	s9 =	simm.s32 @!p1 $0x4  }
0xc7: {  	_ =	swait.ge @!p1 [sflag:s9], $0x1000  }
0xc8: {  	[sflag:s9] =	ssyncset.done @!p1 $0x0  }
0xc9: {  	s10 =	simm.s32 @!p1 $0x8500;
	[sflag:s9] =	ssyncadd.s32 @!p1 $0xFFFFF000;
	s9 =	simm.s32 @!p1 $0x5380  }
0xca: {  	[spmem:s2] =	stream.indirect.scatter.add.f32 @!p1 [tilespmem:s10], [sflag:$0x8], $0x80, s9, s7, $0xb8;
	[tilespmem:$0x1EE80] =	vst v63  }
0xcb: {  	_ =	swait.ge @!p1 [sflag:s11], $0x1000  }
0xcc: {  	[sflag:s11] =	ssyncset.done @!p1 $0x0  }
0xcd: {  	[sflag:s11] =	ssyncadd.s32 @!p1 $0xFFFFF000  }
0xce: {  	v0 =	vld @!p1 [tilespmem:s6+$0xFFFFFFB0];
	_ =	sdelay $0x4  }
0xcf: {  	[tilespmem:$0x5080] =	vst @!p1 v0  }
0xd0: {  	v0 =	vld @!p1 [tilespmem:s6+$0x2730];
	_ =	sdelay $0x4  }
0xd1: {  	[tilespmem:$0x5380] =	vst @!p1 v0  }
0xd2: {  	v0 =	vld @!p1 [tilespmem:s6+$0xFFFFFFC0];
	_ =	sdelay $0x4  }
0xd3: {  	[tilespmem:$0x5090] =	vst @!p1 v0  }
0xd4: {  	v0 =	vld @!p1 [tilespmem:s6+$0x2740];
	_ =	sdelay $0x4  }
0xd5: {  	s6 =	simm.s32 @!p1 $0x5080;
	[tilespmem:$0x5390] =	vst @!p1 v0  }
0xd6: {  	[tilespmem:s10], [sflag:$0x4] =	stream.indirect.gather @!p1 [hbm4b:s4+s7], $0x80, s6, s7, $0xb8;
	[tilespmem:$0x1EE80] =	vst v63  }
0xd7: {  	_ =	swait.ge [sflag:s21], $0x1000  }
0xd8: {  	[sflag:s21] =	ssyncset.done $0x0  }
.Ltmp2:
0xd9: {  	[sflag:s21] =	ssyncadd.s32 $0xFFFFF000;
	(pc) =	sbr.rel @p1 .LBB2_4-.Ltmp2, $4  }
0xda: {  	[spmem:s2] =	stream.indirect.scatter.add.f32 [tilespmem:s29], [sflag:$0x8], $0x80, s22, s18, $0xb8;
	[tilespmem:$0x1EE80] =	vst v63  }
0xdb: {  	_ =	swait.ge [sflag:s15], $0x1000  }
0xdc: {  	[sflag:s15] =	ssyncset.done $0x0  }
0xdd: {  	[sflag:s15] =	ssyncadd.s32 $0xFFFFF000  }
0xde: {  	s6 =	sshra.s32 s5, $0x2  }
0xdf: {  	v0 =	vld [tilespmem:s6+$0xFFFFFFD0];
	_ =	sdelay $0x4  }
0xe0: {  	[tilespmem:$0x5100] =	vst v0  }
0xe1: {  	v0 =	vld [tilespmem:s6+$0x2750];
	_ =	sdelay $0x4  }
0xe2: {  	[tilespmem:$0x5400] =	vst v0  }
0xe3: {  	v0 =	vld [tilespmem:s6+$0xFFFFFFE0];
	_ =	sdelay $0x4  }
0xe4: {  	[tilespmem:$0x5110] =	vst v0  }
0xe5: {  	v0 =	vld [tilespmem:s6+$0x2760];
	_ =	sdelay $0x4  }
0xe6: {  	[tilespmem:$0x5410] =	vst v0  }
0xe7: {  	[tilespmem:s29], [sflag:$0x5] =	stream.indirect.gather [hbm4b:s4+s18], $0x80, s28, s18, $0xb8;
	[tilespmem:$0x1EE80] =	vst v63  }
0xe8: {  	_ =	swait.ge [sflag:s23], $0x1000  }
0xe9: {  	[sflag:s23] =	ssyncset.done $0x0  }
0xea: {  	[sflag:s23] =	ssyncadd.s32 $0xFFFFF000  }
0xeb: {  	[spmem:s2] =	stream.indirect.scatter.add.f32 [tilespmem:s31], [sflag:$0x8], $0x80, s25, s18, $0xb8;
	[tilespmem:$0x1EE80] =	vst v63  }
0xec: {  	_ =	swait.ge [sflag:s15], $0x1000  }
0xed: {  	[sflag:s15] =	ssyncset.done $0x0  }
0xee: {  	[sflag:s15] =	ssyncadd.s32 $0xFFFFF000  }
0xef: {  	v63 =	vld [tilespmem:s6+$0xFFFFFFF0];
	_ =	sdelay $0x4  }
0xf0: {  	[tilespmem:$0x5180] =	vst v63  }
0xf1: {  	v0 =	vld [tilespmem:s6+$0x2770];
	_ =	sdelay $0x4  }
0xf2: {  	[tilespmem:$0x5480] =	vst v0  }
0xf3: {  	v0 =	vld [tilespmem:s6+$0x0];
	_ =	sdelay $0x4  }
0xf4: {  	[tilespmem:$0x5190] =	vst v0  }
0xf5: {  	v0 =	vld [tilespmem:s6+$0x2780];
	_ =	sdelay $0x1  }
.Ltmp3:
0xf6: {  	_ = 	snop;
	(pc) =	sbr.rel .LBB2_2-.Ltmp3, $3  }
0xf7: {  	_ =	sdelay $0x1  }
0xf8: {  	s5 =	sadd.s32 $0x300, s5;
	[tilespmem:$0x5490] =	vst v0  }
0xf9: {  	[tilespmem:s31], [sflag:$0x6] =	stream.indirect.gather [hbm4b:s4+s18], $0x80, s30, s18, $0xb8;
	[tilespmem:$0x1EE80] =	vst v63  }
.LBB2_5:
0xfa: {  	_ =	sfence.sel $0x180000  }
0xfb: {  	[bflag:$0x0] =	sbarrier.arrive $0xFFFF  }
0xfc: {  	_ =	strace $0x9000004A  }
0xfd: {  	s0 =	stileid.u32;
	[bflag:$0x2] =	sbarrier.arrive $0xFFFF  }
0xfe: {  	p0 =	sne.s32 s0, $0x0;
	s0 =	rddreg [dreg:$0x3]  }
0xff: {  	s0 =	sadd.s32 @!p0 $0x100000, s0  }
0x100: {  	[sflag:s0] =	ssyncadd.tile.s32 @!p0 $0x1;
	_ =	shalt  }
.Lfunc_end2:
_tile_overlayer_lowered:
.L_overlay_start_2:
0x101: {  	(tag) =	ssettag $0x2  }
0x102: {  	s0 =	rddreg [dreg:$0x0];
	s2 =	stileid.u32  }
0x103: {  	s1 =	rddreg [dreg:$0x1];
	p0 =	sne.s32 s2, $0x0  }
0x104: {  	s3 =	rddreg [dreg:$0x2];
	[bflag:$0x3] =	sbarrier.arrive $0xFFFF;
	s2 =	simm.s32 @!p0 $0x1C08  }
0x105: {  	[timem:s3], [sflag:s2] =	dma.local @!p0 [hbm:s0], s1  }
0x106: {  	s0 =	simm.s32 @!p0 $0x8  }
0x107: {  	_ =	swait.ge @!p0 [sflag:s0], s1  }
0x108: {  	s1 =	ssub.s32 @!p0 $0x0, s1;
	[sflag:s0] =	ssyncset.done @!p0 $0x0  }
0x109: {  	[sflag:s0] =	ssyncadd.s32 @!p0 s1  }
0x10a: {  	[bflag:$0x3] =	sbarrier.arrive $0xFFFF  }
0x10b: {  	_ =	shalt  }

// kernel: kernel.14.cloned.1.call-start
scs
__scs_entry_jumppad:
0x0: {  	(pc) =	sbr.rel $0x88, $3  }
0x1: {  	(tag) =	ssettag $0x0;
	lr =	simm.s32 $0x1  }
0x2: {  	[smem:$0x3F7E] =	sst lr;
	_ =	strace $0xD0000000  }
0x3: {  	_ = 	snop  }
0x4: {  	_ = 	snop  }
0x5: {  	_ = 	snop  }
0x6: {  	_ = 	snop  }
0x7: {  	_ = 	snop  }
__scs_overlays_trampoline_lowered:
0x8: {  	[smem:$0x3F8D] =	sst s0  }
0x9: {  	[smem:$0x3F8E] =	sst s1  }
0xa: {  	[smem:$0x3F8F] =	sst s2  }
0xb: {  	[smem:$0x3F90] =	sst s3  }
0xc: {  	[smem:$0x3F91] =	sst s4  }
0xd: {  	[smem:$0x3F92] =	sst s5  }
0xe: {  	[smem:$0x3F93] =	sst s6  }
0xf: {  	[smem:$0x3F94] =	sst s7  }
0x10: {  	[smem:$0x3F95] =	sst s8  }
0x11: {  	[smem:$0x3F96] =	sst s9;
	s0 =	simm.s32 @!p0 $0x0  }
0x12: {  	s1 =	sld [smem:$0x3F7C];
	s0 =	simm.s32 @p0 $0x1  }
0x13: {  	[smem:$0x3F97] =	sst s0;
	s0 =	simm.s32 @!p1 $0x0  }
0x14: {  	s2 =	sld [smem:$0x3F7B];
	s0 =	simm.s32 @p1 $0x1  }
0x15: {  	[smem:$0x3F98] =	sst s0;
	s0 =	simm.s32 @!p2 $0x0  }
0x16: {  	s3 =	sld [smem:$0x3FDB];
	s0 =	simm.s32 @p2 $0x1  }
0x17: {  	s4 =	simm.s32 $0x1BF5;
	[smem:$0x3F9A] =	sst s0  }
0x18: {  	s0 =	sld [smem:$0x3F7D];
	_ =	swait.ge [sflag:s4], $0x0  }
0x19: {  	s7 =	sld [smem:$0x3F7E]  }
0x1a: {  	s8 =	sadd.s32 $0xFFFFE003, lr  }
0x1b: {  	s9 =	sadd.s32 $0xFFFFFEF7, lr;
	s5 =	simm.s32 $0xFFFFFFFF;
	p2 =	slt.u32 s8, $0xFFFFF086  }
0x1c: {  	p1 =	slt.u32 s9, $0xF7A;
	s5 =	simm.s32 @!p2 $0x0  }
0x1d: {  	s5 =	simm.s32 @p1 $0x1;
	p0 =	seq.s32 s7, s2  }
0x1e: {  	s7 =	smul.u32 @!p0 $0xF7A, s2;
	p2 =	seq.s32 @!p0 s5, $0x0  }
0x1f: {  	s9 =	smul.u32 $0xF7A, s1;
	s8 =	simm.s32 @!p0 $0x1BF5;
	p2 =	por !p2, p0  }
0x20: {  	[sflag:s8] =	ssyncset.s32 @!p0 $0xFFFFF086;
	s6 =	sadd.s32 @!p0 s3, s7;
	s7 =	simm.s32 @!p0 $0x108  }
0x21: {  	s3 =	sadd.s32 s3, s9;
	s6 =	sadd.s32 @!p0 $0x88, s6;
	s7 =	simm.s32 @p2 $0x1082  }
0x22: {  	[simem:s7], [sflag:s8] =	dma.local @!p0 [hbm:s6], $0xF7A  }
0x23: {  	s9 =	sor.u32 $0xD0000000, s2;
	s6 =	simm.s32 $0x108;
	_ =	swait.ge @!p0 [sflag:s8], $0x0  }
0x24: {  	s3 =	sadd.s32 $0x88, s3;
	s6 =	simm.s32 @!p1 $0x1082;
	[sflag:s4] =	ssyncset.s32 $0xFFFFF086  }
0x25: {  	[simem:s6], [sflag:s4] =	dma.local [hbm:s3], $0xF7A  }
0x26: {  	[smem:$0x3F7E] =	sst s1;
	(tag) =	ssettag s2;
	_ =	strace s9  }
0x27: {  	s1 =	sld [smem:$0x3F8E]  }
0x28: {  	s2 =	sld [smem:$0x3F8F]  }
0x29: {  	s4 =	sld [smem:$0x3F91]  }
0x2a: {  	p0 =	seq.s32 s5, $0x0;
	s5 =	sld [smem:$0x3F92]  }
0x2b: {  	s6 =	sld [smem:$0x3F93]  }
0x2c: {  	s7 =	sld [smem:$0x3F94]  }
0x2d: {  	s3 =	simm.s32 $0x108;
	s8 =	sld [smem:$0x3F95]  }
0x2e: {  	s3 =	simm.s32 @!p0 $0x1082;
	s9 =	sld [smem:$0x3F96]  }
0x2f: {  	lr =	sadd.s32 s0, s3;
	s0 =	sld [smem:$0x3F8D]  }
0x30: {  	s3 =	sld [smem:$0x3F90]  }
0x31: {  	[smem:$0x3F99] =	sst s10  }
0x32: {  	s10 =	sld [smem:$0x3F97];
	_ =	sdelay $0x3  }
0x33: {  	p0 =	seq.s32 s10, $0x1;
	s10 =	sld [smem:$0x3F99];
	_ =	sdelay $0x3  }
0x34: {  	[smem:$0x3F99] =	sst s10  }
0x35: {  	s10 =	sld [smem:$0x3F98];
	_ =	sdelay $0x3  }
0x36: {  	p1 =	seq.s32 s10, $0x1;
	s10 =	sld [smem:$0x3F99];
	_ =	sdelay $0x3  }
0x37: {  	[smem:$0x3F99] =	sst s10  }
0x38: {  	s10 =	sld [smem:$0x3F9A]  }
0x39: {  	_ = 	snop;
	(pc) =	sbr.ind lr, $3  }
0x3a: {  	_ = 	snop  }
0x3b: {  	_ = 	snop  }
0x3c: {  	p2 =	seq.s32 s10, $0x1;
	s10 =	sld [smem:$0x3F99]  }
0x3d: {  	_ =	shalt  }
0x3e: {  	_ =	shalt  }
0x3f: {  	_ =	shalt  }
0x40: {  	_ =	shalt  }
0x41: {  	_ =	shalt  }
0x42: {  	_ =	shalt  }
0x43: {  	_ =	shalt  }
0x44: {  	_ =	shalt  }
0x45: {  	_ =	shalt  }
0x46: {  	_ =	shalt  }
0x47: {  	_ =	shalt  }
0x48: {  	_ =	shalt  }
0x49: {  	_ =	shalt  }
0x4a: {  	_ =	shalt  }
0x4b: {  	_ =	shalt  }
0x4c: {  	_ =	shalt  }
0x4d: {  	_ =	shalt  }
0x4e: {  	_ =	shalt  }
0x4f: {  	_ =	shalt  }
0x50: {  	_ =	shalt  }
0x51: {  	_ =	shalt  }
0x52: {  	_ =	shalt  }
0x53: {  	_ =	shalt  }
0x54: {  	_ =	shalt  }
0x55: {  	_ =	shalt  }
0x56: {  	_ =	shalt  }
0x57: {  	_ =	shalt  }
0x58: {  	_ =	shalt  }
0x59: {  	_ =	shalt  }
0x5a: {  	_ =	shalt  }
0x5b: {  	_ =	shalt  }
0x5c: {  	_ =	shalt  }
0x5d: {  	_ =	shalt  }
0x5e: {  	_ =	shalt  }
0x5f: {  	_ =	shalt  }
0x60: {  	_ =	shalt  }
0x61: {  	_ =	shalt  }
0x62: {  	_ =	shalt  }
0x63: {  	_ =	shalt  }
0x64: {  	_ =	shalt  }
0x65: {  	_ =	shalt  }
0x66: {  	_ =	shalt  }
0x67: {  	_ =	shalt  }
0x68: {  	_ =	shalt  }
0x69: {  	_ =	shalt  }
0x6a: {  	_ =	shalt  }
0x6b: {  	_ =	shalt  }
0x6c: {  	_ =	shalt  }
0x6d: {  	_ =	shalt  }
0x6e: {  	_ =	shalt  }
0x6f: {  	_ =	shalt  }
0x70: {  	_ =	shalt  }
0x71: {  	_ =	shalt  }
0x72: {  	_ =	shalt  }
0x73: {  	_ =	shalt  }
0x74: {  	_ =	shalt  }
0x75: {  	_ =	shalt  }
0x76: {  	_ =	shalt  }
0x77: {  	_ =	shalt  }
0x78: {  	_ =	shalt  }
0x79: {  	_ =	shalt  }
0x7a: {  	_ =	shalt  }
0x7b: {  	_ =	shalt  }
0x7c: {  	_ =	shalt  }
0x7d: {  	_ =	shalt  }
0x7e: {  	_ =	shalt  }
0x7f: {  	_ =	shalt  }
0x80: {  	_ =	shalt  }
0x81: {  	_ =	shalt  }
0x82: {  	_ =	shalt  }
0x83: {  	_ =	shalt  }
0x84: {  	_ =	shalt  }
0x85: {  	_ =	shalt  }
0x86: {  	_ =	shalt  }
0x87: {  	_ =	shalt  }
.Lfunc_end0:
.L_simem_size_0:
called_computation.2_lowered:
.L_overlay_start_0:
0x88: {  	s2 =	sld [smem:$0x3FD9]  }
0x89: {  	s3 =	sld [smem:$0x3FFE];
	_ =	sdelay $0x1  }
0x8a: {  	s1 =	srdreg.scid  }
0x8b: {  	s0 =	sand.u32 $0x1, s1  }
0x8c: {  	s17 =	sshll.u32 s0, $0xA;
	s2 =	sadd.s32 s3, s2  }
0x8d: {  	s2 =	sadd.s32 s2, s17  }
0x8e: {  	[smem:$0x3FA5] =	sst s2  }
0x8f: {  	_ = 	snop  }
0x90: {  	s2 =	sld [smem:$0x3FD0];
	(tm) =	ssettm $0x1  }
0x91: {  	s18 =	sld [smem:$0x3FFB];
	_ =	sdelay $0x3  }
0x92: {  	_ =	strace s18  }
0x93: {  	s3 =	sld [smem:$0x3FFC];
	_ =	sdelay $0x3  }
0x94: {  	_ =	strace s3  }
0x95: {  	s3 =	sld [smem:$0x3FFD];
	_ =	sdelay $0x3  }
0x96: {  	_ =	strace s3  }
0x97: {  	_ =	strace $0x8FFFFFFF  }
0x98: {  	s19 =	sld [smem:$0x3FDB];
	_ =	sdelay $0x1  }
0x99: {  	s4 =	simm.s32 $_scs_section_size  }
0x9a: {  	s5 =	simm.s32 $_size__tile_overlayer_lowered;
	s6 =	simm.s32 $_tile_overlayer_lowered  }
0x9b: {  	s22 =	simm.s32 $0x1BFF;
	s21 =	sshll.u32 s6, $0x1;
	s3 =	sadd.s32 s4, s19  }
0x9c: {  	s7 =	simm.s32 $0x0;
	s20 =	sshll.u32 s5, $0x1;
	s5 =	sadd.s32 s21, s3  }
0x9d: {  	[timem:s7], [sflag:s22] =	dma.local [hbm:s5], s20  }
0x9e: {  	_ =	swait.ge [sflag:s22], s20  }
0x9f: {  	s4 =	ssub.s32 $0x0, s20;
	[sflag:s22] =	ssyncset.done $0x0  }
0xa0: {  	[sflag:s22] =	ssyncadd.s32 s4;
	_ =	sdelay $0x1  }
0xa1: {  	s23 =	simm.s32 $0x1B8B  }
0xa2: {  	_ =	swait.ge [sflag:s23], $0x1  }
0xa3: {  	[sflag:s23] =	ssyncset.done $0x0  }
0xa4: {  	s25 =	simm.s32 $0x1B8E;
	s24 =	sld [smem:$0x3FFE];
	[sflag:s23] =	ssyncadd.s32 $0xFFFFFFFF  }
0xa5: {  	s26 =	simm.s32 $execute0_lowered;
	[smem:$0x3FD2] =	sst s25  }
0xa6: {  	s5 =	sshll.u32 s26, $0x1;
	_ =	strace $0x8000004C;
	[dreg:$0x1] =	wrdreg $0xFFFFFFFF  }
0xa7: {  	s28 =	simm.s32 $_size_execute0_lowered;
	s3 =	sadd.s32 s3, s5;
	[dreg:$0x0] =	wrdreg $0x0  }
0xa8: {  	s5 =	sshll.u32 s28, $0x1;
	[dreg:$0x2] =	wrdreg s3  }
0xa9: {  	[dreg:$0x3] =	wrdreg s5  }
0xaa: {  	[dreg:$0x4] =	wrdreg $0xC0  }
0xab: {  	_ =	task [dreg:s7], $0x5FFFF  }
0xac: {  	[dreg:$0x1] =	wrdreg $0xFFFFFFFF  }
0xad: {  	[dreg:$0x0] =	wrdreg $0x60  }
0xae: {  	[dreg:$0x2] =	wrdreg s24  }
0xaf: {  	[dreg:$0x3] =	wrdreg s2  }
0xb0: {  	[dreg:$0x4] =	wrdreg $0xB6000  }
0xb1: {  	[dreg:$0x5] =	wrdreg $0x9  }
0xb2: {  	_ =	task.clear_ibuf [dreg:s7], $0x6FFFF;
	_ =	strace $0x9000004C  }
0xb3: {  	s29 =	simm.s32 $0x9;
	_ =	strace $0x8000004E  }
0xb4: {  	_ =	swait.ge [sflag:s29], $0x1  }
0xb5: {  	[sflag:s29] =	ssyncadd.s32 $0xFFFFFFFF  }
0xb6: {  	_ =	strace $0x9000004E  }
0xb7: {  	_ =	sfence  }
0xb8: {  	s30 =	sld [smem:$0x0];
	_ =	sdelay $0x2  }
0xb9: {  	s31 =	sshll.u32 s1, $0xD;
	s1 =	sshrl.u32 s1, $0x2  }
0xba: {  	s3 =	sand.u32 $0x4000, s31;
	s1 =	sadd.s32 s1, s30  }
0xbb: {  	s0 =	sor.u32 s3, s0;
	s1 =	sshll.u32 s1, $0x11  }
0xbc: {  	s0 =	sor.u32 s1, s0  }
0xbd: {  	s0 =	sadd.s32 $0x8F2B, s0  }
0xbe: {  	[sflag:s0] =	ssyncadd.remote.s32 $0x1  }
0xbf: {  	_ =	sfence.sel $0xFFFF  }
0xc0: {  	[dreg:$0x0] =	wrdreg $0xFFFFFFFF;
	(pc) =	sbr.abs _section_cstart, $3  }
0xc1: {  	[dreg:$0x1] =	wrdreg $0xFFFFFFFF  }
0xc2: {  	_ =	task.clear_ibuf [dreg:s7], $0x2FFFF;
	_ =	strace $0x9FFFFFFF  }
0xc3: {  	(tm) =	ssettm $0x7FFFFFFF  }
tec
execute0_lowered:
.L_overlay_start_1:
0x0: {  	(tag) =	ssettag $0x1  }
0x1: {  	s0 =	rddreg [dreg:$0x0]  }
0x2: {  	s1 =	srdreg.scid;
	s3 =	rddreg [dreg:$0x1]  }
0x3: {  	s10 =	stileid.u32;
	s2 =	rddreg [dreg:$0x2]  }
0x4: {  	s6 =	simm.s32 $0x0;
	s15 =	simm.s32 $0x8;
	s17 =	simm.s32 $0x7  }
0x5: {  	s18 =	simm.s32 $0x20;
	s28 =	simm.s32 $0x5100;
	s29 =	simm.s32 $0x9500  }
0x6: {  	s30 =	simm.s32 $0x5180;
	s31 =	simm.s32 $0xA500;
	s5 =	smul.u32 $0x2710, s10  }
0x7: {  	s19 =	simm.s32 $0x5300;
	s1 =	sand.u32 $0x1, s1;
	s8 =	smul.u32 $0x4E000, s10  }
0x8: {  	[smem:$0x7FF] =	sst s6;
	s22 =	smul.u32 $0x13800, s10;
	s9 =	sshll.u32 s10, $0x6  }
0x9: {  	s13 =	sadd.s32 $0x138000, s2;
	p0 =	sne.s32 s10, $0xF;
	s4 =	smul.u32 $0x27100, s1  }
0xa: {  	_ =	strace $0x8000004D;
	s20 =	ssub.s32 $0x2, s1;
	s1 =	smul.u32 $0x138800, s1  }
0xb: {  	s16 =	sshrl.u32 @!p0 s13, $0x3;
	s13 =	simm.s32 $0x3;
	s7 =	sshrl.u32 s20, $0x1  }
0xc: {  	s23 =	sshrl.u32 s8, $0x2;
	s24 =	sshrl.u32 s22, $0x3;
	s4 =	sadd.s32 s5, s4  }
0xd: {  	s6 =	ssub.s32 s20, s7;
	s8 =	sadd.s32 s3, s24;
	s7 =	sadd.s32 s22, s1  }
0xe: {  	s1 =	sshrl.u32 s1, $0x3;
	s3 =	sadd.s32 $0x27000, s3;
	s20 =	simm.s32 $0x5500  }
0xf: {  	s24 =	simm.s32 $0x7500;
	s22 =	simm.s32 $0x5400;
	s5 =	sshrl.u32 s4, $0x3  }
0x10: {  	s4 =	sadd.s32 $0x19E00, s0;
	[dreg:$0x6] =	wrdreg s8;
	s8 =	sor.u32 $0x1C08, s9  }
0x11: {  	s7 =	sshrl.u32 s7, $0x3;
	[dreg:$0x7] =	wrdreg s3;
	s26 =	smax.u32 s6, $0x1  }
0x12: {  	s3 =	simm.s32 $0x0;
	s5 =	sadd.s32 s5, s0;
	s0 =	sadd.s32 $0x41000, s0  }
0x13: {  	[dreg:$0xa] =	wrdreg s26;
	s21 =	sadd.s32 $0x10000, s5;
	s5 =	sadd.s32 $0x6200, s5  }
.Ltmp0:
0x14: {  	s25 =	sadd.s32 s0, s7;
	[dreg:$0x4] =	wrdreg s21;
	(pc) =	sbr.rel .LBB2_1-.Ltmp0, $4  }
0x15: {  	s0 =	sadd.s32 s0, s1;
	s1 =	simm.s32 $0x1;
	[dreg:$0x5] =	wrdreg s5  }
0x16: {  	s5 =	sadd.s32 s23, s2;
	[dreg:$0x8] =	wrdreg s25;
	s0 =	sadd.s32 $0x27000, s0  }
0x17: {  	s21 =	simm.s32 $0x5;
	s23 =	simm.s32 $0x6;
	s25 =	simm.s32 $0x5480  }
0x18: {  	[dreg:$0x9] =	wrdreg s0;
	s14 =	sshrl.u32 s5, $0x3;
	s0 =	simm.s32 $0x5200  }
.LBB2_4:
0x19: {  	_ =	swait.ge [sflag:s23], $0x1000  }
0x1a: {  	[sflag:s23] =	ssyncset.done $0x0  }
0x1b: {  	[sflag:s23] =	ssyncadd.s32 $0xFFFFF000  }
0x1c: {  	[spmem:s2] =	stream.indirect.scatter.add.f32 [tilespmem:s31], [sflag:$0x8], $0x80, s25, s18, $0xb8;
	[tilespmem:$0x1EE80] =	vst v63  }
0x1d: {  	_ =	swait.ge [sflag:s15], $0x1000  }
0x1e: {  	[sflag:s15] =	ssyncset.done $0x0  }
0x1f: {  	[sflag:s15] =	ssyncadd.s32 $0xFFFFF000  }
0x20: {  	v0 =	vld [tilespmem:$0x2700]  }
0x21: {  	v1 =	vld [tilespmem:$0x4E80];
	_ =	sdelay $0x3  }
0x22: {  	[tilespmem:$0xB500] =	vst v0  }
0x23: {  	s5 =	simm.s32 $0x10;
	s6 =	simm.s32 $0xB500;
	[tilespmem:$0xB580] =	vst v1  }
0x24: {  	[tilespmem:s20], [sflag:$0x1] =	stream.indirect.gather [hbm4b:s4+s5], $0x80, s6, s5, $0xb8;
	[tilespmem:$0x1EE80] =	vst v63  }
0x25: {  	_ =	swait.ge [sflag:s1], $0x800  }
0x26: {  	[sflag:s1] =	ssyncset.done $0x0  }
0x27: {  	s11 =	simm.s32 $0xB580;
	[sflag:s1] =	ssyncadd.s32 $0xFFFFF800  }
0x28: {  	[spmem:s2] =	stream.indirect.scatter.add.f32 [tilespmem:s20], [sflag:$0x8], $0x80, s11, s5, $0xb8;
	[tilespmem:$0x1EE80] =	vst v63  }
0x29: {  	_ =	swait.ge [sflag:s15], $0x800  }
0x2a: {  	[sflag:s15] =	ssyncset.done $0x0  }
0x2b: {  	[sflag:s15] =	ssyncadd.s32 $0xFFFFF800  }
0x2c: {  	[bflag:$0x0] =	sbarrier.arrive $0xFFFF  }
0x2d: {  	s12 =	rddreg [dreg:$0x8]  }
0x2e: {  	[hbm:s12], [sflag:s8] =	dma.local [spmem:s14], $0x2700  }
0x2f: {  	_ =	swait.ge [sflag:s15], $0x2700  }
0x30: {  	[sflag:s15] =	ssyncset.done $0x0  }
0x31: {  	s5 =	rddreg [dreg:$0x9];
	[sflag:s15] =	ssyncadd.s32 $0xFFFFD900  }
0x32: {  	[hbm:s5], [sflag:s8] =	dma.local @!p0 [spmem:s16], $0x100  }
0x33: {  	s5 =	simm.s32 @!p0 $0x8  }
0x34: {  	_ =	swait.ge @!p0 [sflag:s5], $0x100  }
0x35: {  	s3 =	sadd.s32 $0x1, s3;
	s26 =	rddreg [dreg:$0xa]  }
0x36: {  	p1 =	sne.s32 s3, s26  }
.Ltmp1:
0x37: {  	_ = 	snop;
	(pc) =	sbr.rel @!p1 .LBB2_5-.Ltmp1, $3  }
0x38: {  	_ =	sdelay $0x1  }
0x39: {  	[sflag:s5] =	ssyncset.done @!p0 $0x0  }
0x3a: {  	[sflag:s5] =	ssyncadd.s32 @!p0 $0xFFFFFF00  }
.LBB2_1:
0x3b: {  	s6 =	rddreg [dreg:$0x4]  }
0x3c: {  	s5 =	simm.s32 $0x0;
	s26 =	rddreg [dreg:$0x5]  }
0x3d: {  	[tilespmem:s5], [sflag:$0x7] =	stream.linear.gather [hbm4b:s6+s5], $0x2710, $0x38;
	[tilespmem:$0x1EE80] =	vst v63  }
0x3e: {  	s7 =	simm.s32 $0x2780;
	s6 =	rddreg [dreg:$0x6]  }
0x3f: {  	[tilespmem:s7], [sflag:$0x7] =	stream.linear.gather [hbm4b:s26+s5], $0x2710, $0x38;
	[tilespmem:$0x1EE80] =	vst v63  }
0x40: {  	[spmem:s14], [sflag:s8] =	dma.local [hbm:s6], $0x2700  }
0x41: {  	_ =	swait.ge [sflag:s15], $0x2700  }
0x42: {  	[sflag:s15] =	ssyncset.done $0x0  }
0x43: {  	s5 =	rddreg [dreg:$0x7];
	[sflag:s15] =	ssyncadd.s32 $0xFFFFD900  }
0x44: {  	[spmem:s16], [sflag:s8] =	dma.local @!p0 [hbm:s5], $0x100  }
0x45: {  	s5 =	simm.s32 @!p0 $0x8  }
0x46: {  	_ =	swait.ge @!p0 [sflag:s5], $0x100  }
0x47: {  	[sflag:s5] =	ssyncset.done @!p0 $0x0  }
0x48: {  	[sflag:s5] =	ssyncadd.s32 @!p0 $0xFFFFFF00  }
0x49: {  	_ =	swait.ge [sflag:s17], $0x2710  }
0x4a: {  	[sflag:s17] =	ssyncset.done $0x0  }
0x4b: {  	[sflag:s17] =	ssyncadd.s32 $0xFFFFD8F0  }
0x4c: {  	_ =	swait.ge [sflag:s17], $0x2710  }
0x4d: {  	[sflag:s17] =	ssyncset.done $0x0  }
0x4e: {  	[sflag:s17] =	ssyncadd.s32 $0xFFFFD8F0  }
0x4f: {  	[bflag:$0x0] =	sbarrier.arrive $0xFFFF  }
0x50: {  	v0 =	vld [tilespmem:$0x0]  }
0x51: {  	v1 =	vld [tilespmem:$0x2780]  }
0x52: {  	v2 =	vld [tilespmem:$0x10]  }
0x53: {  	v3 =	vld [tilespmem:$0x2790];
	_ =	sdelay $0x1  }
0x54: {  	[tilespmem:$0x4F00] =	vst v0  }
0x55: {  	[tilespmem:$0x5200] =	vst v1  }
0x56: {  	[tilespmem:$0x4F10] =	vst v2  }
0x57: {  	s7 =	simm.s32 $0x4F00;
	[tilespmem:$0x5210] =	vst v3  }
0x58: {  	[tilespmem:s20], [sflag:$0x1] =	stream.indirect.gather [hbm4b:s4+s18], $0x80, s7, s18, $0xb8;
	[tilespmem:$0x1EE80] =	vst v63  }
0x59: {  	v44 =	vld [tilespmem:$0x20]  }
0x5a: {  	v45 =	vld [tilespmem:$0x27A0]  }
0x5b: {  	v46 =	vld [tilespmem:$0x30]  }
0x5c: {  	v47 =	vld [tilespmem:$0x27B0];
	_ =	sdelay $0x1  }
0x5d: {  	[tilespmem:$0x4F80] =	vst v44  }
0x5e: {  	[tilespmem:$0x5280] =	vst v45  }
0x5f: {  	[tilespmem:$0x4F90] =	vst v46  }
0x60: {  	s9 =	simm.s32 $0x4F80;
	s10 =	simm.s32 $0x6500;
	[tilespmem:$0x5290] =	vst v47  }
0x61: {  	[tilespmem:s10], [sflag:$0x2] =	stream.indirect.gather [hbm4b:s4+s18], $0x80, s9, s18, $0xb8;
	[tilespmem:$0x1EE80] =	vst v63  }
0x62: {  	v48 =	vld [tilespmem:$0x40]  }
0x63: {  	v49 =	vld [tilespmem:$0x27C0]  }
0x64: {  	v50 =	vld [tilespmem:$0x50]  }
0x65: {  	v51 =	vld [tilespmem:$0x27D0];
	_ =	sdelay $0x1  }
0x66: {  	[tilespmem:$0x5000] =	vst v48  }
0x67: {  	[tilespmem:$0x5300] =	vst v49  }
0x68: {  	[tilespmem:$0x5010] =	vst v50  }
0x69: {  	s11 =	simm.s32 $0x5000;
	[tilespmem:$0x5310] =	vst v51  }
0x6a: {  	[tilespmem:s24], [sflag:$0x3] =	stream.indirect.gather [hbm4b:s4+s18], $0x80, s11, s18, $0xb8;
	[tilespmem:$0x1EE80] =	vst v63  }
0x6b: {  	v52 =	vld [tilespmem:$0x60]  }
0x6c: {  	v53 =	vld [tilespmem:$0x27E0]  }
0x6d: {  	v54 =	vld [tilespmem:$0x70]  }
0x6e: {  	v55 =	vld [tilespmem:$0x27F0];
	_ =	sdelay $0x1  }
0x6f: {  	[tilespmem:$0x5080] =	vst v52  }
0x70: {  	[tilespmem:$0x5380] =	vst v53  }
0x71: {  	[tilespmem:$0x5090] =	vst v54  }
0x72: {  	s12 =	simm.s32 $0x5080;
	s26 =	simm.s32 $0x8500;
	[tilespmem:$0x5390] =	vst v55  }
0x73: {  	[tilespmem:s26], [sflag:$0x4] =	stream.indirect.gather [hbm4b:s4+s18], $0x80, s12, s18, $0xb8;
	[tilespmem:$0x1EE80] =	vst v63  }
0x74: {  	v56 =	vld [tilespmem:$0x80]  }
0x75: {  	v57 =	vld [tilespmem:$0x2800]  }
0x76: {  	v58 =	vld [tilespmem:$0x90]  }
0x77: {  	v59 =	vld [tilespmem:$0x2810];
	_ =	sdelay $0x1  }
0x78: {  	[tilespmem:$0x5100] =	vst v56  }
0x79: {  	[tilespmem:$0x5400] =	vst v57  }
0x7a: {  	[tilespmem:$0x5110] =	vst v58  }
0x7b: {  	[tilespmem:$0x5410] =	vst v59  }
0x7c: {  	[tilespmem:s29], [sflag:$0x5] =	stream.indirect.gather [hbm4b:s4+s18], $0x80, s28, s18, $0xb8;
	[tilespmem:$0x1EE80] =	vst v63  }
0x7d: {  	v60 =	vld [tilespmem:$0xA0]  }
0x7e: {  	v61 =	vld [tilespmem:$0x2820]  }
0x7f: {  	v62 =	vld [tilespmem:$0xB0]  }
0x80: {  	v63 =	vld [tilespmem:$0x2830];
	_ =	sdelay $0x1  }
0x81: {  	[tilespmem:$0x5180] =	vst v60  }
0x82: {  	[tilespmem:$0x5480] =	vst v61  }
0x83: {  	[tilespmem:$0x5190] =	vst v62  }
0x84: {  	s5 =	simm.s32 $0x5C0;
	[tilespmem:$0x5490] =	vst v63  }
0x85: {  	[tilespmem:s31], [sflag:$0x6] =	stream.indirect.gather [hbm4b:s4+s18], $0x80, s30, s18, $0xb8;
	[tilespmem:$0x1EE80] =	vst v63  }
.LBB2_2:
0x86: {  	_ =	swait.ge [sflag:s1], $0x1000  }
0x87: {  	[sflag:s1] =	ssyncset.done $0x0  }
0x88: {  	[sflag:s1] =	ssyncadd.s32 $0xFFFFF000  }
0x89: {  	[spmem:s2] =	stream.indirect.scatter.add.f32 [tilespmem:s20], [sflag:$0x8], $0x80, s0, s18, $0xb8;
	[tilespmem:$0x1EE80] =	vst v63  }
0x8a: {  	_ =	swait.ge [sflag:s15], $0x1000  }
0x8b: {  	p1 =	seq.s32 s5, $0x9EC0;
	[sflag:s15] =	ssyncset.done $0x0  }
0x8c: {  	s6 =	simm.s32 @p1 $0x2;
	[sflag:s15] =	ssyncadd.s32 $0xFFFFF000  }
0x8d: {  	_ =	swait.ge @p1 [sflag:s6], $0x1000  }
0x8e: {  	s9 =	simm.s32 @p1 $0x20;
	s7 =	simm.s32 @p1 $0x6500;
	[sflag:s6] =	ssyncset.done @p1 $0x0  }
0x8f: {  	s10 =	simm.s32 @p1 $0x8;
	[sflag:s6] =	ssyncadd.s32 @p1 $0xFFFFF000;
	s6 =	simm.s32 @p1 $0x5280  }
0x90: {  	[spmem:s2] =	stream.indirect.scatter.add.f32 @p1 [tilespmem:s7], [sflag:$0x8], $0x80, s6, s9, $0xb8;
	[tilespmem:$0x1EE80] =	vst v63  }
0x91: {  	_ =	swait.ge @p1 [sflag:s10], $0x1000  }
0x92: {  	[sflag:s10] =	ssyncset.done @p1 $0x0  }
0x93: {  	s6 =	sshra.s32 @!p1 s5, $0x2;
	[sflag:s10] =	ssyncadd.s32 @p1 $0xFFFFF000  }
0x94: {  	v0 =	vld @!p1 [tilespmem:s6+$0xFFFFFF50];
	_ =	sdelay $0x4  }
0x95: {  	[tilespmem:$0x4F00] =	vst @!p1 v0  }
0x96: {  	v0 =	vld @!p1 [tilespmem:s6+$0x26D0];
	_ =	sdelay $0x4  }
0x97: {  	[tilespmem:$0x5200] =	vst @!p1 v0  }
0x98: {  	v0 =	vld @!p1 [tilespmem:s6+$0xFFFFFF60];
	_ =	sdelay $0x4  }
0x99: {  	[tilespmem:$0x4F10] =	vst @!p1 v0  }
0x9a: {  	v0 =	vld @!p1 [tilespmem:s6+$0x26E0];
	_ =	sdelay $0x4  }
0x9b: {  	s11 =	simm.s32 @!p1 $0x4F00;
	s12 =	simm.s32 @!p1 $0x5500;
	s7 =	simm.s32 @!p1 $0x20;
	[tilespmem:$0x5210] =	vst @!p1 v0  }
0x9c: {  	[tilespmem:s12], [sflag:$0x1] =	stream.indirect.gather @!p1 [hbm4b:s4+s7], $0x80, s11, s7, $0xb8;
	[tilespmem:$0x1EE80] =	vst v63  }
0x9d: {  	s11 =	simm.s32 @!p1 $0x2  }
0x9e: {  	_ =	swait.ge @!p1 [sflag:s11], $0x1000  }
0x9f: {  	[sflag:s11] =	ssyncset.done @!p1 $0x0  }
0xa0: {  	s12 =	simm.s32 @!p1 $0x6500;
	[sflag:s11] =	ssyncadd.s32 @!p1 $0xFFFFF000;
	s11 =	simm.s32 @!p1 $0x5280  }
0xa1: {  	[spmem:s2] =	stream.indirect.scatter.add.f32 @!p1 [tilespmem:s12], [sflag:$0x8], $0x80, s11, s7, $0xb8;
	[tilespmem:$0x1EE80] =	vst v63  }
0xa2: {  	s11 =	simm.s32 @!p1 $0x8  }
0xa3: {  	_ =	swait.ge @!p1 [sflag:s11], $0x1000  }
0xa4: {  	[sflag:s11] =	ssyncset.done @!p1 $0x0  }
0xa5: {  	[sflag:s11] =	ssyncadd.s32 @!p1 $0xFFFFF000  }
0xa6: {  	v0 =	vld @!p1 [tilespmem:s6+$0xFFFFFF70];
	_ =	sdelay $0x4  }
0xa7: {  	[tilespmem:$0x4F80] =	vst @!p1 v0  }
0xa8: {  	v0 =	vld @!p1 [tilespmem:s6+$0x26F0];
	_ =	sdelay $0x4  }
0xa9: {  	[tilespmem:$0x5280] =	vst @!p1 v0  }
0xaa: {  	v0 =	vld @!p1 [tilespmem:s6+$0xFFFFFF80];
	_ =	sdelay $0x4  }
0xab: {  	[tilespmem:$0x4F90] =	vst @!p1 v0  }
0xac: {  	v0 =	vld @!p1 [tilespmem:s6+$0x2700];
	_ =	sdelay $0x4  }
0xad: {  	s26 =	simm.s32 @!p1 $0x4F80;
	[tilespmem:$0x5290] =	vst @!p1 v0  }
0xae: {  	[tilespmem:s12], [sflag:$0x2] =	stream.indirect.gather @!p1 [hbm4b:s4+s7], $0x80, s26, s7, $0xb8;
	[tilespmem:$0x1EE80] =	vst v63  }
0xaf: {  	_ =	swait.ge [sflag:s13], $0x1000  }
0xb0: {  	[sflag:s13] =	ssyncset.done $0x0  }
0xb1: {  	[sflag:s13] =	ssyncadd.s32 $0xFFFFF000  }
0xb2: {  	[spmem:s2] =	stream.indirect.scatter.add.f32 [tilespmem:s24], [sflag:$0x8], $0x80, s19, s18, $0xb8;
	[tilespmem:$0x1EE80] =	vst v63  }
0xb3: {  	_ =	swait.ge [sflag:s15], $0x1000  }
0xb4: {  	[sflag:s15] =	ssyncset.done $0x0  }
0xb5: {  	s12 =	simm.s32 @p1 $0x4;
	[sflag:s15] =	ssyncadd.s32 $0xFFFFF000  }
0xb6: {  	_ =	swait.ge @p1 [sflag:s12], $0x1000  }
0xb7: {  	[sflag:s12] =	ssyncset.done @p1 $0x0  }
0xb8: {  	s26 =	simm.s32 @p1 $0x8500;
	[sflag:s12] =	ssyncadd.s32 @p1 $0xFFFFF000;
	s12 =	simm.s32 @p1 $0x5380  }
0xb9: {  	[spmem:s2] =	stream.indirect.scatter.add.f32 @p1 [tilespmem:s26], [sflag:$0x8], $0x80, s12, s9, $0xb8;
	[tilespmem:$0x1EE80] =	vst v63  }
0xba: {  	_ =	swait.ge @p1 [sflag:s10], $0x1000  }
0xbb: {  	[sflag:s10] =	ssyncset.done @p1 $0x0  }
0xbc: {  	[sflag:s10] =	ssyncadd.s32 @p1 $0xFFFFF000  }
0xbd: {  	v0 =	vld @!p1 [tilespmem:s6+$0xFFFFFF90];
	_ =	sdelay $0x4  }
0xbe: {  	[tilespmem:$0x5000] =	vst @!p1 v0  }
0xbf: {  	v0 =	vld @!p1 [tilespmem:s6+$0x2710];
	_ =	sdelay $0x4  }
0xc0: {  	[tilespmem:$0x5300] =	vst @!p1 v0  }
0xc1: {  	v0 =	vld @!p1 [tilespmem:s6+$0xFFFFFFA0];
	_ =	sdelay $0x4  }
0xc2: {  	[tilespmem:$0x5010] =	vst @!p1 v0  }
0xc3: {  	v0 =	vld @!p1 [tilespmem:s6+$0x2720];
	_ =	sdelay $0x4  }
0xc4: {  	s9 =	simm.s32 @!p1 $0x5000;
	s10 =	simm.s32 @!p1 $0x7500;
	[tilespmem:$0x5310] =	vst @!p1 v0  }
0xc5: {  	[tilespmem:s10], [sflag:$0x3] =	stream.indirect.gather @!p1 [hbm4b:s4+s7], $0x80, s9, s7, $0xb8;
	[tilespmem:$0x1EE80] =	vst v63  }
0xc6: {  	s9 =	simm.s32 @!p1 $0x4  }
0xc7: {  	_ =	swait.ge @!p1 [sflag:s9], $0x1000  }
0xc8: {  	[sflag:s9] =	ssyncset.done @!p1 $0x0  }
0xc9: {  	s10 =	simm.s32 @!p1 $0x8500;
	[sflag:s9] =	ssyncadd.s32 @!p1 $0xFFFFF000;
	s9 =	simm.s32 @!p1 $0x5380  }
0xca: {  	[spmem:s2] =	stream.indirect.scatter.add.f32 @!p1 [tilespmem:s10], [sflag:$0x8], $0x80, s9, s7, $0xb8;
	[tilespmem:$0x1EE80] =	vst v63  }
0xcb: {  	_ =	swait.ge @!p1 [sflag:s11], $0x1000  }
0xcc: {  	[sflag:s11] =	ssyncset.done @!p1 $0x0  }
0xcd: {  	[sflag:s11] =	ssyncadd.s32 @!p1 $0xFFFFF000  }
0xce: {  	v0 =	vld @!p1 [tilespmem:s6+$0xFFFFFFB0];
	_ =	sdelay $0x4  }
0xcf: {  	[tilespmem:$0x5080] =	vst @!p1 v0  }
0xd0: {  	v0 =	vld @!p1 [tilespmem:s6+$0x2730];
	_ =	sdelay $0x4  }
0xd1: {  	[tilespmem:$0x5380] =	vst @!p1 v0  }
0xd2: {  	v0 =	vld @!p1 [tilespmem:s6+$0xFFFFFFC0];
	_ =	sdelay $0x4  }
0xd3: {  	[tilespmem:$0x5090] =	vst @!p1 v0  }
0xd4: {  	v0 =	vld @!p1 [tilespmem:s6+$0x2740];
	_ =	sdelay $0x4  }
0xd5: {  	s6 =	simm.s32 @!p1 $0x5080;
	[tilespmem:$0x5390] =	vst @!p1 v0  }
0xd6: {  	[tilespmem:s10], [sflag:$0x4] =	stream.indirect.gather @!p1 [hbm4b:s4+s7], $0x80, s6, s7, $0xb8;
	[tilespmem:$0x1EE80] =	vst v63  }
0xd7: {  	_ =	swait.ge [sflag:s21], $0x1000  }
0xd8: {  	[sflag:s21] =	ssyncset.done $0x0  }
.Ltmp2:
0xd9: {  	[sflag:s21] =	ssyncadd.s32 $0xFFFFF000;
	(pc) =	sbr.rel @p1 .LBB2_4-.Ltmp2, $4  }
0xda: {  	[spmem:s2] =	stream.indirect.scatter.add.f32 [tilespmem:s29], [sflag:$0x8], $0x80, s22, s18, $0xb8;
	[tilespmem:$0x1EE80] =	vst v63  }
0xdb: {  	_ =	swait.ge [sflag:s15], $0x1000  }
0xdc: {  	[sflag:s15] =	ssyncset.done $0x0  }
0xdd: {  	[sflag:s15] =	ssyncadd.s32 $0xFFFFF000  }
0xde: {  	s6 =	sshra.s32 s5, $0x2  }
0xdf: {  	v0 =	vld [tilespmem:s6+$0xFFFFFFD0];
	_ =	sdelay $0x4  }
0xe0: {  	[tilespmem:$0x5100] =	vst v0  }
0xe1: {  	v0 =	vld [tilespmem:s6+$0x2750];
	_ =	sdelay $0x4  }
0xe2: {  	[tilespmem:$0x5400] =	vst v0  }
0xe3: {  	v0 =	vld [tilespmem:s6+$0xFFFFFFE0];
	_ =	sdelay $0x4  }
0xe4: {  	[tilespmem:$0x5110] =	vst v0  }
0xe5: {  	v0 =	vld [tilespmem:s6+$0x2760];
	_ =	sdelay $0x4  }
0xe6: {  	[tilespmem:$0x5410] =	vst v0  }
0xe7: {  	[tilespmem:s29], [sflag:$0x5] =	stream.indirect.gather [hbm4b:s4+s18], $0x80, s28, s18, $0xb8;
	[tilespmem:$0x1EE80] =	vst v63  }
0xe8: {  	_ =	swait.ge [sflag:s23], $0x1000  }
0xe9: {  	[sflag:s23] =	ssyncset.done $0x0  }
0xea: {  	[sflag:s23] =	ssyncadd.s32 $0xFFFFF000  }
0xeb: {  	[spmem:s2] =	stream.indirect.scatter.add.f32 [tilespmem:s31], [sflag:$0x8], $0x80, s25, s18, $0xb8;
	[tilespmem:$0x1EE80] =	vst v63  }
0xec: {  	_ =	swait.ge [sflag:s15], $0x1000  }
0xed: {  	[sflag:s15] =	ssyncset.done $0x0  }
0xee: {  	[sflag:s15] =	ssyncadd.s32 $0xFFFFF000  }
0xef: {  	v63 =	vld [tilespmem:s6+$0xFFFFFFF0];
	_ =	sdelay $0x4  }
0xf0: {  	[tilespmem:$0x5180] =	vst v63  }
0xf1: {  	v0 =	vld [tilespmem:s6+$0x2770];
	_ =	sdelay $0x4  }
0xf2: {  	[tilespmem:$0x5480] =	vst v0  }
0xf3: {  	v0 =	vld [tilespmem:s6+$0x0];
	_ =	sdelay $0x4  }
0xf4: {  	[tilespmem:$0x5190] =	vst v0  }
0xf5: {  	v0 =	vld [tilespmem:s6+$0x2780];
	_ =	sdelay $0x1  }
.Ltmp3:
0xf6: {  	_ = 	snop;
	(pc) =	sbr.rel .LBB2_2-.Ltmp3, $3  }
0xf7: {  	_ =	sdelay $0x1  }
0xf8: {  	s5 =	sadd.s32 $0x300, s5;
	[tilespmem:$0x5490] =	vst v0  }
0xf9: {  	[tilespmem:s31], [sflag:$0x6] =	stream.indirect.gather [hbm4b:s4+s18], $0x80, s30, s18, $0xb8;
	[tilespmem:$0x1EE80] =	vst v63  }
.LBB2_5:
0xfa: {  	_ =	sfence.sel $0x180000  }
0xfb: {  	[bflag:$0x0] =	sbarrier.arrive $0xFFFF  }
0xfc: {  	_ =	strace $0x9000004D  }
0xfd: {  	s0 =	stileid.u32;
	[bflag:$0x2] =	sbarrier.arrive $0xFFFF  }
0xfe: {  	p0 =	sne.s32 s0, $0x0;
	s0 =	rddreg [dreg:$0x3]  }
0xff: {  	s0 =	sadd.s32 @!p0 $0x100000, s0  }
0x100: {  	[sflag:s0] =	ssyncadd.tile.s32 @!p0 $0x1;
	_ =	shalt  }
.Lfunc_end2:
_tile_overlayer_lowered:
.L_overlay_start_2:
0x101: {  	(tag) =	ssettag $0x2  }
0x102: {  	s0 =	rddreg [dreg:$0x0];
	s2 =	stileid.u32  }
0x103: {  	s1 =	rddreg [dreg:$0x1];
	p0 =	sne.s32 s2, $0x0  }
0x104: {  	s3 =	rddreg [dreg:$0x2];
	[bflag:$0x3] =	sbarrier.arrive $0xFFFF;
	s2 =	simm.s32 @!p0 $0x1C08  }
0x105: {  	[timem:s3], [sflag:s2] =	dma.local @!p0 [hbm:s0], s1  }
0x106: {  	s0 =	simm.s32 @!p0 $0x8  }
0x107: {  	_ =	swait.ge @!p0 [sflag:s0], s1  }
0x108: {  	s1 =	ssub.s32 @!p0 $0x0, s1;
	[sflag:s0] =	ssyncset.done @!p0 $0x0  }
0x109: {  	[sflag:s0] =	ssyncadd.s32 @!p0 s1  }
0x10a: {  	[bflag:$0x3] =	sbarrier.arrive $0xFFFF  }
0x10b: {  	_ =	shalt  }

// kernel: kernel.8.cloned.1.call-start
scs
__scs_entry_jumppad:
0x0: {  	(pc) =	sbr.rel $0x88, $3  }
0x1: {  	(tag) =	ssettag $0x0;
	lr =	simm.s32 $0x1  }
0x2: {  	[smem:$0x3F7E] =	sst lr;
	_ =	strace $0xD0000000  }
0x3: {  	_ = 	snop  }
0x4: {  	_ = 	snop  }
0x5: {  	_ = 	snop  }
0x6: {  	_ = 	snop  }
0x7: {  	_ = 	snop  }
__scs_overlays_trampoline_lowered:
0x8: {  	[smem:$0x3F8D] =	sst s0  }
0x9: {  	[smem:$0x3F8E] =	sst s1  }
0xa: {  	[smem:$0x3F8F] =	sst s2  }
0xb: {  	[smem:$0x3F90] =	sst s3  }
0xc: {  	[smem:$0x3F91] =	sst s4  }
0xd: {  	[smem:$0x3F92] =	sst s5  }
0xe: {  	[smem:$0x3F93] =	sst s6  }
0xf: {  	[smem:$0x3F94] =	sst s7  }
0x10: {  	[smem:$0x3F95] =	sst s8  }
0x11: {  	[smem:$0x3F96] =	sst s9;
	s0 =	simm.s32 @!p0 $0x0  }
0x12: {  	s1 =	sld [smem:$0x3F7C];
	s0 =	simm.s32 @p0 $0x1  }
0x13: {  	[smem:$0x3F97] =	sst s0;
	s0 =	simm.s32 @!p1 $0x0  }
0x14: {  	s2 =	sld [smem:$0x3F7B];
	s0 =	simm.s32 @p1 $0x1  }
0x15: {  	[smem:$0x3F98] =	sst s0;
	s0 =	simm.s32 @!p2 $0x0  }
0x16: {  	s3 =	sld [smem:$0x3FDB];
	s0 =	simm.s32 @p2 $0x1  }
0x17: {  	s4 =	simm.s32 $0x1BF5;
	[smem:$0x3F9A] =	sst s0  }
0x18: {  	s0 =	sld [smem:$0x3F7D];
	_ =	swait.ge [sflag:s4], $0x0  }
0x19: {  	s7 =	sld [smem:$0x3F7E]  }
0x1a: {  	s8 =	sadd.s32 $0xFFFFE003, lr  }
0x1b: {  	s9 =	sadd.s32 $0xFFFFFEF7, lr;
	s5 =	simm.s32 $0xFFFFFFFF;
	p2 =	slt.u32 s8, $0xFFFFF086  }
0x1c: {  	p1 =	slt.u32 s9, $0xF7A;
	s5 =	simm.s32 @!p2 $0x0  }
0x1d: {  	s5 =	simm.s32 @p1 $0x1;
	p0 =	seq.s32 s7, s2  }
0x1e: {  	s7 =	smul.u32 @!p0 $0xF7A, s2;
	p2 =	seq.s32 @!p0 s5, $0x0  }
0x1f: {  	s9 =	smul.u32 $0xF7A, s1;
	s8 =	simm.s32 @!p0 $0x1BF5;
	p2 =	por !p2, p0  }
0x20: {  	[sflag:s8] =	ssyncset.s32 @!p0 $0xFFFFF086;
	s6 =	sadd.s32 @!p0 s3, s7;
	s7 =	simm.s32 @!p0 $0x108  }
0x21: {  	s3 =	sadd.s32 s3, s9;
	s6 =	sadd.s32 @!p0 $0x88, s6;
	s7 =	simm.s32 @p2 $0x1082  }
0x22: {  	[simem:s7], [sflag:s8] =	dma.local @!p0 [hbm:s6], $0xF7A  }
0x23: {  	s9 =	sor.u32 $0xD0000000, s2;
	s6 =	simm.s32 $0x108;
	_ =	swait.ge @!p0 [sflag:s8], $0x0  }
0x24: {  	s3 =	sadd.s32 $0x88, s3;
	s6 =	simm.s32 @!p1 $0x1082;
	[sflag:s4] =	ssyncset.s32 $0xFFFFF086  }
0x25: {  	[simem:s6], [sflag:s4] =	dma.local [hbm:s3], $0xF7A  }
0x26: {  	[smem:$0x3F7E] =	sst s1;
	(tag) =	ssettag s2;
	_ =	strace s9  }
0x27: {  	s1 =	sld [smem:$0x3F8E]  }
0x28: {  	s2 =	sld [smem:$0x3F8F]  }
0x29: {  	s4 =	sld [smem:$0x3F91]  }
0x2a: {  	p0 =	seq.s32 s5, $0x0;
	s5 =	sld [smem:$0x3F92]  }
0x2b: {  	s6 =	sld [smem:$0x3F93]  }
0x2c: {  	s7 =	sld [smem:$0x3F94]  }
0x2d: {  	s3 =	simm.s32 $0x108;
	s8 =	sld [smem:$0x3F95]  }
0x2e: {  	s3 =	simm.s32 @!p0 $0x1082;
	s9 =	sld [smem:$0x3F96]  }
0x2f: {  	lr =	sadd.s32 s0, s3;
	s0 =	sld [smem:$0x3F8D]  }
0x30: {  	s3 =	sld [smem:$0x3F90]  }
0x31: {  	[smem:$0x3F99] =	sst s10  }
0x32: {  	s10 =	sld [smem:$0x3F97];
	_ =	sdelay $0x3  }
0x33: {  	p0 =	seq.s32 s10, $0x1;
	s10 =	sld [smem:$0x3F99];
	_ =	sdelay $0x3  }
0x34: {  	[smem:$0x3F99] =	sst s10  }
0x35: {  	s10 =	sld [smem:$0x3F98];
	_ =	sdelay $0x3  }
0x36: {  	p1 =	seq.s32 s10, $0x1;
	s10 =	sld [smem:$0x3F99];
	_ =	sdelay $0x3  }
0x37: {  	[smem:$0x3F99] =	sst s10  }
0x38: {  	s10 =	sld [smem:$0x3F9A]  }
0x39: {  	_ = 	snop;
	(pc) =	sbr.ind lr, $3  }
0x3a: {  	_ = 	snop  }
0x3b: {  	_ = 	snop  }
0x3c: {  	p2 =	seq.s32 s10, $0x1;
	s10 =	sld [smem:$0x3F99]  }
0x3d: {  	_ =	shalt  }
0x3e: {  	_ =	shalt  }
0x3f: {  	_ =	shalt  }
0x40: {  	_ =	shalt  }
0x41: {  	_ =	shalt  }
0x42: {  	_ =	shalt  }
0x43: {  	_ =	shalt  }
0x44: {  	_ =	shalt  }
0x45: {  	_ =	shalt  }
0x46: {  	_ =	shalt  }
0x47: {  	_ =	shalt  }
0x48: {  	_ =	shalt  }
0x49: {  	_ =	shalt  }
0x4a: {  	_ =	shalt  }
0x4b: {  	_ =	shalt  }
0x4c: {  	_ =	shalt  }
0x4d: {  	_ =	shalt  }
0x4e: {  	_ =	shalt  }
0x4f: {  	_ =	shalt  }
0x50: {  	_ =	shalt  }
0x51: {  	_ =	shalt  }
0x52: {  	_ =	shalt  }
0x53: {  	_ =	shalt  }
0x54: {  	_ =	shalt  }
0x55: {  	_ =	shalt  }
0x56: {  	_ =	shalt  }
0x57: {  	_ =	shalt  }
0x58: {  	_ =	shalt  }
0x59: {  	_ =	shalt  }
0x5a: {  	_ =	shalt  }
0x5b: {  	_ =	shalt  }
0x5c: {  	_ =	shalt  }
0x5d: {  	_ =	shalt  }
0x5e: {  	_ =	shalt  }
0x5f: {  	_ =	shalt  }
0x60: {  	_ =	shalt  }
0x61: {  	_ =	shalt  }
0x62: {  	_ =	shalt  }
0x63: {  	_ =	shalt  }
0x64: {  	_ =	shalt  }
0x65: {  	_ =	shalt  }
0x66: {  	_ =	shalt  }
0x67: {  	_ =	shalt  }
0x68: {  	_ =	shalt  }
0x69: {  	_ =	shalt  }
0x6a: {  	_ =	shalt  }
0x6b: {  	_ =	shalt  }
0x6c: {  	_ =	shalt  }
0x6d: {  	_ =	shalt  }
0x6e: {  	_ =	shalt  }
0x6f: {  	_ =	shalt  }
0x70: {  	_ =	shalt  }
0x71: {  	_ =	shalt  }
0x72: {  	_ =	shalt  }
0x73: {  	_ =	shalt  }
0x74: {  	_ =	shalt  }
0x75: {  	_ =	shalt  }
0x76: {  	_ =	shalt  }
0x77: {  	_ =	shalt  }
0x78: {  	_ =	shalt  }
0x79: {  	_ =	shalt  }
0x7a: {  	_ =	shalt  }
0x7b: {  	_ =	shalt  }
0x7c: {  	_ =	shalt  }
0x7d: {  	_ =	shalt  }
0x7e: {  	_ =	shalt  }
0x7f: {  	_ =	shalt  }
0x80: {  	_ =	shalt  }
0x81: {  	_ =	shalt  }
0x82: {  	_ =	shalt  }
0x83: {  	_ =	shalt  }
0x84: {  	_ =	shalt  }
0x85: {  	_ =	shalt  }
0x86: {  	_ =	shalt  }
0x87: {  	_ =	shalt  }
.Lfunc_end0:
.L_simem_size_0:
called_computation_lowered:
.L_overlay_start_0:
0x88: {  	s2 =	sld [smem:$0x3FD9]  }
0x89: {  	s3 =	sld [smem:$0x3FFE];
	_ =	sdelay $0x1  }
0x8a: {  	s1 =	srdreg.scid  }
0x8b: {  	s0 =	sand.u32 $0x1, s1  }
0x8c: {  	s17 =	sshll.u32 s0, $0xA;
	s2 =	sadd.s32 s3, s2  }
0x8d: {  	s2 =	sadd.s32 s2, s17  }
0x8e: {  	[smem:$0x3FA5] =	sst s2  }
0x8f: {  	_ = 	snop  }
0x90: {  	s2 =	sld [smem:$0x3FC9]  }
0x91: {  	s18 =	sld [smem:$0x3FD0];
	(tm) =	ssettm $0x1  }
0x92: {  	s4 =	sld [smem:$0x3FFB];
	_ =	sdelay $0x3  }
0x93: {  	_ =	strace s4  }
0x94: {  	s4 =	sld [smem:$0x3FFC];
	_ =	sdelay $0x3  }
0x95: {  	_ =	strace s4  }
0x96: {  	s4 =	sld [smem:$0x3FFD];
	_ =	sdelay $0x3  }
0x97: {  	_ =	strace s4  }
0x98: {  	_ =	strace $0x8FFFFFFF  }
0x99: {  	s19 =	sld [smem:$0x3FDB];
	_ =	sdelay $0x1  }
0x9a: {  	s5 =	simm.s32 $_scs_section_size  }
0x9b: {  	s6 =	simm.s32 $_size__tile_overlayer_lowered;
	s7 =	simm.s32 $_tile_overlayer_lowered  }
0x9c: {  	s22 =	simm.s32 $0x1BFF;
	s21 =	sshll.u32 s7, $0x1;
	s4 =	sadd.s32 s5, s19  }
0x9d: {  	s8 =	simm.s32 $0x0;
	s20 =	sshll.u32 s6, $0x1;
	s6 =	sadd.s32 s21, s4  }
0x9e: {  	[timem:s8], [sflag:s22] =	dma.local [hbm:s6], s20  }
0x9f: {  	_ =	swait.ge [sflag:s22], s20  }
0xa0: {  	s5 =	ssub.s32 $0x0, s20;
	[sflag:s22] =	ssyncset.done $0x0  }
0xa1: {  	[sflag:s22] =	ssyncadd.s32 s5;
	_ =	sdelay $0x1  }
0xa2: {  	s23 =	simm.s32 $0x1B8B  }
0xa3: {  	_ =	swait.ge [sflag:s23], $0x1  }
0xa4: {  	[sflag:s23] =	ssyncset.done $0x0  }
0xa5: {  	s25 =	simm.s32 $0x1B8E;
	s24 =	sld [smem:$0x3FFE];
	[sflag:s23] =	ssyncadd.s32 $0xFFFFFFFF  }
0xa6: {  	s26 =	simm.s32 $execute0_lowered;
	[smem:$0x3FD2] =	sst s25  }
0xa7: {  	s6 =	sshll.u32 s26, $0x1;
	_ =	strace $0x80000046;
	[dreg:$0x1] =	wrdreg $0xFFFFFFFF  }
0xa8: {  	s28 =	simm.s32 $_size_execute0_lowered;
	s4 =	sadd.s32 s4, s6;
	[dreg:$0x0] =	wrdreg $0x0  }
0xa9: {  	s6 =	sshll.u32 s28, $0x1;
	[dreg:$0x2] =	wrdreg s4  }
0xaa: {  	[dreg:$0x3] =	wrdreg s6  }
0xab: {  	[dreg:$0x4] =	wrdreg $0xC0  }
0xac: {  	_ =	task [dreg:s8], $0x5FFFF  }
0xad: {  	[dreg:$0x1] =	wrdreg $0xFFFFFFFF  }
0xae: {  	[dreg:$0x0] =	wrdreg $0x60  }
0xaf: {  	[dreg:$0x2] =	wrdreg s2  }
0xb0: {  	[dreg:$0x3] =	wrdreg s24  }
0xb1: {  	[dreg:$0x4] =	wrdreg s18  }
0xb2: {  	[dreg:$0x5] =	wrdreg $0xB6000  }
0xb3: {  	[dreg:$0x6] =	wrdreg $0x9  }
0xb4: {  	_ =	task.clear_ibuf [dreg:s8], $0x7FFFF;
	_ =	strace $0x90000046  }
0xb5: {  	s29 =	simm.s32 $0x9;
	_ =	strace $0x80000048  }
0xb6: {  	_ =	swait.ge [sflag:s29], $0x1  }
0xb7: {  	[sflag:s29] =	ssyncadd.s32 $0xFFFFFFFF  }
0xb8: {  	_ =	strace $0x90000048  }
0xb9: {  	_ =	sfence  }
0xba: {  	s30 =	sld [smem:$0x0];
	_ =	sdelay $0x2  }
0xbb: {  	s31 =	sshll.u32 s1, $0xD;
	s1 =	sshrl.u32 s1, $0x2  }
0xbc: {  	s3 =	sand.u32 $0x4000, s31;
	s1 =	sadd.s32 s1, s30  }
0xbd: {  	s0 =	sor.u32 s3, s0;
	s1 =	sshll.u32 s1, $0x11  }
0xbe: {  	s0 =	sor.u32 s1, s0  }
0xbf: {  	s0 =	sadd.s32 $0x8F2B, s0  }
0xc0: {  	[sflag:s0] =	ssyncadd.remote.s32 $0x1  }
0xc1: {  	_ =	sfence.sel $0xFFFF  }
0xc2: {  	[dreg:$0x0] =	wrdreg $0xFFFFFFFF;
	(pc) =	sbr.abs _section_cstart, $3  }
0xc3: {  	[dreg:$0x1] =	wrdreg $0xFFFFFFFF  }
0xc4: {  	_ =	task.clear_ibuf [dreg:s8], $0x2FFFF;
	_ =	strace $0x9FFFFFFF  }
0xc5: {  	(tm) =	ssettm $0x7FFFFFFF  }
tec
execute0_lowered:
.L_overlay_start_1:
0x0: {  	(tag) =	ssettag $0x1  }
0x1: {  	s1 =	rddreg [dreg:$0x0]  }
0x2: {  	s0 =	srdreg.scid;
	s2 =	rddreg [dreg:$0x1]  }
0x3: {  	s10 =	stileid.u32;
	s5 =	rddreg [dreg:$0x2]  }
0x4: {  	s3 =	rddreg [dreg:$0x3];
	s7 =	simm.s32 $0x0;
	s15 =	simm.s32 $0x8  }
0x5: {  	s17 =	simm.s32 $0x7;
	s18 =	simm.s32 $0x20;
	s28 =	simm.s32 $0x5100  }
0x6: {  	s29 =	simm.s32 $0x9500;
	s30 =	simm.s32 $0x5180;
	s6 =	smul.u32 $0x2710, s10  }
0x7: {  	s31 =	simm.s32 $0xA500;
	s0 =	sand.u32 $0x1, s0;
	s8 =	smul.u32 $0x4E000, s10  }
0x8: {  	[smem:$0x7FF] =	sst s7;
	s22 =	smul.u32 $0x13800, s10;
	s9 =	sshll.u32 s10, $0x6  }
0x9: {  	s13 =	sadd.s32 $0x138000, s3;
	p0 =	sne.s32 s10, $0xF;
	s4 =	smul.u32 $0x27100, s0  }
0xa: {  	_ =	strace $0x80000047;
	s19 =	ssub.s32 $0x2, s0;
	s0 =	smul.u32 $0x138800, s0  }
0xb: {  	s16 =	sshrl.u32 @!p0 s13, $0x3;
	s13 =	simm.s32 $0x3;
	s20 =	sshrl.u32 s19, $0x1  }
0xc: {  	s23 =	sshrl.u32 s8, $0x2;
	s24 =	sshrl.u32 s22, $0x3;
	s4 =	sadd.s32 s6, s4  }
0xd: {  	s6 =	ssub.s32 s19, s20;
	s8 =	sadd.s32 s5, s24;
	s7 =	sadd.s32 s22, s0  }
0xe: {  	s0 =	sshrl.u32 s0, $0x3;
	s5 =	sadd.s32 $0x27000, s5;
	s20 =	simm.s32 $0x5500  }
0xf: {  	s24 =	simm.s32 $0x7500;
	s19 =	simm.s32 $0x5300;
	s22 =	simm.s32 $0x5400  }
0x10: {  	s4 =	sshrl.u32 s4, $0x3;
	[dreg:$0x7] =	wrdreg s8;
	s8 =	sor.u32 $0x1C08, s9  }
0x11: {  	s7 =	sshrl.u32 s7, $0x3;
	[dreg:$0x8] =	wrdreg s5;
	s26 =	smax.u32 s6, $0x1  }
0x12: {  	s4 =	sadd.s32 s4, s2;
	s2 =	sadd.s32 $0x19E00, s2;
	[dreg:$0xb] =	wrdreg s26  }
0x13: {  	s21 =	sadd.s32 $0x10000, s4;
	s4 =	sadd.s32 $0x6200, s4;
	s25 =	sadd.s32 s2, s7  }
.Ltmp0:
0x14: {  	s0 =	sadd.s32 s2, s0;
	[dreg:$0x5] =	wrdreg s21;
	(pc) =	sbr.rel .LBB2_1-.Ltmp0, $4  }
0x15: {  	s2 =	simm.s32 $0x1;
	[dreg:$0x6] =	wrdreg s4;
	s4 =	sadd.s32 s23, s3  }
0x16: {  	[dreg:$0x9] =	wrdreg s25;
	s0 =	sadd.s32 $0x27000, s0;
	s21 =	simm.s32 $0x5  }
0x17: {  	s23 =	simm.s32 $0x6;
	s25 =	simm.s32 $0x5480;
	[dreg:$0xa] =	wrdreg s0  }
0x18: {  	s14 =	sshrl.u32 s4, $0x3;
	s0 =	simm.s32 $0x5200;
	s4 =	simm.s32 $0x0  }
.LBB2_4:
0x19: {  	_ =	swait.ge [sflag:s23], $0x1000  }
0x1a: {  	[sflag:s23] =	ssyncset.done $0x0  }
0x1b: {  	[sflag:s23] =	ssyncadd.s32 $0xFFFFF000  }
0x1c: {  	[spmem:s3] =	stream.indirect.scatter.add.f32 [tilespmem:s31], [sflag:$0x8], $0x80, s25, s18, $0xb8;
	[tilespmem:$0x1EE80] =	vst v63  }
0x1d: {  	_ =	swait.ge [sflag:s15], $0x1000  }
0x1e: {  	[sflag:s15] =	ssyncset.done $0x0  }
0x1f: {  	[sflag:s15] =	ssyncadd.s32 $0xFFFFF000  }
0x20: {  	v0 =	vld [tilespmem:$0x2700]  }
0x21: {  	v1 =	vld [tilespmem:$0x4E80];
	_ =	sdelay $0x3  }
0x22: {  	[tilespmem:$0xB500] =	vst v0  }
0x23: {  	s5 =	simm.s32 $0x10;
	s6 =	simm.s32 $0xB500;
	[tilespmem:$0xB580] =	vst v1  }
0x24: {  	[tilespmem:s20], [sflag:$0x1] =	stream.indirect.gather [hbm4b:s1+s5], $0x80, s6, s5, $0xb8;
	[tilespmem:$0x1EE80] =	vst v63  }
0x25: {  	_ =	swait.ge [sflag:s2], $0x800  }
0x26: {  	[sflag:s2] =	ssyncset.done $0x0  }
0x27: {  	s11 =	simm.s32 $0xB580;
	[sflag:s2] =	ssyncadd.s32 $0xFFFFF800  }
0x28: {  	[spmem:s3] =	stream.indirect.scatter.add.f32 [tilespmem:s20], [sflag:$0x8], $0x80, s11, s5, $0xb8;
	[tilespmem:$0x1EE80] =	vst v63  }
0x29: {  	_ =	swait.ge [sflag:s15], $0x800  }
0x2a: {  	[sflag:s15] =	ssyncset.done $0x0  }
0x2b: {  	[sflag:s15] =	ssyncadd.s32 $0xFFFFF800  }
0x2c: {  	[bflag:$0x0] =	sbarrier.arrive $0xFFFF  }
0x2d: {  	s12 =	rddreg [dreg:$0x9]  }
0x2e: {  	[hbm:s12], [sflag:s8] =	dma.local [spmem:s14], $0x2700  }
0x2f: {  	_ =	swait.ge [sflag:s15], $0x2700  }
0x30: {  	[sflag:s15] =	ssyncset.done $0x0  }
0x31: {  	s5 =	rddreg [dreg:$0xa];
	[sflag:s15] =	ssyncadd.s32 $0xFFFFD900  }
0x32: {  	[hbm:s5], [sflag:s8] =	dma.local @!p0 [spmem:s16], $0x100  }
0x33: {  	s5 =	simm.s32 @!p0 $0x8  }
0x34: {  	_ =	swait.ge @!p0 [sflag:s5], $0x100  }
0x35: {  	s4 =	sadd.s32 $0x1, s4;
	s26 =	rddreg [dreg:$0xb]  }
0x36: {  	p1 =	sne.s32 s4, s26  }
.Ltmp1:
0x37: {  	_ = 	snop;
	(pc) =	sbr.rel @!p1 .LBB2_5-.Ltmp1, $3  }
0x38: {  	_ =	sdelay $0x1  }
0x39: {  	[sflag:s5] =	ssyncset.done @!p0 $0x0  }
0x3a: {  	[sflag:s5] =	ssyncadd.s32 @!p0 $0xFFFFFF00  }
.LBB2_1:
0x3b: {  	s6 =	rddreg [dreg:$0x5]  }
0x3c: {  	s5 =	simm.s32 $0x0;
	s26 =	rddreg [dreg:$0x6]  }
0x3d: {  	[tilespmem:s5], [sflag:$0x7] =	stream.linear.gather [hbm4b:s6+s5], $0x2710, $0x38;
	[tilespmem:$0x1EE80] =	vst v63  }
0x3e: {  	s7 =	simm.s32 $0x2780;
	s6 =	rddreg [dreg:$0x7]  }
0x3f: {  	[tilespmem:s7], [sflag:$0x7] =	stream.linear.gather [hbm4b:s26+s5], $0x2710, $0x38;
	[tilespmem:$0x1EE80] =	vst v63  }
0x40: {  	[spmem:s14], [sflag:s8] =	dma.local [hbm:s6], $0x2700  }
0x41: {  	_ =	swait.ge [sflag:s15], $0x2700  }
0x42: {  	[sflag:s15] =	ssyncset.done $0x0  }
0x43: {  	s5 =	rddreg [dreg:$0x8];
	[sflag:s15] =	ssyncadd.s32 $0xFFFFD900  }
0x44: {  	[spmem:s16], [sflag:s8] =	dma.local @!p0 [hbm:s5], $0x100  }
0x45: {  	s5 =	simm.s32 @!p0 $0x8  }
0x46: {  	_ =	swait.ge @!p0 [sflag:s5], $0x100  }
0x47: {  	[sflag:s5] =	ssyncset.done @!p0 $0x0  }
0x48: {  	[sflag:s5] =	ssyncadd.s32 @!p0 $0xFFFFFF00  }
0x49: {  	_ =	swait.ge [sflag:s17], $0x2710  }
0x4a: {  	[sflag:s17] =	ssyncset.done $0x0  }
0x4b: {  	[sflag:s17] =	ssyncadd.s32 $0xFFFFD8F0  }
0x4c: {  	_ =	swait.ge [sflag:s17], $0x2710  }
0x4d: {  	[sflag:s17] =	ssyncset.done $0x0  }
0x4e: {  	[sflag:s17] =	ssyncadd.s32 $0xFFFFD8F0  }
0x4f: {  	[bflag:$0x0] =	sbarrier.arrive $0xFFFF  }
0x50: {  	v0 =	vld [tilespmem:$0x0]  }
0x51: {  	v1 =	vld [tilespmem:$0x2780]  }
0x52: {  	v2 =	vld [tilespmem:$0x10]  }
0x53: {  	v3 =	vld [tilespmem:$0x2790];
	_ =	sdelay $0x1  }
0x54: {  	[tilespmem:$0x4F00] =	vst v0  }
0x55: {  	[tilespmem:$0x5200] =	vst v1  }
0x56: {  	[tilespmem:$0x4F10] =	vst v2  }
0x57: {  	s7 =	simm.s32 $0x4F00;
	[tilespmem:$0x5210] =	vst v3  }
0x58: {  	[tilespmem:s20], [sflag:$0x1] =	stream.indirect.gather [hbm4b:s1+s18], $0x80, s7, s18, $0xb8;
	[tilespmem:$0x1EE80] =	vst v63  }
0x59: {  	v44 =	vld [tilespmem:$0x20]  }
0x5a: {  	v45 =	vld [tilespmem:$0x27A0]  }
0x5b: {  	v46 =	vld [tilespmem:$0x30]  }
0x5c: {  	v47 =	vld [tilespmem:$0x27B0];
	_ =	sdelay $0x1  }
0x5d: {  	[tilespmem:$0x4F80] =	vst v44  }
0x5e: {  	[tilespmem:$0x5280] =	vst v45  }
0x5f: {  	[tilespmem:$0x4F90] =	vst v46  }
0x60: {  	s9 =	simm.s32 $0x4F80;
	s10 =	simm.s32 $0x6500;
	[tilespmem:$0x5290] =	vst v47  }
0x61: {  	[tilespmem:s10], [sflag:$0x2] =	stream.indirect.gather [hbm4b:s1+s18], $0x80, s9, s18, $0xb8;
	[tilespmem:$0x1EE80] =	vst v63  }
0x62: {  	v48 =	vld [tilespmem:$0x40]  }
0x63: {  	v49 =	vld [tilespmem:$0x27C0]  }
0x64: {  	v50 =	vld [tilespmem:$0x50]  }
0x65: {  	v51 =	vld [tilespmem:$0x27D0];
	_ =	sdelay $0x1  }
0x66: {  	[tilespmem:$0x5000] =	vst v48  }
0x67: {  	[tilespmem:$0x5300] =	vst v49  }
0x68: {  	[tilespmem:$0x5010] =	vst v50  }
0x69: {  	s11 =	simm.s32 $0x5000;
	[tilespmem:$0x5310] =	vst v51  }
0x6a: {  	[tilespmem:s24], [sflag:$0x3] =	stream.indirect.gather [hbm4b:s1+s18], $0x80, s11, s18, $0xb8;
	[tilespmem:$0x1EE80] =	vst v63  }
0x6b: {  	v52 =	vld [tilespmem:$0x60]  }
0x6c: {  	v53 =	vld [tilespmem:$0x27E0]  }
0x6d: {  	v54 =	vld [tilespmem:$0x70]  }
0x6e: {  	v55 =	vld [tilespmem:$0x27F0];
	_ =	sdelay $0x1  }
0x6f: {  	[tilespmem:$0x5080] =	vst v52  }
0x70: {  	[tilespmem:$0x5380] =	vst v53  }
0x71: {  	[tilespmem:$0x5090] =	vst v54  }
0x72: {  	s12 =	simm.s32 $0x5080;
	s26 =	simm.s32 $0x8500;
	[tilespmem:$0x5390] =	vst v55  }
0x73: {  	[tilespmem:s26], [sflag:$0x4] =	stream.indirect.gather [hbm4b:s1+s18], $0x80, s12, s18, $0xb8;
	[tilespmem:$0x1EE80] =	vst v63  }
0x74: {  	v56 =	vld [tilespmem:$0x80]  }
0x75: {  	v57 =	vld [tilespmem:$0x2800]  }
0x76: {  	v58 =	vld [tilespmem:$0x90]  }
0x77: {  	v59 =	vld [tilespmem:$0x2810];
	_ =	sdelay $0x1  }
0x78: {  	[tilespmem:$0x5100] =	vst v56  }
0x79: {  	[tilespmem:$0x5400] =	vst v57  }
0x7a: {  	[tilespmem:$0x5110] =	vst v58  }
0x7b: {  	[tilespmem:$0x5410] =	vst v59  }
0x7c: {  	[tilespmem:s29], [sflag:$0x5] =	stream.indirect.gather [hbm4b:s1+s18], $0x80, s28, s18, $0xb8;
	[tilespmem:$0x1EE80] =	vst v63  }
0x7d: {  	v60 =	vld [tilespmem:$0xA0]  }
0x7e: {  	v61 =	vld [tilespmem:$0x2820]  }
0x7f: {  	v62 =	vld [tilespmem:$0xB0]  }
0x80: {  	v63 =	vld [tilespmem:$0x2830];
	_ =	sdelay $0x1  }
0x81: {  	[tilespmem:$0x5180] =	vst v60  }
0x82: {  	[tilespmem:$0x5480] =	vst v61  }
0x83: {  	[tilespmem:$0x5190] =	vst v62  }
0x84: {  	s5 =	simm.s32 $0x5C0;
	[tilespmem:$0x5490] =	vst v63  }
0x85: {  	[tilespmem:s31], [sflag:$0x6] =	stream.indirect.gather [hbm4b:s1+s18], $0x80, s30, s18, $0xb8;
	[tilespmem:$0x1EE80] =	vst v63  }
.LBB2_2:
0x86: {  	_ =	swait.ge [sflag:s2], $0x1000  }
0x87: {  	[sflag:s2] =	ssyncset.done $0x0  }
0x88: {  	[sflag:s2] =	ssyncadd.s32 $0xFFFFF000  }
0x89: {  	[spmem:s3] =	stream.indirect.scatter.add.f32 [tilespmem:s20], [sflag:$0x8], $0x80, s0, s18, $0xb8;
	[tilespmem:$0x1EE80] =	vst v63  }
0x8a: {  	_ =	swait.ge [sflag:s15], $0x1000  }
0x8b: {  	p1 =	seq.s32 s5, $0x9EC0;
	[sflag:s15] =	ssyncset.done $0x0  }
0x8c: {  	s6 =	simm.s32 @p1 $0x2;
	[sflag:s15] =	ssyncadd.s32 $0xFFFFF000  }
0x8d: {  	_ =	swait.ge @p1 [sflag:s6], $0x1000  }
0x8e: {  	s9 =	simm.s32 @p1 $0x20;
	s7 =	simm.s32 @p1 $0x6500;
	[sflag:s6] =	ssyncset.done @p1 $0x0  }
0x8f: {  	s10 =	simm.s32 @p1 $0x8;
	[sflag:s6] =	ssyncadd.s32 @p1 $0xFFFFF000;
	s6 =	simm.s32 @p1 $0x5280  }
0x90: {  	[spmem:s3] =	stream.indirect.scatter.add.f32 @p1 [tilespmem:s7], [sflag:$0x8], $0x80, s6, s9, $0xb8;
	[tilespmem:$0x1EE80] =	vst v63  }
0x91: {  	_ =	swait.ge @p1 [sflag:s10], $0x1000  }
0x92: {  	[sflag:s10] =	ssyncset.done @p1 $0x0  }
0x93: {  	s6 =	sshra.s32 @!p1 s5, $0x2;
	[sflag:s10] =	ssyncadd.s32 @p1 $0xFFFFF000  }
0x94: {  	v0 =	vld @!p1 [tilespmem:s6+$0xFFFFFF50];
	_ =	sdelay $0x4  }
0x95: {  	[tilespmem:$0x4F00] =	vst @!p1 v0  }
0x96: {  	v0 =	vld @!p1 [tilespmem:s6+$0x26D0];
	_ =	sdelay $0x4  }
0x97: {  	[tilespmem:$0x5200] =	vst @!p1 v0  }
0x98: {  	v0 =	vld @!p1 [tilespmem:s6+$0xFFFFFF60];
	_ =	sdelay $0x4  }
0x99: {  	[tilespmem:$0x4F10] =	vst @!p1 v0  }
0x9a: {  	v0 =	vld @!p1 [tilespmem:s6+$0x26E0];
	_ =	sdelay $0x4  }
0x9b: {  	s11 =	simm.s32 @!p1 $0x4F00;
	s12 =	simm.s32 @!p1 $0x5500;
	s7 =	simm.s32 @!p1 $0x20;
	[tilespmem:$0x5210] =	vst @!p1 v0  }
0x9c: {  	[tilespmem:s12], [sflag:$0x1] =	stream.indirect.gather @!p1 [hbm4b:s1+s7], $0x80, s11, s7, $0xb8;
	[tilespmem:$0x1EE80] =	vst v63  }
0x9d: {  	s11 =	simm.s32 @!p1 $0x2  }
0x9e: {  	_ =	swait.ge @!p1 [sflag:s11], $0x1000  }
0x9f: {  	[sflag:s11] =	ssyncset.done @!p1 $0x0  }
0xa0: {  	s12 =	simm.s32 @!p1 $0x6500;
	[sflag:s11] =	ssyncadd.s32 @!p1 $0xFFFFF000;
	s11 =	simm.s32 @!p1 $0x5280  }
0xa1: {  	[spmem:s3] =	stream.indirect.scatter.add.f32 @!p1 [tilespmem:s12], [sflag:$0x8], $0x80, s11, s7, $0xb8;
	[tilespmem:$0x1EE80] =	vst v63  }
0xa2: {  	s11 =	simm.s32 @!p1 $0x8  }
0xa3: {  	_ =	swait.ge @!p1 [sflag:s11], $0x1000  }
0xa4: {  	[sflag:s11] =	ssyncset.done @!p1 $0x0  }
0xa5: {  	[sflag:s11] =	ssyncadd.s32 @!p1 $0xFFFFF000  }
0xa6: {  	v0 =	vld @!p1 [tilespmem:s6+$0xFFFFFF70];
	_ =	sdelay $0x4  }
0xa7: {  	[tilespmem:$0x4F80] =	vst @!p1 v0  }
0xa8: {  	v0 =	vld @!p1 [tilespmem:s6+$0x26F0];
	_ =	sdelay $0x4  }
0xa9: {  	[tilespmem:$0x5280] =	vst @!p1 v0  }
0xaa: {  	v0 =	vld @!p1 [tilespmem:s6+$0xFFFFFF80];
	_ =	sdelay $0x4  }
0xab: {  	[tilespmem:$0x4F90] =	vst @!p1 v0  }
0xac: {  	v0 =	vld @!p1 [tilespmem:s6+$0x2700];
	_ =	sdelay $0x4  }
0xad: {  	s26 =	simm.s32 @!p1 $0x4F80;
	[tilespmem:$0x5290] =	vst @!p1 v0  }
0xae: {  	[tilespmem:s12], [sflag:$0x2] =	stream.indirect.gather @!p1 [hbm4b:s1+s7], $0x80, s26, s7, $0xb8;
	[tilespmem:$0x1EE80] =	vst v63  }
0xaf: {  	_ =	swait.ge [sflag:s13], $0x1000  }
0xb0: {  	[sflag:s13] =	ssyncset.done $0x0  }
0xb1: {  	[sflag:s13] =	ssyncadd.s32 $0xFFFFF000  }
0xb2: {  	[spmem:s3] =	stream.indirect.scatter.add.f32 [tilespmem:s24], [sflag:$0x8], $0x80, s19, s18, $0xb8;
	[tilespmem:$0x1EE80] =	vst v63  }
0xb3: {  	_ =	swait.ge [sflag:s15], $0x1000  }
0xb4: {  	[sflag:s15] =	ssyncset.done $0x0  }
0xb5: {  	s12 =	simm.s32 @p1 $0x4;
	[sflag:s15] =	ssyncadd.s32 $0xFFFFF000  }
0xb6: {  	_ =	swait.ge @p1 [sflag:s12], $0x1000  }
0xb7: {  	[sflag:s12] =	ssyncset.done @p1 $0x0  }
0xb8: {  	s26 =	simm.s32 @p1 $0x8500;
	[sflag:s12] =	ssyncadd.s32 @p1 $0xFFFFF000;
	s12 =	simm.s32 @p1 $0x5380  }
0xb9: {  	[spmem:s3] =	stream.indirect.scatter.add.f32 @p1 [tilespmem:s26], [sflag:$0x8], $0x80, s12, s9, $0xb8;
	[tilespmem:$0x1EE80] =	vst v63  }
0xba: {  	_ =	swait.ge @p1 [sflag:s10], $0x1000  }
0xbb: {  	[sflag:s10] =	ssyncset.done @p1 $0x0  }
0xbc: {  	[sflag:s10] =	ssyncadd.s32 @p1 $0xFFFFF000  }
0xbd: {  	v0 =	vld @!p1 [tilespmem:s6+$0xFFFFFF90];
	_ =	sdelay $0x4  }
0xbe: {  	[tilespmem:$0x5000] =	vst @!p1 v0  }
0xbf: {  	v0 =	vld @!p1 [tilespmem:s6+$0x2710];
	_ =	sdelay $0x4  }
0xc0: {  	[tilespmem:$0x5300] =	vst @!p1 v0  }
0xc1: {  	v0 =	vld @!p1 [tilespmem:s6+$0xFFFFFFA0];
	_ =	sdelay $0x4  }
0xc2: {  	[tilespmem:$0x5010] =	vst @!p1 v0  }
0xc3: {  	v0 =	vld @!p1 [tilespmem:s6+$0x2720];
	_ =	sdelay $0x4  }
0xc4: {  	s9 =	simm.s32 @!p1 $0x5000;
	s10 =	simm.s32 @!p1 $0x7500;
	[tilespmem:$0x5310] =	vst @!p1 v0  }
0xc5: {  	[tilespmem:s10], [sflag:$0x3] =	stream.indirect.gather @!p1 [hbm4b:s1+s7], $0x80, s9, s7, $0xb8;
	[tilespmem:$0x1EE80] =	vst v63  }
0xc6: {  	s9 =	simm.s32 @!p1 $0x4  }
0xc7: {  	_ =	swait.ge @!p1 [sflag:s9], $0x1000  }
0xc8: {  	[sflag:s9] =	ssyncset.done @!p1 $0x0  }
0xc9: {  	s10 =	simm.s32 @!p1 $0x8500;
	[sflag:s9] =	ssyncadd.s32 @!p1 $0xFFFFF000;
	s9 =	simm.s32 @!p1 $0x5380  }
0xca: {  	[spmem:s3] =	stream.indirect.scatter.add.f32 @!p1 [tilespmem:s10], [sflag:$0x8], $0x80, s9, s7, $0xb8;
	[tilespmem:$0x1EE80] =	vst v63  }
0xcb: {  	_ =	swait.ge @!p1 [sflag:s11], $0x1000  }
0xcc: {  	[sflag:s11] =	ssyncset.done @!p1 $0x0  }
0xcd: {  	[sflag:s11] =	ssyncadd.s32 @!p1 $0xFFFFF000  }
0xce: {  	v0 =	vld @!p1 [tilespmem:s6+$0xFFFFFFB0];
	_ =	sdelay $0x4  }
0xcf: {  	[tilespmem:$0x5080] =	vst @!p1 v0  }
0xd0: {  	v0 =	vld @!p1 [tilespmem:s6+$0x2730];
	_ =	sdelay $0x4  }
0xd1: {  	[tilespmem:$0x5380] =	vst @!p1 v0  }
0xd2: {  	v0 =	vld @!p1 [tilespmem:s6+$0xFFFFFFC0];
	_ =	sdelay $0x4  }
0xd3: {  	[tilespmem:$0x5090] =	vst @!p1 v0  }
0xd4: {  	v0 =	vld @!p1 [tilespmem:s6+$0x2740];
	_ =	sdelay $0x4  }
0xd5: {  	s6 =	simm.s32 @!p1 $0x5080;
	[tilespmem:$0x5390] =	vst @!p1 v0  }
0xd6: {  	[tilespmem:s10], [sflag:$0x4] =	stream.indirect.gather @!p1 [hbm4b:s1+s7], $0x80, s6, s7, $0xb8;
	[tilespmem:$0x1EE80] =	vst v63  }
0xd7: {  	_ =	swait.ge [sflag:s21], $0x1000  }
0xd8: {  	[sflag:s21] =	ssyncset.done $0x0  }
.Ltmp2:
0xd9: {  	[sflag:s21] =	ssyncadd.s32 $0xFFFFF000;
	(pc) =	sbr.rel @p1 .LBB2_4-.Ltmp2, $4  }
0xda: {  	[spmem:s3] =	stream.indirect.scatter.add.f32 [tilespmem:s29], [sflag:$0x8], $0x80, s22, s18, $0xb8;
	[tilespmem:$0x1EE80] =	vst v63  }
0xdb: {  	_ =	swait.ge [sflag:s15], $0x1000  }
0xdc: {  	[sflag:s15] =	ssyncset.done $0x0  }
0xdd: {  	[sflag:s15] =	ssyncadd.s32 $0xFFFFF000  }
0xde: {  	s6 =	sshra.s32 s5, $0x2  }
0xdf: {  	v0 =	vld [tilespmem:s6+$0xFFFFFFD0];
	_ =	sdelay $0x4  }
0xe0: {  	[tilespmem:$0x5100] =	vst v0  }
0xe1: {  	v0 =	vld [tilespmem:s6+$0x2750];
	_ =	sdelay $0x4  }
0xe2: {  	[tilespmem:$0x5400] =	vst v0  }
0xe3: {  	v0 =	vld [tilespmem:s6+$0xFFFFFFE0];
	_ =	sdelay $0x4  }
0xe4: {  	[tilespmem:$0x5110] =	vst v0  }
0xe5: {  	v0 =	vld [tilespmem:s6+$0x2760];
	_ =	sdelay $0x4  }
0xe6: {  	[tilespmem:$0x5410] =	vst v0  }
0xe7: {  	[tilespmem:s29], [sflag:$0x5] =	stream.indirect.gather [hbm4b:s1+s18], $0x80, s28, s18, $0xb8;
	[tilespmem:$0x1EE80] =	vst v63  }
0xe8: {  	_ =	swait.ge [sflag:s23], $0x1000  }
0xe9: {  	[sflag:s23] =	ssyncset.done $0x0  }
0xea: {  	[sflag:s23] =	ssyncadd.s32 $0xFFFFF000  }
0xeb: {  	[spmem:s3] =	stream.indirect.scatter.add.f32 [tilespmem:s31], [sflag:$0x8], $0x80, s25, s18, $0xb8;
	[tilespmem:$0x1EE80] =	vst v63  }
0xec: {  	_ =	swait.ge [sflag:s15], $0x1000  }
0xed: {  	[sflag:s15] =	ssyncset.done $0x0  }
0xee: {  	[sflag:s15] =	ssyncadd.s32 $0xFFFFF000  }
0xef: {  	v63 =	vld [tilespmem:s6+$0xFFFFFFF0];
	_ =	sdelay $0x4  }
0xf0: {  	[tilespmem:$0x5180] =	vst v63  }
0xf1: {  	v0 =	vld [tilespmem:s6+$0x2770];
	_ =	sdelay $0x4  }
0xf2: {  	[tilespmem:$0x5480] =	vst v0  }
0xf3: {  	v0 =	vld [tilespmem:s6+$0x0];
	_ =	sdelay $0x4  }
0xf4: {  	[tilespmem:$0x5190] =	vst v0  }
0xf5: {  	v0 =	vld [tilespmem:s6+$0x2780];
	_ =	sdelay $0x1  }
.Ltmp3:
0xf6: {  	_ = 	snop;
	(pc) =	sbr.rel .LBB2_2-.Ltmp3, $3  }
0xf7: {  	_ =	sdelay $0x1  }
0xf8: {  	s5 =	sadd.s32 $0x300, s5;
	[tilespmem:$0x5490] =	vst v0  }
0xf9: {  	[tilespmem:s31], [sflag:$0x6] =	stream.indirect.gather [hbm4b:s1+s18], $0x80, s30, s18, $0xb8;
	[tilespmem:$0x1EE80] =	vst v63  }
.LBB2_5:
0xfa: {  	_ =	sfence.sel $0x180000  }
0xfb: {  	[bflag:$0x0] =	sbarrier.arrive $0xFFFF  }
0xfc: {  	_ =	strace $0x90000047  }
0xfd: {  	s0 =	stileid.u32;
	[bflag:$0x2] =	sbarrier.arrive $0xFFFF  }
0xfe: {  	p0 =	sne.s32 s0, $0x0;
	s0 =	rddreg [dreg:$0x4]  }
0xff: {  	s0 =	sadd.s32 @!p0 $0x100000, s0  }
0x100: {  	[sflag:s0] =	ssyncadd.tile.s32 @!p0 $0x1;
	_ =	shalt  }
.Lfunc_end2:
_tile_overlayer_lowered:
.L_overlay_start_2:
0x101: {  	(tag) =	ssettag $0x2  }
0x102: {  	s0 =	rddreg [dreg:$0x0];
	s2 =	stileid.u32  }
0x103: {  	s1 =	rddreg [dreg:$0x1];
	p0 =	sne.s32 s2, $0x0  }
0x104: {  	s3 =	rddreg [dreg:$0x2];
	[bflag:$0x3] =	sbarrier.arrive $0xFFFF;
	s2 =	simm.s32 @!p0 $0x1C08  }
0x105: {  	[timem:s3], [sflag:s2] =	dma.local @!p0 [hbm:s0], s1  }
0x106: {  	s0 =	simm.s32 @!p0 $0x8  }
0x107: {  	_ =	swait.ge @!p0 [sflag:s0], s1  }
0x108: {  	s1 =	ssub.s32 @!p0 $0x0, s1;
	[sflag:s0] =	ssyncset.done @!p0 $0x0  }
0x109: {  	[sflag:s0] =	ssyncadd.s32 @!p0 s1  }
0x10a: {  	[bflag:$0x3] =	sbarrier.arrive $0xFFFF  }
0x10b: {  	_ =	shalt  }

</sc_bundles>
